<compile_context>
chip_gen: v7x
topology: tpu7x:2x2x1
jax: 0.10.2.dev20260603
libtpu: 0.0.44.dev20260713+nightly
codegen_flags: <defaults>
</compile_context>

<pallas_src>
import functools

import jax
import jax.numpy as jnp
from jax import lax
from jax.experimental import pallas as pl
from jax.experimental.pallas import tpu as pltpu
from jax.experimental.pallas import tpu_sc as plsc

NUM_CLASSES = 8
THRESHOLD = 0.5
L = 16
NC = 2
NS = 16
NW = NC * NS
TR = 128


@functools.lru_cache(maxsize=None)
def _build(n_rows: int):
    rows_per_w = n_rows // NW
    chunk = 4096
    nbuf = 2
    n_chunks = rows_per_w // chunk
    blocks = chunk // TR

    mesh = plsc.VectorSubcoreMesh(core_axis_name="c", subcore_axis_name="s")

    @functools.partial(
        pl.kernel,
        out_type=jax.ShapeDtypeStruct((NW, 64), jnp.int32),
        mesh=mesh,
        compiler_params=pltpu.CompilerParams(
            needs_layout_passes=False, use_tc_tiling_on_sc=False),
        scratch_types=(
            [pltpu.VMEM((chunk // TR, NUM_CLASSES - 1, TR), jnp.float32)]
            * nbuf
            + [pltpu.VMEM((chunk,), jnp.int32)] * nbuf
            + [
                pltpu.VMEM((L * 64,), jnp.int32),
                pltpu.VMEM((64,), jnp.int32),
            ]
            + [pltpu.SemaphoreType.DMA] * nbuf
        ),
    )
    def cm_kernel(pred_hbm, true_hbm, out_hbm, *scratch):
        preds = scratch[:nbuf]
        trues = scratch[nbuf:2 * nbuf]
        hist_v, row_v = scratch[2 * nbuf], scratch[2 * nbuf + 1]
        sems = scratch[2 * nbuf + 2:]
        wid = lax.axis_index("s") * NC + lax.axis_index("c")
        base = wid * rows_per_w
        lane = jnp.arange(L, dtype=jnp.int32)
        lane64 = lane * 64
        zeros = jnp.zeros((L,), jnp.int32)
        ones = jnp.ones((L,), jnp.int32)

        for i in range(64):
            hist_v[pl.ds(i * L, L)] = zeros

        def copies(ci, pred_v, true_v, sem):
            start = base + ci * chunk
            half = chunk // TR // 2
            cp = pltpu.make_async_copy(
                pred_hbm.at[pl.ds(start // TR, half),
                            pl.ds(1, NUM_CLASSES - 1)],
                pred_v.at[pl.ds(0, half)], sem)
            cq = pltpu.make_async_copy(
                pred_hbm.at[pl.ds(start // TR + half, half),
                            pl.ds(1, NUM_CLASSES - 1)],
                pred_v.at[pl.ds(half, half)], sem)
            ct = pltpu.make_async_copy(
                true_hbm.at[pl.ds(start, chunk)], true_v, sem)

            class Pair:
                def start(self):
                    cp.start(), cq.start()
                def wait(self):
                    cp.wait(), cq.wait()

            return Pair(), ct

        def compute(pred_v, true_v):
            @plsc.parallel_loop(0, blocks, unroll=4)
            def block_body(b):
                tbase = b * TR
                for k in range(TR // L):
                    m = pred_v[b, 0, pl.ds(k * L, L)]
                    mi = ones
                    for j in range(2, NUM_CLASSES):
                        vj = pred_v[b, j - 1, pl.ds(k * L, L)]
                        gt = vj > m
                        m = jnp.where(gt, vj, m)
                        mi = jnp.where(gt, jnp.int32(j), mi)
                    label = jnp.where(m > THRESHOLD, mi, 0)
                    t = true_v[pl.ds(tbase + k * L, L)]
                    idx = lane64 + t * NUM_CLASSES + label
                    plsc.addupdate_scatter(hist_v, [idx], ones)

        last = n_chunks - 1

        for b in range(nbuf - 1):
            cp, ct = copies(b, preds[b], trues[b], sems[b])
            cp.start(), ct.start()

        def ring_body(i, carry):
            for b in range(nbuf):
                ci = nbuf * i + b
                cp, ct = copies(ci, preds[b], trues[b], sems[b])
                cp.wait(), ct.wait()
                nb = (b + nbuf - 1) % nbuf
                cp2, ct2 = copies(jnp.minimum(ci + nbuf - 1, last),
                                  preds[nb], trues[nb], sems[nb])
                cp2.start(), ct2.start()
                compute(preds[b], trues[b])
            return carry

        lax.fori_loop(0, n_chunks // nbuf, ring_body, 0)

        for b in range(nbuf - 1):
            cp, ct = copies(last, preds[b], trues[b], sems[b])
            cp.wait(), ct.wait()

        for k in range(4):
            acc = hist_v[pl.ds(k * L, L)]
            for l in range(1, L):
                acc = acc + hist_v[pl.ds(l * 64 + k * L, L)]
            row_v[pl.ds(k * L, L)] = acc
        pltpu.sync_copy(row_v, out_hbm.at[wid])

    return cm_kernel


def kernel(y_pred, y_true):
    C = NUM_CLASSES
    y_true = jnp.reshape(y_true, (-1,)).astype(jnp.int32)
    y_pred = jnp.reshape(y_pred, (-1, C))
    n = y_true.shape[0]
    y_tiles = jnp.transpose(jnp.reshape(y_pred, (n // TR, TR, C)), (0, 2, 1))
    partials = _build(n)(y_tiles, y_true)
    cm = partials.sum(axis=0).reshape(C, C).astype(jnp.int64)
    fps = cm.sum(axis=0) - jnp.diag(cm)
    fns = cm.sum(axis=1) - jnp.diag(cm)
    tps = jnp.diag(cm)
    tns = cm.sum() - (fps + fns + tps)
    return (cm, tps, fps, fns, tns)

# --- scband reference (transcript-rebuilt; emitter-appended) ---
"""Pipeline reference for scband-confusion-matrix-64338610094227 (READ-ONLY COPY).

The authoritative reference and input builder live on the scoring server;
editing this copy changes nothing except your own understanding.
"""

import jax, jax.numpy as jnp
import numpy as np

NUM_CLASSES = 8
THRESHOLD = 0.5
HAS_BACKGROUND = True
N = 4194304


def setup_inputs(seed: int = 0) -> dict:
    key = jax.random.key(seed)
    k1, k2 = jax.random.split(key)
    y_pred = jax.random.uniform(k1, (N, NUM_CLASSES), dtype=jnp.float32)
    y_true = jax.random.randint(k2, (N,), 0, NUM_CLASSES).astype(jnp.int32)
    return {"y_pred": y_pred, "y_true": y_true}


def reference(y_pred, y_true):
    C = NUM_CLASSES
    # y_pred.ndim - y_true.ndim == 1 branch: flatten labels
    y_true = jnp.reshape(y_true, (-1,))
    y_pred = jnp.reshape(y_pred, (-1, C))
    if HAS_BACKGROUND:
        # argmax over positive classes (class 0 is background)
        y_pred_positive = jnp.argmax(y_pred[:, 1:], axis=1) + 1
        y_pred_flatten = jnp.reshape(y_pred, (-1,))
        selection = y_pred_positive + jnp.arange(y_pred_positive.shape[0]) * C
        cond = jnp.take(y_pred_flatten, selection) > THRESHOLD
        y_pred_label = jnp.where(cond, y_pred_positive, jnp.zeros_like(y_pred_positive))
    else:
        y_pred_label = jnp.argmax(y_pred, axis=1)
    # confusion matrix: cm[i, j] = count(y_true==i & y_pred==j)
    # equivalent to the double loop of sums in the torch code, expressed
    # as a scatter-add / bincount (SparseCore-friendly)
    idx = y_true.astype(jnp.int32) * C + y_pred_label.astype(jnp.int32)
    cm = jnp.bincount(idx, length=C * C).reshape(C, C).astype(jnp.int64)
    fps = cm.sum(axis=0) - jnp.diag(cm)
    fns = cm.sum(axis=1) - jnp.diag(cm)
    tps = jnp.diag(cm)
    tns = cm.sum() - (fps + fns + tps)
    return (cm, tps, fps, fns, tns)

if __name__ == "__main__":
    import jax
    _d = setup_inputs()
    print(jax.jit(kernel)(*tuple(_d.values())))

</pallas_src>

<mosaic_0001>
#map = affine_map<(d0, d1) -> (0, 0, 0)>
#map1 = affine_map<(d0, d1) -> (0)>
#map2 = affine_map<(d0, d1) -> (0, 0)>
module attributes {stable_mosaic.version = 14 : i64} {
  func.func @cm_kernel(%arg0: i32, %arg1: i32, %arg2: memref<32768x8x128xf32, #tpu.memory_space<hbm>>, %arg3: memref<4194304xi32, #tpu.memory_space<hbm>>, %arg4: memref<32x64xi32, #tpu.memory_space<hbm>>, %arg5: memref<32x7x128xf32, #tpu.memory_space<vmem>>, %arg6: memref<32x7x128xf32, #tpu.memory_space<vmem>>, %arg7: memref<4096xi32, #tpu.memory_space<vmem>>, %arg8: memref<4096xi32, #tpu.memory_space<vmem>>, %arg9: memref<1024xi32, #tpu.memory_space<vmem>>, %arg10: memref<64xi32, #tpu.memory_space<vmem>>, %arg11: memref<!tpu.dma_semaphore, #tpu.memory_space<semaphore_mem>>, %arg12: memref<!tpu.dma_semaphore, #tpu.memory_space<semaphore_mem>>) attributes {dimension_semantics = [#tpu.dimension_semantics<core_parallel>, #tpu.dimension_semantics<subcore_parallel>], iteration_bounds = array<i64: 2, 16>, scalar_prefetch = 0 : i64, scratch_operands = 8 : i64, tpu.core_type = #tpu.core_type<sc_vector_subcore>, window_params = [{transform_indices = #map}, {transform_indices = #map1}, {transform_indices = #map2}]} {
    %mul3A = arith.constant 2 : i32
    %mul3A_0 = arith.muli %arg1, %mul3A : i32
    %add3A = arith.addi %mul3A_0, %arg0 : i32
    %mul3A_1 = arith.constant 131072 : i32
    %mul3A_2 = arith.muli %add3A, %mul3A_1 : i32
    %iota3A = tpu.iota {dimensions = array<i32: 0>} : vector<16xi32>
    %mul3A_3 = arith.constant 64 : i32
    %mul3A_4 = vector.broadcast %mul3A_3 : i32 to vector<16xi32>
    %mul3A_5 = arith.muli %iota3A, %mul3A_4 : vector<16xi32>
    %broadcast_in_dim3A = arith.constant 0 : i32
    %broadcast_in_dim3A_6 = vector.broadcast %broadcast_in_dim3A : i32 to vector<16xi32>
    %broadcast_in_dim3A_7 = arith.constant 1 : i32
    %broadcast_in_dim3A_8 = vector.broadcast %broadcast_in_dim3A_7 : i32 to vector<16xi32>
    %swap3A = arith.constant 0 : index
    %swap3A_9 = tpu.vector_load %arg9[%swap3A] {strides = array<i32>} : memref<1024xi32, #tpu.memory_space<vmem>>, vector<16xi32>,
    tpu.vector_store %arg9[%swap3A], %broadcast_in_dim3A_6 {strides = array<i32>} : memref<1024xi32, #tpu.memory_space<vmem>>, vector<16xi32>,
    %swap3A_10 = arith.constant 16 : index
    %swap3A_11 = tpu.vector_load %arg9[%swap3A_10] {strides = array<i32>} : memref<1024xi32, #tpu.memory_space<vmem>>, vector<16xi32>,
    tpu.vector_store %arg9[%swap3A_10], %broadcast_in_dim3A_6 {strides = array<i32>} : memref<1024xi32, #tpu.memory_space<vmem>>, vector<16xi32>,
    %swap3A_12 = arith.constant 32 : index
    %swap3A_13 = tpu.vector_load %arg9[%swap3A_12] {strides = array<i32>} : memref<1024xi32, #tpu.memory_space<vmem>>, vector<16xi32>,
    tpu.vector_store %arg9[%swap3A_12], %broadcast_in_dim3A_6 {strides = array<i32>} : memref<1024xi32, #tpu.memory_space<vmem>>, vector<16xi32>,
    %swap3A_14 = arith.constant 48 : index
    %swap3A_15 = tpu.vector_load %arg9[%swap3A_14] {strides = array<i32>} : memref<1024xi32, #tpu.memory_space<vmem>>, vector<16xi32>,
    tpu.vector_store %arg9[%swap3A_14], %broadcast_in_dim3A_6 {strides = array<i32>} : memref<1024xi32, #tpu.memory_space<vmem>>, vector<16xi32>,
    %swap3A_16 = arith.constant 64 : index
    %swap3A_17 = tpu.vector_load %arg9[%swap3A_16] {strides = array<i32>} : memref<1024xi32, #tpu.memory_space<vmem>>, vector<16xi32>,
    tpu.vector_store %arg9[%swap3A_16], %broadcast_in_dim3A_6 {strides = array<i32>} : memref<1024xi32, #tpu.memory_space<vmem>>, vector<16xi32>,
    %swap3A_18 = arith.constant 80 : index
    %swap3A_19 = tpu.vector_load %arg9[%swap3A_18] {strides = array<i32>} : memref<1024xi32, #tpu.memory_space<vmem>>, vector<16xi32>,
    tpu.vector_store %arg9[%swap3A_18], %broadcast_in_dim3A_6 {strides = array<i32>} : memref<1024xi32, #tpu.memory_space<vmem>>, vector<16xi32>,
    %swap3A_20 = arith.constant 96 : index
    %swap3A_21 = tpu.vector_load %arg9[%swap3A_20] {strides = array<i32>} : memref<1024xi32, #tpu.memory_space<vmem>>, vector<16xi32>,
    tpu.vector_store %arg9[%swap3A_20], %broadcast_in_dim3A_6 {strides = array<i32>} : memref<1024xi32, #tpu.memory_space<vmem>>, vector<16xi32>,
    %swap3A_22 = arith.constant 112 : index
    %swap3A_23 = tpu.vector_load %arg9[%swap3A_22] {strides = array<i32>} : memref<1024xi32, #tpu.memory_space<vmem>>, vector<16xi32>,
    tpu.vector_store %arg9[%swap3A_22], %broadcast_in_dim3A_6 {strides = array<i32>} : memref<1024xi32, #tpu.memory_space<vmem>>, vector<16xi32>,
    %swap3A_24 = arith.constant 128 : index
    %swap3A_25 = tpu.vector_load %arg9[%swap3A_24] {strides = array<i32>} : memref<1024xi32, #tpu.memory_space<vmem>>, vector<16xi32>,
    tpu.vector_store %arg9[%swap3A_24], %broadcast_in_dim3A_6 {strides = array<i32>} : memref<1024xi32, #tpu.memory_space<vmem>>, vector<16xi32>,
    %swap3A_26 = arith.constant 144 : index
    %swap3A_27 = tpu.vector_load %arg9[%swap3A_26] {strides = array<i32>} : memref<1024xi32, #tpu.memory_space<vmem>>, vector<16xi32>,
    tpu.vector_store %arg9[%swap3A_26], %broadcast_in_dim3A_6 {strides = array<i32>} : memref<1024xi32, #tpu.memory_space<vmem>>, vector<16xi32>,
    %swap3A_28 = arith.constant 160 : index
    %swap3A_29 = tpu.vector_load %arg9[%swap3A_28] {strides = array<i32>} : memref<1024xi32, #tpu.memory_space<vmem>>, vector<16xi32>,
    tpu.vector_store %arg9[%swap3A_28], %broadcast_in_dim3A_6 {strides = array<i32>} : memref<1024xi32, #tpu.memory_space<vmem>>, vector<16xi32>,
    %swap3A_30 = arith.constant 176 : index
    %swap3A_31 = tpu.vector_load %arg9[%swap3A_30] {strides = array<i32>} : memref<1024xi32, #tpu.memory_space<vmem>>, vector<16xi32>,
    tpu.vector_store %arg9[%swap3A_30], %broadcast_in_dim3A_6 {strides = array<i32>} : memref<1024xi32, #tpu.memory_space<vmem>>, vector<16xi32>,
    %swap3A_32 = arith.constant 192 : index
    %swap3A_33 = tpu.vector_load %arg9[%swap3A_32] {strides = array<i32>} : memref<1024xi32, #tpu.memory_space<vmem>>, vector<16xi32>,
    tpu.vector_store %arg9[%swap3A_32], %broadcast_in_dim3A_6 {strides = array<i32>} : memref<1024xi32, #tpu.memory_space<vmem>>, vector<16xi32>,
    %swap3A_34 = arith.constant 208 : index
    %swap3A_35 = tpu.vector_load %arg9[%swap3A_34] {strides = array<i32>} : memref<1024xi32, #tpu.memory_space<vmem>>, vector<16xi32>,
    tpu.vector_store %arg9[%swap3A_34], %broadcast_in_dim3A_6 {strides = array<i32>} : memref<1024xi32, #tpu.memory_space<vmem>>, vector<16xi32>,
    %swap3A_36 = arith.constant 224 : index
    %swap3A_37 = tpu.vector_load %arg9[%swap3A_36] {strides = array<i32>} : memref<1024xi32, #tpu.memory_space<vmem>>, vector<16xi32>,
    tpu.vector_store %arg9[%swap3A_36], %broadcast_in_dim3A_6 {strides = array<i32>} : memref<1024xi32, #tpu.memory_space<vmem>>, vector<16xi32>,
    %swap3A_38 = arith.constant 240 : index
    %swap3A_39 = tpu.vector_load %arg9[%swap3A_38] {strides = array<i32>} : memref<1024xi32, #tpu.memory_space<vmem>>, vector<16xi32>,
    tpu.vector_store %arg9[%swap3A_38], %broadcast_in_dim3A_6 {strides = array<i32>} : memref<1024xi32, #tpu.memory_space<vmem>>, vector<16xi32>,
    %swap3A_40 = arith.constant 256 : index
    %swap3A_41 = tpu.vector_load %arg9[%swap3A_40] {strides = array<i32>} : memref<1024xi32, #tpu.memory_space<vmem>>, vector<16xi32>,
    tpu.vector_store %arg9[%swap3A_40], %broadcast_in_dim3A_6 {strides = array<i32>} : memref<1024xi32, #tpu.memory_space<vmem>>, vector<16xi32>,
    %swap3A_42 = arith.constant 272 : index
    %swap3A_43 = tpu.vector_load %arg9[%swap3A_42] {strides = array<i32>} : memref<1024xi32, #tpu.memory_space<vmem>>, vector<16xi32>,
    tpu.vector_store %arg9[%swap3A_42], %broadcast_in_dim3A_6 {strides = array<i32>} : memref<1024xi32, #tpu.memory_space<vmem>>, vector<16xi32>,
    %swap3A_44 = arith.constant 288 : index
    %swap3A_45 = tpu.vector_load %arg9[%swap3A_44] {strides = array<i32>} : memref<1024xi32, #tpu.memory_space<vmem>>, vector<16xi32>,
    tpu.vector_store %arg9[%swap3A_44], %broadcast_in_dim3A_6 {strides = array<i32>} : memref<1024xi32, #tpu.memory_space<vmem>>, vector<16xi32>,
    %swap3A_46 = arith.constant 304 : index
    %swap3A_47 = tpu.vector_load %arg9[%swap3A_46] {strides = array<i32>} : memref<1024xi32, #tpu.memory_space<vmem>>, vector<16xi32>,
    tpu.vector_store %arg9[%swap3A_46], %broadcast_in_dim3A_6 {strides = array<i32>} : memref<1024xi32, #tpu.memory_space<vmem>>, vector<16xi32>,
    %swap3A_48 = arith.constant 320 : index
    %swap3A_49 = tpu.vector_load %arg9[%swap3A_48] {strides = array<i32>} : memref<1024xi32, #tpu.memory_space<vmem>>, vector<16xi32>,
    tpu.vector_store %arg9[%swap3A_48], %broadcast_in_dim3A_6 {strides = array<i32>} : memref<1024xi32, #tpu.memory_space<vmem>>, vector<16xi32>,
    %swap3A_50 = arith.constant 336 : index
    %swap3A_51 = tpu.vector_load %arg9[%swap3A_50] {strides = array<i32>} : memref<1024xi32, #tpu.memory_space<vmem>>, vector<16xi32>,
    tpu.vector_store %arg9[%swap3A_50], %broadcast_in_dim3A_6 {strides = array<i32>} : memref<1024xi32, #tpu.memory_space<vmem>>, vector<16xi32>,
    %swap3A_52 = arith.constant 352 : index
    %swap3A_53 = tpu.vector_load %arg9[%swap3A_52] {strides = array<i32>} : memref<1024xi32, #tpu.memory_space<vmem>>, vector<16xi32>,
    tpu.vector_store %arg9[%swap3A_52], %broadcast_in_dim3A_6 {strides = array<i32>} : memref<1024xi32, #tpu.memory_space<vmem>>, vector<16xi32>,
    %swap3A_54 = arith.constant 368 : index
    %swap3A_55 = tpu.vector_load %arg9[%swap3A_54] {strides = array<i32>} : memref<1024xi32, #tpu.memory_space<vmem>>, vector<16xi32>,
    tpu.vector_store %arg9[%swap3A_54], %broadcast_in_dim3A_6 {strides = array<i32>} : memref<1024xi32, #tpu.memory_space<vmem>>, vector<16xi32>,
    %swap3A_56 = arith.constant 384 : index
    %swap3A_57 = tpu.vector_load %arg9[%swap3A_56] {strides = array<i32>} : memref<1024xi32, #tpu.memory_space<vmem>>, vector<16xi32>,
    tpu.vector_store %arg9[%swap3A_56], %broadcast_in_dim3A_6 {strides = array<i32>} : memref<1024xi32, #tpu.memory_space<vmem>>, vector<16xi32>,
    %swap3A_58 = arith.constant 400 : index
    %swap3A_59 = tpu.vector_load %arg9[%swap3A_58] {strides = array<i32>} : memref<1024xi32, #tpu.memory_space<vmem>>, vector<16xi32>,
    tpu.vector_store %arg9[%swap3A_58], %broadcast_in_dim3A_6 {strides = array<i32>} : memref<1024xi32, #tpu.memory_space<vmem>>, vector<16xi32>,
    %swap3A_60 = arith.constant 416 : index
    %swap3A_61 = tpu.vector_load %arg9[%swap3A_60] {strides = array<i32>} : memref<1024xi32, #tpu.memory_space<vmem>>, vector<16xi32>,
    tpu.vector_store %arg9[%swap3A_60], %broadcast_in_dim3A_6 {strides = array<i32>} : memref<1024xi32, #tpu.memory_space<vmem>>, vector<16xi32>,
    %swap3A_62 = arith.constant 432 : index
    %swap3A_63 = tpu.vector_load %arg9[%swap3A_62] {strides = array<i32>} : memref<1024xi32, #tpu.memory_space<vmem>>, vector<16xi32>,
    tpu.vector_store %arg9[%swap3A_62], %broadcast_in_dim3A_6 {strides = array<i32>} : memref<1024xi32, #tpu.memory_space<vmem>>, vector<16xi32>,
    %swap3A_64 = arith.constant 448 : index
    %swap3A_65 = tpu.vector_load %arg9[%swap3A_64] {strides = array<i32>} : memref<1024xi32, #tpu.memory_space<vmem>>, vector<16xi32>,
    tpu.vector_store %arg9[%swap3A_64], %broadcast_in_dim3A_6 {strides = array<i32>} : memref<1024xi32, #tpu.memory_space<vmem>>, vector<16xi32>,
    %swap3A_66 = arith.constant 464 : index
    %swap3A_67 = tpu.vector_load %arg9[%swap3A_66] {strides = array<i32>} : memref<1024xi32, #tpu.memory_space<vmem>>, vector<16xi32>,
    tpu.vector_store %arg9[%swap3A_66], %broadcast_in_dim3A_6 {strides = array<i32>} : memref<1024xi32, #tpu.memory_space<vmem>>, vector<16xi32>,
    %swap3A_68 = arith.constant 480 : index
    %swap3A_69 = tpu.vector_load %arg9[%swap3A_68] {strides = array<i32>} : memref<1024xi32, #tpu.memory_space<vmem>>, vector<16xi32>,
    tpu.vector_store %arg9[%swap3A_68], %broadcast_in_dim3A_6 {strides = array<i32>} : memref<1024xi32, #tpu.memory_space<vmem>>, vector<16xi32>,
    %swap3A_70 = arith.constant 496 : index
    %swap3A_71 = tpu.vector_load %arg9[%swap3A_70] {strides = array<i32>} : memref<1024xi32, #tpu.memory_space<vmem>>, vector<16xi32>,
    tpu.vector_store %arg9[%swap3A_70], %broadcast_in_dim3A_6 {strides = array<i32>} : memref<1024xi32, #tpu.memory_space<vmem>>, vector<16xi32>,
    %swap3A_72 = arith.constant 512 : index
    %swap3A_73 = tpu.vector_load %arg9[%swap3A_72] {strides = array<i32>} : memref<1024xi32, #tpu.memory_space<vmem>>, vector<16xi32>,
    tpu.vector_store %arg9[%swap3A_72], %broadcast_in_dim3A_6 {strides = array<i32>} : memref<1024xi32, #tpu.memory_space<vmem>>, vector<16xi32>,
    %swap3A_74 = arith.constant 528 : index
    %swap3A_75 = tpu.vector_load %arg9[%swap3A_74] {strides = array<i32>} : memref<1024xi32, #tpu.memory_space<vmem>>, vector<16xi32>,
    tpu.vector_store %arg9[%swap3A_74], %broadcast_in_dim3A_6 {strides = array<i32>} : memref<1024xi32, #tpu.memory_space<vmem>>, vector<16xi32>,
    %swap3A_76 = arith.constant 544 : index
    %swap3A_77 = tpu.vector_load %arg9[%swap3A_76] {strides = array<i32>} : memref<1024xi32, #tpu.memory_space<vmem>>, vector<16xi32>,
    tpu.vector_store %arg9[%swap3A_76], %broadcast_in_dim3A_6 {strides = array<i32>} : memref<1024xi32, #tpu.memory_space<vmem>>, vector<16xi32>,
    %swap3A_78 = arith.constant 560 : index
    %swap3A_79 = tpu.vector_load %arg9[%swap3A_78] {strides = array<i32>} : memref<1024xi32, #tpu.memory_space<vmem>>, vector<16xi32>,
    tpu.vector_store %arg9[%swap3A_78], %broadcast_in_dim3A_6 {strides = array<i32>} : memref<1024xi32, #tpu.memory_space<vmem>>, vector<16xi32>,
    %swap3A_80 = arith.constant 576 : index
    %swap3A_81 = tpu.vector_load %arg9[%swap3A_80] {strides = array<i32>} : memref<1024xi32, #tpu.memory_space<vmem>>, vector<16xi32>,
    tpu.vector_store %arg9[%swap3A_80], %broadcast_in_dim3A_6 {strides = array<i32>} : memref<1024xi32, #tpu.memory_space<vmem>>, vector<16xi32>,
    %swap3A_82 = arith.constant 592 : index
    %swap3A_83 = tpu.vector_load %arg9[%swap3A_82] {strides = array<i32>} : memref<1024xi32, #tpu.memory_space<vmem>>, vector<16xi32>,
    tpu.vector_store %arg9[%swap3A_82], %broadcast_in_dim3A_6 {strides = array<i32>} : memref<1024xi32, #tpu.memory_space<vmem>>, vector<16xi32>,
    %swap3A_84 = arith.constant 608 : index
    %swap3A_85 = tpu.vector_load %arg9[%swap3A_84] {strides = array<i32>} : memref<1024xi32, #tpu.memory_space<vmem>>, vector<16xi32>,
    tpu.vector_store %arg9[%swap3A_84], %broadcast_in_dim3A_6 {strides = array<i32>} : memref<1024xi32, #tpu.memory_space<vmem>>, vector<16xi32>,
    %swap3A_86 = arith.constant 624 : index
    %swap3A_87 = tpu.vector_load %arg9[%swap3A_86] {strides = array<i32>} : memref<1024xi32, #tpu.memory_space<vmem>>, vector<16xi32>,
    tpu.vector_store %arg9[%swap3A_86], %broadcast_in_dim3A_6 {strides = array<i32>} : memref<1024xi32, #tpu.memory_space<vmem>>, vector<16xi32>,
    %swap3A_88 = arith.constant 640 : index
    %swap3A_89 = tpu.vector_load %arg9[%swap3A_88] {strides = array<i32>} : memref<1024xi32, #tpu.memory_space<vmem>>, vector<16xi32>,
    tpu.vector_store %arg9[%swap3A_88], %broadcast_in_dim3A_6 {strides = array<i32>} : memref<1024xi32, #tpu.memory_space<vmem>>, vector<16xi32>,
    %swap3A_90 = arith.constant 656 : index
    %swap3A_91 = tpu.vector_load %arg9[%swap3A_90] {strides = array<i32>} : memref<1024xi32, #tpu.memory_space<vmem>>, vector<16xi32>,
    tpu.vector_store %arg9[%swap3A_90], %broadcast_in_dim3A_6 {strides = array<i32>} : memref<1024xi32, #tpu.memory_space<vmem>>, vector<16xi32>,
    %swap3A_92 = arith.constant 672 : index
    %swap3A_93 = tpu.vector_load %arg9[%swap3A_92] {strides = array<i32>} : memref<1024xi32, #tpu.memory_space<vmem>>, vector<16xi32>,
    tpu.vector_store %arg9[%swap3A_92], %broadcast_in_dim3A_6 {strides = array<i32>} : memref<1024xi32, #tpu.memory_space<vmem>>, vector<16xi32>,
    %swap3A_94 = arith.constant 688 : index
    %swap3A_95 = tpu.vector_load %arg9[%swap3A_94] {strides = array<i32>} : memref<1024xi32, #tpu.memory_space<vmem>>, vector<16xi32>,
    tpu.vector_store %arg9[%swap3A_94], %broadcast_in_dim3A_6 {strides = array<i32>} : memref<1024xi32, #tpu.memory_space<vmem>>, vector<16xi32>,
    %swap3A_96 = arith.constant 704 : index
    %swap3A_97 = tpu.vector_load %arg9[%swap3A_96] {strides = array<i32>} : memref<1024xi32, #tpu.memory_space<vmem>>, vector<16xi32>,
    tpu.vector_store %arg9[%swap3A_96], %broadcast_in_dim3A_6 {strides = array<i32>} : memref<1024xi32, #tpu.memory_space<vmem>>, vector<16xi32>,
    %swap3A_98 = arith.constant 720 : index
    %swap3A_99 = tpu.vector_load %arg9[%swap3A_98] {strides = array<i32>} : memref<1024xi32, #tpu.memory_space<vmem>>, vector<16xi32>,
    tpu.vector_store %arg9[%swap3A_98], %broadcast_in_dim3A_6 {strides = array<i32>} : memref<1024xi32, #tpu.memory_space<vmem>>, vector<16xi32>,
    %swap3A_100 = arith.constant 736 : index
    %swap3A_101 = tpu.vector_load %arg9[%swap3A_100] {strides = array<i32>} : memref<1024xi32, #tpu.memory_space<vmem>>, vector<16xi32>,
    tpu.vector_store %arg9[%swap3A_100], %broadcast_in_dim3A_6 {strides = array<i32>} : memref<1024xi32, #tpu.memory_space<vmem>>, vector<16xi32>,
    %swap3A_102 = arith.constant 752 : index
    %swap3A_103 = tpu.vector_load %arg9[%swap3A_102] {strides = array<i32>} : memref<1024xi32, #tpu.memory_space<vmem>>, vector<16xi32>,
    tpu.vector_store %arg9[%swap3A_102], %broadcast_in_dim3A_6 {strides = array<i32>} : memref<1024xi32, #tpu.memory_space<vmem>>, vector<16xi32>,
    %swap3A_104 = arith.constant 768 : index
    %swap3A_105 = tpu.vector_load %arg9[%swap3A_104] {strides = array<i32>} : memref<1024xi32, #tpu.memory_space<vmem>>, vector<16xi32>,
    tpu.vector_store %arg9[%swap3A_104], %broadcast_in_dim3A_6 {strides = array<i32>} : memref<1024xi32, #tpu.memory_space<vmem>>, vector<16xi32>,
    %swap3A_106 = arith.constant 784 : index
    %swap3A_107 = tpu.vector_load %arg9[%swap3A_106] {strides = array<i32>} : memref<1024xi32, #tpu.memory_space<vmem>>, vector<16xi32>,
    tpu.vector_store %arg9[%swap3A_106], %broadcast_in_dim3A_6 {strides = array<i32>} : memref<1024xi32, #tpu.memory_space<vmem>>, vector<16xi32>,
    %swap3A_108 = arith.constant 800 : index
    %swap3A_109 = tpu.vector_load %arg9[%swap3A_108] {strides = array<i32>} : memref<1024xi32, #tpu.memory_space<vmem>>, vector<16xi32>,
    tpu.vector_store %arg9[%swap3A_108], %broadcast_in_dim3A_6 {strides = array<i32>} : memref<1024xi32, #tpu.memory_space<vmem>>, vector<16xi32>,
    %swap3A_110 = arith.constant 816 : index
    %swap3A_111 = tpu.vector_load %arg9[%swap3A_110] {strides = array<i32>} : memref<1024xi32, #tpu.memory_space<vmem>>, vector<16xi32>,
    tpu.vector_store %arg9[%swap3A_110], %broadcast_in_dim3A_6 {strides = array<i32>} : memref<1024xi32, #tpu.memory_space<vmem>>, vector<16xi32>,
    %swap3A_112 = arith.constant 832 : index
    %swap3A_113 = tpu.vector_load %arg9[%swap3A_112] {strides = array<i32>} : memref<1024xi32, #tpu.memory_space<vmem>>, vector<16xi32>,
    tpu.vector_store %arg9[%swap3A_112], %broadcast_in_dim3A_6 {strides = array<i32>} : memref<1024xi32, #tpu.memory_space<vmem>>, vector<16xi32>,
    %swap3A_114 = arith.constant 848 : index
    %swap3A_115 = tpu.vector_load %arg9[%swap3A_114] {strides = array<i32>} : memref<1024xi32, #tpu.memory_space<vmem>>, vector<16xi32>,
    tpu.vector_store %arg9[%swap3A_114], %broadcast_in_dim3A_6 {strides = array<i32>} : memref<1024xi32, #tpu.memory_space<vmem>>, vector<16xi32>,
    %swap3A_116 = arith.constant 864 : index
    %swap3A_117 = tpu.vector_load %arg9[%swap3A_116] {strides = array<i32>} : memref<1024xi32, #tpu.memory_space<vmem>>, vector<16xi32>,
    tpu.vector_store %arg9[%swap3A_116], %broadcast_in_dim3A_6 {strides = array<i32>} : memref<1024xi32, #tpu.memory_space<vmem>>, vector<16xi32>,
    %swap3A_118 = arith.constant 880 : index
    %swap3A_119 = tpu.vector_load %arg9[%swap3A_118] {strides = array<i32>} : memref<1024xi32, #tpu.memory_space<vmem>>, vector<16xi32>,
    tpu.vector_store %arg9[%swap3A_118], %broadcast_in_dim3A_6 {strides = array<i32>} : memref<1024xi32, #tpu.memory_space<vmem>>, vector<16xi32>,
    %swap3A_120 = arith.constant 896 : index
    %swap3A_121 = tpu.vector_load %arg9[%swap3A_120] {strides = array<i32>} : memref<1024xi32, #tpu.memory_space<vmem>>, vector<16xi32>,
    tpu.vector_store %arg9[%swap3A_120], %broadcast_in_dim3A_6 {strides = array<i32>} : memref<1024xi32, #tpu.memory_space<vmem>>, vector<16xi32>,
    %swap3A_122 = arith.constant 912 : index
    %swap3A_123 = tpu.vector_load %arg9[%swap3A_122] {strides = array<i32>} : memref<1024xi32, #tpu.memory_space<vmem>>, vector<16xi32>,
    tpu.vector_store %arg9[%swap3A_122], %broadcast_in_dim3A_6 {strides = array<i32>} : memref<1024xi32, #tpu.memory_space<vmem>>, vector<16xi32>,
    %swap3A_124 = arith.constant 928 : index
    %swap3A_125 = tpu.vector_load %arg9[%swap3A_124] {strides = array<i32>} : memref<1024xi32, #tpu.memory_space<vmem>>, vector<16xi32>,
    tpu.vector_store %arg9[%swap3A_124], %broadcast_in_dim3A_6 {strides = array<i32>} : memref<1024xi32, #tpu.memory_space<vmem>>, vector<16xi32>,
    %swap3A_126 = arith.constant 944 : index
    %swap3A_127 = tpu.vector_load %arg9[%swap3A_126] {strides = array<i32>} : memref<1024xi32, #tpu.memory_space<vmem>>, vector<16xi32>,
    tpu.vector_store %arg9[%swap3A_126], %broadcast_in_dim3A_6 {strides = array<i32>} : memref<1024xi32, #tpu.memory_space<vmem>>, vector<16xi32>,
    %swap3A_128 = arith.constant 960 : index
    %swap3A_129 = tpu.vector_load %arg9[%swap3A_128] {strides = array<i32>} : memref<1024xi32, #tpu.memory_space<vmem>>, vector<16xi32>,
    tpu.vector_store %arg9[%swap3A_128], %broadcast_in_dim3A_6 {strides = array<i32>} : memref<1024xi32, #tpu.memory_space<vmem>>, vector<16xi32>,
    %swap3A_130 = arith.constant 976 : index
    %swap3A_131 = tpu.vector_load %arg9[%swap3A_130] {strides = array<i32>} : memref<1024xi32, #tpu.memory_space<vmem>>, vector<16xi32>,
    tpu.vector_store %arg9[%swap3A_130], %broadcast_in_dim3A_6 {strides = array<i32>} : memref<1024xi32, #tpu.memory_space<vmem>>, vector<16xi32>,
    %swap3A_132 = arith.constant 992 : index
    %swap3A_133 = tpu.vector_load %arg9[%swap3A_132] {strides = array<i32>} : memref<1024xi32, #tpu.memory_space<vmem>>, vector<16xi32>,
    tpu.vector_store %arg9[%swap3A_132], %broadcast_in_dim3A_6 {strides = array<i32>} : memref<1024xi32, #tpu.memory_space<vmem>>, vector<16xi32>,
    %swap3A_134 = arith.constant 1008 : index
    %swap3A_135 = tpu.vector_load %arg9[%swap3A_134] {strides = array<i32>} : memref<1024xi32, #tpu.memory_space<vmem>>, vector<16xi32>,
    tpu.vector_store %arg9[%swap3A_134], %broadcast_in_dim3A_6 {strides = array<i32>} : memref<1024xi32, #tpu.memory_space<vmem>>, vector<16xi32>,
    %add3A_136 = arith.constant 0 : i32
    %add3A_137 = arith.addi %mul3A_2, %add3A_136 : i32
    %jit3A = arith.constant 128 : i32
    %div3A = arith.divsi %add3A_137, %jit3A : i32
    %sign3A = arith.constant 0 : i32
    %sign3A_138 = arith.cmpi sgt, %add3A_137, %sign3A : i32
    %sign3A_139 = arith.extui %sign3A_138 : i1 to i32
    %sign3A_140 = arith.constant 0 : i32
    %sign3A_141 = arith.cmpi slt, %add3A_137, %sign3A_140 : i32
    %sign3A_142 = arith.extui %sign3A_141 : i1 to i32
    %sign3A_143 = arith.subi %sign3A_139, %sign3A_142 : i32
    %sign3A_144 = arith.constant 0 : i32
    %sign3A_145 = arith.cmpi sgt, %jit3A, %sign3A_144 : i32
    %sign3A_146 = arith.extui %sign3A_145 : i1 to i32
    %sign3A_147 = arith.constant 0 : i32
    %sign3A_148 = arith.cmpi slt, %jit3A, %sign3A_147 : i32
    %sign3A_149 = arith.extui %sign3A_148 : i1 to i32
    %sign3A_150 = arith.subi %sign3A_146, %sign3A_149 : i32
    %ne3A = arith.cmpi ne, %sign3A_143, %sign3A_150 : i32
    %rem3A = arith.remsi %add3A_137, %jit3A : i32
    %ne3A_151 = arith.constant 0 : i32
    %ne3A_152 = arith.cmpi ne, %rem3A, %ne3A_151 : i32
    %and3A = arith.andi %ne3A, %ne3A_152 : i1
    %sub3A = arith.constant 1 : i32
    %sub3A_153 = arith.subi %div3A, %sub3A : i32
    %select_n3A = arith.select %and3A, %sub3A_153, %div3A : i32
    %jit3A_154 = arith.constant 128 : i32
    %div3A_155 = arith.divsi %add3A_137, %jit3A_154 : i32
    %sign3A_156 = arith.constant 0 : i32
    %sign3A_157 = arith.cmpi sgt, %add3A_137, %sign3A_156 : i32
    %sign3A_158 = arith.extui %sign3A_157 : i1 to i32
    %sign3A_159 = arith.constant 0 : i32
    %sign3A_160 = arith.cmpi slt, %add3A_137, %sign3A_159 : i32
    %sign3A_161 = arith.extui %sign3A_160 : i1 to i32
    %sign3A_162 = arith.subi %sign3A_158, %sign3A_161 : i32
    %sign3A_163 = arith.constant 0 : i32
    %sign3A_164 = arith.cmpi sgt, %jit3A_154, %sign3A_163 : i32
    %sign3A_165 = arith.extui %sign3A_164 : i1 to i32
    %sign3A_166 = arith.constant 0 : i32
    %sign3A_167 = arith.cmpi slt, %jit3A_154, %sign3A_166 : i32
    %sign3A_168 = arith.extui %sign3A_167 : i1 to i32
    %sign3A_169 = arith.subi %sign3A_165, %sign3A_168 : i32
    %ne3A_170 = arith.cmpi ne, %sign3A_162, %sign3A_169 : i32
    %rem3A_171 = arith.remsi %add3A_137, %jit3A_154 : i32
    %ne3A_172 = arith.constant 0 : i32
    %ne3A_173 = arith.cmpi ne, %rem3A_171, %ne3A_172 : i32
    %and3A_174 = arith.andi %ne3A_170, %ne3A_173 : i1
    %sub3A_175 = arith.constant 1 : i32
    %sub3A_176 = arith.subi %div3A_155, %sub3A_175 : i32
    %select_n3A_177 = arith.select %and3A_174, %sub3A_176, %div3A_155 : i32
    %add3A_178 = arith.constant 16 : i32
    %add3A_179 = arith.addi %select_n3A_177, %add3A_178 : i32
    %dma_start3A = arith.constant 0 : i32
    %dma_start3A_180 = arith.constant 0 : i32
    %dma_start3A_181 = arith.constant 0 : i32
    %dma_start3A_182 = tpu.memref_slice %arg5[%dma_start3A, %dma_start3A_180, %dma_start3A_181] : memref<32x7x128xf32, #tpu.memory_space<vmem>> -> memref<16x7x128xf32, #tpu.memory_space<vmem>>
    %dma_start3A_183 = arith.constant 1 : i32
    %dma_start3A_184 = arith.constant 0 : i32
    %dma_start3A_185 = tpu.memref_slice %arg2[%select_n3A, %dma_start3A_183, %dma_start3A_184] : memref<32768x8x128xf32, #tpu.memory_space<hbm>> -> memref<16x7x128xf32, #tpu.memory_space<hbm>>
    %dma_start3A_186 = arith.constant 0 : i32
    %dma_start3A_187 = arith.constant 0 : i32
    %dma_start3A_188 = arith.constant 0 : i32
    %dma_start3A_189 = tpu.memref_slice %arg5[%dma_start3A_186, %dma_start3A_187, %dma_start3A_188] : memref<32x7x128xf32, #tpu.memory_space<vmem>> -> memref<16x7x128xf32, #tpu.memory_space<vmem>>
    %dma_start3A_190 = arith.constant 1 : i32
    %dma_start3A_191 = arith.constant 0 : i32
    %dma_start3A_192 = tpu.memref_slice %arg2[%select_n3A, %dma_start3A_190, %dma_start3A_191] : memref<32768x8x128xf32, #tpu.memory_space<hbm>> -> memref<16x7x128xf32, #tpu.memory_space<hbm>>
    tpu.enqueue_dma source(%dma_start3A_192 : memref<16x7x128xf32, #tpu.memory_space<hbm>>) target(%dma_start3A_189 : memref<16x7x128xf32, #tpu.memory_space<vmem>>) target_semaphore(%arg11 : memref<!tpu.dma_semaphore, #tpu.memory_space<semaphore_mem>>)
    %dma_start3A_193 = arith.constant 16 : i32
    %dma_start3A_194 = arith.constant 0 : i32
    %dma_start3A_195 = arith.constant 0 : i32
    %dma_start3A_196 = tpu.memref_slice %arg5[%dma_start3A_193, %dma_start3A_194, %dma_start3A_195] : memref<32x7x128xf32, #tpu.memory_space<vmem>> -> memref<16x7x128xf32, #tpu.memory_space<vmem>>
    %dma_start3A_197 = arith.constant 1 : i32
    %dma_start3A_198 = arith.constant 0 : i32
    %dma_start3A_199 = tpu.memref_slice %arg2[%add3A_179, %dma_start3A_197, %dma_start3A_198] : memref<32768x8x128xf32, #tpu.memory_space<hbm>> -> memref<16x7x128xf32, #tpu.memory_space<hbm>>
    %dma_start3A_200 = arith.constant 16 : i32
    %dma_start3A_201 = arith.constant 0 : i32
    %dma_start3A_202 = arith.constant 0 : i32
    %dma_start3A_203 = tpu.memref_slice %arg5[%dma_start3A_200, %dma_start3A_201, %dma_start3A_202] : memref<32x7x128xf32, #tpu.memory_space<vmem>> -> memref<16x7x128xf32, #tpu.memory_space<vmem>>
    %dma_start3A_204 = arith.constant 1 : i32
    %dma_start3A_205 = arith.constant 0 : i32
    %dma_start3A_206 = tpu.memref_slice %arg2[%add3A_179, %dma_start3A_204, %dma_start3A_205] : memref<32768x8x128xf32, #tpu.memory_space<hbm>> -> memref<16x7x128xf32, #tpu.memory_space<hbm>>
    tpu.enqueue_dma source(%dma_start3A_206 : memref<16x7x128xf32, #tpu.memory_space<hbm>>) target(%dma_start3A_203 : memref<16x7x128xf32, #tpu.memory_space<vmem>>) target_semaphore(%arg11 : memref<!tpu.dma_semaphore, #tpu.memory_space<semaphore_mem>>)
    %dma_start3A_207 = tpu.memref_slice %arg3[%add3A_137] : memref<4194304xi32, #tpu.memory_space<hbm>> -> memref<4096xi32, #tpu.memory_space<hbm>>
    %dma_start3A_208 = tpu.memref_slice %arg3[%add3A_137] : memref<4194304xi32, #tpu.memory_space<hbm>> -> memref<4096xi32, #tpu.memory_space<hbm>>
    tpu.enqueue_dma source(%dma_start3A_208 : memref<4096xi32, #tpu.memory_space<hbm>>) target(%arg7 : memref<4096xi32, #tpu.memory_space<vmem>>) target_semaphore(%arg11 : memref<!tpu.dma_semaphore, #tpu.memory_space<semaphore_mem>>)
    %scan3A = arith.constant 0 : i32
    %scan3A_209 = arith.constant 0 : i32
    %scan3A_210 = arith.constant 16 : i32
    %scan3A_211 = arith.addi %scan3A_209, %scan3A_210 : i32
    %scan3A_212 = arith.constant 1 : i32
    scf.for %scan3A_490 = %scan3A_209 to %scan3A_211 step %scan3A_212  : i32 {
      %mul3A_491 = arith.constant 2 : i32
      %mul3A_492 = arith.muli %mul3A_491, %scan3A_490 : i32
      %add3A_493 = arith.constant 0 : i32
      %add3A_494 = arith.addi %mul3A_492, %add3A_493 : i32
      %mul3A_495 = arith.constant 4096 : i32
      %mul3A_496 = arith.muli %add3A_494, %mul3A_495 : i32
      %add3A_497 = arith.addi %mul3A_2, %mul3A_496 : i32
      %jit3A_498 = arith.constant 128 : i32
      %div3A_499 = arith.divsi %add3A_497, %jit3A_498 : i32
      %sign3A_500 = arith.constant 0 : i32
      %sign3A_501 = arith.cmpi sgt, %add3A_497, %sign3A_500 : i32
      %sign3A_502 = arith.extui %sign3A_501 : i1 to i32
      %sign3A_503 = arith.constant 0 : i32
      %sign3A_504 = arith.cmpi slt, %add3A_497, %sign3A_503 : i32
      %sign3A_505 = arith.extui %sign3A_504 : i1 to i32
      %sign3A_506 = arith.subi %sign3A_502, %sign3A_505 : i32
      %sign3A_507 = arith.constant 0 : i32
      %sign3A_508 = arith.cmpi sgt, %jit3A_498, %sign3A_507 : i32
      %sign3A_509 = arith.extui %sign3A_508 : i1 to i32
      %sign3A_510 = arith.constant 0 : i32
      %sign3A_511 = arith.cmpi slt, %jit3A_498, %sign3A_510 : i32
      %sign3A_512 = arith.extui %sign3A_511 : i1 to i32
      %sign3A_513 = arith.subi %sign3A_509, %sign3A_512 : i32
      %ne3A_514 = arith.cmpi ne, %sign3A_506, %sign3A_513 : i32
      %rem3A_515 = arith.remsi %add3A_497, %jit3A_498 : i32
      %ne3A_516 = arith.constant 0 : i32
      %ne3A_517 = arith.cmpi ne, %rem3A_515, %ne3A_516 : i32
      %and3A_518 = arith.andi %ne3A_514, %ne3A_517 : i1
      %sub3A_519 = arith.constant 1 : i32
      %sub3A_520 = arith.subi %div3A_499, %sub3A_519 : i32
      %select_n3A_521 = arith.select %and3A_518, %sub3A_520, %div3A_499 : i32
      %jit3A_522 = arith.constant 128 : i32
      %div3A_523 = arith.divsi %add3A_497, %jit3A_522 : i32
      %sign3A_524 = arith.constant 0 : i32
      %sign3A_525 = arith.cmpi sgt, %add3A_497, %sign3A_524 : i32
      %sign3A_526 = arith.extui %sign3A_525 : i1 to i32
      %sign3A_527 = arith.constant 0 : i32
      %sign3A_528 = arith.cmpi slt, %add3A_497, %sign3A_527 : i32
      %sign3A_529 = arith.extui %sign3A_528 : i1 to i32
      %sign3A_530 = arith.subi %sign3A_526, %sign3A_529 : i32
      %sign3A_531 = arith.constant 0 : i32
      %sign3A_532 = arith.cmpi sgt, %jit3A_522, %sign3A_531 : i32
      %sign3A_533 = arith.extui %sign3A_532 : i1 to i32
      %sign3A_534 = arith.constant 0 : i32
      %sign3A_535 = arith.cmpi slt, %jit3A_522, %sign3A_534 : i32
      %sign3A_536 = arith.extui %sign3A_535 : i1 to i32
      %sign3A_537 = arith.subi %sign3A_533, %sign3A_536 : i32
      %ne3A_538 = arith.cmpi ne, %sign3A_530, %sign3A_537 : i32
      %rem3A_539 = arith.remsi %add3A_497, %jit3A_522 : i32
      %ne3A_540 = arith.constant 0 : i32
      %ne3A_541 = arith.cmpi ne, %rem3A_539, %ne3A_540 : i32
      %and3A_542 = arith.andi %ne3A_538, %ne3A_541 : i1
      %sub3A_543 = arith.constant 1 : i32
      %sub3A_544 = arith.subi %div3A_523, %sub3A_543 : i32
      %select_n3A_545 = arith.select %and3A_542, %sub3A_544, %div3A_523 : i32
      %add3A_546 = arith.constant 16 : i32
      %add3A_547 = arith.addi %select_n3A_545, %add3A_546 : i32
      %dma_wait3A_548 = arith.constant 0 : i32
      %dma_wait3A_549 = arith.constant 0 : i32
      %dma_wait3A_550 = arith.constant 0 : i32
      %dma_wait3A_551 = tpu.memref_slice %arg5[%dma_wait3A_548, %dma_wait3A_549, %dma_wait3A_550] : memref<32x7x128xf32, #tpu.memory_space<vmem>> -> memref<16x7x128xf32, #tpu.memory_space<vmem>>
      %dma_wait3A_552 = arith.constant 1 : i32
      %dma_wait3A_553 = arith.constant 0 : i32
      %dma_wait3A_554 = tpu.memref_slice %arg2[%select_n3A_521, %dma_wait3A_552, %dma_wait3A_553] : memref<32768x8x128xf32, #tpu.memory_space<hbm>> -> memref<16x7x128xf32, #tpu.memory_space<hbm>>
      %dma_wait3A_555 = arith.constant 0 : i32
      %dma_wait3A_556 = arith.constant 0 : i32
      %dma_wait3A_557 = arith.constant 0 : i32
      %dma_wait3A_558 = tpu.memref_slice %arg5[%dma_wait3A_555, %dma_wait3A_556, %dma_wait3A_557] : memref<32x7x128xf32, #tpu.memory_space<vmem>> -> memref<16x7x128xf32, #tpu.memory_space<vmem>>
      %dma_wait3A_559 = arith.constant 1 : i32
      %dma_wait3A_560 = arith.constant 0 : i32
      %dma_wait3A_561 = tpu.memref_slice %arg2[%select_n3A_521, %dma_wait3A_559, %dma_wait3A_560] : memref<32768x8x128xf32, #tpu.memory_space<hbm>> -> memref<16x7x128xf32, #tpu.memory_space<hbm>>
      tpu.wait_dma2 semaphore(%arg11 : memref<!tpu.dma_semaphore, #tpu.memory_space<semaphore_mem>>) src(%dma_wait3A_561 : memref<16x7x128xf32, #tpu.memory_space<hbm>>) dst(%dma_wait3A_558 : memref<16x7x128xf32, #tpu.memory_space<vmem>>)
      %dma_wait3A_562 = arith.constant 16 : i32
      %dma_wait3A_563 = arith.constant 0 : i32
      %dma_wait3A_564 = arith.constant 0 : i32
      %dma_wait3A_565 = tpu.memref_slice %arg5[%dma_wait3A_562, %dma_wait3A_563, %dma_wait3A_564] : memref<32x7x128xf32, #tpu.memory_space<vmem>> -> memref<16x7x128xf32, #tpu.memory_space<vmem>>
      %dma_wait3A_566 = arith.constant 1 : i32
      %dma_wait3A_567 = arith.constant 0 : i32
      %dma_wait3A_568 = tpu.memref_slice %arg2[%add3A_547, %dma_wait3A_566, %dma_wait3A_567] : memref<32768x8x128xf32, #tpu.memory_space<hbm>> -> memref<16x7x128xf32, #tpu.memory_space<hbm>>
      %dma_wait3A_569 = arith.constant 16 : i32
      %dma_wait3A_570 = arith.constant 0 : i32
      %dma_wait3A_571 = arith.constant 0 : i32
      %dma_wait3A_572 = tpu.memref_slice %arg5[%dma_wait3A_569, %dma_wait3A_570, %dma_wait3A_571] : memref<32x7x128xf32, #tpu.memory_space<vmem>> -> memref<16x7x128xf32, #tpu.memory_space<vmem>>
      %dma_wait3A_573 = arith.constant 1 : i32
      %dma_wait3A_574 = arith.constant 0 : i32
      %dma_wait3A_575 = tpu.memref_slice %arg2[%add3A_547, %dma_wait3A_573, %dma_wait3A_574] : memref<32768x8x128xf32, #tpu.memory_space<hbm>> -> memref<16x7x128xf32, #tpu.memory_space<hbm>>
      tpu.wait_dma2 semaphore(%arg11 : memref<!tpu.dma_semaphore, #tpu.memory_space<semaphore_mem>>) src(%dma_wait3A_575 : memref<16x7x128xf32, #tpu.memory_space<hbm>>) dst(%dma_wait3A_572 : memref<16x7x128xf32, #tpu.memory_space<vmem>>)
      %dma_wait3A_576 = tpu.memref_slice %arg3[%add3A_497] : memref<4194304xi32, #tpu.memory_space<hbm>> -> memref<4096xi32, #tpu.memory_space<hbm>>
      %dma_wait3A_577 = tpu.memref_slice %arg3[%add3A_497] : memref<4194304xi32, #tpu.memory_space<hbm>> -> memref<4096xi32, #tpu.memory_space<hbm>>
      tpu.wait_dma2 semaphore(%arg11 : memref<!tpu.dma_semaphore, #tpu.memory_space<semaphore_mem>>) src(%dma_wait3A_577 : memref<4096xi32, #tpu.memory_space<hbm>>) dst(%arg7 : memref<4096xi32, #tpu.memory_space<vmem>>)
      %add3A_578 = arith.constant 2 : i32
      %add3A_579 = arith.addi %add3A_494, %add3A_578 : i32
      %sub3A_580 = arith.constant 1 : i32
      %sub3A_581 = arith.subi %add3A_579, %sub3A_580 : i32
      %min3A = arith.constant 31 : i32
      %min3A_582 = arith.minsi %sub3A_581, %min3A : i32
      %mul3A_583 = arith.constant 4096 : i32
      %mul3A_584 = arith.muli %min3A_582, %mul3A_583 : i32
      %add3A_585 = arith.addi %mul3A_2, %mul3A_584 : i32
      %jit3A_586 = arith.constant 128 : i32
      %div3A_587 = arith.divsi %add3A_585, %jit3A_586 : i32
      %sign3A_588 = arith.constant 0 : i32
      %sign3A_589 = arith.cmpi sgt, %add3A_585, %sign3A_588 : i32
      %sign3A_590 = arith.extui %sign3A_589 : i1 to i32
      %sign3A_591 = arith.constant 0 : i32
      %sign3A_592 = arith.cmpi slt, %add3A_585, %sign3A_591 : i32
      %sign3A_593 = arith.extui %sign3A_592 : i1 to i32
      %sign3A_594 = arith.subi %sign3A_590, %sign3A_593 : i32
      %sign3A_595 = arith.constant 0 : i32
      %sign3A_596 = arith.cmpi sgt, %jit3A_586, %sign3A_595 : i32
      %sign3A_597 = arith.extui %sign3A_596 : i1 to i32
      %sign3A_598 = arith.constant 0 : i32
      %sign3A_599 = arith.cmpi slt, %jit3A_586, %sign3A_598 : i32
      %sign3A_600 = arith.extui %sign3A_599 : i1 to i32
      %sign3A_601 = arith.subi %sign3A_597, %sign3A_600 : i32
      %ne3A_602 = arith.cmpi ne, %sign3A_594, %sign3A_601 : i32
      %rem3A_603 = arith.remsi %add3A_585, %jit3A_586 : i32
      %ne3A_604 = arith.constant 0 : i32
      %ne3A_605 = arith.cmpi ne, %rem3A_603, %ne3A_604 : i32
      %and3A_606 = arith.andi %ne3A_602, %ne3A_605 : i1
      %sub3A_607 = arith.constant 1 : i32
      %sub3A_608 = arith.subi %div3A_587, %sub3A_607 : i32
      %select_n3A_609 = arith.select %and3A_606, %sub3A_608, %div3A_587 : i32
      %jit3A_610 = arith.constant 128 : i32
      %div3A_611 = arith.divsi %add3A_585, %jit3A_610 : i32
      %sign3A_612 = arith.constant 0 : i32
      %sign3A_613 = arith.cmpi sgt, %add3A_585, %sign3A_612 : i32
      %sign3A_614 = arith.extui %sign3A_613 : i1 to i32
      %sign3A_615 = arith.constant 0 : i32
      %sign3A_616 = arith.cmpi slt, %add3A_585, %sign3A_615 : i32
      %sign3A_617 = arith.extui %sign3A_616 : i1 to i32
      %sign3A_618 = arith.subi %sign3A_614, %sign3A_617 : i32
      %sign3A_619 = arith.constant 0 : i32
      %sign3A_620 = arith.cmpi sgt, %jit3A_610, %sign3A_619 : i32
      %sign3A_621 = arith.extui %sign3A_620 : i1 to i32
      %sign3A_622 = arith.constant 0 : i32
      %sign3A_623 = arith.cmpi slt, %jit3A_610, %sign3A_622 : i32
      %sign3A_624 = arith.extui %sign3A_623 : i1 to i32
      %sign3A_625 = arith.subi %sign3A_621, %sign3A_624 : i32
      %ne3A_626 = arith.cmpi ne, %sign3A_618, %sign3A_625 : i32
      %rem3A_627 = arith.remsi %add3A_585, %jit3A_610 : i32
      %ne3A_628 = arith.constant 0 : i32
      %ne3A_629 = arith.cmpi ne, %rem3A_627, %ne3A_628 : i32
      %and3A_630 = arith.andi %ne3A_626, %ne3A_629 : i1
      %sub3A_631 = arith.constant 1 : i32
      %sub3A_632 = arith.subi %div3A_611, %sub3A_631 : i32
      %select_n3A_633 = arith.select %and3A_630, %sub3A_632, %div3A_611 : i32
      %add3A_634 = arith.constant 16 : i32
      %add3A_635 = arith.addi %select_n3A_633, %add3A_634 : i32
      %dma_start3A_636 = arith.constant 0 : i32
      %dma_start3A_637 = arith.constant 0 : i32
      %dma_start3A_638 = arith.constant 0 : i32
      %dma_start3A_639 = tpu.memref_slice %arg6[%dma_start3A_636, %dma_start3A_637, %dma_start3A_638] : memref<32x7x128xf32, #tpu.memory_space<vmem>> -> memref<16x7x128xf32, #tpu.memory_space<vmem>>
      %dma_start3A_640 = arith.constant 1 : i32
      %dma_start3A_641 = arith.constant 0 : i32
      %dma_start3A_642 = tpu.memref_slice %arg2[%select_n3A_609, %dma_start3A_640, %dma_start3A_641] : memref<32768x8x128xf32, #tpu.memory_space<hbm>> -> memref<16x7x128xf32, #tpu.memory_space<hbm>>
      %dma_start3A_643 = arith.constant 0 : i32
      %dma_start3A_644 = arith.constant 0 : i32
      %dma_start3A_645 = arith.constant 0 : i32
      %dma_start3A_646 = tpu.memref_slice %arg6[%dma_start3A_643, %dma_start3A_644, %dma_start3A_645] : memref<32x7x128xf32, #tpu.memory_space<vmem>> -> memref<16x7x128xf32, #tpu.memory_space<vmem>>
      %dma_start3A_647 = arith.constant 1 : i32
      %dma_start3A_648 = arith.constant 0 : i32
      %dma_start3A_649 = tpu.memref_slice %arg2[%select_n3A_609, %dma_start3A_647, %dma_start3A_648] : memref<32768x8x128xf32, #tpu.memory_space<hbm>> -> memref<16x7x128xf32, #tpu.memory_space<hbm>>
      tpu.enqueue_dma source(%dma_start3A_649 : memref<16x7x128xf32, #tpu.memory_space<hbm>>) target(%dma_start3A_646 : memref<16x7x128xf32, #tpu.memory_space<vmem>>) target_semaphore(%arg12 : memref<!tpu.dma_semaphore, #tpu.memory_space<semaphore_mem>>)
      %dma_start3A_650 = arith.constant 16 : i32
      %dma_start3A_651 = arith.constant 0 : i32
      %dma_start3A_652 = arith.constant 0 : i32
      %dma_start3A_653 = tpu.memref_slice %arg6[%dma_start3A_650, %dma_start3A_651, %dma_start3A_652] : memref<32x7x128xf32, #tpu.memory_space<vmem>> -> memref<16x7x128xf32, #tpu.memory_space<vmem>>
      %dma_start3A_654 = arith.constant 1 : i32
      %dma_start3A_655 = arith.constant 0 : i32
      %dma_start3A_656 = tpu.memref_slice %arg2[%add3A_635, %dma_start3A_654, %dma_start3A_655] : memref<32768x8x128xf32, #tpu.memory_space<hbm>> -> memref<16x7x128xf32, #tpu.memory_space<hbm>>
      %dma_start3A_657 = arith.constant 16 : i32
      %dma_start3A_658 = arith.constant 0 : i32
      %dma_start3A_659 = arith.constant 0 : i32
      %dma_start3A_660 = tpu.memref_slice %arg6[%dma_start3A_657, %dma_start3A_658, %dma_start3A_659] : memref<32x7x128xf32, #tpu.memory_space<vmem>> -> memref<16x7x128xf32, #tpu.memory_space<vmem>>
      %dma_start3A_661 = arith.constant 1 : i32
      %dma_start3A_662 = arith.constant 0 : i32
      %dma_start3A_663 = tpu.memref_slice %arg2[%add3A_635, %dma_start3A_661, %dma_start3A_662] : memref<32768x8x128xf32, #tpu.memory_space<hbm>> -> memref<16x7x128xf32, #tpu.memory_space<hbm>>
      tpu.enqueue_dma source(%dma_start3A_663 : memref<16x7x128xf32, #tpu.memory_space<hbm>>) target(%dma_start3A_660 : memref<16x7x128xf32, #tpu.memory_space<vmem>>) target_semaphore(%arg12 : memref<!tpu.dma_semaphore, #tpu.memory_space<semaphore_mem>>)
      %dma_start3A_664 = tpu.memref_slice %arg3[%add3A_585] : memref<4194304xi32, #tpu.memory_space<hbm>> -> memref<4096xi32, #tpu.memory_space<hbm>>
      %dma_start3A_665 = tpu.memref_slice %arg3[%add3A_585] : memref<4194304xi32, #tpu.memory_space<hbm>> -> memref<4096xi32, #tpu.memory_space<hbm>>
      tpu.enqueue_dma source(%dma_start3A_665 : memref<4096xi32, #tpu.memory_space<hbm>>) target(%arg8 : memref<4096xi32, #tpu.memory_space<vmem>>) target_semaphore(%arg12 : memref<!tpu.dma_semaphore, #tpu.memory_space<semaphore_mem>>)
      %parallel_loop3A = arith.constant 0 : i32
      %parallel_loop3A_666 = arith.constant 32 : i32
      %parallel_loop3A_667 = arith.constant 1 : i32
      scf.for %parallel_loop3A_847 = %parallel_loop3A to %parallel_loop3A_666 step %parallel_loop3A_667  : i32 {
        %parallel_loop3A_848 = arith.constant 128 : i32
        %parallel_loop3A_849 = arith.muli %parallel_loop3A_847, %parallel_loop3A_848 : i32
        %parallel_loop3A_850 = arith.constant 0 : i32
        %parallel_loop3A_851 = arith.index_cast %parallel_loop3A_847 : i32 to index
        %parallel_loop3A_852 = arith.index_cast %parallel_loop3A_850 : i32 to index
        %parallel_loop3A_853 = arith.constant 0 : index
        %parallel_loop3A_854 = tpu.vector_load %arg5[%parallel_loop3A_851, %parallel_loop3A_852, %parallel_loop3A_853] {strides = array<i32>} : memref<32x7x128xf32, #tpu.memory_space<vmem>>, vector<16xf32>,
        %parallel_loop3A_855 = arith.constant 1 : i32
        %parallel_loop3A_856 = arith.index_cast %parallel_loop3A_847 : i32 to index
        %parallel_loop3A_857 = arith.index_cast %parallel_loop3A_855 : i32 to index
        %parallel_loop3A_858 = arith.constant 0 : index
        %parallel_loop3A_859 = tpu.vector_load %arg5[%parallel_loop3A_856, %parallel_loop3A_857, %parallel_loop3A_858] {strides = array<i32>} : memref<32x7x128xf32, #tpu.memory_space<vmem>>, vector<16xf32>,
        %parallel_loop3A_860 = arith.cmpf ogt, %parallel_loop3A_859, %parallel_loop3A_854 : vector<16xf32>
        %parallel_loop3A_861 = arith.select %parallel_loop3A_860, %parallel_loop3A_859, %parallel_loop3A_854 : vector<16xi1>, vector<16xf32>
        %parallel_loop3A_862 = arith.constant 2 : i32
        %parallel_loop3A_863 = vector.broadcast %parallel_loop3A_862 : i32 to vector<16xi32>
        %parallel_loop3A_864 = arith.select %parallel_loop3A_860, %parallel_loop3A_863, %broadcast_in_dim3A_8 : vector<16xi1>, vector<16xi32>
        %parallel_loop3A_865 = arith.constant 2 : i32
        %parallel_loop3A_866 = arith.index_cast %parallel_loop3A_847 : i32 to index
        %parallel_loop3A_867 = arith.index_cast %parallel_loop3A_865 : i32 to index
        %parallel_loop3A_868 = arith.constant 0 : index
        %parallel_loop3A_869 = tpu.vector_load %arg5[%parallel_loop3A_866, %parallel_loop3A_867, %parallel_loop3A_868] {strides = array<i32>} : memref<32x7x128xf32, #tpu.memory_space<vmem>>, vector<16xf32>,
        %parallel_loop3A_870 = arith.cmpf ogt, %parallel_loop3A_869, %parallel_loop3A_861 : vector<16xf32>
        %parallel_loop3A_871 = arith.select %parallel_loop3A_870, %parallel_loop3A_869, %parallel_loop3A_861 : vector<16xi1>, vector<16xf32>
        %parallel_loop3A_872 = arith.constant 3 : i32
        %parallel_loop3A_873 = vector.broadcast %parallel_loop3A_872 : i32 to vector<16xi32>
        %parallel_loop3A_874 = arith.select %parallel_loop3A_870, %parallel_loop3A_873, %parallel_loop3A_864 : vector<16xi1>, vector<16xi32>
        %parallel_loop3A_875 = arith.constant 3 : i32
        %parallel_loop3A_876 = arith.index_cast %parallel_loop3A_847 : i32 to index
        %parallel_loop3A_877 = arith.index_cast %parallel_loop3A_875 : i32 to index
        %parallel_loop3A_878 = arith.constant 0 : index
        %parallel_loop3A_879 = tpu.vector_load %arg5[%parallel_loop3A_876, %parallel_loop3A_877, %parallel_loop3A_878] {strides = array<i32>} : memref<32x7x128xf32, #tpu.memory_space<vmem>>, vector<16xf32>,
        %parallel_loop3A_880 = arith.cmpf ogt, %parallel_loop3A_879, %parallel_loop3A_871 : vector<16xf32>
        %parallel_loop3A_881 = arith.select %parallel_loop3A_880, %parallel_loop3A_879, %parallel_loop3A_871 : vector<16xi1>, vector<16xf32>
        %parallel_loop3A_882 = arith.constant 4 : i32
        %parallel_loop3A_883 = vector.broadcast %parallel_loop3A_882 : i32 to vector<16xi32>
        %parallel_loop3A_884 = arith.select %parallel_loop3A_880, %parallel_loop3A_883, %parallel_loop3A_874 : vector<16xi1>, vector<16xi32>
        %parallel_loop3A_885 = arith.constant 4 : i32
        %parallel_loop3A_886 = arith.index_cast %parallel_loop3A_847 : i32 to index
        %parallel_loop3A_887 = arith.index_cast %parallel_loop3A_885 : i32 to index
        %parallel_loop3A_888 = arith.constant 0 : index
        %parallel_loop3A_889 = tpu.vector_load %arg5[%parallel_loop3A_886, %parallel_loop3A_887, %parallel_loop3A_888] {strides = array<i32>} : memref<32x7x128xf32, #tpu.memory_space<vmem>>, vector<16xf32>,
        %parallel_loop3A_890 = arith.cmpf ogt, %parallel_loop3A_889, %parallel_loop3A_881 : vector<16xf32>
        %parallel_loop3A_891 = arith.select %parallel_loop3A_890, %parallel_loop3A_889, %parallel_loop3A_881 : vector<16xi1>, vector<16xf32>
        %parallel_loop3A_892 = arith.constant 5 : i32
        %parallel_loop3A_893 = vector.broadcast %parallel_loop3A_892 : i32 to vector<16xi32>
        %parallel_loop3A_894 = arith.select %parallel_loop3A_890, %parallel_loop3A_893, %parallel_loop3A_884 : vector<16xi1>, vector<16xi32>
        %parallel_loop3A_895 = arith.constant 5 : i32
        %parallel_loop3A_896 = arith.index_cast %parallel_loop3A_847 : i32 to index
        %parallel_loop3A_897 = arith.index_cast %parallel_loop3A_895 : i32 to index
        %parallel_loop3A_898 = arith.constant 0 : index
        %parallel_loop3A_899 = tpu.vector_load %arg5[%parallel_loop3A_896, %parallel_loop3A_897, %parallel_loop3A_898] {strides = array<i32>} : memref<32x7x128xf32, #tpu.memory_space<vmem>>, vector<16xf32>,
        %parallel_loop3A_900 = arith.cmpf ogt, %parallel_loop3A_899, %parallel_loop3A_891 : vector<16xf32>
        %parallel_loop3A_901 = arith.select %parallel_loop3A_900, %parallel_loop3A_899, %parallel_loop3A_891 : vector<16xi1>, vector<16xf32>
        %parallel_loop3A_902 = arith.constant 6 : i32
        %parallel_loop3A_903 = vector.broadcast %parallel_loop3A_902 : i32 to vector<16xi32>
        %parallel_loop3A_904 = arith.select %parallel_loop3A_900, %parallel_loop3A_903, %parallel_loop3A_894 : vector<16xi1>, vector<16xi32>
        %parallel_loop3A_905 = arith.constant 6 : i32
        %parallel_loop3A_906 = arith.index_cast %parallel_loop3A_847 : i32 to index
        %parallel_loop3A_907 = arith.index_cast %parallel_loop3A_905 : i32 to index
        %parallel_loop3A_908 = arith.constant 0 : index
        %parallel_loop3A_909 = tpu.vector_load %arg5[%parallel_loop3A_906, %parallel_loop3A_907, %parallel_loop3A_908] {strides = array<i32>} : memref<32x7x128xf32, #tpu.memory_space<vmem>>, vector<16xf32>,
        %parallel_loop3A_910 = arith.cmpf ogt, %parallel_loop3A_909, %parallel_loop3A_901 : vector<16xf32>
        %parallel_loop3A_911 = arith.select %parallel_loop3A_910, %parallel_loop3A_909, %parallel_loop3A_901 : vector<16xi1>, vector<16xf32>
        %parallel_loop3A_912 = arith.constant 7 : i32
        %parallel_loop3A_913 = vector.broadcast %parallel_loop3A_912 : i32 to vector<16xi32>
        %parallel_loop3A_914 = arith.select %parallel_loop3A_910, %parallel_loop3A_913, %parallel_loop3A_904 : vector<16xi1>, vector<16xi32>
        %parallel_loop3A_915 = arith.constant 5.000000e-01 : f32
        %parallel_loop3A_916 = vector.broadcast %parallel_loop3A_915 : f32 to vector<16xf32>
        %parallel_loop3A_917 = arith.cmpf ogt, %parallel_loop3A_911, %parallel_loop3A_916 : vector<16xf32>
        %parallel_loop3A_918 = arith.constant 0 : i32
        %parallel_loop3A_919 = vector.broadcast %parallel_loop3A_918 : i32 to vector<16xi32>
        %parallel_loop3A_920 = arith.select %parallel_loop3A_917, %parallel_loop3A_914, %parallel_loop3A_919 : vector<16xi1>, vector<16xi32>
        %parallel_loop3A_921 = arith.constant 0 : i32
        %parallel_loop3A_922 = arith.addi %parallel_loop3A_849, %parallel_loop3A_921 : i32
        %parallel_loop3A_923 = arith.index_cast %parallel_loop3A_922 : i32 to index
        %parallel_loop3A_924 = tpu.vector_load %arg7[%parallel_loop3A_923] {strides = array<i32>} : memref<4096xi32, #tpu.memory_space<vmem>>, vector<16xi32>,
        %parallel_loop3A_925 = arith.constant 8 : i32
        %parallel_loop3A_926 = vector.broadcast %parallel_loop3A_925 : i32 to vector<16xi32>
        %parallel_loop3A_927 = arith.muli %parallel_loop3A_924, %parallel_loop3A_926 : vector<16xi32>
        %parallel_loop3A_928 = arith.addi %mul3A_5, %parallel_loop3A_927 : vector<16xi32>
        %parallel_loop3A_929 = arith.addi %parallel_loop3A_928, %parallel_loop3A_920 : vector<16xi32>
        tpu.vector_store_idx %arg9[%parallel_loop3A_929], %broadcast_in_dim3A_8 {add = true} : memref<1024xi32, #tpu.memory_space<vmem>>[vector<16xi32>], vector<16xi32>,
        %parallel_loop3A_930 = arith.constant 0 : i32
        %parallel_loop3A_931 = arith.index_cast %parallel_loop3A_847 : i32 to index
        %parallel_loop3A_932 = arith.index_cast %parallel_loop3A_930 : i32 to index
        %parallel_loop3A_933 = arith.constant 16 : index
        %parallel_loop3A_934 = tpu.vector_load %arg5[%parallel_loop3A_931, %parallel_loop3A_932, %parallel_loop3A_933] {strides = array<i32>} : memref<32x7x128xf32, #tpu.memory_space<vmem>>, vector<16xf32>,
        %parallel_loop3A_935 = arith.constant 1 : i32
        %parallel_loop3A_936 = arith.index_cast %parallel_loop3A_847 : i32 to index
        %parallel_loop3A_937 = arith.index_cast %parallel_loop3A_935 : i32 to index
        %parallel_loop3A_938 = arith.constant 16 : index
        %parallel_loop3A_939 = tpu.vector_load %arg5[%parallel_loop3A_936, %parallel_loop3A_937, %parallel_loop3A_938] {strides = array<i32>} : memref<32x7x128xf32, #tpu.memory_space<vmem>>, vector<16xf32>,
        %parallel_loop3A_940 = arith.cmpf ogt, %parallel_loop3A_939, %parallel_loop3A_934 : vector<16xf32>
        %parallel_loop3A_941 = arith.select %parallel_loop3A_940, %parallel_loop3A_939, %parallel_loop3A_934 : vector<16xi1>, vector<16xf32>
        %parallel_loop3A_942 = arith.constant 2 : i32
        %parallel_loop3A_943 = vector.broadcast %parallel_loop3A_942 : i32 to vector<16xi32>
        %parallel_loop3A_944 = arith.select %parallel_loop3A_940, %parallel_loop3A_943, %broadcast_in_dim3A_8 : vector<16xi1>, vector<16xi32>
        %parallel_loop3A_945 = arith.constant 2 : i32
        %parallel_loop3A_946 = arith.index_cast %parallel_loop3A_847 : i32 to index
        %parallel_loop3A_947 = arith.index_cast %parallel_loop3A_945 : i32 to index
        %parallel_loop3A_948 = arith.constant 16 : index
        %parallel_loop3A_949 = tpu.vector_load %arg5[%parallel_loop3A_946, %parallel_loop3A_947, %parallel_loop3A_948] {strides = array<i32>} : memref<32x7x128xf32, #tpu.memory_space<vmem>>, vector<16xf32>,
        %parallel_loop3A_950 = arith.cmpf ogt, %parallel_loop3A_949, %parallel_loop3A_941 : vector<16xf32>
        %parallel_loop3A_951 = arith.select %parallel_loop3A_950, %parallel_loop3A_949, %parallel_loop3A_941 : vector<16xi1>, vector<16xf32>
        %parallel_loop3A_952 = arith.constant 3 : i32
        %parallel_loop3A_953 = vector.broadcast %parallel_loop3A_952 : i32 to vector<16xi32>
        %parallel_loop3A_954 = arith.select %parallel_loop3A_950, %parallel_loop3A_953, %parallel_loop3A_944 : vector<16xi1>, vector<16xi32>
        %parallel_loop3A_955 = arith.constant 3 : i32
        %parallel_loop3A_956 = arith.index_cast %parallel_loop3A_847 : i32 to index
        %parallel_loop3A_957 = arith.index_cast %parallel_loop3A_955 : i32 to index
        %parallel_loop3A_958 = arith.constant 16 : index
        %parallel_loop3A_959 = tpu.vector_load %arg5[%parallel_loop3A_956, %parallel_loop3A_957, %parallel_loop3A_958] {strides = array<i32>} : memref<32x7x128xf32, #tpu.memory_space<vmem>>, vector<16xf32>,
        %parallel_loop3A_960 = arith.cmpf ogt, %parallel_loop3A_959, %parallel_loop3A_951 : vector<16xf32>
        %parallel_loop3A_961 = arith.select %parallel_loop3A_960, %parallel_loop3A_959, %parallel_loop3A_951 : vector<16xi1>, vector<16xf32>
        %parallel_loop3A_962 = arith.constant 4 : i32
        %parallel_loop3A_963 = vector.broadcast %parallel_loop3A_962 : i32 to vector<16xi32>
        %parallel_loop3A_964 = arith.select %parallel_loop3A_960, %parallel_loop3A_963, %parallel_loop3A_954 : vector<16xi1>, vector<16xi32>
        %parallel_loop3A_965 = arith.constant 4 : i32
        %parallel_loop3A_966 = arith.index_cast %parallel_loop3A_847 : i32 to index
        %parallel_loop3A_967 = arith.index_cast %parallel_loop3A_965 : i32 to index
        %parallel_loop3A_968 = arith.constant 16 : index
        %parallel_loop3A_969 = tpu.vector_load %arg5[%parallel_loop3A_966, %parallel_loop3A_967, %parallel_loop3A_968] {strides = array<i32>} : memref<32x7x128xf32, #tpu.memory_space<vmem>>, vector<16xf32>,
        %parallel_loop3A_970 = arith.cmpf ogt, %parallel_loop3A_969, %parallel_loop3A_961 : vector<16xf32>
        %parallel_loop3A_971 = arith.select %parallel_loop3A_970, %parallel_loop3A_969, %parallel_loop3A_961 : vector<16xi1>, vector<16xf32>
        %parallel_loop3A_972 = arith.constant 5 : i32
        %parallel_loop3A_973 = vector.broadcast %parallel_loop3A_972 : i32 to vector<16xi32>
        %parallel_loop3A_974 = arith.select %parallel_loop3A_970, %parallel_loop3A_973, %parallel_loop3A_964 : vector<16xi1>, vector<16xi32>
        %parallel_loop3A_975 = arith.constant 5 : i32
        %parallel_loop3A_976 = arith.index_cast %parallel_loop3A_847 : i32 to index
        %parallel_loop3A_977 = arith.index_cast %parallel_loop3A_975 : i32 to index
        %parallel_loop3A_978 = arith.constant 16 : index
        %parallel_loop3A_979 = tpu.vector_load %arg5[%parallel_loop3A_976, %parallel_loop3A_977, %parallel_loop3A_978] {strides = array<i32>} : memref<32x7x128xf32, #tpu.memory_space<vmem>>, vector<16xf32>,
        %parallel_loop3A_980 = arith.cmpf ogt, %parallel_loop3A_979, %parallel_loop3A_971 : vector<16xf32>
        %parallel_loop3A_981 = arith.select %parallel_loop3A_980, %parallel_loop3A_979, %parallel_loop3A_971 : vector<16xi1>, vector<16xf32>
        %parallel_loop3A_982 = arith.constant 6 : i32
        %parallel_loop3A_983 = vector.broadcast %parallel_loop3A_982 : i32 to vector<16xi32>
        %parallel_loop3A_984 = arith.select %parallel_loop3A_980, %parallel_loop3A_983, %parallel_loop3A_974 : vector<16xi1>, vector<16xi32>
        %parallel_loop3A_985 = arith.constant 6 : i32
        %parallel_loop3A_986 = arith.index_cast %parallel_loop3A_847 : i32 to index
        %parallel_loop3A_987 = arith.index_cast %parallel_loop3A_985 : i32 to index
        %parallel_loop3A_988 = arith.constant 16 : index
        %parallel_loop3A_989 = tpu.vector_load %arg5[%parallel_loop3A_986, %parallel_loop3A_987, %parallel_loop3A_988] {strides = array<i32>} : memref<32x7x128xf32, #tpu.memory_space<vmem>>, vector<16xf32>,
        %parallel_loop3A_990 = arith.cmpf ogt, %parallel_loop3A_989, %parallel_loop3A_981 : vector<16xf32>
        %parallel_loop3A_991 = arith.select %parallel_loop3A_990, %parallel_loop3A_989, %parallel_loop3A_981 : vector<16xi1>, vector<16xf32>
        %parallel_loop3A_992 = arith.constant 7 : i32
        %parallel_loop3A_993 = vector.broadcast %parallel_loop3A_992 : i32 to vector<16xi32>
        %parallel_loop3A_994 = arith.select %parallel_loop3A_990, %parallel_loop3A_993, %parallel_loop3A_984 : vector<16xi1>, vector<16xi32>
        %parallel_loop3A_995 = arith.constant 5.000000e-01 : f32
        %parallel_loop3A_996 = vector.broadcast %parallel_loop3A_995 : f32 to vector<16xf32>
        %parallel_loop3A_997 = arith.cmpf ogt, %parallel_loop3A_991, %parallel_loop3A_996 : vector<16xf32>
        %parallel_loop3A_998 = arith.constant 0 : i32
        %parallel_loop3A_999 = vector.broadcast %parallel_loop3A_998 : i32 to vector<16xi32>
        %parallel_loop3A_1000 = arith.select %parallel_loop3A_997, %parallel_loop3A_994, %parallel_loop3A_999 : vector<16xi1>, vector<16xi32>
        %parallel_loop3A_1001 = arith.constant 16 : i32
        %parallel_loop3A_1002 = arith.addi %parallel_loop3A_849, %parallel_loop3A_1001 : i32
        %parallel_loop3A_1003 = arith.index_cast %parallel_loop3A_1002 : i32 to index
        %parallel_loop3A_1004 = tpu.vector_load %arg7[%parallel_loop3A_1003] {strides = array<i32>} : memref<4096xi32, #tpu.memory_space<vmem>>, vector<16xi32>,
        %parallel_loop3A_1005 = arith.constant 8 : i32
        %parallel_loop3A_1006 = vector.broadcast %parallel_loop3A_1005 : i32 to vector<16xi32>
        %parallel_loop3A_1007 = arith.muli %parallel_loop3A_1004, %parallel_loop3A_1006 : vector<16xi32>
        %parallel_loop3A_1008 = arith.addi %mul3A_5, %parallel_loop3A_1007 : vector<16xi32>
        %parallel_loop3A_1009 = arith.addi %parallel_loop3A_1008, %parallel_loop3A_1000 : vector<16xi32>
        tpu.vector_store_idx %arg9[%parallel_loop3A_1009], %broadcast_in_dim3A_8 {add = true} : memref<1024xi32, #tpu.memory_space<vmem>>[vector<16xi32>], vector<16xi32>,
        %parallel_loop3A_1010 = arith.constant 0 : i32
        %parallel_loop3A_1011 = arith.index_cast %parallel_loop3A_847 : i32 to index
        %parallel_loop3A_1012 = arith.index_cast %parallel_loop3A_1010 : i32 to index
        %parallel_loop3A_1013 = arith.constant 32 : index
        %parallel_loop3A_1014 = tpu.vector_load %arg5[%parallel_loop3A_1011, %parallel_loop3A_1012, %parallel_loop3A_1013] {strides = array<i32>} : memref<32x7x128xf32, #tpu.memory_space<vmem>>, vector<16xf32>,
        %parallel_loop3A_1015 = arith.constant 1 : i32
        %parallel_loop3A_1016 = arith.index_cast %parallel_loop3A_847 : i32 to index
        %parallel_loop3A_1017 = arith.index_cast %parallel_loop3A_1015 : i32 to index
        %parallel_loop3A_1018 = arith.constant 32 : index
        %parallel_loop3A_1019 = tpu.vector_load %arg5[%parallel_loop3A_1016, %parallel_loop3A_1017, %parallel_loop3A_1018] {strides = array<i32>} : memref<32x7x128xf32, #tpu.memory_space<vmem>>, vector<16xf32>,
        %parallel_loop3A_1020 = arith.cmpf ogt, %parallel_loop3A_1019, %parallel_loop3A_1014 : vector<16xf32>
        %parallel_loop3A_1021 = arith.select %parallel_loop3A_1020, %parallel_loop3A_1019, %parallel_loop3A_1014 : vector<16xi1>, vector<16xf32>
        %parallel_loop3A_1022 = arith.constant 2 : i32
        %parallel_loop3A_1023 = vector.broadcast %parallel_loop3A_1022 : i32 to vector<16xi32>
        %parallel_loop3A_1024 = arith.select %parallel_loop3A_1020, %parallel_loop3A_1023, %broadcast_in_dim3A_8 : vector<16xi1>, vector<16xi32>
        %parallel_loop3A_1025 = arith.constant 2 : i32
        %parallel_loop3A_1026 = arith.index_cast %parallel_loop3A_847 : i32 to index
        %parallel_loop3A_1027 = arith.index_cast %parallel_loop3A_1025 : i32 to index
        %parallel_loop3A_1028 = arith.constant 32 : index
        %parallel_loop3A_1029 = tpu.vector_load %arg5[%parallel_loop3A_1026, %parallel_loop3A_1027, %parallel_loop3A_1028] {strides = array<i32>} : memref<32x7x128xf32, #tpu.memory_space<vmem>>, vector<16xf32>,
        %parallel_loop3A_1030 = arith.cmpf ogt, %parallel_loop3A_1029, %parallel_loop3A_1021 : vector<16xf32>
        %parallel_loop3A_1031 = arith.select %parallel_loop3A_1030, %parallel_loop3A_1029, %parallel_loop3A_1021 : vector<16xi1>, vector<16xf32>
        %parallel_loop3A_1032 = arith.constant 3 : i32
        %parallel_loop3A_1033 = vector.broadcast %parallel_loop3A_1032 : i32 to vector<16xi32>
        %parallel_loop3A_1034 = arith.select %parallel_loop3A_1030, %parallel_loop3A_1033, %parallel_loop3A_1024 : vector<16xi1>, vector<16xi32>
        %parallel_loop3A_1035 = arith.constant 3 : i32
        %parallel_loop3A_1036 = arith.index_cast %parallel_loop3A_847 : i32 to index
        %parallel_loop3A_1037 = arith.index_cast %parallel_loop3A_1035 : i32 to index
        %parallel_loop3A_1038 = arith.constant 32 : index
        %parallel_loop3A_1039 = tpu.vector_load %arg5[%parallel_loop3A_1036, %parallel_loop3A_1037, %parallel_loop3A_1038] {strides = array<i32>} : memref<32x7x128xf32, #tpu.memory_space<vmem>>, vector<16xf32>,
        %parallel_loop3A_1040 = arith.cmpf ogt, %parallel_loop3A_1039, %parallel_loop3A_1031 : vector<16xf32>
        %parallel_loop3A_1041 = arith.select %parallel_loop3A_1040, %parallel_loop3A_1039, %parallel_loop3A_1031 : vector<16xi1>, vector<16xf32>
        %parallel_loop3A_1042 = arith.constant 4 : i32
        %parallel_loop3A_1043 = vector.broadcast %parallel_loop3A_1042 : i32 to vector<16xi32>
        %parallel_loop3A_1044 = arith.select %parallel_loop3A_1040, %parallel_loop3A_1043, %parallel_loop3A_1034 : vector<16xi1>, vector<16xi32>
        %parallel_loop3A_1045 = arith.constant 4 : i32
        %parallel_loop3A_1046 = arith.index_cast %parallel_loop3A_847 : i32 to index
        %parallel_loop3A_1047 = arith.index_cast %parallel_loop3A_1045 : i32 to index
        %parallel_loop3A_1048 = arith.constant 32 : index
        %parallel_loop3A_1049 = tpu.vector_load %arg5[%parallel_loop3A_1046, %parallel_loop3A_1047, %parallel_loop3A_1048] {strides = array<i32>} : memref<32x7x128xf32, #tpu.memory_space<vmem>>, vector<16xf32>,
        %parallel_loop3A_1050 = arith.cmpf ogt, %parallel_loop3A_1049, %parallel_loop3A_1041 : vector<16xf32>
        %parallel_loop3A_1051 = arith.select %parallel_loop3A_1050, %parallel_loop3A_1049, %parallel_loop3A_1041 : vector<16xi1>, vector<16xf32>
        %parallel_loop3A_1052 = arith.constant 5 : i32
        %parallel_loop3A_1053 = vector.broadcast %parallel_loop3A_1052 : i32 to vector<16xi32>
        %parallel_loop3A_1054 = arith.select %parallel_loop3A_1050, %parallel_loop3A_1053, %parallel_loop3A_1044 : vector<16xi1>, vector<16xi32>
        %parallel_loop3A_1055 = arith.constant 5 : i32
        %parallel_loop3A_1056 = arith.index_cast %parallel_loop3A_847 : i32 to index
        %parallel_loop3A_1057 = arith.index_cast %parallel_loop3A_1055 : i32 to index
        %parallel_loop3A_1058 = arith.constant 32 : index
        %parallel_loop3A_1059 = tpu.vector_load %arg5[%parallel_loop3A_1056, %parallel_loop3A_1057, %parallel_loop3A_1058] {strides = array<i32>} : memref<32x7x128xf32, #tpu.memory_space<vmem>>, vector<16xf32>,
        %parallel_loop3A_1060 = arith.cmpf ogt, %parallel_loop3A_1059, %parallel_loop3A_1051 : vector<16xf32>
        %parallel_loop3A_1061 = arith.select %parallel_loop3A_1060, %parallel_loop3A_1059, %parallel_loop3A_1051 : vector<16xi1>, vector<16xf32>
        %parallel_loop3A_1062 = arith.constant 6 : i32
        %parallel_loop3A_1063 = vector.broadcast %parallel_loop3A_1062 : i32 to vector<16xi32>
        %parallel_loop3A_1064 = arith.select %parallel_loop3A_1060, %parallel_loop3A_1063, %parallel_loop3A_1054 : vector<16xi1>, vector<16xi32>
        %parallel_loop3A_1065 = arith.constant 6 : i32
        %parallel_loop3A_1066 = arith.index_cast %parallel_loop3A_847 : i32 to index
        %parallel_loop3A_1067 = arith.index_cast %parallel_loop3A_1065 : i32 to index
        %parallel_loop3A_1068 = arith.constant 32 : index
        %parallel_loop3A_1069 = tpu.vector_load %arg5[%parallel_loop3A_1066, %parallel_loop3A_1067, %parallel_loop3A_1068] {strides = array<i32>} : memref<32x7x128xf32, #tpu.memory_space<vmem>>, vector<16xf32>,
        %parallel_loop3A_1070 = arith.cmpf ogt, %parallel_loop3A_1069, %parallel_loop3A_1061 : vector<16xf32>
        %parallel_loop3A_1071 = arith.select %parallel_loop3A_1070, %parallel_loop3A_1069, %parallel_loop3A_1061 : vector<16xi1>, vector<16xf32>
        %parallel_loop3A_1072 = arith.constant 7 : i32
        %parallel_loop3A_1073 = vector.broadcast %parallel_loop3A_1072 : i32 to vector<16xi32>
        %parallel_loop3A_1074 = arith.select %parallel_loop3A_1070, %parallel_loop3A_1073, %parallel_loop3A_1064 : vector<16xi1>, vector<16xi32>
        %parallel_loop3A_1075 = arith.constant 5.000000e-01 : f32
        %parallel_loop3A_1076 = vector.broadcast %parallel_loop3A_1075 : f32 to vector<16xf32>
        %parallel_loop3A_1077 = arith.cmpf ogt, %parallel_loop3A_1071, %parallel_loop3A_1076 : vector<16xf32>
        %parallel_loop3A_1078 = arith.constant 0 : i32
        %parallel_loop3A_1079 = vector.broadcast %parallel_loop3A_1078 : i32 to vector<16xi32>
        %parallel_loop3A_1080 = arith.select %parallel_loop3A_1077, %parallel_loop3A_1074, %parallel_loop3A_1079 : vector<16xi1>, vector<16xi32>
        %parallel_loop3A_1081 = arith.constant 32 : i32
        %parallel_loop3A_1082 = arith.addi %parallel_loop3A_849, %parallel_loop3A_1081 : i32
        %parallel_loop3A_1083 = arith.index_cast %parallel_loop3A_1082 : i32 to index
        %parallel_loop3A_1084 = tpu.vector_load %arg7[%parallel_loop3A_1083] {strides = array<i32>} : memref<4096xi32, #tpu.memory_space<vmem>>, vector<16xi32>,
        %parallel_loop3A_1085 = arith.constant 8 : i32
        %parallel_loop3A_1086 = vector.broadcast %parallel_loop3A_1085 : i32 to vector<16xi32>
        %parallel_loop3A_1087 = arith.muli %parallel_loop3A_1084, %parallel_loop3A_1086 : vector<16xi32>
        %parallel_loop3A_1088 = arith.addi %mul3A_5, %parallel_loop3A_1087 : vector<16xi32>
        %parallel_loop3A_1089 = arith.addi %parallel_loop3A_1088, %parallel_loop3A_1080 : vector<16xi32>
        tpu.vector_store_idx %arg9[%parallel_loop3A_1089], %broadcast_in_dim3A_8 {add = true} : memref<1024xi32, #tpu.memory_space<vmem>>[vector<16xi32>], vector<16xi32>,
        %parallel_loop3A_1090 = arith.constant 0 : i32
        %parallel_loop3A_1091 = arith.index_cast %parallel_loop3A_847 : i32 to index
        %parallel_loop3A_1092 = arith.index_cast %parallel_loop3A_1090 : i32 to index
        %parallel_loop3A_1093 = arith.constant 48 : index
        %parallel_loop3A_1094 = tpu.vector_load %arg5[%parallel_loop3A_1091, %parallel_loop3A_1092, %parallel_loop3A_1093] {strides = array<i32>} : memref<32x7x128xf32, #tpu.memory_space<vmem>>, vector<16xf32>,
        %parallel_loop3A_1095 = arith.constant 1 : i32
        %parallel_loop3A_1096 = arith.index_cast %parallel_loop3A_847 : i32 to index
        %parallel_loop3A_1097 = arith.index_cast %parallel_loop3A_1095 : i32 to index
        %parallel_loop3A_1098 = arith.constant 48 : index
        %parallel_loop3A_1099 = tpu.vector_load %arg5[%parallel_loop3A_1096, %parallel_loop3A_1097, %parallel_loop3A_1098] {strides = array<i32>} : memref<32x7x128xf32, #tpu.memory_space<vmem>>, vector<16xf32>,
        %parallel_loop3A_1100 = arith.cmpf ogt, %parallel_loop3A_1099, %parallel_loop3A_1094 : vector<16xf32>
        %parallel_loop3A_1101 = arith.select %parallel_loop3A_1100, %parallel_loop3A_1099, %parallel_loop3A_1094 : vector<16xi1>, vector<16xf32>
        %parallel_loop3A_1102 = arith.constant 2 : i32
        %parallel_loop3A_1103 = vector.broadcast %parallel_loop3A_1102 : i32 to vector<16xi32>
        %parallel_loop3A_1104 = arith.select %parallel_loop3A_1100, %parallel_loop3A_1103, %broadcast_in_dim3A_8 : vector<16xi1>, vector<16xi32>
        %parallel_loop3A_1105 = arith.constant 2 : i32
        %parallel_loop3A_1106 = arith.index_cast %parallel_loop3A_847 : i32 to index
        %parallel_loop3A_1107 = arith.index_cast %parallel_loop3A_1105 : i32 to index
        %parallel_loop3A_1108 = arith.constant 48 : index
        %parallel_loop3A_1109 = tpu.vector_load %arg5[%parallel_loop3A_1106, %parallel_loop3A_1107, %parallel_loop3A_1108] {strides = array<i32>} : memref<32x7x128xf32, #tpu.memory_space<vmem>>, vector<16xf32>,
        %parallel_loop3A_1110 = arith.cmpf ogt, %parallel_loop3A_1109, %parallel_loop3A_1101 : vector<16xf32>
        %parallel_loop3A_1111 = arith.select %parallel_loop3A_1110, %parallel_loop3A_1109, %parallel_loop3A_1101 : vector<16xi1>, vector<16xf32>
        %parallel_loop3A_1112 = arith.constant 3 : i32
        %parallel_loop3A_1113 = vector.broadcast %parallel_loop3A_1112 : i32 to vector<16xi32>
        %parallel_loop3A_1114 = arith.select %parallel_loop3A_1110, %parallel_loop3A_1113, %parallel_loop3A_1104 : vector<16xi1>, vector<16xi32>
        %parallel_loop3A_1115 = arith.constant 3 : i32
        %parallel_loop3A_1116 = arith.index_cast %parallel_loop3A_847 : i32 to index
        %parallel_loop3A_1117 = arith.index_cast %parallel_loop3A_1115 : i32 to index
        %parallel_loop3A_1118 = arith.constant 48 : index
        %parallel_loop3A_1119 = tpu.vector_load %arg5[%parallel_loop3A_1116, %parallel_loop3A_1117, %parallel_loop3A_1118] {strides = array<i32>} : memref<32x7x128xf32, #tpu.memory_space<vmem>>, vector<16xf32>,
        %parallel_loop3A_1120 = arith.cmpf ogt, %parallel_loop3A_1119, %parallel_loop3A_1111 : vector<16xf32>
        %parallel_loop3A_1121 = arith.select %parallel_loop3A_1120, %parallel_loop3A_1119, %parallel_loop3A_1111 : vector<16xi1>, vector<16xf32>
        %parallel_loop3A_1122 = arith.constant 4 : i32
        %parallel_loop3A_1123 = vector.broadcast %parallel_loop3A_1122 : i32 to vector<16xi32>
        %parallel_loop3A_1124 = arith.select %parallel_loop3A_1120, %parallel_loop3A_1123, %parallel_loop3A_1114 : vector<16xi1>, vector<16xi32>
        %parallel_loop3A_1125 = arith.constant 4 : i32
        %parallel_loop3A_1126 = arith.index_cast %parallel_loop3A_847 : i32 to index
        %parallel_loop3A_1127 = arith.index_cast %parallel_loop3A_1125 : i32 to index
        %parallel_loop3A_1128 = arith.constant 48 : index
        %parallel_loop3A_1129 = tpu.vector_load %arg5[%parallel_loop3A_1126, %parallel_loop3A_1127, %parallel_loop3A_1128] {strides = array<i32>} : memref<32x7x128xf32, #tpu.memory_space<vmem>>, vector<16xf32>,
        %parallel_loop3A_1130 = arith.cmpf ogt, %parallel_loop3A_1129, %parallel_loop3A_1121 : vector<16xf32>
        %parallel_loop3A_1131 = arith.select %parallel_loop3A_1130, %parallel_loop3A_1129, %parallel_loop3A_1121 : vector<16xi1>, vector<16xf32>
        %parallel_loop3A_1132 = arith.constant 5 : i32
        %parallel_loop3A_1133 = vector.broadcast %parallel_loop3A_1132 : i32 to vector<16xi32>
        %parallel_loop3A_1134 = arith.select %parallel_loop3A_1130, %parallel_loop3A_1133, %parallel_loop3A_1124 : vector<16xi1>, vector<16xi32>
        %parallel_loop3A_1135 = arith.constant 5 : i32
        %parallel_loop3A_1136 = arith.index_cast %parallel_loop3A_847 : i32 to index
        %parallel_loop3A_1137 = arith.index_cast %parallel_loop3A_1135 : i32 to index
        %parallel_loop3A_1138 = arith.constant 48 : index
        %parallel_loop3A_1139 = tpu.vector_load %arg5[%parallel_loop3A_1136, %parallel_loop3A_1137, %parallel_loop3A_1138] {strides = array<i32>} : memref<32x7x128xf32, #tpu.memory_space<vmem>>, vector<16xf32>,
        %parallel_loop3A_1140 = arith.cmpf ogt, %parallel_loop3A_1139, %parallel_loop3A_1131 : vector<16xf32>
        %parallel_loop3A_1141 = arith.select %parallel_loop3A_1140, %parallel_loop3A_1139, %parallel_loop3A_1131 : vector<16xi1>, vector<16xf32>
        %parallel_loop3A_1142 = arith.constant 6 : i32
        %parallel_loop3A_1143 = vector.broadcast %parallel_loop3A_1142 : i32 to vector<16xi32>
        %parallel_loop3A_1144 = arith.select %parallel_loop3A_1140, %parallel_loop3A_1143, %parallel_loop3A_1134 : vector<16xi1>, vector<16xi32>
        %parallel_loop3A_1145 = arith.constant 6 : i32
        %parallel_loop3A_1146 = arith.index_cast %parallel_loop3A_847 : i32 to index
        %parallel_loop3A_1147 = arith.index_cast %parallel_loop3A_1145 : i32 to index
        %parallel_loop3A_1148 = arith.constant 48 : index
        %parallel_loop3A_1149 = tpu.vector_load %arg5[%parallel_loop3A_1146, %parallel_loop3A_1147, %parallel_loop3A_1148] {strides = array<i32>} : memref<32x7x128xf32, #tpu.memory_space<vmem>>, vector<16xf32>,
        %parallel_loop3A_1150 = arith.cmpf ogt, %parallel_loop3A_1149, %parallel_loop3A_1141 : vector<16xf32>
        %parallel_loop3A_1151 = arith.select %parallel_loop3A_1150, %parallel_loop3A_1149, %parallel_loop3A_1141 : vector<16xi1>, vector<16xf32>
        %parallel_loop3A_1152 = arith.constant 7 : i32
        %parallel_loop3A_1153 = vector.broadcast %parallel_loop3A_1152 : i32 to vector<16xi32>
        %parallel_loop3A_1154 = arith.select %parallel_loop3A_1150, %parallel_loop3A_1153, %parallel_loop3A_1144 : vector<16xi1>, vector<16xi32>
        %parallel_loop3A_1155 = arith.constant 5.000000e-01 : f32
        %parallel_loop3A_1156 = vector.broadcast %parallel_loop3A_1155 : f32 to vector<16xf32>
        %parallel_loop3A_1157 = arith.cmpf ogt, %parallel_loop3A_1151, %parallel_loop3A_1156 : vector<16xf32>
        %parallel_loop3A_1158 = arith.constant 0 : i32
        %parallel_loop3A_1159 = vector.broadcast %parallel_loop3A_1158 : i32 to vector<16xi32>
        %parallel_loop3A_1160 = arith.select %parallel_loop3A_1157, %parallel_loop3A_1154, %parallel_loop3A_1159 : vector<16xi1>, vector<16xi32>
        %parallel_loop3A_1161 = arith.constant 48 : i32
        %parallel_loop3A_1162 = arith.addi %parallel_loop3A_849, %parallel_loop3A_1161 : i32
        %parallel_loop3A_1163 = arith.index_cast %parallel_loop3A_1162 : i32 to index
        %parallel_loop3A_1164 = tpu.vector_load %arg7[%parallel_loop3A_1163] {strides = array<i32>} : memref<4096xi32, #tpu.memory_space<vmem>>, vector<16xi32>,
        %parallel_loop3A_1165 = arith.constant 8 : i32
        %parallel_loop3A_1166 = vector.broadcast %parallel_loop3A_1165 : i32 to vector<16xi32>
        %parallel_loop3A_1167 = arith.muli %parallel_loop3A_1164, %parallel_loop3A_1166 : vector<16xi32>
        %parallel_loop3A_1168 = arith.addi %mul3A_5, %parallel_loop3A_1167 : vector<16xi32>
        %parallel_loop3A_1169 = arith.addi %parallel_loop3A_1168, %parallel_loop3A_1160 : vector<16xi32>
        tpu.vector_store_idx %arg9[%parallel_loop3A_1169], %broadcast_in_dim3A_8 {add = true} : memref<1024xi32, #tpu.memory_space<vmem>>[vector<16xi32>], vector<16xi32>,
        %parallel_loop3A_1170 = arith.constant 0 : i32
        %parallel_loop3A_1171 = arith.index_cast %parallel_loop3A_847 : i32 to index
        %parallel_loop3A_1172 = arith.index_cast %parallel_loop3A_1170 : i32 to index
        %parallel_loop3A_1173 = arith.constant 64 : index
        %parallel_loop3A_1174 = tpu.vector_load %arg5[%parallel_loop3A_1171, %parallel_loop3A_1172, %parallel_loop3A_1173] {strides = array<i32>} : memref<32x7x128xf32, #tpu.memory_space<vmem>>, vector<16xf32>,
        %parallel_loop3A_1175 = arith.constant 1 : i32
        %parallel_loop3A_1176 = arith.index_cast %parallel_loop3A_847 : i32 to index
        %parallel_loop3A_1177 = arith.index_cast %parallel_loop3A_1175 : i32 to index
        %parallel_loop3A_1178 = arith.constant 64 : index
        %parallel_loop3A_1179 = tpu.vector_load %arg5[%parallel_loop3A_1176, %parallel_loop3A_1177, %parallel_loop3A_1178] {strides = array<i32>} : memref<32x7x128xf32, #tpu.memory_space<vmem>>, vector<16xf32>,
        %parallel_loop3A_1180 = arith.cmpf ogt, %parallel_loop3A_1179, %parallel_loop3A_1174 : vector<16xf32>
        %parallel_loop3A_1181 = arith.select %parallel_loop3A_1180, %parallel_loop3A_1179, %parallel_loop3A_1174 : vector<16xi1>, vector<16xf32>
        %parallel_loop3A_1182 = arith.constant 2 : i32
        %parallel_loop3A_1183 = vector.broadcast %parallel_loop3A_1182 : i32 to vector<16xi32>
        %parallel_loop3A_1184 = arith.select %parallel_loop3A_1180, %parallel_loop3A_1183, %broadcast_in_dim3A_8 : vector<16xi1>, vector<16xi32>
        %parallel_loop3A_1185 = arith.constant 2 : i32
        %parallel_loop3A_1186 = arith.index_cast %parallel_loop3A_847 : i32 to index
        %parallel_loop3A_1187 = arith.index_cast %parallel_loop3A_1185 : i32 to index
        %parallel_loop3A_1188 = arith.constant 64 : index
        %parallel_loop3A_1189 = tpu.vector_load %arg5[%parallel_loop3A_1186, %parallel_loop3A_1187, %parallel_loop3A_1188] {strides = array<i32>} : memref<32x7x128xf32, #tpu.memory_space<vmem>>, vector<16xf32>,
        %parallel_loop3A_1190 = arith.cmpf ogt, %parallel_loop3A_1189, %parallel_loop3A_1181 : vector<16xf32>
        %parallel_loop3A_1191 = arith.select %parallel_loop3A_1190, %parallel_loop3A_1189, %parallel_loop3A_1181 : vector<16xi1>, vector<16xf32>
        %parallel_loop3A_1192 = arith.constant 3 : i32
        %parallel_loop3A_1193 = vector.broadcast %parallel_loop3A_1192 : i32 to vector<16xi32>
        %parallel_loop3A_1194 = arith.select %parallel_loop3A_1190, %parallel_loop3A_1193, %parallel_loop3A_1184 : vector<16xi1>, vector<16xi32>
        %parallel_loop3A_1195 = arith.constant 3 : i32
        %parallel_loop3A_1196 = arith.index_cast %parallel_loop3A_847 : i32 to index
        %parallel_loop3A_1197 = arith.index_cast %parallel_loop3A_1195 : i32 to index
        %parallel_loop3A_1198 = arith.constant 64 : index
        %parallel_loop3A_1199 = tpu.vector_load %arg5[%parallel_loop3A_1196, %parallel_loop3A_1197, %parallel_loop3A_1198] {strides = array<i32>} : memref<32x7x128xf32, #tpu.memory_space<vmem>>, vector<16xf32>,
        %parallel_loop3A_1200 = arith.cmpf ogt, %parallel_loop3A_1199, %parallel_loop3A_1191 : vector<16xf32>
        %parallel_loop3A_1201 = arith.select %parallel_loop3A_1200, %parallel_loop3A_1199, %parallel_loop3A_1191 : vector<16xi1>, vector<16xf32>
        %parallel_loop3A_1202 = arith.constant 4 : i32
        %parallel_loop3A_1203 = vector.broadcast %parallel_loop3A_1202 : i32 to vector<16xi32>
        %parallel_loop3A_1204 = arith.select %parallel_loop3A_1200, %parallel_loop3A_1203, %parallel_loop3A_1194 : vector<16xi1>, vector<16xi32>
        %parallel_loop3A_1205 = arith.constant 4 : i32
        %parallel_loop3A_1206 = arith.index_cast %parallel_loop3A_847 : i32 to index
        %parallel_loop3A_1207 = arith.index_cast %parallel_loop3A_1205 : i32 to index
        %parallel_loop3A_1208 = arith.constant 64 : index
        %parallel_loop3A_1209 = tpu.vector_load %arg5[%parallel_loop3A_1206, %parallel_loop3A_1207, %parallel_loop3A_1208] {strides = array<i32>} : memref<32x7x128xf32, #tpu.memory_space<vmem>>, vector<16xf32>,
        %parallel_loop3A_1210 = arith.cmpf ogt, %parallel_loop3A_1209, %parallel_loop3A_1201 : vector<16xf32>
        %parallel_loop3A_1211 = arith.select %parallel_loop3A_1210, %parallel_loop3A_1209, %parallel_loop3A_1201 : vector<16xi1>, vector<16xf32>
        %parallel_loop3A_1212 = arith.constant 5 : i32
        %parallel_loop3A_1213 = vector.broadcast %parallel_loop3A_1212 : i32 to vector<16xi32>
        %parallel_loop3A_1214 = arith.select %parallel_loop3A_1210, %parallel_loop3A_1213, %parallel_loop3A_1204 : vector<16xi1>, vector<16xi32>
        %parallel_loop3A_1215 = arith.constant 5 : i32
        %parallel_loop3A_1216 = arith.index_cast %parallel_loop3A_847 : i32 to index
        %parallel_loop3A_1217 = arith.index_cast %parallel_loop3A_1215 : i32 to index
        %parallel_loop3A_1218 = arith.constant 64 : index
        %parallel_loop3A_1219 = tpu.vector_load %arg5[%parallel_loop3A_1216, %parallel_loop3A_1217, %parallel_loop3A_1218] {strides = array<i32>} : memref<32x7x128xf32, #tpu.memory_space<vmem>>, vector<16xf32>,
        %parallel_loop3A_1220 = arith.cmpf ogt, %parallel_loop3A_1219, %parallel_loop3A_1211 : vector<16xf32>
        %parallel_loop3A_1221 = arith.select %parallel_loop3A_1220, %parallel_loop3A_1219, %parallel_loop3A_1211 : vector<16xi1>, vector<16xf32>
        %parallel_loop3A_1222 = arith.constant 6 : i32
        %parallel_loop3A_1223 = vector.broadcast %parallel_loop3A_1222 : i32 to vector<16xi32>
        %parallel_loop3A_1224 = arith.select %parallel_loop3A_1220, %parallel_loop3A_1223, %parallel_loop3A_1214 : vector<16xi1>, vector<16xi32>
        %parallel_loop3A_1225 = arith.constant 6 : i32
        %parallel_loop3A_1226 = arith.index_cast %parallel_loop3A_847 : i32 to index
        %parallel_loop3A_1227 = arith.index_cast %parallel_loop3A_1225 : i32 to index
        %parallel_loop3A_1228 = arith.constant 64 : index
        %parallel_loop3A_1229 = tpu.vector_load %arg5[%parallel_loop3A_1226, %parallel_loop3A_1227, %parallel_loop3A_1228] {strides = array<i32>} : memref<32x7x128xf32, #tpu.memory_space<vmem>>, vector<16xf32>,
        %parallel_loop3A_1230 = arith.cmpf ogt, %parallel_loop3A_1229, %parallel_loop3A_1221 : vector<16xf32>
        %parallel_loop3A_1231 = arith.select %parallel_loop3A_1230, %parallel_loop3A_1229, %parallel_loop3A_1221 : vector<16xi1>, vector<16xf32>
        %parallel_loop3A_1232 = arith.constant 7 : i32
        %parallel_loop3A_1233 = vector.broadcast %parallel_loop3A_1232 : i32 to vector<16xi32>
        %parallel_loop3A_1234 = arith.select %parallel_loop3A_1230, %parallel_loop3A_1233, %parallel_loop3A_1224 : vector<16xi1>, vector<16xi32>
        %parallel_loop3A_1235 = arith.constant 5.000000e-01 : f32
        %parallel_loop3A_1236 = vector.broadcast %parallel_loop3A_1235 : f32 to vector<16xf32>
        %parallel_loop3A_1237 = arith.cmpf ogt, %parallel_loop3A_1231, %parallel_loop3A_1236 : vector<16xf32>
        %parallel_loop3A_1238 = arith.constant 0 : i32
        %parallel_loop3A_1239 = vector.broadcast %parallel_loop3A_1238 : i32 to vector<16xi32>
        %parallel_loop3A_1240 = arith.select %parallel_loop3A_1237, %parallel_loop3A_1234, %parallel_loop3A_1239 : vector<16xi1>, vector<16xi32>
        %parallel_loop3A_1241 = arith.constant 64 : i32
        %parallel_loop3A_1242 = arith.addi %parallel_loop3A_849, %parallel_loop3A_1241 : i32
        %parallel_loop3A_1243 = arith.index_cast %parallel_loop3A_1242 : i32 to index
        %parallel_loop3A_1244 = tpu.vector_load %arg7[%parallel_loop3A_1243] {strides = array<i32>} : memref<4096xi32, #tpu.memory_space<vmem>>, vector<16xi32>,
        %parallel_loop3A_1245 = arith.constant 8 : i32
        %parallel_loop3A_1246 = vector.broadcast %parallel_loop3A_1245 : i32 to vector<16xi32>
        %parallel_loop3A_1247 = arith.muli %parallel_loop3A_1244, %parallel_loop3A_1246 : vector<16xi32>
        %parallel_loop3A_1248 = arith.addi %mul3A_5, %parallel_loop3A_1247 : vector<16xi32>
        %parallel_loop3A_1249 = arith.addi %parallel_loop3A_1248, %parallel_loop3A_1240 : vector<16xi32>
        tpu.vector_store_idx %arg9[%parallel_loop3A_1249], %broadcast_in_dim3A_8 {add = true} : memref<1024xi32, #tpu.memory_space<vmem>>[vector<16xi32>], vector<16xi32>,
        %parallel_loop3A_1250 = arith.constant 0 : i32
        %parallel_loop3A_1251 = arith.index_cast %parallel_loop3A_847 : i32 to index
        %parallel_loop3A_1252 = arith.index_cast %parallel_loop3A_1250 : i32 to index
        %parallel_loop3A_1253 = arith.constant 80 : index
        %parallel_loop3A_1254 = tpu.vector_load %arg5[%parallel_loop3A_1251, %parallel_loop3A_1252, %parallel_loop3A_1253] {strides = array<i32>} : memref<32x7x128xf32, #tpu.memory_space<vmem>>, vector<16xf32>,
        %parallel_loop3A_1255 = arith.constant 1 : i32
        %parallel_loop3A_1256 = arith.index_cast %parallel_loop3A_847 : i32 to index
        %parallel_loop3A_1257 = arith.index_cast %parallel_loop3A_1255 : i32 to index
        %parallel_loop3A_1258 = arith.constant 80 : index
        %parallel_loop3A_1259 = tpu.vector_load %arg5[%parallel_loop3A_1256, %parallel_loop3A_1257, %parallel_loop3A_1258] {strides = array<i32>} : memref<32x7x128xf32, #tpu.memory_space<vmem>>, vector<16xf32>,
        %parallel_loop3A_1260 = arith.cmpf ogt, %parallel_loop3A_1259, %parallel_loop3A_1254 : vector<16xf32>
        %parallel_loop3A_1261 = arith.select %parallel_loop3A_1260, %parallel_loop3A_1259, %parallel_loop3A_1254 : vector<16xi1>, vector<16xf32>
        %parallel_loop3A_1262 = arith.constant 2 : i32
        %parallel_loop3A_1263 = vector.broadcast %parallel_loop3A_1262 : i32 to vector<16xi32>
        %parallel_loop3A_1264 = arith.select %parallel_loop3A_1260, %parallel_loop3A_1263, %broadcast_in_dim3A_8 : vector<16xi1>, vector<16xi32>
        %parallel_loop3A_1265 = arith.constant 2 : i32
        %parallel_loop3A_1266 = arith.index_cast %parallel_loop3A_847 : i32 to index
        %parallel_loop3A_1267 = arith.index_cast %parallel_loop3A_1265 : i32 to index
        %parallel_loop3A_1268 = arith.constant 80 : index
        %parallel_loop3A_1269 = tpu.vector_load %arg5[%parallel_loop3A_1266, %parallel_loop3A_1267, %parallel_loop3A_1268] {strides = array<i32>} : memref<32x7x128xf32, #tpu.memory_space<vmem>>, vector<16xf32>,
        %parallel_loop3A_1270 = arith.cmpf ogt, %parallel_loop3A_1269, %parallel_loop3A_1261 : vector<16xf32>
        %parallel_loop3A_1271 = arith.select %parallel_loop3A_1270, %parallel_loop3A_1269, %parallel_loop3A_1261 : vector<16xi1>, vector<16xf32>
        %parallel_loop3A_1272 = arith.constant 3 : i32
        %parallel_loop3A_1273 = vector.broadcast %parallel_loop3A_1272 : i32 to vector<16xi32>
        %parallel_loop3A_1274 = arith.select %parallel_loop3A_1270, %parallel_loop3A_1273, %parallel_loop3A_1264 : vector<16xi1>, vector<16xi32>
        %parallel_loop3A_1275 = arith.constant 3 : i32
        %parallel_loop3A_1276 = arith.index_cast %parallel_loop3A_847 : i32 to index
        %parallel_loop3A_1277 = arith.index_cast %parallel_loop3A_1275 : i32 to index
        %parallel_loop3A_1278 = arith.constant 80 : index
        %parallel_loop3A_1279 = tpu.vector_load %arg5[%parallel_loop3A_1276, %parallel_loop3A_1277, %parallel_loop3A_1278] {strides = array<i32>} : memref<32x7x128xf32, #tpu.memory_space<vmem>>, vector<16xf32>,
        %parallel_loop3A_1280 = arith.cmpf ogt, %parallel_loop3A_1279, %parallel_loop3A_1271 : vector<16xf32>
        %parallel_loop3A_1281 = arith.select %parallel_loop3A_1280, %parallel_loop3A_1279, %parallel_loop3A_1271 : vector<16xi1>, vector<16xf32>
        %parallel_loop3A_1282 = arith.constant 4 : i32
        %parallel_loop3A_1283 = vector.broadcast %parallel_loop3A_1282 : i32 to vector<16xi32>
        %parallel_loop3A_1284 = arith.select %parallel_loop3A_1280, %parallel_loop3A_1283, %parallel_loop3A_1274 : vector<16xi1>, vector<16xi32>
        %parallel_loop3A_1285 = arith.constant 4 : i32
        %parallel_loop3A_1286 = arith.index_cast %parallel_loop3A_847 : i32 to index
        %parallel_loop3A_1287 = arith.index_cast %parallel_loop3A_1285 : i32 to index
        %parallel_loop3A_1288 = arith.constant 80 : index
        %parallel_loop3A_1289 = tpu.vector_load %arg5[%parallel_loop3A_1286, %parallel_loop3A_1287, %parallel_loop3A_1288] {strides = array<i32>} : memref<32x7x128xf32, #tpu.memory_space<vmem>>, vector<16xf32>,
        %parallel_loop3A_1290 = arith.cmpf ogt, %parallel_loop3A_1289, %parallel_loop3A_1281 : vector<16xf32>
        %parallel_loop3A_1291 = arith.select %parallel_loop3A_1290, %parallel_loop3A_1289, %parallel_loop3A_1281 : vector<16xi1>, vector<16xf32>
        %parallel_loop3A_1292 = arith.constant 5 : i32
        %parallel_loop3A_1293 = vector.broadcast %parallel_loop3A_1292 : i32 to vector<16xi32>
        %parallel_loop3A_1294 = arith.select %parallel_loop3A_1290, %parallel_loop3A_1293, %parallel_loop3A_1284 : vector<16xi1>, vector<16xi32>
        %parallel_loop3A_1295 = arith.constant 5 : i32
        %parallel_loop3A_1296 = arith.index_cast %parallel_loop3A_847 : i32 to index
        %parallel_loop3A_1297 = arith.index_cast %parallel_loop3A_1295 : i32 to index
        %parallel_loop3A_1298 = arith.constant 80 : index
        %parallel_loop3A_1299 = tpu.vector_load %arg5[%parallel_loop3A_1296, %parallel_loop3A_1297, %parallel_loop3A_1298] {strides = array<i32>} : memref<32x7x128xf32, #tpu.memory_space<vmem>>, vector<16xf32>,
        %parallel_loop3A_1300 = arith.cmpf ogt, %parallel_loop3A_1299, %parallel_loop3A_1291 : vector<16xf32>
        %parallel_loop3A_1301 = arith.select %parallel_loop3A_1300, %parallel_loop3A_1299, %parallel_loop3A_1291 : vector<16xi1>, vector<16xf32>
        %parallel_loop3A_1302 = arith.constant 6 : i32
        %parallel_loop3A_1303 = vector.broadcast %parallel_loop3A_1302 : i32 to vector<16xi32>
        %parallel_loop3A_1304 = arith.select %parallel_loop3A_1300, %parallel_loop3A_1303, %parallel_loop3A_1294 : vector<16xi1>, vector<16xi32>
        %parallel_loop3A_1305 = arith.constant 6 : i32
        %parallel_loop3A_1306 = arith.index_cast %parallel_loop3A_847 : i32 to index
        %parallel_loop3A_1307 = arith.index_cast %parallel_loop3A_1305 : i32 to index
        %parallel_loop3A_1308 = arith.constant 80 : index
        %parallel_loop3A_1309 = tpu.vector_load %arg5[%parallel_loop3A_1306, %parallel_loop3A_1307, %parallel_loop3A_1308] {strides = array<i32>} : memref<32x7x128xf32, #tpu.memory_space<vmem>>, vector<16xf32>,
        %parallel_loop3A_1310 = arith.cmpf ogt, %parallel_loop3A_1309, %parallel_loop3A_1301 : vector<16xf32>
        %parallel_loop3A_1311 = arith.select %parallel_loop3A_1310, %parallel_loop3A_1309, %parallel_loop3A_1301 : vector<16xi1>, vector<16xf32>
        %parallel_loop3A_1312 = arith.constant 7 : i32
        %parallel_loop3A_1313 = vector.broadcast %parallel_loop3A_1312 : i32 to vector<16xi32>
        %parallel_loop3A_1314 = arith.select %parallel_loop3A_1310, %parallel_loop3A_1313, %parallel_loop3A_1304 : vector<16xi1>, vector<16xi32>
        %parallel_loop3A_1315 = arith.constant 5.000000e-01 : f32
        %parallel_loop3A_1316 = vector.broadcast %parallel_loop3A_1315 : f32 to vector<16xf32>
        %parallel_loop3A_1317 = arith.cmpf ogt, %parallel_loop3A_1311, %parallel_loop3A_1316 : vector<16xf32>
        %parallel_loop3A_1318 = arith.constant 0 : i32
        %parallel_loop3A_1319 = vector.broadcast %parallel_loop3A_1318 : i32 to vector<16xi32>
        %parallel_loop3A_1320 = arith.select %parallel_loop3A_1317, %parallel_loop3A_1314, %parallel_loop3A_1319 : vector<16xi1>, vector<16xi32>
        %parallel_loop3A_1321 = arith.constant 80 : i32
        %parallel_loop3A_1322 = arith.addi %parallel_loop3A_849, %parallel_loop3A_1321 : i32
        %parallel_loop3A_1323 = arith.index_cast %parallel_loop3A_1322 : i32 to index
        %parallel_loop3A_1324 = tpu.vector_load %arg7[%parallel_loop3A_1323] {strides = array<i32>} : memref<4096xi32, #tpu.memory_space<vmem>>, vector<16xi32>,
        %parallel_loop3A_1325 = arith.constant 8 : i32
        %parallel_loop3A_1326 = vector.broadcast %parallel_loop3A_1325 : i32 to vector<16xi32>
        %parallel_loop3A_1327 = arith.muli %parallel_loop3A_1324, %parallel_loop3A_1326 : vector<16xi32>
        %parallel_loop3A_1328 = arith.addi %mul3A_5, %parallel_loop3A_1327 : vector<16xi32>
        %parallel_loop3A_1329 = arith.addi %parallel_loop3A_1328, %parallel_loop3A_1320 : vector<16xi32>
        tpu.vector_store_idx %arg9[%parallel_loop3A_1329], %broadcast_in_dim3A_8 {add = true} : memref<1024xi32, #tpu.memory_space<vmem>>[vector<16xi32>], vector<16xi32>,
        %parallel_loop3A_1330 = arith.constant 0 : i32
        %parallel_loop3A_1331 = arith.index_cast %parallel_loop3A_847 : i32 to index
        %parallel_loop3A_1332 = arith.index_cast %parallel_loop3A_1330 : i32 to index
        %parallel_loop3A_1333 = arith.constant 96 : index
        %parallel_loop3A_1334 = tpu.vector_load %arg5[%parallel_loop3A_1331, %parallel_loop3A_1332, %parallel_loop3A_1333] {strides = array<i32>} : memref<32x7x128xf32, #tpu.memory_space<vmem>>, vector<16xf32>,
        %parallel_loop3A_1335 = arith.constant 1 : i32
        %parallel_loop3A_1336 = arith.index_cast %parallel_loop3A_847 : i32 to index
        %parallel_loop3A_1337 = arith.index_cast %parallel_loop3A_1335 : i32 to index
        %parallel_loop3A_1338 = arith.constant 96 : index
        %parallel_loop3A_1339 = tpu.vector_load %arg5[%parallel_loop3A_1336, %parallel_loop3A_1337, %parallel_loop3A_1338] {strides = array<i32>} : memref<32x7x128xf32, #tpu.memory_space<vmem>>, vector<16xf32>,
        %parallel_loop3A_1340 = arith.cmpf ogt, %parallel_loop3A_1339, %parallel_loop3A_1334 : vector<16xf32>
        %parallel_loop3A_1341 = arith.select %parallel_loop3A_1340, %parallel_loop3A_1339, %parallel_loop3A_1334 : vector<16xi1>, vector<16xf32>
        %parallel_loop3A_1342 = arith.constant 2 : i32
        %parallel_loop3A_1343 = vector.broadcast %parallel_loop3A_1342 : i32 to vector<16xi32>
        %parallel_loop3A_1344 = arith.select %parallel_loop3A_1340, %parallel_loop3A_1343, %broadcast_in_dim3A_8 : vector<16xi1>, vector<16xi32>
        %parallel_loop3A_1345 = arith.constant 2 : i32
        %parallel_loop3A_1346 = arith.index_cast %parallel_loop3A_847 : i32 to index
        %parallel_loop3A_1347 = arith.index_cast %parallel_loop3A_1345 : i32 to index
        %parallel_loop3A_1348 = arith.constant 96 : index
        %parallel_loop3A_1349 = tpu.vector_load %arg5[%parallel_loop3A_1346, %parallel_loop3A_1347, %parallel_loop3A_1348] {strides = array<i32>} : memref<32x7x128xf32, #tpu.memory_space<vmem>>, vector<16xf32>,
        %parallel_loop3A_1350 = arith.cmpf ogt, %parallel_loop3A_1349, %parallel_loop3A_1341 : vector<16xf32>
        %parallel_loop3A_1351 = arith.select %parallel_loop3A_1350, %parallel_loop3A_1349, %parallel_loop3A_1341 : vector<16xi1>, vector<16xf32>
        %parallel_loop3A_1352 = arith.constant 3 : i32
        %parallel_loop3A_1353 = vector.broadcast %parallel_loop3A_1352 : i32 to vector<16xi32>
        %parallel_loop3A_1354 = arith.select %parallel_loop3A_1350, %parallel_loop3A_1353, %parallel_loop3A_1344 : vector<16xi1>, vector<16xi32>
        %parallel_loop3A_1355 = arith.constant 3 : i32
        %parallel_loop3A_1356 = arith.index_cast %parallel_loop3A_847 : i32 to index
        %parallel_loop3A_1357 = arith.index_cast %parallel_loop3A_1355 : i32 to index
        %parallel_loop3A_1358 = arith.constant 96 : index
        %parallel_loop3A_1359 = tpu.vector_load %arg5[%parallel_loop3A_1356, %parallel_loop3A_1357, %parallel_loop3A_1358] {strides = array<i32>} : memref<32x7x128xf32, #tpu.memory_space<vmem>>, vector<16xf32>,
        %parallel_loop3A_1360 = arith.cmpf ogt, %parallel_loop3A_1359, %parallel_loop3A_1351 : vector<16xf32>
        %parallel_loop3A_1361 = arith.select %parallel_loop3A_1360, %parallel_loop3A_1359, %parallel_loop3A_1351 : vector<16xi1>, vector<16xf32>
        %parallel_loop3A_1362 = arith.constant 4 : i32
        %parallel_loop3A_1363 = vector.broadcast %parallel_loop3A_1362 : i32 to vector<16xi32>
        %parallel_loop3A_1364 = arith.select %parallel_loop3A_1360, %parallel_loop3A_1363, %parallel_loop3A_1354 : vector<16xi1>, vector<16xi32>
        %parallel_loop3A_1365 = arith.constant 4 : i32
        %parallel_loop3A_1366 = arith.index_cast %parallel_loop3A_847 : i32 to index
        %parallel_loop3A_1367 = arith.index_cast %parallel_loop3A_1365 : i32 to index
        %parallel_loop3A_1368 = arith.constant 96 : index
        %parallel_loop3A_1369 = tpu.vector_load %arg5[%parallel_loop3A_1366, %parallel_loop3A_1367, %parallel_loop3A_1368] {strides = array<i32>} : memref<32x7x128xf32, #tpu.memory_space<vmem>>, vector<16xf32>,
        %parallel_loop3A_1370 = arith.cmpf ogt, %parallel_loop3A_1369, %parallel_loop3A_1361 : vector<16xf32>
        %parallel_loop3A_1371 = arith.select %parallel_loop3A_1370, %parallel_loop3A_1369, %parallel_loop3A_1361 : vector<16xi1>, vector<16xf32>
        %parallel_loop3A_1372 = arith.constant 5 : i32
        %parallel_loop3A_1373 = vector.broadcast %parallel_loop3A_1372 : i32 to vector<16xi32>
        %parallel_loop3A_1374 = arith.select %parallel_loop3A_1370, %parallel_loop3A_1373, %parallel_loop3A_1364 : vector<16xi1>, vector<16xi32>
        %parallel_loop3A_1375 = arith.constant 5 : i32
        %parallel_loop3A_1376 = arith.index_cast %parallel_loop3A_847 : i32 to index
        %parallel_loop3A_1377 = arith.index_cast %parallel_loop3A_1375 : i32 to index
        %parallel_loop3A_1378 = arith.constant 96 : index
        %parallel_loop3A_1379 = tpu.vector_load %arg5[%parallel_loop3A_1376, %parallel_loop3A_1377, %parallel_loop3A_1378] {strides = array<i32>} : memref<32x7x128xf32, #tpu.memory_space<vmem>>, vector<16xf32>,
        %parallel_loop3A_1380 = arith.cmpf ogt, %parallel_loop3A_1379, %parallel_loop3A_1371 : vector<16xf32>
        %parallel_loop3A_1381 = arith.select %parallel_loop3A_1380, %parallel_loop3A_1379, %parallel_loop3A_1371 : vector<16xi1>, vector<16xf32>
        %parallel_loop3A_1382 = arith.constant 6 : i32
        %parallel_loop3A_1383 = vector.broadcast %parallel_loop3A_1382 : i32 to vector<16xi32>
        %parallel_loop3A_1384 = arith.select %parallel_loop3A_1380, %parallel_loop3A_1383, %parallel_loop3A_1374 : vector<16xi1>, vector<16xi32>
        %parallel_loop3A_1385 = arith.constant 6 : i32
        %parallel_loop3A_1386 = arith.index_cast %parallel_loop3A_847 : i32 to index
        %parallel_loop3A_1387 = arith.index_cast %parallel_loop3A_1385 : i32 to index
        %parallel_loop3A_1388 = arith.constant 96 : index
        %parallel_loop3A_1389 = tpu.vector_load %arg5[%parallel_loop3A_1386, %parallel_loop3A_1387, %parallel_loop3A_1388] {strides = array<i32>} : memref<32x7x128xf32, #tpu.memory_space<vmem>>, vector<16xf32>,
        %parallel_loop3A_1390 = arith.cmpf ogt, %parallel_loop3A_1389, %parallel_loop3A_1381 : vector<16xf32>
        %parallel_loop3A_1391 = arith.select %parallel_loop3A_1390, %parallel_loop3A_1389, %parallel_loop3A_1381 : vector<16xi1>, vector<16xf32>
        %parallel_loop3A_1392 = arith.constant 7 : i32
        %parallel_loop3A_1393 = vector.broadcast %parallel_loop3A_1392 : i32 to vector<16xi32>
        %parallel_loop3A_1394 = arith.select %parallel_loop3A_1390, %parallel_loop3A_1393, %parallel_loop3A_1384 : vector<16xi1>, vector<16xi32>
        %parallel_loop3A_1395 = arith.constant 5.000000e-01 : f32
        %parallel_loop3A_1396 = vector.broadcast %parallel_loop3A_1395 : f32 to vector<16xf32>
        %parallel_loop3A_1397 = arith.cmpf ogt, %parallel_loop3A_1391, %parallel_loop3A_1396 : vector<16xf32>
        %parallel_loop3A_1398 = arith.constant 0 : i32
        %parallel_loop3A_1399 = vector.broadcast %parallel_loop3A_1398 : i32 to vector<16xi32>
        %parallel_loop3A_1400 = arith.select %parallel_loop3A_1397, %parallel_loop3A_1394, %parallel_loop3A_1399 : vector<16xi1>, vector<16xi32>
        %parallel_loop3A_1401 = arith.constant 96 : i32
        %parallel_loop3A_1402 = arith.addi %parallel_loop3A_849, %parallel_loop3A_1401 : i32
        %parallel_loop3A_1403 = arith.index_cast %parallel_loop3A_1402 : i32 to index
        %parallel_loop3A_1404 = tpu.vector_load %arg7[%parallel_loop3A_1403] {strides = array<i32>} : memref<4096xi32, #tpu.memory_space<vmem>>, vector<16xi32>,
        %parallel_loop3A_1405 = arith.constant 8 : i32
        %parallel_loop3A_1406 = vector.broadcast %parallel_loop3A_1405 : i32 to vector<16xi32>
        %parallel_loop3A_1407 = arith.muli %parallel_loop3A_1404, %parallel_loop3A_1406 : vector<16xi32>
        %parallel_loop3A_1408 = arith.addi %mul3A_5, %parallel_loop3A_1407 : vector<16xi32>
        %parallel_loop3A_1409 = arith.addi %parallel_loop3A_1408, %parallel_loop3A_1400 : vector<16xi32>
        tpu.vector_store_idx %arg9[%parallel_loop3A_1409], %broadcast_in_dim3A_8 {add = true} : memref<1024xi32, #tpu.memory_space<vmem>>[vector<16xi32>], vector<16xi32>,
        %parallel_loop3A_1410 = arith.constant 0 : i32
        %parallel_loop3A_1411 = arith.index_cast %parallel_loop3A_847 : i32 to index
        %parallel_loop3A_1412 = arith.index_cast %parallel_loop3A_1410 : i32 to index
        %parallel_loop3A_1413 = arith.constant 112 : index
        %parallel_loop3A_1414 = tpu.vector_load %arg5[%parallel_loop3A_1411, %parallel_loop3A_1412, %parallel_loop3A_1413] {strides = array<i32>} : memref<32x7x128xf32, #tpu.memory_space<vmem>>, vector<16xf32>,
        %parallel_loop3A_1415 = arith.constant 1 : i32
        %parallel_loop3A_1416 = arith.index_cast %parallel_loop3A_847 : i32 to index
        %parallel_loop3A_1417 = arith.index_cast %parallel_loop3A_1415 : i32 to index
        %parallel_loop3A_1418 = arith.constant 112 : index
        %parallel_loop3A_1419 = tpu.vector_load %arg5[%parallel_loop3A_1416, %parallel_loop3A_1417, %parallel_loop3A_1418] {strides = array<i32>} : memref<32x7x128xf32, #tpu.memory_space<vmem>>, vector<16xf32>,
        %parallel_loop3A_1420 = arith.cmpf ogt, %parallel_loop3A_1419, %parallel_loop3A_1414 : vector<16xf32>
        %parallel_loop3A_1421 = arith.select %parallel_loop3A_1420, %parallel_loop3A_1419, %parallel_loop3A_1414 : vector<16xi1>, vector<16xf32>
        %parallel_loop3A_1422 = arith.constant 2 : i32
        %parallel_loop3A_1423 = vector.broadcast %parallel_loop3A_1422 : i32 to vector<16xi32>
        %parallel_loop3A_1424 = arith.select %parallel_loop3A_1420, %parallel_loop3A_1423, %broadcast_in_dim3A_8 : vector<16xi1>, vector<16xi32>
        %parallel_loop3A_1425 = arith.constant 2 : i32
        %parallel_loop3A_1426 = arith.index_cast %parallel_loop3A_847 : i32 to index
        %parallel_loop3A_1427 = arith.index_cast %parallel_loop3A_1425 : i32 to index
        %parallel_loop3A_1428 = arith.constant 112 : index
        %parallel_loop3A_1429 = tpu.vector_load %arg5[%parallel_loop3A_1426, %parallel_loop3A_1427, %parallel_loop3A_1428] {strides = array<i32>} : memref<32x7x128xf32, #tpu.memory_space<vmem>>, vector<16xf32>,
        %parallel_loop3A_1430 = arith.cmpf ogt, %parallel_loop3A_1429, %parallel_loop3A_1421 : vector<16xf32>
        %parallel_loop3A_1431 = arith.select %parallel_loop3A_1430, %parallel_loop3A_1429, %parallel_loop3A_1421 : vector<16xi1>, vector<16xf32>
        %parallel_loop3A_1432 = arith.constant 3 : i32
        %parallel_loop3A_1433 = vector.broadcast %parallel_loop3A_1432 : i32 to vector<16xi32>
        %parallel_loop3A_1434 = arith.select %parallel_loop3A_1430, %parallel_loop3A_1433, %parallel_loop3A_1424 : vector<16xi1>, vector<16xi32>
        %parallel_loop3A_1435 = arith.constant 3 : i32
        %parallel_loop3A_1436 = arith.index_cast %parallel_loop3A_847 : i32 to index
        %parallel_loop3A_1437 = arith.index_cast %parallel_loop3A_1435 : i32 to index
        %parallel_loop3A_1438 = arith.constant 112 : index
        %parallel_loop3A_1439 = tpu.vector_load %arg5[%parallel_loop3A_1436, %parallel_loop3A_1437, %parallel_loop3A_1438] {strides = array<i32>} : memref<32x7x128xf32, #tpu.memory_space<vmem>>, vector<16xf32>,
        %parallel_loop3A_1440 = arith.cmpf ogt, %parallel_loop3A_1439, %parallel_loop3A_1431 : vector<16xf32>
        %parallel_loop3A_1441 = arith.select %parallel_loop3A_1440, %parallel_loop3A_1439, %parallel_loop3A_1431 : vector<16xi1>, vector<16xf32>
        %parallel_loop3A_1442 = arith.constant 4 : i32
        %parallel_loop3A_1443 = vector.broadcast %parallel_loop3A_1442 : i32 to vector<16xi32>
        %parallel_loop3A_1444 = arith.select %parallel_loop3A_1440, %parallel_loop3A_1443, %parallel_loop3A_1434 : vector<16xi1>, vector<16xi32>
        %parallel_loop3A_1445 = arith.constant 4 : i32
        %parallel_loop3A_1446 = arith.index_cast %parallel_loop3A_847 : i32 to index
        %parallel_loop3A_1447 = arith.index_cast %parallel_loop3A_1445 : i32 to index
        %parallel_loop3A_1448 = arith.constant 112 : index
        %parallel_loop3A_1449 = tpu.vector_load %arg5[%parallel_loop3A_1446, %parallel_loop3A_1447, %parallel_loop3A_1448] {strides = array<i32>} : memref<32x7x128xf32, #tpu.memory_space<vmem>>, vector<16xf32>,
        %parallel_loop3A_1450 = arith.cmpf ogt, %parallel_loop3A_1449, %parallel_loop3A_1441 : vector<16xf32>
        %parallel_loop3A_1451 = arith.select %parallel_loop3A_1450, %parallel_loop3A_1449, %parallel_loop3A_1441 : vector<16xi1>, vector<16xf32>
        %parallel_loop3A_1452 = arith.constant 5 : i32
        %parallel_loop3A_1453 = vector.broadcast %parallel_loop3A_1452 : i32 to vector<16xi32>
        %parallel_loop3A_1454 = arith.select %parallel_loop3A_1450, %parallel_loop3A_1453, %parallel_loop3A_1444 : vector<16xi1>, vector<16xi32>
        %parallel_loop3A_1455 = arith.constant 5 : i32
        %parallel_loop3A_1456 = arith.index_cast %parallel_loop3A_847 : i32 to index
        %parallel_loop3A_1457 = arith.index_cast %parallel_loop3A_1455 : i32 to index
        %parallel_loop3A_1458 = arith.constant 112 : index
        %parallel_loop3A_1459 = tpu.vector_load %arg5[%parallel_loop3A_1456, %parallel_loop3A_1457, %parallel_loop3A_1458] {strides = array<i32>} : memref<32x7x128xf32, #tpu.memory_space<vmem>>, vector<16xf32>,
        %parallel_loop3A_1460 = arith.cmpf ogt, %parallel_loop3A_1459, %parallel_loop3A_1451 : vector<16xf32>
        %parallel_loop3A_1461 = arith.select %parallel_loop3A_1460, %parallel_loop3A_1459, %parallel_loop3A_1451 : vector<16xi1>, vector<16xf32>
        %parallel_loop3A_1462 = arith.constant 6 : i32
        %parallel_loop3A_1463 = vector.broadcast %parallel_loop3A_1462 : i32 to vector<16xi32>
        %parallel_loop3A_1464 = arith.select %parallel_loop3A_1460, %parallel_loop3A_1463, %parallel_loop3A_1454 : vector<16xi1>, vector<16xi32>
        %parallel_loop3A_1465 = arith.constant 6 : i32
        %parallel_loop3A_1466 = arith.index_cast %parallel_loop3A_847 : i32 to index
        %parallel_loop3A_1467 = arith.index_cast %parallel_loop3A_1465 : i32 to index
        %parallel_loop3A_1468 = arith.constant 112 : index
        %parallel_loop3A_1469 = tpu.vector_load %arg5[%parallel_loop3A_1466, %parallel_loop3A_1467, %parallel_loop3A_1468] {strides = array<i32>} : memref<32x7x128xf32, #tpu.memory_space<vmem>>, vector<16xf32>,
        %parallel_loop3A_1470 = arith.cmpf ogt, %parallel_loop3A_1469, %parallel_loop3A_1461 : vector<16xf32>
        %parallel_loop3A_1471 = arith.select %parallel_loop3A_1470, %parallel_loop3A_1469, %parallel_loop3A_1461 : vector<16xi1>, vector<16xf32>
        %parallel_loop3A_1472 = arith.constant 7 : i32
        %parallel_loop3A_1473 = vector.broadcast %parallel_loop3A_1472 : i32 to vector<16xi32>
        %parallel_loop3A_1474 = arith.select %parallel_loop3A_1470, %parallel_loop3A_1473, %parallel_loop3A_1464 : vector<16xi1>, vector<16xi32>
        %parallel_loop3A_1475 = arith.constant 5.000000e-01 : f32
        %parallel_loop3A_1476 = vector.broadcast %parallel_loop3A_1475 : f32 to vector<16xf32>
        %parallel_loop3A_1477 = arith.cmpf ogt, %parallel_loop3A_1471, %parallel_loop3A_1476 : vector<16xf32>
        %parallel_loop3A_1478 = arith.constant 0 : i32
        %parallel_loop3A_1479 = vector.broadcast %parallel_loop3A_1478 : i32 to vector<16xi32>
        %parallel_loop3A_1480 = arith.select %parallel_loop3A_1477, %parallel_loop3A_1474, %parallel_loop3A_1479 : vector<16xi1>, vector<16xi32>
        %parallel_loop3A_1481 = arith.constant 112 : i32
        %parallel_loop3A_1482 = arith.addi %parallel_loop3A_849, %parallel_loop3A_1481 : i32
        %parallel_loop3A_1483 = arith.index_cast %parallel_loop3A_1482 : i32 to index
        %parallel_loop3A_1484 = tpu.vector_load %arg7[%parallel_loop3A_1483] {strides = array<i32>} : memref<4096xi32, #tpu.memory_space<vmem>>, vector<16xi32>,
        %parallel_loop3A_1485 = arith.constant 8 : i32
        %parallel_loop3A_1486 = vector.broadcast %parallel_loop3A_1485 : i32 to vector<16xi32>
        %parallel_loop3A_1487 = arith.muli %parallel_loop3A_1484, %parallel_loop3A_1486 : vector<16xi32>
        %parallel_loop3A_1488 = arith.addi %mul3A_5, %parallel_loop3A_1487 : vector<16xi32>
        %parallel_loop3A_1489 = arith.addi %parallel_loop3A_1488, %parallel_loop3A_1480 : vector<16xi32>
        tpu.vector_store_idx %arg9[%parallel_loop3A_1489], %broadcast_in_dim3A_8 {add = true} : memref<1024xi32, #tpu.memory_space<vmem>>[vector<16xi32>], vector<16xi32>,
      } {sc.loop_unroll_factor = 4 : i64, sc.parallel_access}
      %mul3A_668 = arith.constant 2 : i32
      %mul3A_669 = arith.muli %mul3A_668, %scan3A_490 : i32
      %add3A_670 = arith.constant 1 : i32
      %add3A_671 = arith.addi %mul3A_669, %add3A_670 : i32
      %mul3A_672 = arith.constant 4096 : i32
      %mul3A_673 = arith.muli %add3A_671, %mul3A_672 : i32
      %add3A_674 = arith.addi %mul3A_2, %mul3A_673 : i32
      %jit3A_675 = arith.constant 128 : i32
      %div3A_676 = arith.divsi %add3A_674, %jit3A_675 : i32
      %sign3A_677 = arith.constant 0 : i32
      %sign3A_678 = arith.cmpi sgt, %add3A_674, %sign3A_677 : i32
      %sign3A_679 = arith.extui %sign3A_678 : i1 to i32
      %sign3A_680 = arith.constant 0 : i32
      %sign3A_681 = arith.cmpi slt, %add3A_674, %sign3A_680 : i32
      %sign3A_682 = arith.extui %sign3A_681 : i1 to i32
      %sign3A_683 = arith.subi %sign3A_679, %sign3A_682 : i32
      %sign3A_684 = arith.constant 0 : i32
      %sign3A_685 = arith.cmpi sgt, %jit3A_675, %sign3A_684 : i32
      %sign3A_686 = arith.extui %sign3A_685 : i1 to i32
      %sign3A_687 = arith.constant 0 : i32
      %sign3A_688 = arith.cmpi slt, %jit3A_675, %sign3A_687 : i32
      %sign3A_689 = arith.extui %sign3A_688 : i1 to i32
      %sign3A_690 = arith.subi %sign3A_686, %sign3A_689 : i32
      %ne3A_691 = arith.cmpi ne, %sign3A_683, %sign3A_690 : i32
      %rem3A_692 = arith.remsi %add3A_674, %jit3A_675 : i32
      %ne3A_693 = arith.constant 0 : i32
      %ne3A_694 = arith.cmpi ne, %rem3A_692, %ne3A_693 : i32
      %and3A_695 = arith.andi %ne3A_691, %ne3A_694 : i1
      %sub3A_696 = arith.constant 1 : i32
      %sub3A_697 = arith.subi %div3A_676, %sub3A_696 : i32
      %select_n3A_698 = arith.select %and3A_695, %sub3A_697, %div3A_676 : i32
      %jit3A_699 = arith.constant 128 : i32
      %div3A_700 = arith.divsi %add3A_674, %jit3A_699 : i32
      %sign3A_701 = arith.constant 0 : i32
      %sign3A_702 = arith.cmpi sgt, %add3A_674, %sign3A_701 : i32
      %sign3A_703 = arith.extui %sign3A_702 : i1 to i32
      %sign3A_704 = arith.constant 0 : i32
      %sign3A_705 = arith.cmpi slt, %add3A_674, %sign3A_704 : i32
      %sign3A_706 = arith.extui %sign3A_705 : i1 to i32
      %sign3A_707 = arith.subi %sign3A_703, %sign3A_706 : i32
      %sign3A_708 = arith.constant 0 : i32
      %sign3A_709 = arith.cmpi sgt, %jit3A_699, %sign3A_708 : i32
      %sign3A_710 = arith.extui %sign3A_709 : i1 to i32
      %sign3A_711 = arith.constant 0 : i32
      %sign3A_712 = arith.cmpi slt, %jit3A_699, %sign3A_711 : i32
      %sign3A_713 = arith.extui %sign3A_712 : i1 to i32
      %sign3A_714 = arith.subi %sign3A_710, %sign3A_713 : i32
      %ne3A_715 = arith.cmpi ne, %sign3A_707, %sign3A_714 : i32
      %rem3A_716 = arith.remsi %add3A_674, %jit3A_699 : i32
      %ne3A_717 = arith.constant 0 : i32
      %ne3A_718 = arith.cmpi ne, %rem3A_716, %ne3A_717 : i32
      %and3A_719 = arith.andi %ne3A_715, %ne3A_718 : i1
      %sub3A_720 = arith.constant 1 : i32
      %sub3A_721 = arith.subi %div3A_700, %sub3A_720 : i32
      %select_n3A_722 = arith.select %and3A_719, %sub3A_721, %div3A_700 : i32
      %add3A_723 = arith.constant 16 : i32
      %add3A_724 = arith.addi %select_n3A_722, %add3A_723 : i32
      %dma_wait3A_725 = arith.constant 0 : i32
      %dma_wait3A_726 = arith.constant 0 : i32
      %dma_wait3A_727 = arith.constant 0 : i32
      %dma_wait3A_728 = tpu.memref_slice %arg6[%dma_wait3A_725, %dma_wait3A_726, %dma_wait3A_727] : memref<32x7x128xf32, #tpu.memory_space<vmem>> -> memref<16x7x128xf32, #tpu.memory_space<vmem>>
      %dma_wait3A_729 = arith.constant 1 : i32
      %dma_wait3A_730 = arith.constant 0 : i32
      %dma_wait3A_731 = tpu.memref_slice %arg2[%select_n3A_698, %dma_wait3A_729, %dma_wait3A_730] : memref<32768x8x128xf32, #tpu.memory_space<hbm>> -> memref<16x7x128xf32, #tpu.memory_space<hbm>>
      %dma_wait3A_732 = arith.constant 0 : i32
      %dma_wait3A_733 = arith.constant 0 : i32
      %dma_wait3A_734 = arith.constant 0 : i32
      %dma_wait3A_735 = tpu.memref_slice %arg6[%dma_wait3A_732, %dma_wait3A_733, %dma_wait3A_734] : memref<32x7x128xf32, #tpu.memory_space<vmem>> -> memref<16x7x128xf32, #tpu.memory_space<vmem>>
      %dma_wait3A_736 = arith.constant 1 : i32
      %dma_wait3A_737 = arith.constant 0 : i32
      %dma_wait3A_738 = tpu.memref_slice %arg2[%select_n3A_698, %dma_wait3A_736, %dma_wait3A_737] : memref<32768x8x128xf32, #tpu.memory_space<hbm>> -> memref<16x7x128xf32, #tpu.memory_space<hbm>>
      tpu.wait_dma2 semaphore(%arg12 : memref<!tpu.dma_semaphore, #tpu.memory_space<semaphore_mem>>) src(%dma_wait3A_738 : memref<16x7x128xf32, #tpu.memory_space<hbm>>) dst(%dma_wait3A_735 : memref<16x7x128xf32, #tpu.memory_space<vmem>>)
      %dma_wait3A_739 = arith.constant 16 : i32
      %dma_wait3A_740 = arith.constant 0 : i32
      %dma_wait3A_741 = arith.constant 0 : i32
      %dma_wait3A_742 = tpu.memref_slice %arg6[%dma_wait3A_739, %dma_wait3A_740, %dma_wait3A_741] : memref<32x7x128xf32, #tpu.memory_space<vmem>> -> memref<16x7x128xf32, #tpu.memory_space<vmem>>
      %dma_wait3A_743 = arith.constant 1 : i32
      %dma_wait3A_744 = arith.constant 0 : i32
      %dma_wait3A_745 = tpu.memref_slice %arg2[%add3A_724, %dma_wait3A_743, %dma_wait3A_744] : memref<32768x8x128xf32, #tpu.memory_space<hbm>> -> memref<16x7x128xf32, #tpu.memory_space<hbm>>
      %dma_wait3A_746 = arith.constant 16 : i32
      %dma_wait3A_747 = arith.constant 0 : i32
      %dma_wait3A_748 = arith.constant 0 : i32
      %dma_wait3A_749 = tpu.memref_slice %arg6[%dma_wait3A_746, %dma_wait3A_747, %dma_wait3A_748] : memref<32x7x128xf32, #tpu.memory_space<vmem>> -> memref<16x7x128xf32, #tpu.memory_space<vmem>>
      %dma_wait3A_750 = arith.constant 1 : i32
      %dma_wait3A_751 = arith.constant 0 : i32
      %dma_wait3A_752 = tpu.memref_slice %arg2[%add3A_724, %dma_wait3A_750, %dma_wait3A_751] : memref<32768x8x128xf32, #tpu.memory_space<hbm>> -> memref<16x7x128xf32, #tpu.memory_space<hbm>>
      tpu.wait_dma2 semaphore(%arg12 : memref<!tpu.dma_semaphore, #tpu.memory_space<semaphore_mem>>) src(%dma_wait3A_752 : memref<16x7x128xf32, #tpu.memory_space<hbm>>) dst(%dma_wait3A_749 : memref<16x7x128xf32, #tpu.memory_space<vmem>>)
      %dma_wait3A_753 = tpu.memref_slice %arg3[%add3A_674] : memref<4194304xi32, #tpu.memory_space<hbm>> -> memref<4096xi32, #tpu.memory_space<hbm>>
      %dma_wait3A_754 = tpu.memref_slice %arg3[%add3A_674] : memref<4194304xi32, #tpu.memory_space<hbm>> -> memref<4096xi32, #tpu.memory_space<hbm>>
      tpu.wait_dma2 semaphore(%arg12 : memref<!tpu.dma_semaphore, #tpu.memory_space<semaphore_mem>>) src(%dma_wait3A_754 : memref<4096xi32, #tpu.memory_space<hbm>>) dst(%arg8 : memref<4096xi32, #tpu.memory_space<vmem>>)
      %add3A_755 = arith.constant 2 : i32
      %add3A_756 = arith.addi %add3A_671, %add3A_755 : i32
      %sub3A_757 = arith.constant 1 : i32
      %sub3A_758 = arith.subi %add3A_756, %sub3A_757 : i32
      %min3A_759 = arith.constant 31 : i32
      %min3A_760 = arith.minsi %sub3A_758, %min3A_759 : i32
      %mul3A_761 = arith.constant 4096 : i32
      %mul3A_762 = arith.muli %min3A_760, %mul3A_761 : i32
      %add3A_763 = arith.addi %mul3A_2, %mul3A_762 : i32
      %jit3A_764 = arith.constant 128 : i32
      %div3A_765 = arith.divsi %add3A_763, %jit3A_764 : i32
      %sign3A_766 = arith.constant 0 : i32
      %sign3A_767 = arith.cmpi sgt, %add3A_763, %sign3A_766 : i32
      %sign3A_768 = arith.extui %sign3A_767 : i1 to i32
      %sign3A_769 = arith.constant 0 : i32
      %sign3A_770 = arith.cmpi slt, %add3A_763, %sign3A_769 : i32
      %sign3A_771 = arith.extui %sign3A_770 : i1 to i32
      %sign3A_772 = arith.subi %sign3A_768, %sign3A_771 : i32
      %sign3A_773 = arith.constant 0 : i32
      %sign3A_774 = arith.cmpi sgt, %jit3A_764, %sign3A_773 : i32
      %sign3A_775 = arith.extui %sign3A_774 : i1 to i32
      %sign3A_776 = arith.constant 0 : i32
      %sign3A_777 = arith.cmpi slt, %jit3A_764, %sign3A_776 : i32
      %sign3A_778 = arith.extui %sign3A_777 : i1 to i32
      %sign3A_779 = arith.subi %sign3A_775, %sign3A_778 : i32
      %ne3A_780 = arith.cmpi ne, %sign3A_772, %sign3A_779 : i32
      %rem3A_781 = arith.remsi %add3A_763, %jit3A_764 : i32
      %ne3A_782 = arith.constant 0 : i32
      %ne3A_783 = arith.cmpi ne, %rem3A_781, %ne3A_782 : i32
      %and3A_784 = arith.andi %ne3A_780, %ne3A_783 : i1
      %sub3A_785 = arith.constant 1 : i32
      %sub3A_786 = arith.subi %div3A_765, %sub3A_785 : i32
      %select_n3A_787 = arith.select %and3A_784, %sub3A_786, %div3A_765 : i32
      %jit3A_788 = arith.constant 128 : i32
      %div3A_789 = arith.divsi %add3A_763, %jit3A_788 : i32
      %sign3A_790 = arith.constant 0 : i32
      %sign3A_791 = arith.cmpi sgt, %add3A_763, %sign3A_790 : i32
      %sign3A_792 = arith.extui %sign3A_791 : i1 to i32
      %sign3A_793 = arith.constant 0 : i32
      %sign3A_794 = arith.cmpi slt, %add3A_763, %sign3A_793 : i32
      %sign3A_795 = arith.extui %sign3A_794 : i1 to i32
      %sign3A_796 = arith.subi %sign3A_792, %sign3A_795 : i32
      %sign3A_797 = arith.constant 0 : i32
      %sign3A_798 = arith.cmpi sgt, %jit3A_788, %sign3A_797 : i32
      %sign3A_799 = arith.extui %sign3A_798 : i1 to i32
      %sign3A_800 = arith.constant 0 : i32
      %sign3A_801 = arith.cmpi slt, %jit3A_788, %sign3A_800 : i32
      %sign3A_802 = arith.extui %sign3A_801 : i1 to i32
      %sign3A_803 = arith.subi %sign3A_799, %sign3A_802 : i32
      %ne3A_804 = arith.cmpi ne, %sign3A_796, %sign3A_803 : i32
      %rem3A_805 = arith.remsi %add3A_763, %jit3A_788 : i32
      %ne3A_806 = arith.constant 0 : i32
      %ne3A_807 = arith.cmpi ne, %rem3A_805, %ne3A_806 : i32
      %and3A_808 = arith.andi %ne3A_804, %ne3A_807 : i1
      %sub3A_809 = arith.constant 1 : i32
      %sub3A_810 = arith.subi %div3A_789, %sub3A_809 : i32
      %select_n3A_811 = arith.select %and3A_808, %sub3A_810, %div3A_789 : i32
      %add3A_812 = arith.constant 16 : i32
      %add3A_813 = arith.addi %select_n3A_811, %add3A_812 : i32
      %dma_start3A_814 = arith.constant 0 : i32
      %dma_start3A_815 = arith.constant 0 : i32
      %dma_start3A_816 = arith.constant 0 : i32
      %dma_start3A_817 = tpu.memref_slice %arg5[%dma_start3A_814, %dma_start3A_815, %dma_start3A_816] : memref<32x7x128xf32, #tpu.memory_space<vmem>> -> memref<16x7x128xf32, #tpu.memory_space<vmem>>
      %dma_start3A_818 = arith.constant 1 : i32
      %dma_start3A_819 = arith.constant 0 : i32
      %dma_start3A_820 = tpu.memref_slice %arg2[%select_n3A_787, %dma_start3A_818, %dma_start3A_819] : memref<32768x8x128xf32, #tpu.memory_space<hbm>> -> memref<16x7x128xf32, #tpu.memory_space<hbm>>
      %dma_start3A_821 = arith.constant 0 : i32
      %dma_start3A_822 = arith.constant 0 : i32
      %dma_start3A_823 = arith.constant 0 : i32
      %dma_start3A_824 = tpu.memref_slice %arg5[%dma_start3A_821, %dma_start3A_822, %dma_start3A_823] : memref<32x7x128xf32, #tpu.memory_space<vmem>> -> memref<16x7x128xf32, #tpu.memory_space<vmem>>
      %dma_start3A_825 = arith.constant 1 : i32
      %dma_start3A_826 = arith.constant 0 : i32
      %dma_start3A_827 = tpu.memref_slice %arg2[%select_n3A_787, %dma_start3A_825, %dma_start3A_826] : memref<32768x8x128xf32, #tpu.memory_space<hbm>> -> memref<16x7x128xf32, #tpu.memory_space<hbm>>
      tpu.enqueue_dma source(%dma_start3A_827 : memref<16x7x128xf32, #tpu.memory_space<hbm>>) target(%dma_start3A_824 : memref<16x7x128xf32, #tpu.memory_space<vmem>>) target_semaphore(%arg11 : memref<!tpu.dma_semaphore, #tpu.memory_space<semaphore_mem>>)
      %dma_start3A_828 = arith.constant 16 : i32
      %dma_start3A_829 = arith.constant 0 : i32
      %dma_start3A_830 = arith.constant 0 : i32
      %dma_start3A_831 = tpu.memref_slice %arg5[%dma_start3A_828, %dma_start3A_829, %dma_start3A_830] : memref<32x7x128xf32, #tpu.memory_space<vmem>> -> memref<16x7x128xf32, #tpu.memory_space<vmem>>
      %dma_start3A_832 = arith.constant 1 : i32
      %dma_start3A_833 = arith.constant 0 : i32
      %dma_start3A_834 = tpu.memref_slice %arg2[%add3A_813, %dma_start3A_832, %dma_start3A_833] : memref<32768x8x128xf32, #tpu.memory_space<hbm>> -> memref<16x7x128xf32, #tpu.memory_space<hbm>>
      %dma_start3A_835 = arith.constant 16 : i32
      %dma_start3A_836 = arith.constant 0 : i32
      %dma_start3A_837 = arith.constant 0 : i32
      %dma_start3A_838 = tpu.memref_slice %arg5[%dma_start3A_835, %dma_start3A_836, %dma_start3A_837] : memref<32x7x128xf32, #tpu.memory_space<vmem>> -> memref<16x7x128xf32, #tpu.memory_space<vmem>>
      %dma_start3A_839 = arith.constant 1 : i32
      %dma_start3A_840 = arith.constant 0 : i32
      %dma_start3A_841 = tpu.memref_slice %arg2[%add3A_813, %dma_start3A_839, %dma_start3A_840] : memref<32768x8x128xf32, #tpu.memory_space<hbm>> -> memref<16x7x128xf32, #tpu.memory_space<hbm>>
      tpu.enqueue_dma source(%dma_start3A_841 : memref<16x7x128xf32, #tpu.memory_space<hbm>>) target(%dma_start3A_838 : memref<16x7x128xf32, #tpu.memory_space<vmem>>) target_semaphore(%arg11 : memref<!tpu.dma_semaphore, #tpu.memory_space<semaphore_mem>>)
      %dma_start3A_842 = tpu.memref_slice %arg3[%add3A_763] : memref<4194304xi32, #tpu.memory_space<hbm>> -> memref<4096xi32, #tpu.memory_space<hbm>>
      %dma_start3A_843 = tpu.memref_slice %arg3[%add3A_763] : memref<4194304xi32, #tpu.memory_space<hbm>> -> memref<4096xi32, #tpu.memory_space<hbm>>
      tpu.enqueue_dma source(%dma_start3A_843 : memref<4096xi32, #tpu.memory_space<hbm>>) target(%arg7 : memref<4096xi32, #tpu.memory_space<vmem>>) target_semaphore(%arg11 : memref<!tpu.dma_semaphore, #tpu.memory_space<semaphore_mem>>)
      %parallel_loop3A_844 = arith.constant 0 : i32
      %parallel_loop3A_845 = arith.constant 32 : i32
      %parallel_loop3A_846 = arith.constant 1 : i32
      scf.for %parallel_loop3A_847 = %parallel_loop3A_844 to %parallel_loop3A_845 step %parallel_loop3A_846  : i32 {
        %parallel_loop3A_848 = arith.constant 128 : i32
        %parallel_loop3A_849 = arith.muli %parallel_loop3A_847, %parallel_loop3A_848 : i32
        %parallel_loop3A_850 = arith.constant 0 : i32
        %parallel_loop3A_851 = arith.index_cast %parallel_loop3A_847 : i32 to index
        %parallel_loop3A_852 = arith.index_cast %parallel_loop3A_850 : i32 to index
        %parallel_loop3A_853 = arith.constant 0 : index
        %parallel_loop3A_854 = tpu.vector_load %arg6[%parallel_loop3A_851, %parallel_loop3A_852, %parallel_loop3A_853] {strides = array<i32>} : memref<32x7x128xf32, #tpu.memory_space<vmem>>, vector<16xf32>,
        %parallel_loop3A_855 = arith.constant 1 : i32
        %parallel_loop3A_856 = arith.index_cast %parallel_loop3A_847 : i32 to index
        %parallel_loop3A_857 = arith.index_cast %parallel_loop3A_855 : i32 to index
        %parallel_loop3A_858 = arith.constant 0 : index
        %parallel_loop3A_859 = tpu.vector_load %arg6[%parallel_loop3A_856, %parallel_loop3A_857, %parallel_loop3A_858] {strides = array<i32>} : memref<32x7x128xf32, #tpu.memory_space<vmem>>, vector<16xf32>,
        %parallel_loop3A_860 = arith.cmpf ogt, %parallel_loop3A_859, %parallel_loop3A_854 : vector<16xf32>
        %parallel_loop3A_861 = arith.select %parallel_loop3A_860, %parallel_loop3A_859, %parallel_loop3A_854 : vector<16xi1>, vector<16xf32>
        %parallel_loop3A_862 = arith.constant 2 : i32
        %parallel_loop3A_863 = vector.broadcast %parallel_loop3A_862 : i32 to vector<16xi32>
        %parallel_loop3A_864 = arith.select %parallel_loop3A_860, %parallel_loop3A_863, %broadcast_in_dim3A_8 : vector<16xi1>, vector<16xi32>
        %parallel_loop3A_865 = arith.constant 2 : i32
        %parallel_loop3A_866 = arith.index_cast %parallel_loop3A_847 : i32 to index
        %parallel_loop3A_867 = arith.index_cast %parallel_loop3A_865 : i32 to index
        %parallel_loop3A_868 = arith.constant 0 : index
        %parallel_loop3A_869 = tpu.vector_load %arg6[%parallel_loop3A_866, %parallel_loop3A_867, %parallel_loop3A_868] {strides = array<i32>} : memref<32x7x128xf32, #tpu.memory_space<vmem>>, vector<16xf32>,
        %parallel_loop3A_870 = arith.cmpf ogt, %parallel_loop3A_869, %parallel_loop3A_861 : vector<16xf32>
        %parallel_loop3A_871 = arith.select %parallel_loop3A_870, %parallel_loop3A_869, %parallel_loop3A_861 : vector<16xi1>, vector<16xf32>
        %parallel_loop3A_872 = arith.constant 3 : i32
        %parallel_loop3A_873 = vector.broadcast %parallel_loop3A_872 : i32 to vector<16xi32>
        %parallel_loop3A_874 = arith.select %parallel_loop3A_870, %parallel_loop3A_873, %parallel_loop3A_864 : vector<16xi1>, vector<16xi32>
        %parallel_loop3A_875 = arith.constant 3 : i32
        %parallel_loop3A_876 = arith.index_cast %parallel_loop3A_847 : i32 to index
        %parallel_loop3A_877 = arith.index_cast %parallel_loop3A_875 : i32 to index
        %parallel_loop3A_878 = arith.constant 0 : index
        %parallel_loop3A_879 = tpu.vector_load %arg6[%parallel_loop3A_876, %parallel_loop3A_877, %parallel_loop3A_878] {strides = array<i32>} : memref<32x7x128xf32, #tpu.memory_space<vmem>>, vector<16xf32>,
        %parallel_loop3A_880 = arith.cmpf ogt, %parallel_loop3A_879, %parallel_loop3A_871 : vector<16xf32>
        %parallel_loop3A_881 = arith.select %parallel_loop3A_880, %parallel_loop3A_879, %parallel_loop3A_871 : vector<16xi1>, vector<16xf32>
        %parallel_loop3A_882 = arith.constant 4 : i32
        %parallel_loop3A_883 = vector.broadcast %parallel_loop3A_882 : i32 to vector<16xi32>
        %parallel_loop3A_884 = arith.select %parallel_loop3A_880, %parallel_loop3A_883, %parallel_loop3A_874 : vector<16xi1>, vector<16xi32>
        %parallel_loop3A_885 = arith.constant 4 : i32
        %parallel_loop3A_886 = arith.index_cast %parallel_loop3A_847 : i32 to index
        %parallel_loop3A_887 = arith.index_cast %parallel_loop3A_885 : i32 to index
        %parallel_loop3A_888 = arith.constant 0 : index
        %parallel_loop3A_889 = tpu.vector_load %arg6[%parallel_loop3A_886, %parallel_loop3A_887, %parallel_loop3A_888] {strides = array<i32>} : memref<32x7x128xf32, #tpu.memory_space<vmem>>, vector<16xf32>,
        %parallel_loop3A_890 = arith.cmpf ogt, %parallel_loop3A_889, %parallel_loop3A_881 : vector<16xf32>
        %parallel_loop3A_891 = arith.select %parallel_loop3A_890, %parallel_loop3A_889, %parallel_loop3A_881 : vector<16xi1>, vector<16xf32>
        %parallel_loop3A_892 = arith.constant 5 : i32
        %parallel_loop3A_893 = vector.broadcast %parallel_loop3A_892 : i32 to vector<16xi32>
        %parallel_loop3A_894 = arith.select %parallel_loop3A_890, %parallel_loop3A_893, %parallel_loop3A_884 : vector<16xi1>, vector<16xi32>
        %parallel_loop3A_895 = arith.constant 5 : i32
        %parallel_loop3A_896 = arith.index_cast %parallel_loop3A_847 : i32 to index
        %parallel_loop3A_897 = arith.index_cast %parallel_loop3A_895 : i32 to index
        %parallel_loop3A_898 = arith.constant 0 : index
        %parallel_loop3A_899 = tpu.vector_load %arg6[%parallel_loop3A_896, %parallel_loop3A_897, %parallel_loop3A_898] {strides = array<i32>} : memref<32x7x128xf32, #tpu.memory_space<vmem>>, vector<16xf32>,
        %parallel_loop3A_900 = arith.cmpf ogt, %parallel_loop3A_899, %parallel_loop3A_891 : vector<16xf32>
        %parallel_loop3A_901 = arith.select %parallel_loop3A_900, %parallel_loop3A_899, %parallel_loop3A_891 : vector<16xi1>, vector<16xf32>
        %parallel_loop3A_902 = arith.constant 6 : i32
        %parallel_loop3A_903 = vector.broadcast %parallel_loop3A_902 : i32 to vector<16xi32>
        %parallel_loop3A_904 = arith.select %parallel_loop3A_900, %parallel_loop3A_903, %parallel_loop3A_894 : vector<16xi1>, vector<16xi32>
        %parallel_loop3A_905 = arith.constant 6 : i32
        %parallel_loop3A_906 = arith.index_cast %parallel_loop3A_847 : i32 to index
        %parallel_loop3A_907 = arith.index_cast %parallel_loop3A_905 : i32 to index
        %parallel_loop3A_908 = arith.constant 0 : index
        %parallel_loop3A_909 = tpu.vector_load %arg6[%parallel_loop3A_906, %parallel_loop3A_907, %parallel_loop3A_908] {strides = array<i32>} : memref<32x7x128xf32, #tpu.memory_space<vmem>>, vector<16xf32>,
        %parallel_loop3A_910 = arith.cmpf ogt, %parallel_loop3A_909, %parallel_loop3A_901 : vector<16xf32>
        %parallel_loop3A_911 = arith.select %parallel_loop3A_910, %parallel_loop3A_909, %parallel_loop3A_901 : vector<16xi1>, vector<16xf32>
        %parallel_loop3A_912 = arith.constant 7 : i32
        %parallel_loop3A_913 = vector.broadcast %parallel_loop3A_912 : i32 to vector<16xi32>
        %parallel_loop3A_914 = arith.select %parallel_loop3A_910, %parallel_loop3A_913, %parallel_loop3A_904 : vector<16xi1>, vector<16xi32>
        %parallel_loop3A_915 = arith.constant 5.000000e-01 : f32
        %parallel_loop3A_916 = vector.broadcast %parallel_loop3A_915 : f32 to vector<16xf32>
        %parallel_loop3A_917 = arith.cmpf ogt, %parallel_loop3A_911, %parallel_loop3A_916 : vector<16xf32>
        %parallel_loop3A_918 = arith.constant 0 : i32
        %parallel_loop3A_919 = vector.broadcast %parallel_loop3A_918 : i32 to vector<16xi32>
        %parallel_loop3A_920 = arith.select %parallel_loop3A_917, %parallel_loop3A_914, %parallel_loop3A_919 : vector<16xi1>, vector<16xi32>
        %parallel_loop3A_921 = arith.constant 0 : i32
        %parallel_loop3A_922 = arith.addi %parallel_loop3A_849, %parallel_loop3A_921 : i32
        %parallel_loop3A_923 = arith.index_cast %parallel_loop3A_922 : i32 to index
        %parallel_loop3A_924 = tpu.vector_load %arg8[%parallel_loop3A_923] {strides = array<i32>} : memref<4096xi32, #tpu.memory_space<vmem>>, vector<16xi32>,
        %parallel_loop3A_925 = arith.constant 8 : i32
        %parallel_loop3A_926 = vector.broadcast %parallel_loop3A_925 : i32 to vector<16xi32>
        %parallel_loop3A_927 = arith.muli %parallel_loop3A_924, %parallel_loop3A_926 : vector<16xi32>
        %parallel_loop3A_928 = arith.addi %mul3A_5, %parallel_loop3A_927 : vector<16xi32>
        %parallel_loop3A_929 = arith.addi %parallel_loop3A_928, %parallel_loop3A_920 : vector<16xi32>
        tpu.vector_store_idx %arg9[%parallel_loop3A_929], %broadcast_in_dim3A_8 {add = true} : memref<1024xi32, #tpu.memory_space<vmem>>[vector<16xi32>], vector<16xi32>,
        %parallel_loop3A_930 = arith.constant 0 : i32
        %parallel_loop3A_931 = arith.index_cast %parallel_loop3A_847 : i32 to index
        %parallel_loop3A_932 = arith.index_cast %parallel_loop3A_930 : i32 to index
        %parallel_loop3A_933 = arith.constant 16 : index
        %parallel_loop3A_934 = tpu.vector_load %arg6[%parallel_loop3A_931, %parallel_loop3A_932, %parallel_loop3A_933] {strides = array<i32>} : memref<32x7x128xf32, #tpu.memory_space<vmem>>, vector<16xf32>,
        %parallel_loop3A_935 = arith.constant 1 : i32
        %parallel_loop3A_936 = arith.index_cast %parallel_loop3A_847 : i32 to index
        %parallel_loop3A_937 = arith.index_cast %parallel_loop3A_935 : i32 to index
        %parallel_loop3A_938 = arith.constant 16 : index
        %parallel_loop3A_939 = tpu.vector_load %arg6[%parallel_loop3A_936, %parallel_loop3A_937, %parallel_loop3A_938] {strides = array<i32>} : memref<32x7x128xf32, #tpu.memory_space<vmem>>, vector<16xf32>,
        %parallel_loop3A_940 = arith.cmpf ogt, %parallel_loop3A_939, %parallel_loop3A_934 : vector<16xf32>
        %parallel_loop3A_941 = arith.select %parallel_loop3A_940, %parallel_loop3A_939, %parallel_loop3A_934 : vector<16xi1>, vector<16xf32>
        %parallel_loop3A_942 = arith.constant 2 : i32
        %parallel_loop3A_943 = vector.broadcast %parallel_loop3A_942 : i32 to vector<16xi32>
        %parallel_loop3A_944 = arith.select %parallel_loop3A_940, %parallel_loop3A_943, %broadcast_in_dim3A_8 : vector<16xi1>, vector<16xi32>
        %parallel_loop3A_945 = arith.constant 2 : i32
        %parallel_loop3A_946 = arith.index_cast %parallel_loop3A_847 : i32 to index
        %parallel_loop3A_947 = arith.index_cast %parallel_loop3A_945 : i32 to index
        %parallel_loop3A_948 = arith.constant 16 : index
        %parallel_loop3A_949 = tpu.vector_load %arg6[%parallel_loop3A_946, %parallel_loop3A_947, %parallel_loop3A_948] {strides = array<i32>} : memref<32x7x128xf32, #tpu.memory_space<vmem>>, vector<16xf32>,
        %parallel_loop3A_950 = arith.cmpf ogt, %parallel_loop3A_949, %parallel_loop3A_941 : vector<16xf32>
        %parallel_loop3A_951 = arith.select %parallel_loop3A_950, %parallel_loop3A_949, %parallel_loop3A_941 : vector<16xi1>, vector<16xf32>
        %parallel_loop3A_952 = arith.constant 3 : i32
        %parallel_loop3A_953 = vector.broadcast %parallel_loop3A_952 : i32 to vector<16xi32>
        %parallel_loop3A_954 = arith.select %parallel_loop3A_950, %parallel_loop3A_953, %parallel_loop3A_944 : vector<16xi1>, vector<16xi32>
        %parallel_loop3A_955 = arith.constant 3 : i32
        %parallel_loop3A_956 = arith.index_cast %parallel_loop3A_847 : i32 to index
        %parallel_loop3A_957 = arith.index_cast %parallel_loop3A_955 : i32 to index
        %parallel_loop3A_958 = arith.constant 16 : index
        %parallel_loop3A_959 = tpu.vector_load %arg6[%parallel_loop3A_956, %parallel_loop3A_957, %parallel_loop3A_958] {strides = array<i32>} : memref<32x7x128xf32, #tpu.memory_space<vmem>>, vector<16xf32>,
        %parallel_loop3A_960 = arith.cmpf ogt, %parallel_loop3A_959, %parallel_loop3A_951 : vector<16xf32>
        %parallel_loop3A_961 = arith.select %parallel_loop3A_960, %parallel_loop3A_959, %parallel_loop3A_951 : vector<16xi1>, vector<16xf32>
        %parallel_loop3A_962 = arith.constant 4 : i32
        %parallel_loop3A_963 = vector.broadcast %parallel_loop3A_962 : i32 to vector<16xi32>
        %parallel_loop3A_964 = arith.select %parallel_loop3A_960, %parallel_loop3A_963, %parallel_loop3A_954 : vector<16xi1>, vector<16xi32>
        %parallel_loop3A_965 = arith.constant 4 : i32
        %parallel_loop3A_966 = arith.index_cast %parallel_loop3A_847 : i32 to index
        %parallel_loop3A_967 = arith.index_cast %parallel_loop3A_965 : i32 to index
        %parallel_loop3A_968 = arith.constant 16 : index
        %parallel_loop3A_969 = tpu.vector_load %arg6[%parallel_loop3A_966, %parallel_loop3A_967, %parallel_loop3A_968] {strides = array<i32>} : memref<32x7x128xf32, #tpu.memory_space<vmem>>, vector<16xf32>,
        %parallel_loop3A_970 = arith.cmpf ogt, %parallel_loop3A_969, %parallel_loop3A_961 : vector<16xf32>
        %parallel_loop3A_971 = arith.select %parallel_loop3A_970, %parallel_loop3A_969, %parallel_loop3A_961 : vector<16xi1>, vector<16xf32>
        %parallel_loop3A_972 = arith.constant 5 : i32
        %parallel_loop3A_973 = vector.broadcast %parallel_loop3A_972 : i32 to vector<16xi32>
        %parallel_loop3A_974 = arith.select %parallel_loop3A_970, %parallel_loop3A_973, %parallel_loop3A_964 : vector<16xi1>, vector<16xi32>
        %parallel_loop3A_975 = arith.constant 5 : i32
        %parallel_loop3A_976 = arith.index_cast %parallel_loop3A_847 : i32 to index
        %parallel_loop3A_977 = arith.index_cast %parallel_loop3A_975 : i32 to index
        %parallel_loop3A_978 = arith.constant 16 : index
        %parallel_loop3A_979 = tpu.vector_load %arg6[%parallel_loop3A_976, %parallel_loop3A_977, %parallel_loop3A_978] {strides = array<i32>} : memref<32x7x128xf32, #tpu.memory_space<vmem>>, vector<16xf32>,
        %parallel_loop3A_980 = arith.cmpf ogt, %parallel_loop3A_979, %parallel_loop3A_971 : vector<16xf32>
        %parallel_loop3A_981 = arith.select %parallel_loop3A_980, %parallel_loop3A_979, %parallel_loop3A_971 : vector<16xi1>, vector<16xf32>
        %parallel_loop3A_982 = arith.constant 6 : i32
        %parallel_loop3A_983 = vector.broadcast %parallel_loop3A_982 : i32 to vector<16xi32>
        %parallel_loop3A_984 = arith.select %parallel_loop3A_980, %parallel_loop3A_983, %parallel_loop3A_974 : vector<16xi1>, vector<16xi32>
        %parallel_loop3A_985 = arith.constant 6 : i32
        %parallel_loop3A_986 = arith.index_cast %parallel_loop3A_847 : i32 to index
        %parallel_loop3A_987 = arith.index_cast %parallel_loop3A_985 : i32 to index
        %parallel_loop3A_988 = arith.constant 16 : index
        %parallel_loop3A_989 = tpu.vector_load %arg6[%parallel_loop3A_986, %parallel_loop3A_987, %parallel_loop3A_988] {strides = array<i32>} : memref<32x7x128xf32, #tpu.memory_space<vmem>>, vector<16xf32>,
        %parallel_loop3A_990 = arith.cmpf ogt, %parallel_loop3A_989, %parallel_loop3A_981 : vector<16xf32>
        %parallel_loop3A_991 = arith.select %parallel_loop3A_990, %parallel_loop3A_989, %parallel_loop3A_981 : vector<16xi1>, vector<16xf32>
        %parallel_loop3A_992 = arith.constant 7 : i32
        %parallel_loop3A_993 = vector.broadcast %parallel_loop3A_992 : i32 to vector<16xi32>
        %parallel_loop3A_994 = arith.select %parallel_loop3A_990, %parallel_loop3A_993, %parallel_loop3A_984 : vector<16xi1>, vector<16xi32>
        %parallel_loop3A_995 = arith.constant 5.000000e-01 : f32
        %parallel_loop3A_996 = vector.broadcast %parallel_loop3A_995 : f32 to vector<16xf32>
        %parallel_loop3A_997 = arith.cmpf ogt, %parallel_loop3A_991, %parallel_loop3A_996 : vector<16xf32>
        %parallel_loop3A_998 = arith.constant 0 : i32
        %parallel_loop3A_999 = vector.broadcast %parallel_loop3A_998 : i32 to vector<16xi32>
        %parallel_loop3A_1000 = arith.select %parallel_loop3A_997, %parallel_loop3A_994, %parallel_loop3A_999 : vector<16xi1>, vector<16xi32>
        %parallel_loop3A_1001 = arith.constant 16 : i32
        %parallel_loop3A_1002 = arith.addi %parallel_loop3A_849, %parallel_loop3A_1001 : i32
        %parallel_loop3A_1003 = arith.index_cast %parallel_loop3A_1002 : i32 to index
        %parallel_loop3A_1004 = tpu.vector_load %arg8[%parallel_loop3A_1003] {strides = array<i32>} : memref<4096xi32, #tpu.memory_space<vmem>>, vector<16xi32>,
        %parallel_loop3A_1005 = arith.constant 8 : i32
        %parallel_loop3A_1006 = vector.broadcast %parallel_loop3A_1005 : i32 to vector<16xi32>
        %parallel_loop3A_1007 = arith.muli %parallel_loop3A_1004, %parallel_loop3A_1006 : vector<16xi32>
        %parallel_loop3A_1008 = arith.addi %mul3A_5, %parallel_loop3A_1007 : vector<16xi32>
        %parallel_loop3A_1009 = arith.addi %parallel_loop3A_1008, %parallel_loop3A_1000 : vector<16xi32>
        tpu.vector_store_idx %arg9[%parallel_loop3A_1009], %broadcast_in_dim3A_8 {add = true} : memref<1024xi32, #tpu.memory_space<vmem>>[vector<16xi32>], vector<16xi32>,
        %parallel_loop3A_1010 = arith.constant 0 : i32
        %parallel_loop3A_1011 = arith.index_cast %parallel_loop3A_847 : i32 to index
        %parallel_loop3A_1012 = arith.index_cast %parallel_loop3A_1010 : i32 to index
        %parallel_loop3A_1013 = arith.constant 32 : index
        %parallel_loop3A_1014 = tpu.vector_load %arg6[%parallel_loop3A_1011, %parallel_loop3A_1012, %parallel_loop3A_1013] {strides = array<i32>} : memref<32x7x128xf32, #tpu.memory_space<vmem>>, vector<16xf32>,
        %parallel_loop3A_1015 = arith.constant 1 : i32
        %parallel_loop3A_1016 = arith.index_cast %parallel_loop3A_847 : i32 to index
        %parallel_loop3A_1017 = arith.index_cast %parallel_loop3A_1015 : i32 to index
        %parallel_loop3A_1018 = arith.constant 32 : index
        %parallel_loop3A_1019 = tpu.vector_load %arg6[%parallel_loop3A_1016, %parallel_loop3A_1017, %parallel_loop3A_1018] {strides = array<i32>} : memref<32x7x128xf32, #tpu.memory_space<vmem>>, vector<16xf32>,
        %parallel_loop3A_1020 = arith.cmpf ogt, %parallel_loop3A_1019, %parallel_loop3A_1014 : vector<16xf32>
        %parallel_loop3A_1021 = arith.select %parallel_loop3A_1020, %parallel_loop3A_1019, %parallel_loop3A_1014 : vector<16xi1>, vector<16xf32>
        %parallel_loop3A_1022 = arith.constant 2 : i32
        %parallel_loop3A_1023 = vector.broadcast %parallel_loop3A_1022 : i32 to vector<16xi32>
        %parallel_loop3A_1024 = arith.select %parallel_loop3A_1020, %parallel_loop3A_1023, %broadcast_in_dim3A_8 : vector<16xi1>, vector<16xi32>
        %parallel_loop3A_1025 = arith.constant 2 : i32
        %parallel_loop3A_1026 = arith.index_cast %parallel_loop3A_847 : i32 to index
        %parallel_loop3A_1027 = arith.index_cast %parallel_loop3A_1025 : i32 to index
        %parallel_loop3A_1028 = arith.constant 32 : index
        %parallel_loop3A_1029 = tpu.vector_load %arg6[%parallel_loop3A_1026, %parallel_loop3A_1027, %parallel_loop3A_1028] {strides = array<i32>} : memref<32x7x128xf32, #tpu.memory_space<vmem>>, vector<16xf32>,
        %parallel_loop3A_1030 = arith.cmpf ogt, %parallel_loop3A_1029, %parallel_loop3A_1021 : vector<16xf32>
        %parallel_loop3A_1031 = arith.select %parallel_loop3A_1030, %parallel_loop3A_1029, %parallel_loop3A_1021 : vector<16xi1>, vector<16xf32>
        %parallel_loop3A_1032 = arith.constant 3 : i32
        %parallel_loop3A_1033 = vector.broadcast %parallel_loop3A_1032 : i32 to vector<16xi32>
        %parallel_loop3A_1034 = arith.select %parallel_loop3A_1030, %parallel_loop3A_1033, %parallel_loop3A_1024 : vector<16xi1>, vector<16xi32>
        %parallel_loop3A_1035 = arith.constant 3 : i32
        %parallel_loop3A_1036 = arith.index_cast %parallel_loop3A_847 : i32 to index
        %parallel_loop3A_1037 = arith.index_cast %parallel_loop3A_1035 : i32 to index
        %parallel_loop3A_1038 = arith.constant 32 : index
        %parallel_loop3A_1039 = tpu.vector_load %arg6[%parallel_loop3A_1036, %parallel_loop3A_1037, %parallel_loop3A_1038] {strides = array<i32>} : memref<32x7x128xf32, #tpu.memory_space<vmem>>, vector<16xf32>,
        %parallel_loop3A_1040 = arith.cmpf ogt, %parallel_loop3A_1039, %parallel_loop3A_1031 : vector<16xf32>
        %parallel_loop3A_1041 = arith.select %parallel_loop3A_1040, %parallel_loop3A_1039, %parallel_loop3A_1031 : vector<16xi1>, vector<16xf32>
        %parallel_loop3A_1042 = arith.constant 4 : i32
        %parallel_loop3A_1043 = vector.broadcast %parallel_loop3A_1042 : i32 to vector<16xi32>
        %parallel_loop3A_1044 = arith.select %parallel_loop3A_1040, %parallel_loop3A_1043, %parallel_loop3A_1034 : vector<16xi1>, vector<16xi32>
        %parallel_loop3A_1045 = arith.constant 4 : i32
        %parallel_loop3A_1046 = arith.index_cast %parallel_loop3A_847 : i32 to index
        %parallel_loop3A_1047 = arith.index_cast %parallel_loop3A_1045 : i32 to index
        %parallel_loop3A_1048 = arith.constant 32 : index
        %parallel_loop3A_1049 = tpu.vector_load %arg6[%parallel_loop3A_1046, %parallel_loop3A_1047, %parallel_loop3A_1048] {strides = array<i32>} : memref<32x7x128xf32, #tpu.memory_space<vmem>>, vector<16xf32>,
        %parallel_loop3A_1050 = arith.cmpf ogt, %parallel_loop3A_1049, %parallel_loop3A_1041 : vector<16xf32>
        %parallel_loop3A_1051 = arith.select %parallel_loop3A_1050, %parallel_loop3A_1049, %parallel_loop3A_1041 : vector<16xi1>, vector<16xf32>
        %parallel_loop3A_1052 = arith.constant 5 : i32
        %parallel_loop3A_1053 = vector.broadcast %parallel_loop3A_1052 : i32 to vector<16xi32>
        %parallel_loop3A_1054 = arith.select %parallel_loop3A_1050, %parallel_loop3A_1053, %parallel_loop3A_1044 : vector<16xi1>, vector<16xi32>
        %parallel_loop3A_1055 = arith.constant 5 : i32
        %parallel_loop3A_1056 = arith.index_cast %parallel_loop3A_847 : i32 to index
        %parallel_loop3A_1057 = arith.index_cast %parallel_loop3A_1055 : i32 to index
        %parallel_loop3A_1058 = arith.constant 32 : index
        %parallel_loop3A_1059 = tpu.vector_load %arg6[%parallel_loop3A_1056, %parallel_loop3A_1057, %parallel_loop3A_1058] {strides = array<i32>} : memref<32x7x128xf32, #tpu.memory_space<vmem>>, vector<16xf32>,
        %parallel_loop3A_1060 = arith.cmpf ogt, %parallel_loop3A_1059, %parallel_loop3A_1051 : vector<16xf32>
        %parallel_loop3A_1061 = arith.select %parallel_loop3A_1060, %parallel_loop3A_1059, %parallel_loop3A_1051 : vector<16xi1>, vector<16xf32>
        %parallel_loop3A_1062 = arith.constant 6 : i32
        %parallel_loop3A_1063 = vector.broadcast %parallel_loop3A_1062 : i32 to vector<16xi32>
        %parallel_loop3A_1064 = arith.select %parallel_loop3A_1060, %parallel_loop3A_1063, %parallel_loop3A_1054 : vector<16xi1>, vector<16xi32>
        %parallel_loop3A_1065 = arith.constant 6 : i32
        %parallel_loop3A_1066 = arith.index_cast %parallel_loop3A_847 : i32 to index
        %parallel_loop3A_1067 = arith.index_cast %parallel_loop3A_1065 : i32 to index
        %parallel_loop3A_1068 = arith.constant 32 : index
        %parallel_loop3A_1069 = tpu.vector_load %arg6[%parallel_loop3A_1066, %parallel_loop3A_1067, %parallel_loop3A_1068] {strides = array<i32>} : memref<32x7x128xf32, #tpu.memory_space<vmem>>, vector<16xf32>,
        %parallel_loop3A_1070 = arith.cmpf ogt, %parallel_loop3A_1069, %parallel_loop3A_1061 : vector<16xf32>
        %parallel_loop3A_1071 = arith.select %parallel_loop3A_1070, %parallel_loop3A_1069, %parallel_loop3A_1061 : vector<16xi1>, vector<16xf32>
        %parallel_loop3A_1072 = arith.constant 7 : i32
        %parallel_loop3A_1073 = vector.broadcast %parallel_loop3A_1072 : i32 to vector<16xi32>
        %parallel_loop3A_1074 = arith.select %parallel_loop3A_1070, %parallel_loop3A_1073, %parallel_loop3A_1064 : vector<16xi1>, vector<16xi32>
        %parallel_loop3A_1075 = arith.constant 5.000000e-01 : f32
        %parallel_loop3A_1076 = vector.broadcast %parallel_loop3A_1075 : f32 to vector<16xf32>
        %parallel_loop3A_1077 = arith.cmpf ogt, %parallel_loop3A_1071, %parallel_loop3A_1076 : vector<16xf32>
        %parallel_loop3A_1078 = arith.constant 0 : i32
        %parallel_loop3A_1079 = vector.broadcast %parallel_loop3A_1078 : i32 to vector<16xi32>
        %parallel_loop3A_1080 = arith.select %parallel_loop3A_1077, %parallel_loop3A_1074, %parallel_loop3A_1079 : vector<16xi1>, vector<16xi32>
        %parallel_loop3A_1081 = arith.constant 32 : i32
        %parallel_loop3A_1082 = arith.addi %parallel_loop3A_849, %parallel_loop3A_1081 : i32
        %parallel_loop3A_1083 = arith.index_cast %parallel_loop3A_1082 : i32 to index
        %parallel_loop3A_1084 = tpu.vector_load %arg8[%parallel_loop3A_1083] {strides = array<i32>} : memref<4096xi32, #tpu.memory_space<vmem>>, vector<16xi32>,
        %parallel_loop3A_1085 = arith.constant 8 : i32
        %parallel_loop3A_1086 = vector.broadcast %parallel_loop3A_1085 : i32 to vector<16xi32>
        %parallel_loop3A_1087 = arith.muli %parallel_loop3A_1084, %parallel_loop3A_1086 : vector<16xi32>
        %parallel_loop3A_1088 = arith.addi %mul3A_5, %parallel_loop3A_1087 : vector<16xi32>
        %parallel_loop3A_1089 = arith.addi %parallel_loop3A_1088, %parallel_loop3A_1080 : vector<16xi32>
        tpu.vector_store_idx %arg9[%parallel_loop3A_1089], %broadcast_in_dim3A_8 {add = true} : memref<1024xi32, #tpu.memory_space<vmem>>[vector<16xi32>], vector<16xi32>,
        %parallel_loop3A_1090 = arith.constant 0 : i32
        %parallel_loop3A_1091 = arith.index_cast %parallel_loop3A_847 : i32 to index
        %parallel_loop3A_1092 = arith.index_cast %parallel_loop3A_1090 : i32 to index
        %parallel_loop3A_1093 = arith.constant 48 : index
        %parallel_loop3A_1094 = tpu.vector_load %arg6[%parallel_loop3A_1091, %parallel_loop3A_1092, %parallel_loop3A_1093] {strides = array<i32>} : memref<32x7x128xf32, #tpu.memory_space<vmem>>, vector<16xf32>,
        %parallel_loop3A_1095 = arith.constant 1 : i32
        %parallel_loop3A_1096 = arith.index_cast %parallel_loop3A_847 : i32 to index
        %parallel_loop3A_1097 = arith.index_cast %parallel_loop3A_1095 : i32 to index
        %parallel_loop3A_1098 = arith.constant 48 : index
        %parallel_loop3A_1099 = tpu.vector_load %arg6[%parallel_loop3A_1096, %parallel_loop3A_1097, %parallel_loop3A_1098] {strides = array<i32>} : memref<32x7x128xf32, #tpu.memory_space<vmem>>, vector<16xf32>,
        %parallel_loop3A_1100 = arith.cmpf ogt, %parallel_loop3A_1099, %parallel_loop3A_1094 : vector<16xf32>
        %parallel_loop3A_1101 = arith.select %parallel_loop3A_1100, %parallel_loop3A_1099, %parallel_loop3A_1094 : vector<16xi1>, vector<16xf32>
        %parallel_loop3A_1102 = arith.constant 2 : i32
        %parallel_loop3A_1103 = vector.broadcast %parallel_loop3A_1102 : i32 to vector<16xi32>
        %parallel_loop3A_1104 = arith.select %parallel_loop3A_1100, %parallel_loop3A_1103, %broadcast_in_dim3A_8 : vector<16xi1>, vector<16xi32>
        %parallel_loop3A_1105 = arith.constant 2 : i32
        %parallel_loop3A_1106 = arith.index_cast %parallel_loop3A_847 : i32 to index
        %parallel_loop3A_1107 = arith.index_cast %parallel_loop3A_1105 : i32 to index
        %parallel_loop3A_1108 = arith.constant 48 : index
        %parallel_loop3A_1109 = tpu.vector_load %arg6[%parallel_loop3A_1106, %parallel_loop3A_1107, %parallel_loop3A_1108] {strides = array<i32>} : memref<32x7x128xf32, #tpu.memory_space<vmem>>, vector<16xf32>,
        %parallel_loop3A_1110 = arith.cmpf ogt, %parallel_loop3A_1109, %parallel_loop3A_1101 : vector<16xf32>
        %parallel_loop3A_1111 = arith.select %parallel_loop3A_1110, %parallel_loop3A_1109, %parallel_loop3A_1101 : vector<16xi1>, vector<16xf32>
        %parallel_loop3A_1112 = arith.constant 3 : i32
        %parallel_loop3A_1113 = vector.broadcast %parallel_loop3A_1112 : i32 to vector<16xi32>
        %parallel_loop3A_1114 = arith.select %parallel_loop3A_1110, %parallel_loop3A_1113, %parallel_loop3A_1104 : vector<16xi1>, vector<16xi32>
        %parallel_loop3A_1115 = arith.constant 3 : i32
        %parallel_loop3A_1116 = arith.index_cast %parallel_loop3A_847 : i32 to index
        %parallel_loop3A_1117 = arith.index_cast %parallel_loop3A_1115 : i32 to index
        %parallel_loop3A_1118 = arith.constant 48 : index
        %parallel_loop3A_1119 = tpu.vector_load %arg6[%parallel_loop3A_1116, %parallel_loop3A_1117, %parallel_loop3A_1118] {strides = array<i32>} : memref<32x7x128xf32, #tpu.memory_space<vmem>>, vector<16xf32>,
        %parallel_loop3A_1120 = arith.cmpf ogt, %parallel_loop3A_1119, %parallel_loop3A_1111 : vector<16xf32>
        %parallel_loop3A_1121 = arith.select %parallel_loop3A_1120, %parallel_loop3A_1119, %parallel_loop3A_1111 : vector<16xi1>, vector<16xf32>
        %parallel_loop3A_1122 = arith.constant 4 : i32
        %parallel_loop3A_1123 = vector.broadcast %parallel_loop3A_1122 : i32 to vector<16xi32>
        %parallel_loop3A_1124 = arith.select %parallel_loop3A_1120, %parallel_loop3A_1123, %parallel_loop3A_1114 : vector<16xi1>, vector<16xi32>
        %parallel_loop3A_1125 = arith.constant 4 : i32
        %parallel_loop3A_1126 = arith.index_cast %parallel_loop3A_847 : i32 to index
        %parallel_loop3A_1127 = arith.index_cast %parallel_loop3A_1125 : i32 to index
        %parallel_loop3A_1128 = arith.constant 48 : index
        %parallel_loop3A_1129 = tpu.vector_load %arg6[%parallel_loop3A_1126, %parallel_loop3A_1127, %parallel_loop3A_1128] {strides = array<i32>} : memref<32x7x128xf32, #tpu.memory_space<vmem>>, vector<16xf32>,
        %parallel_loop3A_1130 = arith.cmpf ogt, %parallel_loop3A_1129, %parallel_loop3A_1121 : vector<16xf32>
        %parallel_loop3A_1131 = arith.select %parallel_loop3A_1130, %parallel_loop3A_1129, %parallel_loop3A_1121 : vector<16xi1>, vector<16xf32>
        %parallel_loop3A_1132 = arith.constant 5 : i32
        %parallel_loop3A_1133 = vector.broadcast %parallel_loop3A_1132 : i32 to vector<16xi32>
        %parallel_loop3A_1134 = arith.select %parallel_loop3A_1130, %parallel_loop3A_1133, %parallel_loop3A_1124 : vector<16xi1>, vector<16xi32>
        %parallel_loop3A_1135 = arith.constant 5 : i32
        %parallel_loop3A_1136 = arith.index_cast %parallel_loop3A_847 : i32 to index
        %parallel_loop3A_1137 = arith.index_cast %parallel_loop3A_1135 : i32 to index
        %parallel_loop3A_1138 = arith.constant 48 : index
        %parallel_loop3A_1139 = tpu.vector_load %arg6[%parallel_loop3A_1136, %parallel_loop3A_1137, %parallel_loop3A_1138] {strides = array<i32>} : memref<32x7x128xf32, #tpu.memory_space<vmem>>, vector<16xf32>,
        %parallel_loop3A_1140 = arith.cmpf ogt, %parallel_loop3A_1139, %parallel_loop3A_1131 : vector<16xf32>
        %parallel_loop3A_1141 = arith.select %parallel_loop3A_1140, %parallel_loop3A_1139, %parallel_loop3A_1131 : vector<16xi1>, vector<16xf32>
        %parallel_loop3A_1142 = arith.constant 6 : i32
        %parallel_loop3A_1143 = vector.broadcast %parallel_loop3A_1142 : i32 to vector<16xi32>
        %parallel_loop3A_1144 = arith.select %parallel_loop3A_1140, %parallel_loop3A_1143, %parallel_loop3A_1134 : vector<16xi1>, vector<16xi32>
        %parallel_loop3A_1145 = arith.constant 6 : i32
        %parallel_loop3A_1146 = arith.index_cast %parallel_loop3A_847 : i32 to index
        %parallel_loop3A_1147 = arith.index_cast %parallel_loop3A_1145 : i32 to index
        %parallel_loop3A_1148 = arith.constant 48 : index
        %parallel_loop3A_1149 = tpu.vector_load %arg6[%parallel_loop3A_1146, %parallel_loop3A_1147, %parallel_loop3A_1148] {strides = array<i32>} : memref<32x7x128xf32, #tpu.memory_space<vmem>>, vector<16xf32>,
        %parallel_loop3A_1150 = arith.cmpf ogt, %parallel_loop3A_1149, %parallel_loop3A_1141 : vector<16xf32>
        %parallel_loop3A_1151 = arith.select %parallel_loop3A_1150, %parallel_loop3A_1149, %parallel_loop3A_1141 : vector<16xi1>, vector<16xf32>
        %parallel_loop3A_1152 = arith.constant 7 : i32
        %parallel_loop3A_1153 = vector.broadcast %parallel_loop3A_1152 : i32 to vector<16xi32>
        %parallel_loop3A_1154 = arith.select %parallel_loop3A_1150, %parallel_loop3A_1153, %parallel_loop3A_1144 : vector<16xi1>, vector<16xi32>
        %parallel_loop3A_1155 = arith.constant 5.000000e-01 : f32
        %parallel_loop3A_1156 = vector.broadcast %parallel_loop3A_1155 : f32 to vector<16xf32>
        %parallel_loop3A_1157 = arith.cmpf ogt, %parallel_loop3A_1151, %parallel_loop3A_1156 : vector<16xf32>
        %parallel_loop3A_1158 = arith.constant 0 : i32
        %parallel_loop3A_1159 = vector.broadcast %parallel_loop3A_1158 : i32 to vector<16xi32>
        %parallel_loop3A_1160 = arith.select %parallel_loop3A_1157, %parallel_loop3A_1154, %parallel_loop3A_1159 : vector<16xi1>, vector<16xi32>
        %parallel_loop3A_1161 = arith.constant 48 : i32
        %parallel_loop3A_1162 = arith.addi %parallel_loop3A_849, %parallel_loop3A_1161 : i32
        %parallel_loop3A_1163 = arith.index_cast %parallel_loop3A_1162 : i32 to index
        %parallel_loop3A_1164 = tpu.vector_load %arg8[%parallel_loop3A_1163] {strides = array<i32>} : memref<4096xi32, #tpu.memory_space<vmem>>, vector<16xi32>,
        %parallel_loop3A_1165 = arith.constant 8 : i32
        %parallel_loop3A_1166 = vector.broadcast %parallel_loop3A_1165 : i32 to vector<16xi32>
        %parallel_loop3A_1167 = arith.muli %parallel_loop3A_1164, %parallel_loop3A_1166 : vector<16xi32>
        %parallel_loop3A_1168 = arith.addi %mul3A_5, %parallel_loop3A_1167 : vector<16xi32>
        %parallel_loop3A_1169 = arith.addi %parallel_loop3A_1168, %parallel_loop3A_1160 : vector<16xi32>
        tpu.vector_store_idx %arg9[%parallel_loop3A_1169], %broadcast_in_dim3A_8 {add = true} : memref<1024xi32, #tpu.memory_space<vmem>>[vector<16xi32>], vector<16xi32>,
        %parallel_loop3A_1170 = arith.constant 0 : i32
        %parallel_loop3A_1171 = arith.index_cast %parallel_loop3A_847 : i32 to index
        %parallel_loop3A_1172 = arith.index_cast %parallel_loop3A_1170 : i32 to index
        %parallel_loop3A_1173 = arith.constant 64 : index
        %parallel_loop3A_1174 = tpu.vector_load %arg6[%parallel_loop3A_1171, %parallel_loop3A_1172, %parallel_loop3A_1173] {strides = array<i32>} : memref<32x7x128xf32, #tpu.memory_space<vmem>>, vector<16xf32>,
        %parallel_loop3A_1175 = arith.constant 1 : i32
        %parallel_loop3A_1176 = arith.index_cast %parallel_loop3A_847 : i32 to index
        %parallel_loop3A_1177 = arith.index_cast %parallel_loop3A_1175 : i32 to index
        %parallel_loop3A_1178 = arith.constant 64 : index
        %parallel_loop3A_1179 = tpu.vector_load %arg6[%parallel_loop3A_1176, %parallel_loop3A_1177, %parallel_loop3A_1178] {strides = array<i32>} : memref<32x7x128xf32, #tpu.memory_space<vmem>>, vector<16xf32>,
        %parallel_loop3A_1180 = arith.cmpf ogt, %parallel_loop3A_1179, %parallel_loop3A_1174 : vector<16xf32>
        %parallel_loop3A_1181 = arith.select %parallel_loop3A_1180, %parallel_loop3A_1179, %parallel_loop3A_1174 : vector<16xi1>, vector<16xf32>
        %parallel_loop3A_1182 = arith.constant 2 : i32
        %parallel_loop3A_1183 = vector.broadcast %parallel_loop3A_1182 : i32 to vector<16xi32>
        %parallel_loop3A_1184 = arith.select %parallel_loop3A_1180, %parallel_loop3A_1183, %broadcast_in_dim3A_8 : vector<16xi1>, vector<16xi32>
        %parallel_loop3A_1185 = arith.constant 2 : i32
        %parallel_loop3A_1186 = arith.index_cast %parallel_loop3A_847 : i32 to index
        %parallel_loop3A_1187 = arith.index_cast %parallel_loop3A_1185 : i32 to index
        %parallel_loop3A_1188 = arith.constant 64 : index
        %parallel_loop3A_1189 = tpu.vector_load %arg6[%parallel_loop3A_1186, %parallel_loop3A_1187, %parallel_loop3A_1188] {strides = array<i32>} : memref<32x7x128xf32, #tpu.memory_space<vmem>>, vector<16xf32>,
        %parallel_loop3A_1190 = arith.cmpf ogt, %parallel_loop3A_1189, %parallel_loop3A_1181 : vector<16xf32>
        %parallel_loop3A_1191 = arith.select %parallel_loop3A_1190, %parallel_loop3A_1189, %parallel_loop3A_1181 : vector<16xi1>, vector<16xf32>
        %parallel_loop3A_1192 = arith.constant 3 : i32
        %parallel_loop3A_1193 = vector.broadcast %parallel_loop3A_1192 : i32 to vector<16xi32>
        %parallel_loop3A_1194 = arith.select %parallel_loop3A_1190, %parallel_loop3A_1193, %parallel_loop3A_1184 : vector<16xi1>, vector<16xi32>
        %parallel_loop3A_1195 = arith.constant 3 : i32
        %parallel_loop3A_1196 = arith.index_cast %parallel_loop3A_847 : i32 to index
        %parallel_loop3A_1197 = arith.index_cast %parallel_loop3A_1195 : i32 to index
        %parallel_loop3A_1198 = arith.constant 64 : index
        %parallel_loop3A_1199 = tpu.vector_load %arg6[%parallel_loop3A_1196, %parallel_loop3A_1197, %parallel_loop3A_1198] {strides = array<i32>} : memref<32x7x128xf32, #tpu.memory_space<vmem>>, vector<16xf32>,
        %parallel_loop3A_1200 = arith.cmpf ogt, %parallel_loop3A_1199, %parallel_loop3A_1191 : vector<16xf32>
        %parallel_loop3A_1201 = arith.select %parallel_loop3A_1200, %parallel_loop3A_1199, %parallel_loop3A_1191 : vector<16xi1>, vector<16xf32>
        %parallel_loop3A_1202 = arith.constant 4 : i32
        %parallel_loop3A_1203 = vector.broadcast %parallel_loop3A_1202 : i32 to vector<16xi32>
        %parallel_loop3A_1204 = arith.select %parallel_loop3A_1200, %parallel_loop3A_1203, %parallel_loop3A_1194 : vector<16xi1>, vector<16xi32>
        %parallel_loop3A_1205 = arith.constant 4 : i32
        %parallel_loop3A_1206 = arith.index_cast %parallel_loop3A_847 : i32 to index
        %parallel_loop3A_1207 = arith.index_cast %parallel_loop3A_1205 : i32 to index
        %parallel_loop3A_1208 = arith.constant 64 : index
        %parallel_loop3A_1209 = tpu.vector_load %arg6[%parallel_loop3A_1206, %parallel_loop3A_1207, %parallel_loop3A_1208] {strides = array<i32>} : memref<32x7x128xf32, #tpu.memory_space<vmem>>, vector<16xf32>,
        %parallel_loop3A_1210 = arith.cmpf ogt, %parallel_loop3A_1209, %parallel_loop3A_1201 : vector<16xf32>
        %parallel_loop3A_1211 = arith.select %parallel_loop3A_1210, %parallel_loop3A_1209, %parallel_loop3A_1201 : vector<16xi1>, vector<16xf32>
        %parallel_loop3A_1212 = arith.constant 5 : i32
        %parallel_loop3A_1213 = vector.broadcast %parallel_loop3A_1212 : i32 to vector<16xi32>
        %parallel_loop3A_1214 = arith.select %parallel_loop3A_1210, %parallel_loop3A_1213, %parallel_loop3A_1204 : vector<16xi1>, vector<16xi32>
        %parallel_loop3A_1215 = arith.constant 5 : i32
        %parallel_loop3A_1216 = arith.index_cast %parallel_loop3A_847 : i32 to index
        %parallel_loop3A_1217 = arith.index_cast %parallel_loop3A_1215 : i32 to index
        %parallel_loop3A_1218 = arith.constant 64 : index
        %parallel_loop3A_1219 = tpu.vector_load %arg6[%parallel_loop3A_1216, %parallel_loop3A_1217, %parallel_loop3A_1218] {strides = array<i32>} : memref<32x7x128xf32, #tpu.memory_space<vmem>>, vector<16xf32>,
        %parallel_loop3A_1220 = arith.cmpf ogt, %parallel_loop3A_1219, %parallel_loop3A_1211 : vector<16xf32>
        %parallel_loop3A_1221 = arith.select %parallel_loop3A_1220, %parallel_loop3A_1219, %parallel_loop3A_1211 : vector<16xi1>, vector<16xf32>
        %parallel_loop3A_1222 = arith.constant 6 : i32
        %parallel_loop3A_1223 = vector.broadcast %parallel_loop3A_1222 : i32 to vector<16xi32>
        %parallel_loop3A_1224 = arith.select %parallel_loop3A_1220, %parallel_loop3A_1223, %parallel_loop3A_1214 : vector<16xi1>, vector<16xi32>
        %parallel_loop3A_1225 = arith.constant 6 : i32
        %parallel_loop3A_1226 = arith.index_cast %parallel_loop3A_847 : i32 to index
        %parallel_loop3A_1227 = arith.index_cast %parallel_loop3A_1225 : i32 to index
        %parallel_loop3A_1228 = arith.constant 64 : index
        %parallel_loop3A_1229 = tpu.vector_load %arg6[%parallel_loop3A_1226, %parallel_loop3A_1227, %parallel_loop3A_1228] {strides = array<i32>} : memref<32x7x128xf32, #tpu.memory_space<vmem>>, vector<16xf32>,
        %parallel_loop3A_1230 = arith.cmpf ogt, %parallel_loop3A_1229, %parallel_loop3A_1221 : vector<16xf32>
        %parallel_loop3A_1231 = arith.select %parallel_loop3A_1230, %parallel_loop3A_1229, %parallel_loop3A_1221 : vector<16xi1>, vector<16xf32>
        %parallel_loop3A_1232 = arith.constant 7 : i32
        %parallel_loop3A_1233 = vector.broadcast %parallel_loop3A_1232 : i32 to vector<16xi32>
        %parallel_loop3A_1234 = arith.select %parallel_loop3A_1230, %parallel_loop3A_1233, %parallel_loop3A_1224 : vector<16xi1>, vector<16xi32>
        %parallel_loop3A_1235 = arith.constant 5.000000e-01 : f32
        %parallel_loop3A_1236 = vector.broadcast %parallel_loop3A_1235 : f32 to vector<16xf32>
        %parallel_loop3A_1237 = arith.cmpf ogt, %parallel_loop3A_1231, %parallel_loop3A_1236 : vector<16xf32>
        %parallel_loop3A_1238 = arith.constant 0 : i32
        %parallel_loop3A_1239 = vector.broadcast %parallel_loop3A_1238 : i32 to vector<16xi32>
        %parallel_loop3A_1240 = arith.select %parallel_loop3A_1237, %parallel_loop3A_1234, %parallel_loop3A_1239 : vector<16xi1>, vector<16xi32>
        %parallel_loop3A_1241 = arith.constant 64 : i32
        %parallel_loop3A_1242 = arith.addi %parallel_loop3A_849, %parallel_loop3A_1241 : i32
        %parallel_loop3A_1243 = arith.index_cast %parallel_loop3A_1242 : i32 to index
        %parallel_loop3A_1244 = tpu.vector_load %arg8[%parallel_loop3A_1243] {strides = array<i32>} : memref<4096xi32, #tpu.memory_space<vmem>>, vector<16xi32>,
        %parallel_loop3A_1245 = arith.constant 8 : i32
        %parallel_loop3A_1246 = vector.broadcast %parallel_loop3A_1245 : i32 to vector<16xi32>
        %parallel_loop3A_1247 = arith.muli %parallel_loop3A_1244, %parallel_loop3A_1246 : vector<16xi32>
        %parallel_loop3A_1248 = arith.addi %mul3A_5, %parallel_loop3A_1247 : vector<16xi32>
        %parallel_loop3A_1249 = arith.addi %parallel_loop3A_1248, %parallel_loop3A_1240 : vector<16xi32>
        tpu.vector_store_idx %arg9[%parallel_loop3A_1249], %broadcast_in_dim3A_8 {add = true} : memref<1024xi32, #tpu.memory_space<vmem>>[vector<16xi32>], vector<16xi32>,
        %parallel_loop3A_1250 = arith.constant 0 : i32
        %parallel_loop3A_1251 = arith.index_cast %parallel_loop3A_847 : i32 to index
        %parallel_loop3A_1252 = arith.index_cast %parallel_loop3A_1250 : i32 to index
        %parallel_loop3A_1253 = arith.constant 80 : index
        %parallel_loop3A_1254 = tpu.vector_load %arg6[%parallel_loop3A_1251, %parallel_loop3A_1252, %parallel_loop3A_1253] {strides = array<i32>} : memref<32x7x128xf32, #tpu.memory_space<vmem>>, vector<16xf32>,
        %parallel_loop3A_1255 = arith.constant 1 : i32
        %parallel_loop3A_1256 = arith.index_cast %parallel_loop3A_847 : i32 to index
        %parallel_loop3A_1257 = arith.index_cast %parallel_loop3A_1255 : i32 to index
        %parallel_loop3A_1258 = arith.constant 80 : index
        %parallel_loop3A_1259 = tpu.vector_load %arg6[%parallel_loop3A_1256, %parallel_loop3A_1257, %parallel_loop3A_1258] {strides = array<i32>} : memref<32x7x128xf32, #tpu.memory_space<vmem>>, vector<16xf32>,
        %parallel_loop3A_1260 = arith.cmpf ogt, %parallel_loop3A_1259, %parallel_loop3A_1254 : vector<16xf32>
        %parallel_loop3A_1261 = arith.select %parallel_loop3A_1260, %parallel_loop3A_1259, %parallel_loop3A_1254 : vector<16xi1>, vector<16xf32>
        %parallel_loop3A_1262 = arith.constant 2 : i32
        %parallel_loop3A_1263 = vector.broadcast %parallel_loop3A_1262 : i32 to vector<16xi32>
        %parallel_loop3A_1264 = arith.select %parallel_loop3A_1260, %parallel_loop3A_1263, %broadcast_in_dim3A_8 : vector<16xi1>, vector<16xi32>
        %parallel_loop3A_1265 = arith.constant 2 : i32
        %parallel_loop3A_1266 = arith.index_cast %parallel_loop3A_847 : i32 to index
        %parallel_loop3A_1267 = arith.index_cast %parallel_loop3A_1265 : i32 to index
        %parallel_loop3A_1268 = arith.constant 80 : index
        %parallel_loop3A_1269 = tpu.vector_load %arg6[%parallel_loop3A_1266, %parallel_loop3A_1267, %parallel_loop3A_1268] {strides = array<i32>} : memref<32x7x128xf32, #tpu.memory_space<vmem>>, vector<16xf32>,
        %parallel_loop3A_1270 = arith.cmpf ogt, %parallel_loop3A_1269, %parallel_loop3A_1261 : vector<16xf32>
        %parallel_loop3A_1271 = arith.select %parallel_loop3A_1270, %parallel_loop3A_1269, %parallel_loop3A_1261 : vector<16xi1>, vector<16xf32>
        %parallel_loop3A_1272 = arith.constant 3 : i32
        %parallel_loop3A_1273 = vector.broadcast %parallel_loop3A_1272 : i32 to vector<16xi32>
        %parallel_loop3A_1274 = arith.select %parallel_loop3A_1270, %parallel_loop3A_1273, %parallel_loop3A_1264 : vector<16xi1>, vector<16xi32>
        %parallel_loop3A_1275 = arith.constant 3 : i32
        %parallel_loop3A_1276 = arith.index_cast %parallel_loop3A_847 : i32 to index
        %parallel_loop3A_1277 = arith.index_cast %parallel_loop3A_1275 : i32 to index
        %parallel_loop3A_1278 = arith.constant 80 : index
        %parallel_loop3A_1279 = tpu.vector_load %arg6[%parallel_loop3A_1276, %parallel_loop3A_1277, %parallel_loop3A_1278] {strides = array<i32>} : memref<32x7x128xf32, #tpu.memory_space<vmem>>, vector<16xf32>,
        %parallel_loop3A_1280 = arith.cmpf ogt, %parallel_loop3A_1279, %parallel_loop3A_1271 : vector<16xf32>
        %parallel_loop3A_1281 = arith.select %parallel_loop3A_1280, %parallel_loop3A_1279, %parallel_loop3A_1271 : vector<16xi1>, vector<16xf32>
        %parallel_loop3A_1282 = arith.constant 4 : i32
        %parallel_loop3A_1283 = vector.broadcast %parallel_loop3A_1282 : i32 to vector<16xi32>
        %parallel_loop3A_1284 = arith.select %parallel_loop3A_1280, %parallel_loop3A_1283, %parallel_loop3A_1274 : vector<16xi1>, vector<16xi32>
        %parallel_loop3A_1285 = arith.constant 4 : i32
        %parallel_loop3A_1286 = arith.index_cast %parallel_loop3A_847 : i32 to index
        %parallel_loop3A_1287 = arith.index_cast %parallel_loop3A_1285 : i32 to index
        %parallel_loop3A_1288 = arith.constant 80 : index
        %parallel_loop3A_1289 = tpu.vector_load %arg6[%parallel_loop3A_1286, %parallel_loop3A_1287, %parallel_loop3A_1288] {strides = array<i32>} : memref<32x7x128xf32, #tpu.memory_space<vmem>>, vector<16xf32>,
        %parallel_loop3A_1290 = arith.cmpf ogt, %parallel_loop3A_1289, %parallel_loop3A_1281 : vector<16xf32>
        %parallel_loop3A_1291 = arith.select %parallel_loop3A_1290, %parallel_loop3A_1289, %parallel_loop3A_1281 : vector<16xi1>, vector<16xf32>
        %parallel_loop3A_1292 = arith.constant 5 : i32
        %parallel_loop3A_1293 = vector.broadcast %parallel_loop3A_1292 : i32 to vector<16xi32>
        %parallel_loop3A_1294 = arith.select %parallel_loop3A_1290, %parallel_loop3A_1293, %parallel_loop3A_1284 : vector<16xi1>, vector<16xi32>
        %parallel_loop3A_1295 = arith.constant 5 : i32
        %parallel_loop3A_1296 = arith.index_cast %parallel_loop3A_847 : i32 to index
        %parallel_loop3A_1297 = arith.index_cast %parallel_loop3A_1295 : i32 to index
        %parallel_loop3A_1298 = arith.constant 80 : index
        %parallel_loop3A_1299 = tpu.vector_load %arg6[%parallel_loop3A_1296, %parallel_loop3A_1297, %parallel_loop3A_1298] {strides = array<i32>} : memref<32x7x128xf32, #tpu.memory_space<vmem>>, vector<16xf32>,
        %parallel_loop3A_1300 = arith.cmpf ogt, %parallel_loop3A_1299, %parallel_loop3A_1291 : vector<16xf32>
        %parallel_loop3A_1301 = arith.select %parallel_loop3A_1300, %parallel_loop3A_1299, %parallel_loop3A_1291 : vector<16xi1>, vector<16xf32>
        %parallel_loop3A_1302 = arith.constant 6 : i32
        %parallel_loop3A_1303 = vector.broadcast %parallel_loop3A_1302 : i32 to vector<16xi32>
        %parallel_loop3A_1304 = arith.select %parallel_loop3A_1300, %parallel_loop3A_1303, %parallel_loop3A_1294 : vector<16xi1>, vector<16xi32>
        %parallel_loop3A_1305 = arith.constant 6 : i32
        %parallel_loop3A_1306 = arith.index_cast %parallel_loop3A_847 : i32 to index
        %parallel_loop3A_1307 = arith.index_cast %parallel_loop3A_1305 : i32 to index
        %parallel_loop3A_1308 = arith.constant 80 : index
        %parallel_loop3A_1309 = tpu.vector_load %arg6[%parallel_loop3A_1306, %parallel_loop3A_1307, %parallel_loop3A_1308] {strides = array<i32>} : memref<32x7x128xf32, #tpu.memory_space<vmem>>, vector<16xf32>,
        %parallel_loop3A_1310 = arith.cmpf ogt, %parallel_loop3A_1309, %parallel_loop3A_1301 : vector<16xf32>
        %parallel_loop3A_1311 = arith.select %parallel_loop3A_1310, %parallel_loop3A_1309, %parallel_loop3A_1301 : vector<16xi1>, vector<16xf32>
        %parallel_loop3A_1312 = arith.constant 7 : i32
        %parallel_loop3A_1313 = vector.broadcast %parallel_loop3A_1312 : i32 to vector<16xi32>
        %parallel_loop3A_1314 = arith.select %parallel_loop3A_1310, %parallel_loop3A_1313, %parallel_loop3A_1304 : vector<16xi1>, vector<16xi32>
        %parallel_loop3A_1315 = arith.constant 5.000000e-01 : f32
        %parallel_loop3A_1316 = vector.broadcast %parallel_loop3A_1315 : f32 to vector<16xf32>
        %parallel_loop3A_1317 = arith.cmpf ogt, %parallel_loop3A_1311, %parallel_loop3A_1316 : vector<16xf32>
        %parallel_loop3A_1318 = arith.constant 0 : i32
        %parallel_loop3A_1319 = vector.broadcast %parallel_loop3A_1318 : i32 to vector<16xi32>
        %parallel_loop3A_1320 = arith.select %parallel_loop3A_1317, %parallel_loop3A_1314, %parallel_loop3A_1319 : vector<16xi1>, vector<16xi32>
        %parallel_loop3A_1321 = arith.constant 80 : i32
        %parallel_loop3A_1322 = arith.addi %parallel_loop3A_849, %parallel_loop3A_1321 : i32
        %parallel_loop3A_1323 = arith.index_cast %parallel_loop3A_1322 : i32 to index
        %parallel_loop3A_1324 = tpu.vector_load %arg8[%parallel_loop3A_1323] {strides = array<i32>} : memref<4096xi32, #tpu.memory_space<vmem>>, vector<16xi32>,
        %parallel_loop3A_1325 = arith.constant 8 : i32
        %parallel_loop3A_1326 = vector.broadcast %parallel_loop3A_1325 : i32 to vector<16xi32>
        %parallel_loop3A_1327 = arith.muli %parallel_loop3A_1324, %parallel_loop3A_1326 : vector<16xi32>
        %parallel_loop3A_1328 = arith.addi %mul3A_5, %parallel_loop3A_1327 : vector<16xi32>
        %parallel_loop3A_1329 = arith.addi %parallel_loop3A_1328, %parallel_loop3A_1320 : vector<16xi32>
        tpu.vector_store_idx %arg9[%parallel_loop3A_1329], %broadcast_in_dim3A_8 {add = true} : memref<1024xi32, #tpu.memory_space<vmem>>[vector<16xi32>], vector<16xi32>,
        %parallel_loop3A_1330 = arith.constant 0 : i32
        %parallel_loop3A_1331 = arith.index_cast %parallel_loop3A_847 : i32 to index
        %parallel_loop3A_1332 = arith.index_cast %parallel_loop3A_1330 : i32 to index
        %parallel_loop3A_1333 = arith.constant 96 : index
        %parallel_loop3A_1334 = tpu.vector_load %arg6[%parallel_loop3A_1331, %parallel_loop3A_1332, %parallel_loop3A_1333] {strides = array<i32>} : memref<32x7x128xf32, #tpu.memory_space<vmem>>, vector<16xf32>,
        %parallel_loop3A_1335 = arith.constant 1 : i32
        %parallel_loop3A_1336 = arith.index_cast %parallel_loop3A_847 : i32 to index
        %parallel_loop3A_1337 = arith.index_cast %parallel_loop3A_1335 : i32 to index
        %parallel_loop3A_1338 = arith.constant 96 : index
        %parallel_loop3A_1339 = tpu.vector_load %arg6[%parallel_loop3A_1336, %parallel_loop3A_1337, %parallel_loop3A_1338] {strides = array<i32>} : memref<32x7x128xf32, #tpu.memory_space<vmem>>, vector<16xf32>,
        %parallel_loop3A_1340 = arith.cmpf ogt, %parallel_loop3A_1339, %parallel_loop3A_1334 : vector<16xf32>
        %parallel_loop3A_1341 = arith.select %parallel_loop3A_1340, %parallel_loop3A_1339, %parallel_loop3A_1334 : vector<16xi1>, vector<16xf32>
        %parallel_loop3A_1342 = arith.constant 2 : i32
        %parallel_loop3A_1343 = vector.broadcast %parallel_loop3A_1342 : i32 to vector<16xi32>
        %parallel_loop3A_1344 = arith.select %parallel_loop3A_1340, %parallel_loop3A_1343, %broadcast_in_dim3A_8 : vector<16xi1>, vector<16xi32>
        %parallel_loop3A_1345 = arith.constant 2 : i32
        %parallel_loop3A_1346 = arith.index_cast %parallel_loop3A_847 : i32 to index
        %parallel_loop3A_1347 = arith.index_cast %parallel_loop3A_1345 : i32 to index
        %parallel_loop3A_1348 = arith.constant 96 : index
        %parallel_loop3A_1349 = tpu.vector_load %arg6[%parallel_loop3A_1346, %parallel_loop3A_1347, %parallel_loop3A_1348] {strides = array<i32>} : memref<32x7x128xf32, #tpu.memory_space<vmem>>, vector<16xf32>,
        %parallel_loop3A_1350 = arith.cmpf ogt, %parallel_loop3A_1349, %parallel_loop3A_1341 : vector<16xf32>
        %parallel_loop3A_1351 = arith.select %parallel_loop3A_1350, %parallel_loop3A_1349, %parallel_loop3A_1341 : vector<16xi1>, vector<16xf32>
        %parallel_loop3A_1352 = arith.constant 3 : i32
        %parallel_loop3A_1353 = vector.broadcast %parallel_loop3A_1352 : i32 to vector<16xi32>
        %parallel_loop3A_1354 = arith.select %parallel_loop3A_1350, %parallel_loop3A_1353, %parallel_loop3A_1344 : vector<16xi1>, vector<16xi32>
        %parallel_loop3A_1355 = arith.constant 3 : i32
        %parallel_loop3A_1356 = arith.index_cast %parallel_loop3A_847 : i32 to index
        %parallel_loop3A_1357 = arith.index_cast %parallel_loop3A_1355 : i32 to index
        %parallel_loop3A_1358 = arith.constant 96 : index
        %parallel_loop3A_1359 = tpu.vector_load %arg6[%parallel_loop3A_1356, %parallel_loop3A_1357, %parallel_loop3A_1358] {strides = array<i32>} : memref<32x7x128xf32, #tpu.memory_space<vmem>>, vector<16xf32>,
        %parallel_loop3A_1360 = arith.cmpf ogt, %parallel_loop3A_1359, %parallel_loop3A_1351 : vector<16xf32>
        %parallel_loop3A_1361 = arith.select %parallel_loop3A_1360, %parallel_loop3A_1359, %parallel_loop3A_1351 : vector<16xi1>, vector<16xf32>
        %parallel_loop3A_1362 = arith.constant 4 : i32
        %parallel_loop3A_1363 = vector.broadcast %parallel_loop3A_1362 : i32 to vector<16xi32>
        %parallel_loop3A_1364 = arith.select %parallel_loop3A_1360, %parallel_loop3A_1363, %parallel_loop3A_1354 : vector<16xi1>, vector<16xi32>
        %parallel_loop3A_1365 = arith.constant 4 : i32
        %parallel_loop3A_1366 = arith.index_cast %parallel_loop3A_847 : i32 to index
        %parallel_loop3A_1367 = arith.index_cast %parallel_loop3A_1365 : i32 to index
        %parallel_loop3A_1368 = arith.constant 96 : index
        %parallel_loop3A_1369 = tpu.vector_load %arg6[%parallel_loop3A_1366, %parallel_loop3A_1367, %parallel_loop3A_1368] {strides = array<i32>} : memref<32x7x128xf32, #tpu.memory_space<vmem>>, vector<16xf32>,
        %parallel_loop3A_1370 = arith.cmpf ogt, %parallel_loop3A_1369, %parallel_loop3A_1361 : vector<16xf32>
        %parallel_loop3A_1371 = arith.select %parallel_loop3A_1370, %parallel_loop3A_1369, %parallel_loop3A_1361 : vector<16xi1>, vector<16xf32>
        %parallel_loop3A_1372 = arith.constant 5 : i32
        %parallel_loop3A_1373 = vector.broadcast %parallel_loop3A_1372 : i32 to vector<16xi32>
        %parallel_loop3A_1374 = arith.select %parallel_loop3A_1370, %parallel_loop3A_1373, %parallel_loop3A_1364 : vector<16xi1>, vector<16xi32>
        %parallel_loop3A_1375 = arith.constant 5 : i32
        %parallel_loop3A_1376 = arith.index_cast %parallel_loop3A_847 : i32 to index
        %parallel_loop3A_1377 = arith.index_cast %parallel_loop3A_1375 : i32 to index
        %parallel_loop3A_1378 = arith.constant 96 : index
        %parallel_loop3A_1379 = tpu.vector_load %arg6[%parallel_loop3A_1376, %parallel_loop3A_1377, %parallel_loop3A_1378] {strides = array<i32>} : memref<32x7x128xf32, #tpu.memory_space<vmem>>, vector<16xf32>,
        %parallel_loop3A_1380 = arith.cmpf ogt, %parallel_loop3A_1379, %parallel_loop3A_1371 : vector<16xf32>
        %parallel_loop3A_1381 = arith.select %parallel_loop3A_1380, %parallel_loop3A_1379, %parallel_loop3A_1371 : vector<16xi1>, vector<16xf32>
        %parallel_loop3A_1382 = arith.constant 6 : i32
        %parallel_loop3A_1383 = vector.broadcast %parallel_loop3A_1382 : i32 to vector<16xi32>
        %parallel_loop3A_1384 = arith.select %parallel_loop3A_1380, %parallel_loop3A_1383, %parallel_loop3A_1374 : vector<16xi1>, vector<16xi32>
        %parallel_loop3A_1385 = arith.constant 6 : i32
        %parallel_loop3A_1386 = arith.index_cast %parallel_loop3A_847 : i32 to index
        %parallel_loop3A_1387 = arith.index_cast %parallel_loop3A_1385 : i32 to index
        %parallel_loop3A_1388 = arith.constant 96 : index
        %parallel_loop3A_1389 = tpu.vector_load %arg6[%parallel_loop3A_1386, %parallel_loop3A_1387, %parallel_loop3A_1388] {strides = array<i32>} : memref<32x7x128xf32, #tpu.memory_space<vmem>>, vector<16xf32>,
        %parallel_loop3A_1390 = arith.cmpf ogt, %parallel_loop3A_1389, %parallel_loop3A_1381 : vector<16xf32>
        %parallel_loop3A_1391 = arith.select %parallel_loop3A_1390, %parallel_loop3A_1389, %parallel_loop3A_1381 : vector<16xi1>, vector<16xf32>
        %parallel_loop3A_1392 = arith.constant 7 : i32
        %parallel_loop3A_1393 = vector.broadcast %parallel_loop3A_1392 : i32 to vector<16xi32>
        %parallel_loop3A_1394 = arith.select %parallel_loop3A_1390, %parallel_loop3A_1393, %parallel_loop3A_1384 : vector<16xi1>, vector<16xi32>
        %parallel_loop3A_1395 = arith.constant 5.000000e-01 : f32
        %parallel_loop3A_1396 = vector.broadcast %parallel_loop3A_1395 : f32 to vector<16xf32>
        %parallel_loop3A_1397 = arith.cmpf ogt, %parallel_loop3A_1391, %parallel_loop3A_1396 : vector<16xf32>
        %parallel_loop3A_1398 = arith.constant 0 : i32
        %parallel_loop3A_1399 = vector.broadcast %parallel_loop3A_1398 : i32 to vector<16xi32>
        %parallel_loop3A_1400 = arith.select %parallel_loop3A_1397, %parallel_loop3A_1394, %parallel_loop3A_1399 : vector<16xi1>, vector<16xi32>
        %parallel_loop3A_1401 = arith.constant 96 : i32
        %parallel_loop3A_1402 = arith.addi %parallel_loop3A_849, %parallel_loop3A_1401 : i32
        %parallel_loop3A_1403 = arith.index_cast %parallel_loop3A_1402 : i32 to index
        %parallel_loop3A_1404 = tpu.vector_load %arg8[%parallel_loop3A_1403] {strides = array<i32>} : memref<4096xi32, #tpu.memory_space<vmem>>, vector<16xi32>,
        %parallel_loop3A_1405 = arith.constant 8 : i32
        %parallel_loop3A_1406 = vector.broadcast %parallel_loop3A_1405 : i32 to vector<16xi32>
        %parallel_loop3A_1407 = arith.muli %parallel_loop3A_1404, %parallel_loop3A_1406 : vector<16xi32>
        %parallel_loop3A_1408 = arith.addi %mul3A_5, %parallel_loop3A_1407 : vector<16xi32>
        %parallel_loop3A_1409 = arith.addi %parallel_loop3A_1408, %parallel_loop3A_1400 : vector<16xi32>
        tpu.vector_store_idx %arg9[%parallel_loop3A_1409], %broadcast_in_dim3A_8 {add = true} : memref<1024xi32, #tpu.memory_space<vmem>>[vector<16xi32>], vector<16xi32>,
        %parallel_loop3A_1410 = arith.constant 0 : i32
        %parallel_loop3A_1411 = arith.index_cast %parallel_loop3A_847 : i32 to index
        %parallel_loop3A_1412 = arith.index_cast %parallel_loop3A_1410 : i32 to index
        %parallel_loop3A_1413 = arith.constant 112 : index
        %parallel_loop3A_1414 = tpu.vector_load %arg6[%parallel_loop3A_1411, %parallel_loop3A_1412, %parallel_loop3A_1413] {strides = array<i32>} : memref<32x7x128xf32, #tpu.memory_space<vmem>>, vector<16xf32>,
        %parallel_loop3A_1415 = arith.constant 1 : i32
        %parallel_loop3A_1416 = arith.index_cast %parallel_loop3A_847 : i32 to index
        %parallel_loop3A_1417 = arith.index_cast %parallel_loop3A_1415 : i32 to index
        %parallel_loop3A_1418 = arith.constant 112 : index
        %parallel_loop3A_1419 = tpu.vector_load %arg6[%parallel_loop3A_1416, %parallel_loop3A_1417, %parallel_loop3A_1418] {strides = array<i32>} : memref<32x7x128xf32, #tpu.memory_space<vmem>>, vector<16xf32>,
        %parallel_loop3A_1420 = arith.cmpf ogt, %parallel_loop3A_1419, %parallel_loop3A_1414 : vector<16xf32>
        %parallel_loop3A_1421 = arith.select %parallel_loop3A_1420, %parallel_loop3A_1419, %parallel_loop3A_1414 : vector<16xi1>, vector<16xf32>
        %parallel_loop3A_1422 = arith.constant 2 : i32
        %parallel_loop3A_1423 = vector.broadcast %parallel_loop3A_1422 : i32 to vector<16xi32>
        %parallel_loop3A_1424 = arith.select %parallel_loop3A_1420, %parallel_loop3A_1423, %broadcast_in_dim3A_8 : vector<16xi1>, vector<16xi32>
        %parallel_loop3A_1425 = arith.constant 2 : i32
        %parallel_loop3A_1426 = arith.index_cast %parallel_loop3A_847 : i32 to index
        %parallel_loop3A_1427 = arith.index_cast %parallel_loop3A_1425 : i32 to index
        %parallel_loop3A_1428 = arith.constant 112 : index
        %parallel_loop3A_1429 = tpu.vector_load %arg6[%parallel_loop3A_1426, %parallel_loop3A_1427, %parallel_loop3A_1428] {strides = array<i32>} : memref<32x7x128xf32, #tpu.memory_space<vmem>>, vector<16xf32>,
        %parallel_loop3A_1430 = arith.cmpf ogt, %parallel_loop3A_1429, %parallel_loop3A_1421 : vector<16xf32>
        %parallel_loop3A_1431 = arith.select %parallel_loop3A_1430, %parallel_loop3A_1429, %parallel_loop3A_1421 : vector<16xi1>, vector<16xf32>
        %parallel_loop3A_1432 = arith.constant 3 : i32
        %parallel_loop3A_1433 = vector.broadcast %parallel_loop3A_1432 : i32 to vector<16xi32>
        %parallel_loop3A_1434 = arith.select %parallel_loop3A_1430, %parallel_loop3A_1433, %parallel_loop3A_1424 : vector<16xi1>, vector<16xi32>
        %parallel_loop3A_1435 = arith.constant 3 : i32
        %parallel_loop3A_1436 = arith.index_cast %parallel_loop3A_847 : i32 to index
        %parallel_loop3A_1437 = arith.index_cast %parallel_loop3A_1435 : i32 to index
        %parallel_loop3A_1438 = arith.constant 112 : index
        %parallel_loop3A_1439 = tpu.vector_load %arg6[%parallel_loop3A_1436, %parallel_loop3A_1437, %parallel_loop3A_1438] {strides = array<i32>} : memref<32x7x128xf32, #tpu.memory_space<vmem>>, vector<16xf32>,
        %parallel_loop3A_1440 = arith.cmpf ogt, %parallel_loop3A_1439, %parallel_loop3A_1431 : vector<16xf32>
        %parallel_loop3A_1441 = arith.select %parallel_loop3A_1440, %parallel_loop3A_1439, %parallel_loop3A_1431 : vector<16xi1>, vector<16xf32>
        %parallel_loop3A_1442 = arith.constant 4 : i32
        %parallel_loop3A_1443 = vector.broadcast %parallel_loop3A_1442 : i32 to vector<16xi32>
        %parallel_loop3A_1444 = arith.select %parallel_loop3A_1440, %parallel_loop3A_1443, %parallel_loop3A_1434 : vector<16xi1>, vector<16xi32>
        %parallel_loop3A_1445 = arith.constant 4 : i32
        %parallel_loop3A_1446 = arith.index_cast %parallel_loop3A_847 : i32 to index
        %parallel_loop3A_1447 = arith.index_cast %parallel_loop3A_1445 : i32 to index
        %parallel_loop3A_1448 = arith.constant 112 : index
        %parallel_loop3A_1449 = tpu.vector_load %arg6[%parallel_loop3A_1446, %parallel_loop3A_1447, %parallel_loop3A_1448] {strides = array<i32>} : memref<32x7x128xf32, #tpu.memory_space<vmem>>, vector<16xf32>,
        %parallel_loop3A_1450 = arith.cmpf ogt, %parallel_loop3A_1449, %parallel_loop3A_1441 : vector<16xf32>
        %parallel_loop3A_1451 = arith.select %parallel_loop3A_1450, %parallel_loop3A_1449, %parallel_loop3A_1441 : vector<16xi1>, vector<16xf32>
        %parallel_loop3A_1452 = arith.constant 5 : i32
        %parallel_loop3A_1453 = vector.broadcast %parallel_loop3A_1452 : i32 to vector<16xi32>
        %parallel_loop3A_1454 = arith.select %parallel_loop3A_1450, %parallel_loop3A_1453, %parallel_loop3A_1444 : vector<16xi1>, vector<16xi32>
        %parallel_loop3A_1455 = arith.constant 5 : i32
        %parallel_loop3A_1456 = arith.index_cast %parallel_loop3A_847 : i32 to index
        %parallel_loop3A_1457 = arith.index_cast %parallel_loop3A_1455 : i32 to index
        %parallel_loop3A_1458 = arith.constant 112 : index
        %parallel_loop3A_1459 = tpu.vector_load %arg6[%parallel_loop3A_1456, %parallel_loop3A_1457, %parallel_loop3A_1458] {strides = array<i32>} : memref<32x7x128xf32, #tpu.memory_space<vmem>>, vector<16xf32>,
        %parallel_loop3A_1460 = arith.cmpf ogt, %parallel_loop3A_1459, %parallel_loop3A_1451 : vector<16xf32>
        %parallel_loop3A_1461 = arith.select %parallel_loop3A_1460, %parallel_loop3A_1459, %parallel_loop3A_1451 : vector<16xi1>, vector<16xf32>
        %parallel_loop3A_1462 = arith.constant 6 : i32
        %parallel_loop3A_1463 = vector.broadcast %parallel_loop3A_1462 : i32 to vector<16xi32>
        %parallel_loop3A_1464 = arith.select %parallel_loop3A_1460, %parallel_loop3A_1463, %parallel_loop3A_1454 : vector<16xi1>, vector<16xi32>
        %parallel_loop3A_1465 = arith.constant 6 : i32
        %parallel_loop3A_1466 = arith.index_cast %parallel_loop3A_847 : i32 to index
        %parallel_loop3A_1467 = arith.index_cast %parallel_loop3A_1465 : i32 to index
        %parallel_loop3A_1468 = arith.constant 112 : index
        %parallel_loop3A_1469 = tpu.vector_load %arg6[%parallel_loop3A_1466, %parallel_loop3A_1467, %parallel_loop3A_1468] {strides = array<i32>} : memref<32x7x128xf32, #tpu.memory_space<vmem>>, vector<16xf32>,
        %parallel_loop3A_1470 = arith.cmpf ogt, %parallel_loop3A_1469, %parallel_loop3A_1461 : vector<16xf32>
        %parallel_loop3A_1471 = arith.select %parallel_loop3A_1470, %parallel_loop3A_1469, %parallel_loop3A_1461 : vector<16xi1>, vector<16xf32>
        %parallel_loop3A_1472 = arith.constant 7 : i32
        %parallel_loop3A_1473 = vector.broadcast %parallel_loop3A_1472 : i32 to vector<16xi32>
        %parallel_loop3A_1474 = arith.select %parallel_loop3A_1470, %parallel_loop3A_1473, %parallel_loop3A_1464 : vector<16xi1>, vector<16xi32>
        %parallel_loop3A_1475 = arith.constant 5.000000e-01 : f32
        %parallel_loop3A_1476 = vector.broadcast %parallel_loop3A_1475 : f32 to vector<16xf32>
        %parallel_loop3A_1477 = arith.cmpf ogt, %parallel_loop3A_1471, %parallel_loop3A_1476 : vector<16xf32>
        %parallel_loop3A_1478 = arith.constant 0 : i32
        %parallel_loop3A_1479 = vector.broadcast %parallel_loop3A_1478 : i32 to vector<16xi32>
        %parallel_loop3A_1480 = arith.select %parallel_loop3A_1477, %parallel_loop3A_1474, %parallel_loop3A_1479 : vector<16xi1>, vector<16xi32>
        %parallel_loop3A_1481 = arith.constant 112 : i32
        %parallel_loop3A_1482 = arith.addi %parallel_loop3A_849, %parallel_loop3A_1481 : i32
        %parallel_loop3A_1483 = arith.index_cast %parallel_loop3A_1482 : i32 to index
        %parallel_loop3A_1484 = tpu.vector_load %arg8[%parallel_loop3A_1483] {strides = array<i32>} : memref<4096xi32, #tpu.memory_space<vmem>>, vector<16xi32>,
        %parallel_loop3A_1485 = arith.constant 8 : i32
        %parallel_loop3A_1486 = vector.broadcast %parallel_loop3A_1485 : i32 to vector<16xi32>
        %parallel_loop3A_1487 = arith.muli %parallel_loop3A_1484, %parallel_loop3A_1486 : vector<16xi32>
        %parallel_loop3A_1488 = arith.addi %mul3A_5, %parallel_loop3A_1487 : vector<16xi32>
        %parallel_loop3A_1489 = arith.addi %parallel_loop3A_1488, %parallel_loop3A_1480 : vector<16xi32>
        tpu.vector_store_idx %arg9[%parallel_loop3A_1489], %broadcast_in_dim3A_8 {add = true} : memref<1024xi32, #tpu.memory_space<vmem>>[vector<16xi32>], vector<16xi32>,
      } {sc.loop_unroll_factor = 4 : i64, sc.parallel_access}
    }
    %scan3A_213 = arith.constant 16 : i32
    %add3A_214 = arith.constant 126976 : i32
    %add3A_215 = arith.addi %mul3A_2, %add3A_214 : i32
    %jit3A_216 = arith.constant 128 : i32
    %div3A_217 = arith.divsi %add3A_215, %jit3A_216 : i32
    %sign3A_218 = arith.constant 0 : i32
    %sign3A_219 = arith.cmpi sgt, %add3A_215, %sign3A_218 : i32
    %sign3A_220 = arith.extui %sign3A_219 : i1 to i32
    %sign3A_221 = arith.constant 0 : i32
    %sign3A_222 = arith.cmpi slt, %add3A_215, %sign3A_221 : i32
    %sign3A_223 = arith.extui %sign3A_222 : i1 to i32
    %sign3A_224 = arith.subi %sign3A_220, %sign3A_223 : i32
    %sign3A_225 = arith.constant 0 : i32
    %sign3A_226 = arith.cmpi sgt, %jit3A_216, %sign3A_225 : i32
    %sign3A_227 = arith.extui %sign3A_226 : i1 to i32
    %sign3A_228 = arith.constant 0 : i32
    %sign3A_229 = arith.cmpi slt, %jit3A_216, %sign3A_228 : i32
    %sign3A_230 = arith.extui %sign3A_229 : i1 to i32
    %sign3A_231 = arith.subi %sign3A_227, %sign3A_230 : i32
    %ne3A_232 = arith.cmpi ne, %sign3A_224, %sign3A_231 : i32
    %rem3A_233 = arith.remsi %add3A_215, %jit3A_216 : i32
    %ne3A_234 = arith.constant 0 : i32
    %ne3A_235 = arith.cmpi ne, %rem3A_233, %ne3A_234 : i32
    %and3A_236 = arith.andi %ne3A_232, %ne3A_235 : i1
    %sub3A_237 = arith.constant 1 : i32
    %sub3A_238 = arith.subi %div3A_217, %sub3A_237 : i32
    %select_n3A_239 = arith.select %and3A_236, %sub3A_238, %div3A_217 : i32
    %jit3A_240 = arith.constant 128 : i32
    %div3A_241 = arith.divsi %add3A_215, %jit3A_240 : i32
    %sign3A_242 = arith.constant 0 : i32
    %sign3A_243 = arith.cmpi sgt, %add3A_215, %sign3A_242 : i32
    %sign3A_244 = arith.extui %sign3A_243 : i1 to i32
    %sign3A_245 = arith.constant 0 : i32
    %sign3A_246 = arith.cmpi slt, %add3A_215, %sign3A_245 : i32
    %sign3A_247 = arith.extui %sign3A_246 : i1 to i32
    %sign3A_248 = arith.subi %sign3A_244, %sign3A_247 : i32
    %sign3A_249 = arith.constant 0 : i32
    %sign3A_250 = arith.cmpi sgt, %jit3A_240, %sign3A_249 : i32
    %sign3A_251 = arith.extui %sign3A_250 : i1 to i32
    %sign3A_252 = arith.constant 0 : i32
    %sign3A_253 = arith.cmpi slt, %jit3A_240, %sign3A_252 : i32
    %sign3A_254 = arith.extui %sign3A_253 : i1 to i32
    %sign3A_255 = arith.subi %sign3A_251, %sign3A_254 : i32
    %ne3A_256 = arith.cmpi ne, %sign3A_248, %sign3A_255 : i32
    %rem3A_257 = arith.remsi %add3A_215, %jit3A_240 : i32
    %ne3A_258 = arith.constant 0 : i32
    %ne3A_259 = arith.cmpi ne, %rem3A_257, %ne3A_258 : i32
    %and3A_260 = arith.andi %ne3A_256, %ne3A_259 : i1
    %sub3A_261 = arith.constant 1 : i32
    %sub3A_262 = arith.subi %div3A_241, %sub3A_261 : i32
    %select_n3A_263 = arith.select %and3A_260, %sub3A_262, %div3A_241 : i32
    %add3A_264 = arith.constant 16 : i32
    %add3A_265 = arith.addi %select_n3A_263, %add3A_264 : i32
    %dma_wait3A = arith.constant 0 : i32
    %dma_wait3A_266 = arith.constant 0 : i32
    %dma_wait3A_267 = arith.constant 0 : i32
    %dma_wait3A_268 = tpu.memref_slice %arg5[%dma_wait3A, %dma_wait3A_266, %dma_wait3A_267] : memref<32x7x128xf32, #tpu.memory_space<vmem>> -> memref<16x7x128xf32, #tpu.memory_space<vmem>>
    %dma_wait3A_269 = arith.constant 1 : i32
    %dma_wait3A_270 = arith.constant 0 : i32
    %dma_wait3A_271 = tpu.memref_slice %arg2[%select_n3A_239, %dma_wait3A_269, %dma_wait3A_270] : memref<32768x8x128xf32, #tpu.memory_space<hbm>> -> memref<16x7x128xf32, #tpu.memory_space<hbm>>
    %dma_wait3A_272 = arith.constant 0 : i32
    %dma_wait3A_273 = arith.constant 0 : i32
    %dma_wait3A_274 = arith.constant 0 : i32
    %dma_wait3A_275 = tpu.memref_slice %arg5[%dma_wait3A_272, %dma_wait3A_273, %dma_wait3A_274] : memref<32x7x128xf32, #tpu.memory_space<vmem>> -> memref<16x7x128xf32, #tpu.memory_space<vmem>>
    %dma_wait3A_276 = arith.constant 1 : i32
    %dma_wait3A_277 = arith.constant 0 : i32
    %dma_wait3A_278 = tpu.memref_slice %arg2[%select_n3A_239, %dma_wait3A_276, %dma_wait3A_277] : memref<32768x8x128xf32, #tpu.memory_space<hbm>> -> memref<16x7x128xf32, #tpu.memory_space<hbm>>
    tpu.wait_dma2 semaphore(%arg11 : memref<!tpu.dma_semaphore, #tpu.memory_space<semaphore_mem>>) src(%dma_wait3A_278 : memref<16x7x128xf32, #tpu.memory_space<hbm>>) dst(%dma_wait3A_275 : memref<16x7x128xf32, #tpu.memory_space<vmem>>)
    %dma_wait3A_279 = arith.constant 16 : i32
    %dma_wait3A_280 = arith.constant 0 : i32
    %dma_wait3A_281 = arith.constant 0 : i32
    %dma_wait3A_282 = tpu.memref_slice %arg5[%dma_wait3A_279, %dma_wait3A_280, %dma_wait3A_281] : memref<32x7x128xf32, #tpu.memory_space<vmem>> -> memref<16x7x128xf32, #tpu.memory_space<vmem>>
    %dma_wait3A_283 = arith.constant 1 : i32
    %dma_wait3A_284 = arith.constant 0 : i32
    %dma_wait3A_285 = tpu.memref_slice %arg2[%add3A_265, %dma_wait3A_283, %dma_wait3A_284] : memref<32768x8x128xf32, #tpu.memory_space<hbm>> -> memref<16x7x128xf32, #tpu.memory_space<hbm>>
    %dma_wait3A_286 = arith.constant 16 : i32
    %dma_wait3A_287 = arith.constant 0 : i32
    %dma_wait3A_288 = arith.constant 0 : i32
    %dma_wait3A_289 = tpu.memref_slice %arg5[%dma_wait3A_286, %dma_wait3A_287, %dma_wait3A_288] : memref<32x7x128xf32, #tpu.memory_space<vmem>> -> memref<16x7x128xf32, #tpu.memory_space<vmem>>
    %dma_wait3A_290 = arith.constant 1 : i32
    %dma_wait3A_291 = arith.constant 0 : i32
    %dma_wait3A_292 = tpu.memref_slice %arg2[%add3A_265, %dma_wait3A_290, %dma_wait3A_291] : memref<32768x8x128xf32, #tpu.memory_space<hbm>> -> memref<16x7x128xf32, #tpu.memory_space<hbm>>
    tpu.wait_dma2 semaphore(%arg11 : memref<!tpu.dma_semaphore, #tpu.memory_space<semaphore_mem>>) src(%dma_wait3A_292 : memref<16x7x128xf32, #tpu.memory_space<hbm>>) dst(%dma_wait3A_289 : memref<16x7x128xf32, #tpu.memory_space<vmem>>)
    %dma_wait3A_293 = tpu.memref_slice %arg3[%add3A_215] : memref<4194304xi32, #tpu.memory_space<hbm>> -> memref<4096xi32, #tpu.memory_space<hbm>>
    %dma_wait3A_294 = tpu.memref_slice %arg3[%add3A_215] : memref<4194304xi32, #tpu.memory_space<hbm>> -> memref<4096xi32, #tpu.memory_space<hbm>>
    tpu.wait_dma2 semaphore(%arg11 : memref<!tpu.dma_semaphore, #tpu.memory_space<semaphore_mem>>) src(%dma_wait3A_294 : memref<4096xi32, #tpu.memory_space<hbm>>) dst(%arg7 : memref<4096xi32, #tpu.memory_space<vmem>>)
    %get3A = arith.constant 0 : index
    %get3A_295 = tpu.vector_load %arg9[%get3A] {strides = array<i32>} : memref<1024xi32, #tpu.memory_space<vmem>>, vector<16xi32>,
    %get3A_296 = arith.constant 64 : index
    %get3A_297 = tpu.vector_load %arg9[%get3A_296] {strides = array<i32>} : memref<1024xi32, #tpu.memory_space<vmem>>, vector<16xi32>,
    %add3A_298 = arith.addi %get3A_295, %get3A_297 : vector<16xi32>
    %get3A_299 = arith.constant 128 : index
    %get3A_300 = tpu.vector_load %arg9[%get3A_299] {strides = array<i32>} : memref<1024xi32, #tpu.memory_space<vmem>>, vector<16xi32>,
    %add3A_301 = arith.addi %add3A_298, %get3A_300 : vector<16xi32>
    %get3A_302 = arith.constant 192 : index
    %get3A_303 = tpu.vector_load %arg9[%get3A_302] {strides = array<i32>} : memref<1024xi32, #tpu.memory_space<vmem>>, vector<16xi32>,
    %add3A_304 = arith.addi %add3A_301, %get3A_303 : vector<16xi32>
    %get3A_305 = arith.constant 256 : index
    %get3A_306 = tpu.vector_load %arg9[%get3A_305] {strides = array<i32>} : memref<1024xi32, #tpu.memory_space<vmem>>, vector<16xi32>,
    %add3A_307 = arith.addi %add3A_304, %get3A_306 : vector<16xi32>
    %get3A_308 = arith.constant 320 : index
    %get3A_309 = tpu.vector_load %arg9[%get3A_308] {strides = array<i32>} : memref<1024xi32, #tpu.memory_space<vmem>>, vector<16xi32>,
    %add3A_310 = arith.addi %add3A_307, %get3A_309 : vector<16xi32>
    %get3A_311 = arith.constant 384 : index
    %get3A_312 = tpu.vector_load %arg9[%get3A_311] {strides = array<i32>} : memref<1024xi32, #tpu.memory_space<vmem>>, vector<16xi32>,
    %add3A_313 = arith.addi %add3A_310, %get3A_312 : vector<16xi32>
    %get3A_314 = arith.constant 448 : index
    %get3A_315 = tpu.vector_load %arg9[%get3A_314] {strides = array<i32>} : memref<1024xi32, #tpu.memory_space<vmem>>, vector<16xi32>,
    %add3A_316 = arith.addi %add3A_313, %get3A_315 : vector<16xi32>
    %get3A_317 = arith.constant 512 : index
    %get3A_318 = tpu.vector_load %arg9[%get3A_317] {strides = array<i32>} : memref<1024xi32, #tpu.memory_space<vmem>>, vector<16xi32>,
    %add3A_319 = arith.addi %add3A_316, %get3A_318 : vector<16xi32>
    %get3A_320 = arith.constant 576 : index
    %get3A_321 = tpu.vector_load %arg9[%get3A_320] {strides = array<i32>} : memref<1024xi32, #tpu.memory_space<vmem>>, vector<16xi32>,
    %add3A_322 = arith.addi %add3A_319, %get3A_321 : vector<16xi32>
    %get3A_323 = arith.constant 640 : index
    %get3A_324 = tpu.vector_load %arg9[%get3A_323] {strides = array<i32>} : memref<1024xi32, #tpu.memory_space<vmem>>, vector<16xi32>,
    %add3A_325 = arith.addi %add3A_322, %get3A_324 : vector<16xi32>
    %get3A_326 = arith.constant 704 : index
    %get3A_327 = tpu.vector_load %arg9[%get3A_326] {strides = array<i32>} : memref<1024xi32, #tpu.memory_space<vmem>>, vector<16xi32>,
    %add3A_328 = arith.addi %add3A_325, %get3A_327 : vector<16xi32>
    %get3A_329 = arith.constant 768 : index
    %get3A_330 = tpu.vector_load %arg9[%get3A_329] {strides = array<i32>} : memref<1024xi32, #tpu.memory_space<vmem>>, vector<16xi32>,
    %add3A_331 = arith.addi %add3A_328, %get3A_330 : vector<16xi32>
    %get3A_332 = arith.constant 832 : index
    %get3A_333 = tpu.vector_load %arg9[%get3A_332] {strides = array<i32>} : memref<1024xi32, #tpu.memory_space<vmem>>, vector<16xi32>,
    %add3A_334 = arith.addi %add3A_331, %get3A_333 : vector<16xi32>
    %get3A_335 = arith.constant 896 : index
    %get3A_336 = tpu.vector_load %arg9[%get3A_335] {strides = array<i32>} : memref<1024xi32, #tpu.memory_space<vmem>>, vector<16xi32>,
    %add3A_337 = arith.addi %add3A_334, %get3A_336 : vector<16xi32>
    %get3A_338 = arith.constant 960 : index
    %get3A_339 = tpu.vector_load %arg9[%get3A_338] {strides = array<i32>} : memref<1024xi32, #tpu.memory_space<vmem>>, vector<16xi32>,
    %add3A_340 = arith.addi %add3A_337, %get3A_339 : vector<16xi32>
    %swap3A_341 = arith.constant 0 : index
    %swap3A_342 = tpu.vector_load %arg10[%swap3A_341] {strides = array<i32>} : memref<64xi32, #tpu.memory_space<vmem>>, vector<16xi32>,
    tpu.vector_store %arg10[%swap3A_341], %add3A_340 {strides = array<i32>} : memref<64xi32, #tpu.memory_space<vmem>>, vector<16xi32>,
    %get3A_343 = arith.constant 16 : index
    %get3A_344 = tpu.vector_load %arg9[%get3A_343] {strides = array<i32>} : memref<1024xi32, #tpu.memory_space<vmem>>, vector<16xi32>,
    %get3A_345 = arith.constant 80 : index
    %get3A_346 = tpu.vector_load %arg9[%get3A_345] {strides = array<i32>} : memref<1024xi32, #tpu.memory_space<vmem>>, vector<16xi32>,
    %add3A_347 = arith.addi %get3A_344, %get3A_346 : vector<16xi32>
    %get3A_348 = arith.constant 144 : index
    %get3A_349 = tpu.vector_load %arg9[%get3A_348] {strides = array<i32>} : memref<1024xi32, #tpu.memory_space<vmem>>, vector<16xi32>,
    %add3A_350 = arith.addi %add3A_347, %get3A_349 : vector<16xi32>
    %get3A_351 = arith.constant 208 : index
    %get3A_352 = tpu.vector_load %arg9[%get3A_351] {strides = array<i32>} : memref<1024xi32, #tpu.memory_space<vmem>>, vector<16xi32>,
    %add3A_353 = arith.addi %add3A_350, %get3A_352 : vector<16xi32>
    %get3A_354 = arith.constant 272 : index
    %get3A_355 = tpu.vector_load %arg9[%get3A_354] {strides = array<i32>} : memref<1024xi32, #tpu.memory_space<vmem>>, vector<16xi32>,
    %add3A_356 = arith.addi %add3A_353, %get3A_355 : vector<16xi32>
    %get3A_357 = arith.constant 336 : index
    %get3A_358 = tpu.vector_load %arg9[%get3A_357] {strides = array<i32>} : memref<1024xi32, #tpu.memory_space<vmem>>, vector<16xi32>,
    %add3A_359 = arith.addi %add3A_356, %get3A_358 : vector<16xi32>
    %get3A_360 = arith.constant 400 : index
    %get3A_361 = tpu.vector_load %arg9[%get3A_360] {strides = array<i32>} : memref<1024xi32, #tpu.memory_space<vmem>>, vector<16xi32>,
    %add3A_362 = arith.addi %add3A_359, %get3A_361 : vector<16xi32>
    %get3A_363 = arith.constant 464 : index
    %get3A_364 = tpu.vector_load %arg9[%get3A_363] {strides = array<i32>} : memref<1024xi32, #tpu.memory_space<vmem>>, vector<16xi32>,
    %add3A_365 = arith.addi %add3A_362, %get3A_364 : vector<16xi32>
    %get3A_366 = arith.constant 528 : index
    %get3A_367 = tpu.vector_load %arg9[%get3A_366] {strides = array<i32>} : memref<1024xi32, #tpu.memory_space<vmem>>, vector<16xi32>,
    %add3A_368 = arith.addi %add3A_365, %get3A_367 : vector<16xi32>
    %get3A_369 = arith.constant 592 : index
    %get3A_370 = tpu.vector_load %arg9[%get3A_369] {strides = array<i32>} : memref<1024xi32, #tpu.memory_space<vmem>>, vector<16xi32>,
    %add3A_371 = arith.addi %add3A_368, %get3A_370 : vector<16xi32>
    %get3A_372 = arith.constant 656 : index
    %get3A_373 = tpu.vector_load %arg9[%get3A_372] {strides = array<i32>} : memref<1024xi32, #tpu.memory_space<vmem>>, vector<16xi32>,
    %add3A_374 = arith.addi %add3A_371, %get3A_373 : vector<16xi32>
    %get3A_375 = arith.constant 720 : index
    %get3A_376 = tpu.vector_load %arg9[%get3A_375] {strides = array<i32>} : memref<1024xi32, #tpu.memory_space<vmem>>, vector<16xi32>,
    %add3A_377 = arith.addi %add3A_374, %get3A_376 : vector<16xi32>
    %get3A_378 = arith.constant 784 : index
    %get3A_379 = tpu.vector_load %arg9[%get3A_378] {strides = array<i32>} : memref<1024xi32, #tpu.memory_space<vmem>>, vector<16xi32>,
    %add3A_380 = arith.addi %add3A_377, %get3A_379 : vector<16xi32>
    %get3A_381 = arith.constant 848 : index
    %get3A_382 = tpu.vector_load %arg9[%get3A_381] {strides = array<i32>} : memref<1024xi32, #tpu.memory_space<vmem>>, vector<16xi32>,
    %add3A_383 = arith.addi %add3A_380, %get3A_382 : vector<16xi32>
    %get3A_384 = arith.constant 912 : index
    %get3A_385 = tpu.vector_load %arg9[%get3A_384] {strides = array<i32>} : memref<1024xi32, #tpu.memory_space<vmem>>, vector<16xi32>,
    %add3A_386 = arith.addi %add3A_383, %get3A_385 : vector<16xi32>
    %get3A_387 = arith.constant 976 : index
    %get3A_388 = tpu.vector_load %arg9[%get3A_387] {strides = array<i32>} : memref<1024xi32, #tpu.memory_space<vmem>>, vector<16xi32>,
    %add3A_389 = arith.addi %add3A_386, %get3A_388 : vector<16xi32>
    %swap3A_390 = arith.constant 16 : index
    %swap3A_391 = tpu.vector_load %arg10[%swap3A_390] {strides = array<i32>} : memref<64xi32, #tpu.memory_space<vmem>>, vector<16xi32>,
    tpu.vector_store %arg10[%swap3A_390], %add3A_389 {strides = array<i32>} : memref<64xi32, #tpu.memory_space<vmem>>, vector<16xi32>,
    %get3A_392 = arith.constant 32 : index
    %get3A_393 = tpu.vector_load %arg9[%get3A_392] {strides = array<i32>} : memref<1024xi32, #tpu.memory_space<vmem>>, vector<16xi32>,
    %get3A_394 = arith.constant 96 : index
    %get3A_395 = tpu.vector_load %arg9[%get3A_394] {strides = array<i32>} : memref<1024xi32, #tpu.memory_space<vmem>>, vector<16xi32>,
    %add3A_396 = arith.addi %get3A_393, %get3A_395 : vector<16xi32>
    %get3A_397 = arith.constant 160 : index
    %get3A_398 = tpu.vector_load %arg9[%get3A_397] {strides = array<i32>} : memref<1024xi32, #tpu.memory_space<vmem>>, vector<16xi32>,
    %add3A_399 = arith.addi %add3A_396, %get3A_398 : vector<16xi32>
    %get3A_400 = arith.constant 224 : index
    %get3A_401 = tpu.vector_load %arg9[%get3A_400] {strides = array<i32>} : memref<1024xi32, #tpu.memory_space<vmem>>, vector<16xi32>,
    %add3A_402 = arith.addi %add3A_399, %get3A_401 : vector<16xi32>
    %get3A_403 = arith.constant 288 : index
    %get3A_404 = tpu.vector_load %arg9[%get3A_403] {strides = array<i32>} : memref<1024xi32, #tpu.memory_space<vmem>>, vector<16xi32>,
    %add3A_405 = arith.addi %add3A_402, %get3A_404 : vector<16xi32>
    %get3A_406 = arith.constant 352 : index
    %get3A_407 = tpu.vector_load %arg9[%get3A_406] {strides = array<i32>} : memref<1024xi32, #tpu.memory_space<vmem>>, vector<16xi32>,
    %add3A_408 = arith.addi %add3A_405, %get3A_407 : vector<16xi32>
    %get3A_409 = arith.constant 416 : index
    %get3A_410 = tpu.vector_load %arg9[%get3A_409] {strides = array<i32>} : memref<1024xi32, #tpu.memory_space<vmem>>, vector<16xi32>,
    %add3A_411 = arith.addi %add3A_408, %get3A_410 : vector<16xi32>
    %get3A_412 = arith.constant 480 : index
    %get3A_413 = tpu.vector_load %arg9[%get3A_412] {strides = array<i32>} : memref<1024xi32, #tpu.memory_space<vmem>>, vector<16xi32>,
    %add3A_414 = arith.addi %add3A_411, %get3A_413 : vector<16xi32>
    %get3A_415 = arith.constant 544 : index
    %get3A_416 = tpu.vector_load %arg9[%get3A_415] {strides = array<i32>} : memref<1024xi32, #tpu.memory_space<vmem>>, vector<16xi32>,
    %add3A_417 = arith.addi %add3A_414, %get3A_416 : vector<16xi32>
    %get3A_418 = arith.constant 608 : index
    %get3A_419 = tpu.vector_load %arg9[%get3A_418] {strides = array<i32>} : memref<1024xi32, #tpu.memory_space<vmem>>, vector<16xi32>,
    %add3A_420 = arith.addi %add3A_417, %get3A_419 : vector<16xi32>
    %get3A_421 = arith.constant 672 : index
    %get3A_422 = tpu.vector_load %arg9[%get3A_421] {strides = array<i32>} : memref<1024xi32, #tpu.memory_space<vmem>>, vector<16xi32>,
    %add3A_423 = arith.addi %add3A_420, %get3A_422 : vector<16xi32>
    %get3A_424 = arith.constant 736 : index
    %get3A_425 = tpu.vector_load %arg9[%get3A_424] {strides = array<i32>} : memref<1024xi32, #tpu.memory_space<vmem>>, vector<16xi32>,
    %add3A_426 = arith.addi %add3A_423, %get3A_425 : vector<16xi32>
    %get3A_427 = arith.constant 800 : index
    %get3A_428 = tpu.vector_load %arg9[%get3A_427] {strides = array<i32>} : memref<1024xi32, #tpu.memory_space<vmem>>, vector<16xi32>,
    %add3A_429 = arith.addi %add3A_426, %get3A_428 : vector<16xi32>
    %get3A_430 = arith.constant 864 : index
    %get3A_431 = tpu.vector_load %arg9[%get3A_430] {strides = array<i32>} : memref<1024xi32, #tpu.memory_space<vmem>>, vector<16xi32>,
    %add3A_432 = arith.addi %add3A_429, %get3A_431 : vector<16xi32>
    %get3A_433 = arith.constant 928 : index
    %get3A_434 = tpu.vector_load %arg9[%get3A_433] {strides = array<i32>} : memref<1024xi32, #tpu.memory_space<vmem>>, vector<16xi32>,
    %add3A_435 = arith.addi %add3A_432, %get3A_434 : vector<16xi32>
    %get3A_436 = arith.constant 992 : index
    %get3A_437 = tpu.vector_load %arg9[%get3A_436] {strides = array<i32>} : memref<1024xi32, #tpu.memory_space<vmem>>, vector<16xi32>,
    %add3A_438 = arith.addi %add3A_435, %get3A_437 : vector<16xi32>
    %swap3A_439 = arith.constant 32 : index
    %swap3A_440 = tpu.vector_load %arg10[%swap3A_439] {strides = array<i32>} : memref<64xi32, #tpu.memory_space<vmem>>, vector<16xi32>,
    tpu.vector_store %arg10[%swap3A_439], %add3A_438 {strides = array<i32>} : memref<64xi32, #tpu.memory_space<vmem>>, vector<16xi32>,
    %get3A_441 = arith.constant 48 : index
    %get3A_442 = tpu.vector_load %arg9[%get3A_441] {strides = array<i32>} : memref<1024xi32, #tpu.memory_space<vmem>>, vector<16xi32>,
    %get3A_443 = arith.constant 112 : index
    %get3A_444 = tpu.vector_load %arg9[%get3A_443] {strides = array<i32>} : memref<1024xi32, #tpu.memory_space<vmem>>, vector<16xi32>,
    %add3A_445 = arith.addi %get3A_442, %get3A_444 : vector<16xi32>
    %get3A_446 = arith.constant 176 : index
    %get3A_447 = tpu.vector_load %arg9[%get3A_446] {strides = array<i32>} : memref<1024xi32, #tpu.memory_space<vmem>>, vector<16xi32>,
    %add3A_448 = arith.addi %add3A_445, %get3A_447 : vector<16xi32>
    %get3A_449 = arith.constant 240 : index
    %get3A_450 = tpu.vector_load %arg9[%get3A_449] {strides = array<i32>} : memref<1024xi32, #tpu.memory_space<vmem>>, vector<16xi32>,
    %add3A_451 = arith.addi %add3A_448, %get3A_450 : vector<16xi32>
    %get3A_452 = arith.constant 304 : index
    %get3A_453 = tpu.vector_load %arg9[%get3A_452] {strides = array<i32>} : memref<1024xi32, #tpu.memory_space<vmem>>, vector<16xi32>,
    %add3A_454 = arith.addi %add3A_451, %get3A_453 : vector<16xi32>
    %get3A_455 = arith.constant 368 : index
    %get3A_456 = tpu.vector_load %arg9[%get3A_455] {strides = array<i32>} : memref<1024xi32, #tpu.memory_space<vmem>>, vector<16xi32>,
    %add3A_457 = arith.addi %add3A_454, %get3A_456 : vector<16xi32>
    %get3A_458 = arith.constant 432 : index
    %get3A_459 = tpu.vector_load %arg9[%get3A_458] {strides = array<i32>} : memref<1024xi32, #tpu.memory_space<vmem>>, vector<16xi32>,
    %add3A_460 = arith.addi %add3A_457, %get3A_459 : vector<16xi32>
    %get3A_461 = arith.constant 496 : index
    %get3A_462 = tpu.vector_load %arg9[%get3A_461] {strides = array<i32>} : memref<1024xi32, #tpu.memory_space<vmem>>, vector<16xi32>,
    %add3A_463 = arith.addi %add3A_460, %get3A_462 : vector<16xi32>
    %get3A_464 = arith.constant 560 : index
    %get3A_465 = tpu.vector_load %arg9[%get3A_464] {strides = array<i32>} : memref<1024xi32, #tpu.memory_space<vmem>>, vector<16xi32>,
    %add3A_466 = arith.addi %add3A_463, %get3A_465 : vector<16xi32>
    %get3A_467 = arith.constant 624 : index
    %get3A_468 = tpu.vector_load %arg9[%get3A_467] {strides = array<i32>} : memref<1024xi32, #tpu.memory_space<vmem>>, vector<16xi32>,
    %add3A_469 = arith.addi %add3A_466, %get3A_468 : vector<16xi32>
    %get3A_470 = arith.constant 688 : index
    %get3A_471 = tpu.vector_load %arg9[%get3A_470] {strides = array<i32>} : memref<1024xi32, #tpu.memory_space<vmem>>, vector<16xi32>,
    %add3A_472 = arith.addi %add3A_469, %get3A_471 : vector<16xi32>
    %get3A_473 = arith.constant 752 : index
    %get3A_474 = tpu.vector_load %arg9[%get3A_473] {strides = array<i32>} : memref<1024xi32, #tpu.memory_space<vmem>>, vector<16xi32>,
    %add3A_475 = arith.addi %add3A_472, %get3A_474 : vector<16xi32>
    %get3A_476 = arith.constant 816 : index
    %get3A_477 = tpu.vector_load %arg9[%get3A_476] {strides = array<i32>} : memref<1024xi32, #tpu.memory_space<vmem>>, vector<16xi32>,
    %add3A_478 = arith.addi %add3A_475, %get3A_477 : vector<16xi32>
    %get3A_479 = arith.constant 880 : index
    %get3A_480 = tpu.vector_load %arg9[%get3A_479] {strides = array<i32>} : memref<1024xi32, #tpu.memory_space<vmem>>, vector<16xi32>,
    %add3A_481 = arith.addi %add3A_478, %get3A_480 : vector<16xi32>
    %get3A_482 = arith.constant 944 : index
    %get3A_483 = tpu.vector_load %arg9[%get3A_482] {strides = array<i32>} : memref<1024xi32, #tpu.memory_space<vmem>>, vector<16xi32>,
    %add3A_484 = arith.addi %add3A_481, %get3A_483 : vector<16xi32>
    %get3A_485 = arith.constant 1008 : index
    %get3A_486 = tpu.vector_load %arg9[%get3A_485] {strides = array<i32>} : memref<1024xi32, #tpu.memory_space<vmem>>, vector<16xi32>,
    %add3A_487 = arith.addi %add3A_484, %get3A_486 : vector<16xi32>
    %swap3A_488 = arith.constant 48 : index
    %swap3A_489 = tpu.vector_load %arg10[%swap3A_488] {strides = array<i32>} : memref<64xi32, #tpu.memory_space<vmem>>, vector<16xi32>,
    tpu.vector_store %arg10[%swap3A_488], %add3A_487 {strides = array<i32>} : memref<64xi32, #tpu.memory_space<vmem>>, vector<16xi32>,
    "tpu.region"() ({
      %run_scoped3A = tpu.sem_alloc : memref<!tpu.dma_semaphore, #tpu.memory_space<semaphore_mem>>
      %dma_start3A_490 = arith.constant 0 : i32
      %dma_start3A_491 = tpu.memref_slice %arg4[%add3A, %dma_start3A_490] : memref<32x64xi32, #tpu.memory_space<hbm>> -> memref<1x64xi32, #tpu.memory_space<hbm>>
      %dma_start3A_492 = tpu.memref_squeeze %dma_start3A_491 : memref<1x64xi32, #tpu.memory_space<hbm>> -> memref<64xi32, #tpu.memory_space<hbm>>
      %dma_start3A_493 = arith.constant 0 : i32
      %dma_start3A_494 = tpu.memref_slice %arg4[%add3A, %dma_start3A_493] : memref<32x64xi32, #tpu.memory_space<hbm>> -> memref<1x64xi32, #tpu.memory_space<hbm>>
      %dma_start3A_495 = tpu.memref_squeeze %dma_start3A_494 : memref<1x64xi32, #tpu.memory_space<hbm>> -> memref<64xi32, #tpu.memory_space<hbm>>
      tpu.enqueue_dma source(%arg10 : memref<64xi32, #tpu.memory_space<vmem>>) target(%dma_start3A_495 : memref<64xi32, #tpu.memory_space<hbm>>) target_semaphore(%run_scoped3A : memref<!tpu.dma_semaphore, #tpu.memory_space<semaphore_mem>>)
      %dma_wait3A_496 = arith.constant 0 : i32
      %dma_wait3A_497 = tpu.memref_slice %arg4[%add3A, %dma_wait3A_496] : memref<32x64xi32, #tpu.memory_space<hbm>> -> memref<1x64xi32, #tpu.memory_space<hbm>>
      %dma_wait3A_498 = tpu.memref_squeeze %dma_wait3A_497 : memref<1x64xi32, #tpu.memory_space<hbm>> -> memref<64xi32, #tpu.memory_space<hbm>>
      %dma_wait3A_499 = arith.constant 0 : i32
      %dma_wait3A_500 = tpu.memref_slice %arg4[%add3A, %dma_wait3A_499] : memref<32x64xi32, #tpu.memory_space<hbm>> -> memref<1x64xi32, #tpu.memory_space<hbm>>
      %dma_wait3A_501 = tpu.memref_squeeze %dma_wait3A_500 : memref<1x64xi32, #tpu.memory_space<hbm>> -> memref<64xi32, #tpu.memory_space<hbm>>
      tpu.wait_dma2 semaphore(%run_scoped3A : memref<!tpu.dma_semaphore, #tpu.memory_space<semaphore_mem>>) src(%arg10 : memref<64xi32, #tpu.memory_space<vmem>>) dst(%dma_wait3A_501 : memref<64xi32, #tpu.memory_space<hbm>>)
      tpu.yield
    }) : () -> ()
    return
  }
}

</mosaic_0001>

<sc_bundles>
// kernel: kernel.3.cloned.1.call-start
scs
__scs_entry_jumppad:
0x0: {  	(pc) =	sbr.rel $0x88, $3  }
0x1: {  	(tag) =	ssettag $0x0;
	lr =	simm.s32 $0x1  }
0x2: {  	[smem:$0x3F9F] =	sst lr;
	_ =	strace $0xD0000000  }
0x3: {  	_ = 	snop  }
0x4: {  	_ = 	snop  }
0x5: {  	_ = 	snop  }
0x6: {  	_ = 	snop  }
0x7: {  	_ = 	snop  }
__scs_overlays_trampoline_lowered:
0x8: {  	[smem:$0x3FAE] =	sst s0  }
0x9: {  	[smem:$0x3FAF] =	sst s1  }
0xa: {  	[smem:$0x3FB0] =	sst s2  }
0xb: {  	[smem:$0x3FB1] =	sst s3  }
0xc: {  	[smem:$0x3FB2] =	sst s4  }
0xd: {  	[smem:$0x3FB3] =	sst s5  }
0xe: {  	[smem:$0x3FB4] =	sst s6  }
0xf: {  	[smem:$0x3FB5] =	sst s7  }
0x10: {  	[smem:$0x3FB6] =	sst s8  }
0x11: {  	[smem:$0x3FB7] =	sst s9;
	s0 =	simm.s32 @!p0 $0x0  }
0x12: {  	s1 =	sld [smem:$0x3F9D];
	s0 =	simm.s32 @p0 $0x1  }
0x13: {  	[smem:$0x3FB8] =	sst s0;
	s0 =	simm.s32 @!p1 $0x0  }
0x14: {  	s2 =	sld [smem:$0x3F9C];
	s0 =	simm.s32 @p1 $0x1  }
0x15: {  	[smem:$0x3FB9] =	sst s0;
	s0 =	simm.s32 @!p2 $0x0  }
0x16: {  	s3 =	sld [smem:$0x3FDB];
	s0 =	simm.s32 @p2 $0x1  }
0x17: {  	s4 =	simm.s32 $0x1BF5;
	[smem:$0x3FBB] =	sst s0  }
0x18: {  	s0 =	sld [smem:$0x3F9E];
	_ =	swait.ge [sflag:s4], $0x0  }
0x19: {  	s7 =	sld [smem:$0x3F9F]  }
0x1a: {  	s8 =	sadd.s32 $0xFFFFE003, lr  }
0x1b: {  	s9 =	sadd.s32 $0xFFFFFEF7, lr;
	s5 =	simm.s32 $0xFFFFFFFF;
	p2 =	slt.u32 s8, $0xFFFFF086  }
0x1c: {  	p1 =	slt.u32 s9, $0xF7A;
	s5 =	simm.s32 @!p2 $0x0  }
0x1d: {  	s5 =	simm.s32 @p1 $0x1;
	p0 =	seq.s32 s7, s2  }
0x1e: {  	s7 =	smul.u32 @!p0 $0xF7A, s2;
	p2 =	seq.s32 @!p0 s5, $0x0  }
0x1f: {  	s9 =	smul.u32 $0xF7A, s1;
	s8 =	simm.s32 @!p0 $0x1BF5;
	p2 =	por !p2, p0  }
0x20: {  	[sflag:s8] =	ssyncset.s32 @!p0 $0xFFFFF086;
	s6 =	sadd.s32 @!p0 s3, s7;
	s7 =	simm.s32 @!p0 $0x108  }
0x21: {  	s3 =	sadd.s32 s3, s9;
	s6 =	sadd.s32 @!p0 $0x88, s6;
	s7 =	simm.s32 @p2 $0x1082  }
0x22: {  	[simem:s7], [sflag:s8] =	dma.local @!p0 [hbm:s6], $0xF7A  }
0x23: {  	s9 =	sor.u32 $0xD0000000, s2;
	s6 =	simm.s32 $0x108;
	_ =	swait.ge @!p0 [sflag:s8], $0x0  }
0x24: {  	s3 =	sadd.s32 $0x88, s3;
	s6 =	simm.s32 @!p1 $0x1082;
	[sflag:s4] =	ssyncset.s32 $0xFFFFF086  }
0x25: {  	[simem:s6], [sflag:s4] =	dma.local [hbm:s3], $0xF7A  }
0x26: {  	[smem:$0x3F9F] =	sst s1;
	(tag) =	ssettag s2;
	_ =	strace s9  }
0x27: {  	s1 =	sld [smem:$0x3FAF]  }
0x28: {  	s2 =	sld [smem:$0x3FB0]  }
0x29: {  	s4 =	sld [smem:$0x3FB2]  }
0x2a: {  	p0 =	seq.s32 s5, $0x0;
	s5 =	sld [smem:$0x3FB3]  }
0x2b: {  	s6 =	sld [smem:$0x3FB4]  }
0x2c: {  	s7 =	sld [smem:$0x3FB5]  }
0x2d: {  	s3 =	simm.s32 $0x108;
	s8 =	sld [smem:$0x3FB6]  }
0x2e: {  	s3 =	simm.s32 @!p0 $0x1082;
	s9 =	sld [smem:$0x3FB7]  }
0x2f: {  	lr =	sadd.s32 s0, s3;
	s0 =	sld [smem:$0x3FAE]  }
0x30: {  	s3 =	sld [smem:$0x3FB1]  }
0x31: {  	[smem:$0x3FBA] =	sst s10  }
0x32: {  	s10 =	sld [smem:$0x3FB8];
	_ =	sdelay $0x3  }
0x33: {  	p0 =	seq.s32 s10, $0x1;
	s10 =	sld [smem:$0x3FBA];
	_ =	sdelay $0x3  }
0x34: {  	[smem:$0x3FBA] =	sst s10  }
0x35: {  	s10 =	sld [smem:$0x3FB9];
	_ =	sdelay $0x3  }
0x36: {  	p1 =	seq.s32 s10, $0x1;
	s10 =	sld [smem:$0x3FBA];
	_ =	sdelay $0x3  }
0x37: {  	[smem:$0x3FBA] =	sst s10  }
0x38: {  	s10 =	sld [smem:$0x3FBB]  }
0x39: {  	_ = 	snop;
	(pc) =	sbr.ind lr, $3  }
0x3a: {  	_ = 	snop  }
0x3b: {  	_ = 	snop  }
0x3c: {  	p2 =	seq.s32 s10, $0x1;
	s10 =	sld [smem:$0x3FBA]  }
0x3d: {  	_ =	shalt  }
0x3e: {  	_ =	shalt  }
0x3f: {  	_ =	shalt  }
0x40: {  	_ =	shalt  }
0x41: {  	_ =	shalt  }
0x42: {  	_ =	shalt  }
0x43: {  	_ =	shalt  }
0x44: {  	_ =	shalt  }
0x45: {  	_ =	shalt  }
0x46: {  	_ =	shalt  }
0x47: {  	_ =	shalt  }
0x48: {  	_ =	shalt  }
0x49: {  	_ =	shalt  }
0x4a: {  	_ =	shalt  }
0x4b: {  	_ =	shalt  }
0x4c: {  	_ =	shalt  }
0x4d: {  	_ =	shalt  }
0x4e: {  	_ =	shalt  }
0x4f: {  	_ =	shalt  }
0x50: {  	_ =	shalt  }
0x51: {  	_ =	shalt  }
0x52: {  	_ =	shalt  }
0x53: {  	_ =	shalt  }
0x54: {  	_ =	shalt  }
0x55: {  	_ =	shalt  }
0x56: {  	_ =	shalt  }
0x57: {  	_ =	shalt  }
0x58: {  	_ =	shalt  }
0x59: {  	_ =	shalt  }
0x5a: {  	_ =	shalt  }
0x5b: {  	_ =	shalt  }
0x5c: {  	_ =	shalt  }
0x5d: {  	_ =	shalt  }
0x5e: {  	_ =	shalt  }
0x5f: {  	_ =	shalt  }
0x60: {  	_ =	shalt  }
0x61: {  	_ =	shalt  }
0x62: {  	_ =	shalt  }
0x63: {  	_ =	shalt  }
0x64: {  	_ =	shalt  }
0x65: {  	_ =	shalt  }
0x66: {  	_ =	shalt  }
0x67: {  	_ =	shalt  }
0x68: {  	_ =	shalt  }
0x69: {  	_ =	shalt  }
0x6a: {  	_ =	shalt  }
0x6b: {  	_ =	shalt  }
0x6c: {  	_ =	shalt  }
0x6d: {  	_ =	shalt  }
0x6e: {  	_ =	shalt  }
0x6f: {  	_ =	shalt  }
0x70: {  	_ =	shalt  }
0x71: {  	_ =	shalt  }
0x72: {  	_ =	shalt  }
0x73: {  	_ =	shalt  }
0x74: {  	_ =	shalt  }
0x75: {  	_ =	shalt  }
0x76: {  	_ =	shalt  }
0x77: {  	_ =	shalt  }
0x78: {  	_ =	shalt  }
0x79: {  	_ =	shalt  }
0x7a: {  	_ =	shalt  }
0x7b: {  	_ =	shalt  }
0x7c: {  	_ =	shalt  }
0x7d: {  	_ =	shalt  }
0x7e: {  	_ =	shalt  }
0x7f: {  	_ =	shalt  }
0x80: {  	_ =	shalt  }
0x81: {  	_ =	shalt  }
0x82: {  	_ =	shalt  }
0x83: {  	_ =	shalt  }
0x84: {  	_ =	shalt  }
0x85: {  	_ =	shalt  }
0x86: {  	_ =	shalt  }
0x87: {  	_ =	shalt  }
.Lfunc_end0:
.L_simem_size_0:
called_computation_lowered:
.L_overlay_start_0:
0x88: {  	s2 =	sld [smem:$0x3FD9]  }
0x89: {  	s3 =	sld [smem:$0x3FFE];
	_ =	sdelay $0x1  }
0x8a: {  	s1 =	srdreg.scid  }
0x8b: {  	s0 =	sand.u32 $0x1, s1  }
0x8c: {  	s17 =	sshll.u32 s0, $0xA;
	s2 =	sadd.s32 s3, s2  }
0x8d: {  	s2 =	sadd.s32 s2, s17  }
0x8e: {  	[smem:$0x3FC6] =	sst s2  }
0x8f: {  	_ = 	snop  }
0x90: {  	s2 =	sld [smem:$0x3FC9]  }
0x91: {  	s18 =	sld [smem:$0x3FC8];
	(tm) =	ssettm $0x1  }
0x92: {  	s4 =	sld [smem:$0x3FFB];
	_ =	sdelay $0x3  }
0x93: {  	_ =	strace s4  }
0x94: {  	s4 =	sld [smem:$0x3FFC];
	_ =	sdelay $0x3  }
0x95: {  	_ =	strace s4  }
0x96: {  	s4 =	sld [smem:$0x3FFD];
	_ =	sdelay $0x3  }
0x97: {  	_ =	strace s4  }
0x98: {  	_ =	strace $0x8FFFFFFF  }
0x99: {  	s19 =	sld [smem:$0x3FDB];
	_ =	sdelay $0x1  }
0x9a: {  	s5 =	simm.s32 $_scs_section_size  }
0x9b: {  	s6 =	simm.s32 $_size__tile_overlayer_lowered;
	s7 =	simm.s32 $_tile_overlayer_lowered  }
0x9c: {  	s22 =	simm.s32 $0x1BFF;
	s21 =	sshll.u32 s7, $0x1;
	s4 =	sadd.s32 s5, s19  }
0x9d: {  	s8 =	simm.s32 $0x0;
	s20 =	sshll.u32 s6, $0x1;
	s6 =	sadd.s32 s21, s4  }
0x9e: {  	[timem:s8], [sflag:s22] =	dma.local [hbm:s6], s20  }
0x9f: {  	_ =	swait.ge [sflag:s22], s20  }
0xa0: {  	s5 =	ssub.s32 $0x0, s20;
	[sflag:s22] =	ssyncset.done $0x0  }
0xa1: {  	[sflag:s22] =	ssyncadd.s32 s5;
	_ =	sdelay $0x1  }
0xa2: {  	s23 =	simm.s32 $0x1B8B  }
0xa3: {  	_ =	swait.ge [sflag:s23], $0x1  }
0xa4: {  	[sflag:s23] =	ssyncset.done $0x0  }
0xa5: {  	s25 =	simm.s32 $0x1B8E;
	s24 =	sld [smem:$0x3FFE];
	[sflag:s23] =	ssyncadd.s32 $0xFFFFFFFF  }
0xa6: {  	s26 =	simm.s32 $execute0_lowered;
	[smem:$0x3FD2] =	sst s25  }
0xa7: {  	s6 =	sshll.u32 s26, $0x1;
	_ =	strace $0x80000046;
	[dreg:$0x1] =	wrdreg $0xFFFFFFFF  }
0xa8: {  	s28 =	simm.s32 $_size_execute0_lowered;
	s4 =	sadd.s32 s4, s6;
	[dreg:$0x0] =	wrdreg $0x0  }
0xa9: {  	s6 =	sshll.u32 s28, $0x1;
	[dreg:$0x2] =	wrdreg s4  }
0xaa: {  	[dreg:$0x3] =	wrdreg s6  }
0xab: {  	[dreg:$0x4] =	wrdreg $0xC0  }
0xac: {  	_ =	task [dreg:s8], $0x5FFFF  }
0xad: {  	[dreg:$0x1] =	wrdreg $0xFFFFFFFF  }
0xae: {  	[dreg:$0x0] =	wrdreg $0x60  }
0xaf: {  	[dreg:$0x2] =	wrdreg s2  }
0xb0: {  	[dreg:$0x3] =	wrdreg s18  }
0xb1: {  	[dreg:$0x4] =	wrdreg s24  }
0xb2: {  	[dreg:$0x5] =	wrdreg $0x9  }
0xb3: {  	_ =	task.clear_ibuf [dreg:s8], $0x6FFFF;
	_ =	strace $0x90000046  }
0xb4: {  	s29 =	simm.s32 $0x9;
	_ =	strace $0x80000048  }
0xb5: {  	_ =	swait.ge [sflag:s29], $0x1  }
0xb6: {  	[sflag:s29] =	ssyncadd.s32 $0xFFFFFFFF  }
0xb7: {  	_ =	strace $0x90000048  }
0xb8: {  	_ =	sfence  }
0xb9: {  	s30 =	sld [smem:$0x0];
	_ =	sdelay $0x2  }
0xba: {  	s31 =	sshll.u32 s1, $0xD;
	s1 =	sshrl.u32 s1, $0x2  }
0xbb: {  	s3 =	sand.u32 $0x4000, s31;
	s1 =	sadd.s32 s1, s30  }
0xbc: {  	s0 =	sor.u32 s3, s0;
	s1 =	sshll.u32 s1, $0x11  }
0xbd: {  	s0 =	sor.u32 s1, s0  }
0xbe: {  	s0 =	sadd.s32 $0x8F2B, s0  }
0xbf: {  	[sflag:s0] =	ssyncadd.remote.s32 $0x1  }
0xc0: {  	_ =	sfence.sel $0xFFFF  }
0xc1: {  	[dreg:$0x0] =	wrdreg $0xFFFFFFFF;
	(pc) =	sbr.abs _section_cstart, $3  }
0xc2: {  	[dreg:$0x1] =	wrdreg $0xFFFFFFFF  }
0xc3: {  	_ =	task.clear_ibuf [dreg:s8], $0x2FFFF;
	_ =	strace $0x9FFFFFFF  }
0xc4: {  	(tm) =	ssettm $0x7FFFFFFF  }
0xc5: {  	_ =	shalt  }
tec
execute0_lowered:
.L_overlay_start_1:
0x0: {  	(tag) =	ssettag $0x1  }
0x1: {  	s0 =	rddreg [dreg:$0x0]  }
0x2: {  	s2 =	rddreg [dreg:$0x1]  }
0x3: {  	s1 =	rddreg [dreg:$0x2];
	s3 =	srdreg.scid  }
0x4: {  	s6 =	stileid.u32;
	s13 =	simm.s32 $0x380;
	s14 =	simm.s32 $0x400  }
0x5: {  	s15 =	simm.s32 $0x3800;
	s16 =	simm.s32 $0xE000;
	s17 =	simm.s32 $0x1  }
0x6: {  	s18 =	simm.s32 $0x7000;
	s19 =	simm.s32 $0xA800;
	s20 =	simm.s32 $0xF000  }
0x7: {  	s21 =	simm.s32 $0x10000;
	s22 =	simm.s32 $0x2;
	s24 =	simm.s32 $0x3  }
0x8: {  	s25 =	simm.s32 $0x0;
	s4 =	sand.u32 $0x1, s3;
	s3 =	simm.s32 $0x0  }
0x9: {  	s6 =	sshll.u32 s6, $0x1;
	s5 =	ssub.s32 $0x2, s4;
	[smem:$0x7FF] =	sst s3  }
0xa: {  	s6 =	sor.u32 s4, s6;
	s4 =	sadd.s32 $0x10, s0;
	s7 =	sshrl.u32 s5, $0x1  }
0xb: {  	_ =	strace $0x80000047;
	s10 =	sshll.u32 s6, $0x11;
	s29 =	sshll.u32 s6, $0xE  }
0xc: {  	s31 =	sshll.u32 s6, $0x3;
	s7 =	ssub.s32 s5, s7;
	s5 =	sadd.s32 $0x810, s0  }
0xd: {  	s8 =	sadd.s32 s10, s4;
	s9 =	sor.u32 $0x1000, s10;
	s11 =	sadd.s32 s1, s31  }
0xe: {  	v2 =	vlaneseq.u32;
	[dreg:$0x4] =	wrdreg s8;
	s30 =	sadd.s32 s10, s5;
	s8 =	sadd.s32 s2, s29  }
0xf: {  	v0 =	vimm.s32 $0x0;
	v1 =	vimm.s32 $0x1;
	v2 =	vmul.u32 $0x40, v2;
	s10 =	sor.u32 $0x2000, s10;
	s12 =	smax.u32 s7, $0x1;
	[dreg:$0x5] =	wrdreg s30  }
.LBB2_1:
0x10: {  	[tilespmem:$0x10000] =	vst v0  }
0x11: {  	[tilespmem:$0x10010] =	vst v0  }
0x12: {  	[tilespmem:$0x10020] =	vst v0  }
0x13: {  	[tilespmem:$0x10030] =	vst v0  }
0x14: {  	[tilespmem:$0x10040] =	vst v0  }
0x15: {  	[tilespmem:$0x10050] =	vst v0  }
0x16: {  	[tilespmem:$0x10060] =	vst v0  }
0x17: {  	[tilespmem:$0x10070] =	vst v0  }
0x18: {  	[tilespmem:$0x10080] =	vst v0  }
0x19: {  	[tilespmem:$0x10090] =	vst v0  }
0x1a: {  	[tilespmem:$0x100A0] =	vst v0  }
0x1b: {  	[tilespmem:$0x100B0] =	vst v0  }
0x1c: {  	[tilespmem:$0x100C0] =	vst v0  }
0x1d: {  	[tilespmem:$0x100D0] =	vst v0  }
0x1e: {  	[tilespmem:$0x100E0] =	vst v0  }
0x1f: {  	[tilespmem:$0x100F0] =	vst v0  }
0x20: {  	[tilespmem:$0x10100] =	vst v0  }
0x21: {  	[tilespmem:$0x10110] =	vst v0  }
0x22: {  	[tilespmem:$0x10120] =	vst v0  }
0x23: {  	[tilespmem:$0x10130] =	vst v0  }
0x24: {  	[tilespmem:$0x10140] =	vst v0  }
0x25: {  	[tilespmem:$0x10150] =	vst v0  }
0x26: {  	[tilespmem:$0x10160] =	vst v0  }
0x27: {  	[tilespmem:$0x10170] =	vst v0  }
0x28: {  	[tilespmem:$0x10180] =	vst v0  }
0x29: {  	[tilespmem:$0x10190] =	vst v0  }
0x2a: {  	[tilespmem:$0x101A0] =	vst v0  }
0x2b: {  	[tilespmem:$0x101B0] =	vst v0  }
0x2c: {  	[tilespmem:$0x101C0] =	vst v0  }
0x2d: {  	[tilespmem:$0x101D0] =	vst v0  }
0x2e: {  	[tilespmem:$0x101E0] =	vst v0  }
0x2f: {  	[tilespmem:$0x101F0] =	vst v0  }
0x30: {  	[tilespmem:$0x10200] =	vst v0  }
0x31: {  	[tilespmem:$0x10210] =	vst v0  }
0x32: {  	[tilespmem:$0x10220] =	vst v0  }
0x33: {  	[tilespmem:$0x10230] =	vst v0  }
0x34: {  	[tilespmem:$0x10240] =	vst v0  }
0x35: {  	[tilespmem:$0x10250] =	vst v0  }
0x36: {  	[tilespmem:$0x10260] =	vst v0  }
0x37: {  	[tilespmem:$0x10270] =	vst v0  }
0x38: {  	[tilespmem:$0x10280] =	vst v0  }
0x39: {  	[tilespmem:$0x10290] =	vst v0  }
0x3a: {  	[tilespmem:$0x102A0] =	vst v0  }
0x3b: {  	[tilespmem:$0x102B0] =	vst v0  }
0x3c: {  	[tilespmem:$0x102C0] =	vst v0  }
0x3d: {  	[tilespmem:$0x102D0] =	vst v0  }
0x3e: {  	[tilespmem:$0x102E0] =	vst v0  }
0x3f: {  	[tilespmem:$0x102F0] =	vst v0  }
0x40: {  	[tilespmem:$0x10300] =	vst v0  }
0x41: {  	[tilespmem:$0x10310] =	vst v0  }
0x42: {  	[tilespmem:$0x10320] =	vst v0  }
0x43: {  	[tilespmem:$0x10330] =	vst v0  }
0x44: {  	[tilespmem:$0x10340] =	vst v0  }
0x45: {  	[tilespmem:$0x10350] =	vst v0  }
0x46: {  	[tilespmem:$0x10360] =	vst v0  }
0x47: {  	[tilespmem:$0x10370] =	vst v0  }
0x48: {  	[tilespmem:$0x10380] =	vst v0  }
0x49: {  	[tilespmem:$0x10390] =	vst v0  }
0x4a: {  	[tilespmem:$0x103A0] =	vst v0  }
0x4b: {  	[tilespmem:$0x103B0] =	vst v0  }
0x4c: {  	[tilespmem:$0x103C0] =	vst v0  }
0x4d: {  	[tilespmem:$0x103D0] =	vst v0  }
0x4e: {  	[tilespmem:$0x103E0] =	vst v0  }
0x4f: {  	[tilespmem:$0x103F0] =	vst v0;
	s0 =	rddreg [dreg:$0x4]  }
0x50: {  	[tilespmem:s3], [sflag:$0x1] =	stream.strided.gather [hbm4b:s0+s13], $0x3800, s14, s13, $0x38;
	[tilespmem:$0x10440] =	vst v63  }
0x51: {  	s31 =	rddreg [dreg:$0x5]  }
0x52: {  	[tilespmem:s15], [sflag:$0x1] =	stream.strided.gather [hbm4b:s31+s13], $0x3800, s14, s13, $0x38;
	[tilespmem:$0x10440] =	vst v63  }
0x53: {  	s26 =	simm.s32 $0x0  }
0x54: {  	[tilespmem:s16], [sflag:$0x1] =	stream.linear.gather [hbm4b:s8+s3], $0x1000, $0x38;
	[tilespmem:$0x10440] =	vst v63  }
.LBB2_2:
0x55: {  	_ =	swait.ge [sflag:s17], $0x3800  }
0x56: {  	[sflag:s17] =	ssyncset.done $0x0  }
0x57: {  	[sflag:s17] =	ssyncadd.s32 $0xFFFFC800  }
0x58: {  	_ =	swait.ge [sflag:s17], $0x3800  }
0x59: {  	[sflag:s17] =	ssyncset.done $0x0  }
0x5a: {  	[sflag:s17] =	ssyncadd.s32 $0xFFFFC800  }
0x5b: {  	s0 =	sshll.u32 s26, $0xD;
	_ =	swait.ge [sflag:s17], $0x1000  }
0x5c: {  	s0 =	sadd.s32 s9, s0;
	[sflag:s17] =	ssyncset.done $0x0  }
0x5d: {  	s1 =	sadd.s32 s0, s4;
	[sflag:s17] =	ssyncadd.s32 $0xFFFFF000  }
0x5e: {  	[tilespmem:s18], [sflag:$0x2] =	stream.strided.gather [hbm4b:s1+s13], $0x3800, s14, s13, $0x38;
	[tilespmem:$0x10440] =	vst v63  }
0x5f: {  	s31 =	sadd.s32 s0, s5;
	s0 =	sshrl.u32 s0, $0x3  }
0x60: {  	[tilespmem:s19], [sflag:$0x2] =	stream.strided.gather [hbm4b:s31+s13], $0x3800, s14, s13, $0x38;
	[tilespmem:$0x10440] =	vst v63  }
0x61: {  	s28 =	simm.s32 $0x0;
	s0 =	sadd.s32 s2, s0  }
0x62: {  	[tilespmem:s20], [sflag:$0x2] =	stream.linear.gather [hbm4b:s0+s28], $0x1000, $0x38;
	[tilespmem:$0x10440] =	vst v63  }
.LBB2_3:
0x63: {  	s0 =	smul.u32 $0xE00, s28;
	_ =	sdelay $0x1  }
0x64: {  	s30 =	sshra.s32 s0, $0x2  }
0x65: {  	v3 =	vld [tilespmem:s30+$0x0]  }
0x66: {  	v4 =	vld [tilespmem:s30+$0x80];
	_ =	sdelay $0x1  }
0x67: {  	v5 =	vld [tilespmem:s30+$0x100];
	_ =	sdelay $0x1  }
0x68: {  	v6 =	vld [tilespmem:s30+$0x180]  }
0x69: {  	vm0 =	vgt.f32 v4, v3  }
0x6a: {  	v17 =	vld [tilespmem:s30+$0x200];
	v3 =	vsel vm0, v4, v3  }
0x6b: {  	vm1 =	vgt.f32 v5, v3  }
0x6c: {  	v18 =	vld [tilespmem:s30+$0x280];
	v3 =	vsel vm1, v5, v3  }
0x6d: {  	vm2 =	vgt.f32 v6, v3  }
0x6e: {  	v19 =	vld [tilespmem:s30+$0x300];
	v3 =	vsel vm2, v6, v3  }
0x6f: {  	s6 =	sshll.u32 s28, $0x7;
	vm3 =	vgt.f32 v17, v3  }
0x70: {  	s29 =	sand.u32 $0x3FFFFF80, s6;
	v7 =	vsel vm0, $0x2, v1;
	v3 =	vsel vm3, v17, v3  }
0x71: {  	v21 =	vld [tilespmem:s29+$0xE000];
	v20 =	vsel vm1, $0x3, v7;
	vm12 =	vgt.f32 v18, v3  }
0x72: {  	v4 =	vsel vm2, $0x4, v20;
	v3 =	vsel vm12, v18, v3  }
0x73: {  	v4 =	vsel vm3, $0x5, v4;
	vm13 =	vgt.f32 v19, v3  }
0x74: {  	v4 =	vsel vm12, $0x6, v4;
	v3 =	vsel vm13, v19, v3  }
0x75: {  	v4 =	vsel vm13, $0x7, v4;
	vm14 =	vgt.f32 v3, $5.000000000e-01  }
0x76: {  	v22 =	vshll.u32 v21, $0x3;
	v3 =	vnsel vm14, $0x0, v4  }
0x77: {  	v3 =	vadd.s32 v3, v22  }
0x78: {  	v3 =	vadd.s32 v2, v3;
	_ =	sdelay $0x4  }
0x79: {  	[tilespmem:v3+s21+$0x0] =	vst.idx.add.s32.msk $0xffff, v1  }
0x7a: {  	v3 =	vld [tilespmem:s30+$0x10]  }
0x7b: {  	v23 =	vld [tilespmem:s30+$0x90];
	_ =	sdelay $0x1  }
0x7c: {  	v24 =	vld [tilespmem:s30+$0x110];
	_ =	sdelay $0x1  }
0x7d: {  	v25 =	vld [tilespmem:s30+$0x190]  }
0x7e: {  	vm15 =	vgt.f32 v23, v3  }
0x7f: {  	v26 =	vld [tilespmem:s30+$0x210];
	v3 =	vsel vm15, v23, v3  }
0x80: {  	vm6 =	vgt.f32 v24, v3  }
0x81: {  	v27 =	vld [tilespmem:s30+$0x290];
	v3 =	vsel vm6, v24, v3  }
0x82: {  	vm7 =	vgt.f32 v25, v3  }
0x83: {  	v28 =	vld [tilespmem:s30+$0x310];
	v3 =	vsel vm7, v25, v3  }
0x84: {  	vm8 =	vgt.f32 v26, v3  }
0x85: {  	v29 =	vsel vm15, $0x2, v1;
	v3 =	vsel vm8, v26, v3  }
0x86: {  	v31 =	vld [tilespmem:s29+$0xE010];
	v30 =	vsel vm6, $0x3, v29;
	vm9 =	vgt.f32 v27, v3  }
0x87: {  	v4 =	vsel vm7, $0x4, v30;
	v3 =	vsel vm9, v27, v3  }
0x88: {  	v4 =	vsel vm8, $0x5, v4;
	vm10 =	vgt.f32 v28, v3  }
0x89: {  	v4 =	vsel vm9, $0x6, v4;
	v3 =	vsel vm10, v28, v3  }
0x8a: {  	v4 =	vsel vm10, $0x7, v4;
	vm11 =	vgt.f32 v3, $5.000000000e-01  }
0x8b: {  	v32 =	vshll.u32 v31, $0x3;
	v3 =	vnsel vm11, $0x0, v4  }
0x8c: {  	v3 =	vadd.s32 v3, v32  }
0x8d: {  	v3 =	vadd.s32 v2, v3;
	_ =	sdelay $0x4  }
0x8e: {  	[tilespmem:v3+s21+$0x0] =	vst.idx.add.s32.msk $0xffff, v1  }
0x8f: {  	v3 =	vld [tilespmem:s30+$0x20]  }
0x90: {  	v33 =	vld [tilespmem:s30+$0xA0];
	_ =	sdelay $0x1  }
0x91: {  	v34 =	vld [tilespmem:s30+$0x120];
	_ =	sdelay $0x1  }
0x92: {  	v35 =	vld [tilespmem:s30+$0x1A0]  }
0x93: {  	vm12 =	vgt.f32 v33, v3  }
0x94: {  	v36 =	vld [tilespmem:s30+$0x220];
	v3 =	vsel vm12, v33, v3  }
0x95: {  	vm13 =	vgt.f32 v34, v3  }
0x96: {  	v37 =	vld [tilespmem:s30+$0x2A0];
	v3 =	vsel vm13, v34, v3  }
0x97: {  	vm14 =	vgt.f32 v35, v3  }
0x98: {  	v38 =	vld [tilespmem:s30+$0x320];
	v3 =	vsel vm14, v35, v3  }
0x99: {  	vm15 =	vgt.f32 v36, v3  }
0x9a: {  	v39 =	vsel vm12, $0x2, v1;
	v3 =	vsel vm15, v36, v3  }
0x9b: {  	v41 =	vld [tilespmem:s29+$0xE020];
	v40 =	vsel vm13, $0x3, v39;
	vm5 =	vgt.f32 v37, v3  }
0x9c: {  	v4 =	vsel vm14, $0x4, v40;
	v3 =	vsel vm5, v37, v3  }
0x9d: {  	v4 =	vsel vm15, $0x5, v4;
	vm6 =	vgt.f32 v38, v3  }
0x9e: {  	v4 =	vsel vm5, $0x6, v4;
	v3 =	vsel vm6, v38, v3  }
0x9f: {  	v4 =	vsel vm6, $0x7, v4;
	vm7 =	vgt.f32 v3, $5.000000000e-01  }
0xa0: {  	v42 =	vshll.u32 v41, $0x3;
	v3 =	vnsel vm7, $0x0, v4  }
0xa1: {  	v3 =	vadd.s32 v3, v42  }
0xa2: {  	v3 =	vadd.s32 v2, v3;
	_ =	sdelay $0x4  }
0xa3: {  	[tilespmem:v3+s21+$0x0] =	vst.idx.add.s32.msk $0xffff, v1  }
0xa4: {  	v3 =	vld [tilespmem:s30+$0x30]  }
0xa5: {  	v43 =	vld [tilespmem:s30+$0xB0];
	_ =	sdelay $0x1  }
0xa6: {  	v44 =	vld [tilespmem:s30+$0x130]  }
0xa7: {  	s1 =	sor.u32 $0x1, s28  }
0xa8: {  	s7 =	smul.u32 $0xE00, s1;
	v45 =	vld [tilespmem:s30+$0x1B0]  }
0xa9: {  	vm8 =	vgt.f32 v43, v3  }
0xaa: {  	s0 =	sshra.s32 s7, $0x2;
	v46 =	vld [tilespmem:s30+$0x230];
	v3 =	vsel vm8, v43, v3  }
0xab: {  	v8 =	vld [tilespmem:s0+$0x0];
	vm9 =	vgt.f32 v44, v3  }
0xac: {  	v47 =	vld [tilespmem:s30+$0x2B0];
	v3 =	vsel vm9, v44, v3  }
0xad: {  	v48 =	vld [tilespmem:s0+$0x80];
	vm10 =	vgt.f32 v45, v3  }
0xae: {  	v9 =	vld [tilespmem:s30+$0x330];
	v3 =	vsel vm10, v45, v3  }
0xaf: {  	v49 =	vld [tilespmem:s0+$0x100];
	vm11 =	vgt.f32 v46, v3  }
0xb0: {  	v50 =	vld [tilespmem:s0+$0x180];
	v10 =	vsel vm8, $0x2, v1;
	v3 =	vsel vm11, v46, v3  }
0xb1: {  	v11 =	vld [tilespmem:s29+$0xE030];
	v10 =	vsel vm9, $0x3, v10;
	vm12 =	vgt.f32 v47, v3  }
0xb2: {  	vm13 =	vgt.f32 v48, v8;
	v10 =	vsel vm10, $0x4, v10;
	v3 =	vsel vm12, v47, v3  }
0xb3: {  	v52 =	vld [tilespmem:s0+$0x200];
	v51 =	vsel vm13, v48, v8;
	v53 =	vsel vm11, $0x5, v10;
	vm14 =	vgt.f32 v9, v3  }
0xb4: {  	vm15 =	vgt.f32 v49, v51;
	v8 =	vsel vm12, $0x6, v53;
	v3 =	vsel vm14, v9, v3  }
0xb5: {  	v54 =	vld [tilespmem:s0+$0x280];
	v4 =	vsel vm15, v49, v51;
	v8 =	vsel vm14, $0x7, v8;
	vm5 =	vgt.f32 v3, $5.000000000e-01  }
0xb6: {  	vm6 =	vgt.f32 v50, v4;
	v55 =	vshll.u32 v11, $0x3;
	v3 =	vnsel vm5, $0x0, v8  }
0xb7: {  	v56 =	vld [tilespmem:s0+$0x300];
	v4 =	vsel vm6, v50, v4;
	v3 =	vadd.s32 v3, v55  }
0xb8: {  	s1 =	sshll.u32 s1, $0x7;
	vm7 =	vgt.f32 v52, v4;
	v3 =	vadd.s32 v2, v3  }
0xb9: {  	s31 =	sand.u32 $0x3FFFFF80, s1;
	v57 =	vsel vm13, $0x2, v1;
	v4 =	vsel vm7, v52, v4  }
0xba: {  	v59 =	vld [tilespmem:s31+$0xE000];
	v58 =	vsel vm15, $0x3, v57;
	vm8 =	vgt.f32 v54, v4  }
0xbb: {  	v5 =	vsel vm6, $0x4, v58;
	v4 =	vsel vm8, v54, v4  }
0xbc: {  	v5 =	vsel vm7, $0x5, v5;
	vm9 =	vgt.f32 v56, v4  }
0xbd: {  	v5 =	vsel vm8, $0x6, v5;
	v4 =	vsel vm9, v56, v4;
	[tilespmem:v3+s21+$0x0] =	vst.idx.add.s32.msk $0xffff, v1  }
0xbe: {  	vm10 =	vgt.f32 v4, $5.000000000e-01;
	v3 =	vsel vm9, $0x7, v5;
	v60 =	vld [tilespmem:s30+$0x40]  }
0xbf: {  	v61 =	vshll.u32 v59, $0x3;
	v3 =	vnsel vm10, $0x0, v3;
	v62 =	vld [tilespmem:s30+$0xC0]  }
0xc0: {  	v3 =	vadd.s32 v3, v61  }
0xc1: {  	v63 =	vld [tilespmem:s30+$0x140];
	v3 =	vadd.s32 v2, v3;
	_ =	sdelay $0x1  }
0xc2: {  	v12 =	vld [tilespmem:s30+$0x1C0]  }
0xc3: {  	v13 =	vld [tilespmem:s30+$0x240];
	vm11 =	vgt.f32 v62, v60  }
0xc4: {  	v14 =	vld [tilespmem:s30+$0x2C0];
	v4 =	vsel vm11, v62, v60  }
0xc5: {  	[tilespmem:v3+s21+$0x0] =	vst.idx.add.s32.msk $0xffff, v1;
	vm12 =	vgt.f32 v63, v4  }
0xc6: {  	v3 =	vld [tilespmem:s0+$0x10];
	v4 =	vsel vm12, v63, v4  }
0xc7: {  	v15 =	vld [tilespmem:s0+$0x90];
	vm13 =	vgt.f32 v12, v4  }
0xc8: {  	v16 =	vld [tilespmem:s30+$0x340];
	v4 =	vsel vm13, v12, v4  }
0xc9: {  	v17 =	vld [tilespmem:s0+$0x110];
	vm14 =	vgt.f32 v13, v4  }
0xca: {  	v20 =	vld [tilespmem:s29+$0xE040];
	v18 =	vsel vm11, $0x2, v1;
	v4 =	vsel vm14, v13, v4  }
0xcb: {  	v19 =	vld [tilespmem:s0+$0x190];
	v10 =	vsel vm12, $0x3, v18;
	vm15 =	vgt.f32 v14, v4  }
0xcc: {  	v10 =	vsel vm13, $0x4, v10;
	vm6 =	vgt.f32 v15, v3;
	v4 =	vsel vm15, v14, v4  }
0xcd: {  	v21 =	vld [tilespmem:s0+$0x210];
	v22 =	vsel vm14, $0x5, v10;
	v3 =	vsel vm6, v15, v3;
	vm7 =	vgt.f32 v16, v4  }
0xce: {  	s6 =	sor.u32 $0x2, s28;
	v9 =	vsel vm15, $0x6, v22;
	vm8 =	vgt.f32 v17, v3;
	v4 =	vsel vm7, v16, v4  }
0xcf: {  	s23 =	smul.u32 $0xE00, s6;
	v23 =	vld [tilespmem:s0+$0x290];
	v3 =	vsel vm8, v17, v3;
	v24 =	vsel vm7, $0x7, v9;
	vm9 =	vgt.f32 v4, $5.000000000e-01  }
0xd0: {  	s7 =	sor.u32 $0x3, s28;
	v25 =	vshll.u32 v20, $0x3;
	vm10 =	vgt.f32 v19, v3;
	v4 =	vnsel vm9, $0x0, v24  }
0xd1: {  	s1 =	sshra.s32 s23, $0x2;
	s23 =	smul.u32 $0xE00, s7;
	v26 =	vld [tilespmem:s0+$0x310];
	v3 =	vsel vm10, v19, v3;
	v4 =	vadd.s32 v4, v25  }
0xd2: {  	vm11 =	vgt.f32 v21, v3;
	v4 =	vadd.s32 v2, v4  }
0xd3: {  	s23 =	sshra.s32 s23, $0x2;
	v3 =	vsel vm11, v21, v3  }
0xd4: {  	v57 =	vld [tilespmem:s23+$0x80];
	vm12 =	vgt.f32 v23, v3  }
0xd5: {  	v43 =	vld [tilespmem:s1+$0x0];
	v27 =	vsel vm6, $0x2, v1;
	v3 =	vsel vm12, v23, v3  }
0xd6: {  	v29 =	vld [tilespmem:s31+$0xE010];
	v28 =	vsel vm8, $0x3, v27;
	vm13 =	vgt.f32 v26, v3  }
0xd7: {  	v5 =	vsel vm10, $0x4, v28;
	v3 =	vsel vm13, v26, v3;
	[tilespmem:v4+s21+$0x0] =	vst.idx.add.s32.msk $0xffff, v1  }
0xd8: {  	v5 =	vsel vm11, $0x5, v5;
	vm14 =	vgt.f32 v3, $5.000000000e-01;
	v3 =	vld [tilespmem:s30+$0x50]  }
0xd9: {  	v5 =	vsel vm12, $0x6, v5;
	v32 =	vld [tilespmem:s30+$0xD0]  }
0xda: {  	s6 =	sshll.u32 s6, $0x7;
	v45 =	vld [tilespmem:s1+$0x80];
	v30 =	vsel vm13, $0x7, v5  }
0xdb: {  	s6 =	sand.u32 $0x3FFFFF80, s6;
	v31 =	vshll.u32 v29, $0x3;
	v4 =	vnsel vm14, $0x0, v30;
	v33 =	vld [tilespmem:s30+$0x150]  }
0xdc: {  	v63 =	vld [tilespmem:s6+$0xE000];
	v4 =	vadd.s32 v4, v31  }
0xdd: {  	v34 =	vld [tilespmem:s30+$0x1D0];
	v4 =	vadd.s32 v2, v4  }
0xde: {  	v35 =	vld [tilespmem:s30+$0x250];
	vm15 =	vgt.f32 v32, v3  }
0xdf: {  	v36 =	vld [tilespmem:s30+$0x2D0];
	v3 =	vsel vm15, v32, v3  }
0xe0: {  	v38 =	vld [tilespmem:s30+$0x350];
	vm6 =	vgt.f32 v33, v3  }
0xe1: {  	v40 =	vld [tilespmem:s29+$0xE050];
	v3 =	vsel vm6, v33, v3  }
0xe2: {  	[tilespmem:v4+s21+$0x0] =	vst.idx.add.s32.msk $0xffff, v1;
	vm7 =	vgt.f32 v34, v3  }
0xe3: {  	v4 =	vld [tilespmem:s0+$0x20];
	v3 =	vsel vm7, v34, v3  }
0xe4: {  	v37 =	vld [tilespmem:s0+$0xA0];
	vm8 =	vgt.f32 v35, v3  }
0xe5: {  	v39 =	vld [tilespmem:s0+$0x120];
	v3 =	vsel vm8, v35, v3  }
0xe6: {  	v17 =	vshll.u32 v63, $0x3;
	v41 =	vsel vm15, $0x2, v1;
	v52 =	vld [tilespmem:s31+$0xE020];
	vm9 =	vgt.f32 v36, v3  }
0xe7: {  	v50 =	vld [tilespmem:s1+$0x180];
	v11 =	vsel vm6, $0x3, v41;
	vm6 =	vgt.f32 v45, v43;
	v3 =	vsel vm9, v36, v3  }
0xe8: {  	v48 =	vshll.u32 v40, $0x3;
	v42 =	vld [tilespmem:s0+$0x1A0];
	v5 =	vsel vm6, v45, v43;
	vm11 =	vgt.f32 v38, v3  }
0xe9: {  	v12 =	vld [tilespmem:s0+$0x220];
	v60 =	vsel vm6, $0x2, v1;
	vm10 =	vgt.f32 v37, v4;
	v3 =	vsel vm11, v38, v3  }
0xea: {  	v11 =	vsel vm7, $0x4, v11;
	v4 =	vsel vm10, v37, v4;
	vm13 =	vgt.f32 v3, $5.000000000e-01;
	v3 =	vld [tilespmem:s1+$0x100]  }
0xeb: {  	v56 =	vld [tilespmem:s23+$0x0];
	v44 =	vsel vm8, $0x5, v11;
	v59 =	vshll.u32 v52, $0x3;
	vm12 =	vgt.f32 v39, v4  }
0xec: {  	v46 =	vld [tilespmem:s0+$0x2A0];
	v9 =	vsel vm9, $0x6, v44;
	v51 =	vsel vm10, $0x2, v1;
	v4 =	vsel vm12, v39, v4  }
0xed: {  	v53 =	vld [tilespmem:s1+$0x200];
	v47 =	vsel vm11, $0x7, v9;
	v10 =	vsel vm12, $0x3, v51;
	vm14 =	vgt.f32 v42, v4  }
0xee: {  	v49 =	vld [tilespmem:s0+$0x320];
	v7 =	vnsel vm13, $0x0, v47;
	v4 =	vsel vm14, v42, v4;
	v10 =	vsel vm14, $0x4, v10  }
0xef: {  	v7 =	vadd.s32 v7, v48;
	vm15 =	vgt.f32 v12, v4;
	vm8 =	vgt.f32 v3, v5  }
0xf0: {  	v54 =	vld [tilespmem:s1+$0x280];
	v4 =	vsel vm15, v12, v4;
	v10 =	vsel vm15, $0x5, v10;
	v3 =	vsel vm8, v3, v5  }
0xf1: {  	v7 =	vadd.s32 v2, v7;
	vm7 =	vgt.f32 v46, v4;
	vm10 =	vgt.f32 v50, v3  }
0xf2: {  	v55 =	vld [tilespmem:s1+$0x300];
	vm15 =	vgt.f32 v57, v56;
	v4 =	vsel vm7, v46, v4;
	v3 =	vsel vm10, v50, v3  }
0xf3: {  	v61 =	vld [tilespmem:s23+$0x100];
	v10 =	vsel vm7, $0x6, v10;
	vm9 =	vgt.f32 v49, v4;
	vm12 =	vgt.f32 v53, v3  }
0xf4: {  	v62 =	vsel vm8, $0x3, v60;
	v4 =	vsel vm9, v49, v4;
	v3 =	vsel vm12, v53, v3  }
0xf5: {  	v14 =	vld [tilespmem:s23+$0x180];
	v10 =	vsel vm9, $0x7, v10;
	vm11 =	vgt.f32 v4, $5.000000000e-01;
	vm13 =	vgt.f32 v54, v3  }
0xf6: {  	v18 =	vld [tilespmem:s23+$0x280];
	v58 =	vnsel vm11, $0x0, v10;
	v10 =	vsel vm10, $0x4, v62;
	v3 =	vsel vm13, v54, v3  }
0xf7: {  	s7 =	sshll.u32 s7, $0x7;
	v15 =	vld [tilespmem:s23+$0x200];
	v4 =	vsel vm15, v57, v56;
	v10 =	vsel vm12, $0x5, v10;
	vm14 =	vgt.f32 v55, v3  }
0xf8: {  	s7 =	sand.u32 $0x3FFFFF80, s7;
	v19 =	vld [tilespmem:s23+$0x300];
	vm6 =	vgt.f32 v61, v4;
	v10 =	vsel vm13, $0x6, v10;
	v3 =	vsel vm14, v55, v3  }
0xf9: {  	v23 =	vld [tilespmem:s7+$0xE000];
	v4 =	vsel vm6, v61, v4;
	v16 =	vsel vm14, $0x7, v10;
	vm5 =	vgt.f32 v3, $5.000000000e-01  }
0xfa: {  	[tilespmem:v7+s21+$0x0] =	vst.idx.add.s32.msk $0xffff, v1;
	v9 =	vadd.s32 v58, v59;
	vm7 =	vgt.f32 v14, v4;
	v7 =	vnsel vm5, $0x0, v16  }
0xfb: {  	v20 =	vld [tilespmem:s30+$0xE0];
	v9 =	vadd.s32 v2, v9;
	v6 =	vsel vm7, v14, v4;
	v7 =	vadd.s32 v7, v17  }
0xfc: {  	v32 =	vld [tilespmem:s30+$0x160];
	vm8 =	vgt.f32 v15, v6;
	v7 =	vadd.s32 v2, v7  }
0xfd: {  	v21 =	vsel vm15, $0x2, v1;
	v40 =	vld [tilespmem:s30+$0x1E0];
	v5 =	vsel vm8, v15, v6  }
0xfe: {  	v52 =	vld [tilespmem:s30+$0x260];
	v22 =	vsel vm6, $0x3, v21;
	vm9 =	vgt.f32 v18, v5  }
0xff: {  	v6 =	vsel vm7, $0x4, v22;
	v55 =	vld [tilespmem:s30+$0x2E0];
	v5 =	vsel vm9, v18, v5  }
0x100: {  	v6 =	vsel vm8, $0x5, v6;
	[tilespmem:v9+s21+$0x0] =	vst.idx.add.s32.msk $0xffff, v1;
	vm10 =	vgt.f32 v19, v5  }
0x101: {  	v6 =	vsel vm9, $0x6, v6;
	v5 =	vsel vm10, v19, v5;
	[tilespmem:v7+s21+$0x0] =	vst.idx.add.s32.msk $0xffff, v1  }
0x102: {  	v6 =	vsel vm10, $0x7, v6;
	vm11 =	vgt.f32 v5, $5.000000000e-01;
	v7 =	vld [tilespmem:s1+$0x10]  }
0x103: {  	v9 =	vshll.u32 v23, $0x3;
	v6 =	vnsel vm11, $0x0, v6;
	v25 =	vld [tilespmem:s1+$0x90]  }
0x104: {  	v24 =	vld [tilespmem:s0+$0x30];
	v6 =	vadd.s32 v6, v9  }
0x105: {  	v6 =	vadd.s32 v2, v6;
	v27 =	vld [tilespmem:s1+$0x110]  }
0x106: {  	v26 =	vld [tilespmem:s0+$0xB0]  }
0x107: {  	v29 =	vld [tilespmem:s1+$0x190]  }
0x108: {  	v13 =	vld [tilespmem:s1+$0x210];
	vm12 =	vgt.f32 v25, v7  }
0x109: {  	v30 =	vld [tilespmem:s1+$0x290];
	v7 =	vsel vm12, v25, v7  }
0x10a: {  	[tilespmem:v6+s21+$0x0] =	vst.idx.add.s32.msk $0xffff, v1;
	vm13 =	vgt.f32 v27, v7  }
0x10b: {  	v6 =	vld [tilespmem:s23+$0x10];
	v7 =	vsel vm13, v27, v7  }
0x10c: {  	v31 =	vld [tilespmem:s23+$0x90];
	vm14 =	vgt.f32 v29, v7  }
0x10d: {  	v14 =	vld [tilespmem:s1+$0x310];
	v7 =	vsel vm14, v29, v7  }
0x10e: {  	v34 =	vld [tilespmem:s23+$0x110];
	vm4 =	vgt.f32 v13, v7  }
0x10f: {  	vm15 =	vgt.f32 v26, v24;
	v16 =	vld [tilespmem:s6+$0xE010];
	v33 =	vsel vm12, $0x2, v1;
	v7 =	vsel vm4, v13, v7  }
0x110: {  	v5 =	vsel vm15, v26, v24;
	v35 =	vld [tilespmem:s23+$0x190];
	v11 =	vsel vm13, $0x3, v33;
	vm8 =	vgt.f32 v30, v7  }
0x111: {  	v28 =	vld [tilespmem:s0+$0x130];
	vm11 =	vgt.f32 v31, v6;
	v11 =	vsel vm14, $0x4, v11;
	v7 =	vsel vm8, v30, v7  }
0x112: {  	v36 =	vld [tilespmem:s23+$0x210];
	v6 =	vsel vm11, v31, v6;
	v11 =	vsel vm4, $0x5, v11;
	vm10 =	vgt.f32 v14, v7  }
0x113: {  	v3 =	vld [tilespmem:s30+$0x60];
	vm13 =	vgt.f32 v34, v6;
	v11 =	vsel vm8, $0x6, v11;
	v7 =	vsel vm10, v14, v7  }
0x114: {  	v39 =	vld [tilespmem:s23+$0x290];
	v6 =	vsel vm13, v34, v6;
	v11 =	vsel vm10, $0x7, v11;
	vm12 =	vgt.f32 v7, $5.000000000e-01  }
0x115: {  	v17 =	vld [tilespmem:s0+$0x1B0];
	v38 =	vshll.u32 v16, $0x3;
	vm14 =	vgt.f32 v35, v6;
	v7 =	vnsel vm12, $0x0, v11  }
0x116: {  	v15 =	vsel vm15, $0x2, v1;
	v41 =	vld [tilespmem:s23+$0x310];
	v6 =	vsel vm14, v35, v6;
	v7 =	vadd.s32 v7, v38  }
0x117: {  	v37 =	vld [tilespmem:s0+$0x230];
	vm9 =	vgt.f32 v28, v5;
	vm7 =	vgt.f32 v36, v6;
	v7 =	vadd.s32 v2, v7  }
0x118: {  	v43 =	vld [tilespmem:s0+$0x2B0];
	v5 =	vsel vm9, v28, v5;
	v45 =	vsel vm11, $0x2, v1;
	v6 =	vsel vm7, v36, v6  }
0x119: {  	v42 =	vsel vm9, $0x3, v15;
	v47 =	vld [tilespmem:s7+$0xE010];
	v46 =	vsel vm13, $0x3, v45;
	vm9 =	vgt.f32 v39, v6  }
0x11a: {  	v44 =	vld [tilespmem:s0+$0x330];
	vm15 =	vgt.f32 v17, v5;
	v10 =	vsel vm14, $0x4, v46;
	v6 =	vsel vm9, v39, v6  }
0x11b: {  	v48 =	vld [tilespmem:s31+$0xE030];
	v5 =	vsel vm15, v17, v5;
	v49 =	vsel vm7, $0x5, v10;
	vm10 =	vgt.f32 v41, v6  }
0x11c: {  	vm8 =	vgt.f32 v37, v5;
	v6 =	vsel vm10, v41, v6;
	[tilespmem:v7+s21+$0x0] =	vst.idx.add.s32.msk $0xffff, v1;
	v7 =	vsel vm9, $0x6, v49  }
0x11d: {  	v5 =	vsel vm8, v37, v5;
	vm12 =	vgt.f32 v6, $5.000000000e-01;
	v50 =	vld [tilespmem:s1+$0x20];
	v7 =	vsel vm10, $0x7, v7  }
0x11e: {  	v53 =	vshll.u32 v47, $0x3;
	vm11 =	vgt.f32 v43, v5;
	v51 =	vld [tilespmem:s1+$0xA0];
	v7 =	vnsel vm12, $0x0, v7  }
0x11f: {  	v26 =	vld [tilespmem:s30+$0x360];
	v9 =	vsel vm15, $0x4, v42;
	v5 =	vsel vm11, v43, v5;
	v7 =	vadd.s32 v7, v53  }
0x120: {  	v9 =	vsel vm8, $0x5, v9;
	vm13 =	vgt.f32 v44, v5;
	v54 =	vld [tilespmem:s1+$0x120];
	v56 =	vadd.s32 v2, v7  }
0x121: {  	v9 =	vsel vm11, $0x6, v9;
	v5 =	vsel vm13, v44, v5;
	v59 =	vld [tilespmem:s1+$0x1A0]  }
0x122: {  	v9 =	vsel vm13, $0x7, v9;
	vm14 =	vgt.f32 v5, $5.000000000e-01;
	v60 =	vld [tilespmem:s1+$0x220]  }
0x123: {  	v58 =	vshll.u32 v48, $0x3;
	v57 =	vnsel vm14, $0x0, v9;
	v61 =	vld [tilespmem:s1+$0x2A0];
	vm15 =	vgt.f32 v51, v50  }
0x124: {  	vm10 =	vgt.f32 v20, v3;
	v24 =	vld [tilespmem:s6+$0xE020];
	v7 =	vadd.s32 v57, v58;
	v8 =	vsel vm15, v51, v50  }
0x125: {  	v7 =	vadd.s32 v2, v7;
	vm8 =	vgt.f32 v54, v8;
	[tilespmem:v56+s21+$0x0] =	vst.idx.add.s32.msk $0xffff, v1  }
0x126: {  	v3 =	vsel vm10, v20, v3;
	v8 =	vsel vm8, v54, v8;
	v5 =	vld [tilespmem:s23+$0x20]  }
0x127: {  	vm13 =	vgt.f32 v32, v3;
	vm9 =	vgt.f32 v59, v8;
	v63 =	vld [tilespmem:s23+$0xA0]  }
0x128: {  	v62 =	vld [tilespmem:s1+$0x320];
	v23 =	vsel vm10, $0x2, v1;
	v3 =	vsel vm13, v32, v3;
	v8 =	vsel vm9, v59, v8  }
0x129: {  	v9 =	vsel vm13, $0x3, v23;
	vm10 =	vgt.f32 v40, v3;
	v22 =	vld [tilespmem:s23+$0x120];
	vm11 =	vgt.f32 v60, v8  }
0x12a: {  	v29 =	vshll.u32 v24, $0x3;
	v20 =	vsel vm15, $0x2, v1;
	[tilespmem:v7+s21+$0x0] =	vst.idx.add.s32.msk $0xffff, v1;
	v21 =	vsel vm11, v60, v8  }
0x12b: {  	v3 =	vsel vm10, v40, v3;
	v4 =	vsel vm8, $0x3, v20;
	v25 =	vld [tilespmem:s23+$0x1A0];
	vm12 =	vgt.f32 v61, v21  }
0x12c: {  	v27 =	vld [tilespmem:s23+$0x220];
	v4 =	vsel vm9, $0x4, v4;
	v7 =	vsel vm12, v61, v21;
	vm15 =	vgt.f32 v63, v5  }
0x12d: {  	v37 =	vld [tilespmem:s7+$0xE020];
	v4 =	vsel vm11, $0x5, v4;
	vm14 =	vgt.f32 v62, v7;
	v5 =	vsel vm15, v63, v5  }
0x12e: {  	v28 =	vld [tilespmem:s29+$0xE060];
	v4 =	vsel vm12, $0x6, v4;
	v7 =	vsel vm14, v62, v7;
	vm8 =	vgt.f32 v22, v5  }
0x12f: {  	v30 =	vld [tilespmem:s23+$0x2A0];
	v4 =	vsel vm14, $0x7, v4;
	vm7 =	vgt.f32 v7, $5.000000000e-01;
	v5 =	vsel vm8, v22, v5  }
0x130: {  	v9 =	vsel vm10, $0x4, v9;
	v32 =	vld [tilespmem:s23+$0x320];
	v4 =	vnsel vm7, $0x0, v4;
	vm9 =	vgt.f32 v25, v5  }
0x131: {  	v31 =	vld [tilespmem:s0+$0x40];
	vm12 =	vgt.f32 v52, v3;
	v4 =	vadd.s32 v4, v29;
	v5 =	vsel vm9, v25, v5  }
0x132: {  	v33 =	vld [tilespmem:s0+$0xC0];
	v44 =	vshll.u32 v37, $0x3;
	v4 =	vadd.s32 v2, v4;
	vm11 =	vgt.f32 v27, v5  }
0x133: {  	v34 =	vld [tilespmem:s0+$0x140];
	v35 =	vsel vm15, $0x2, v1;
	v3 =	vsel vm12, v52, v3;
	v5 =	vsel vm11, v27, v5  }
0x134: {  	v38 =	vld [tilespmem:s0+$0x1C0];
	vm15 =	vgt.f32 v55, v3;
	v36 =	vsel vm8, $0x3, v35;
	vm13 =	vgt.f32 v30, v5  }
0x135: {  	v43 =	vld [tilespmem:s0+$0x240];
	v3 =	vsel vm15, v55, v3;
	v13 =	vsel vm9, $0x4, v36;
	v5 =	vsel vm13, v30, v5  }
0x136: {  	v61 =	vld [tilespmem:s31+$0xE040];
	vm5 =	vgt.f32 v26, v3;
	v40 =	vsel vm11, $0x5, v13;
	vm14 =	vgt.f32 v32, v5  }
0x137: {  	vm7 =	vgt.f32 v33, v31;
	[tilespmem:v4+s21+$0x0] =	vst.idx.add.s32.msk $0xffff, v1;
	v4 =	vsel vm13, $0x6, v40;
	v5 =	vsel vm14, v32, v5  }
0x138: {  	v10 =	vsel vm7, v33, v31;
	v41 =	vld [tilespmem:s1+$0x30];
	v4 =	vsel vm14, $0x7, v4;
	vm4 =	vgt.f32 v5, $5.000000000e-01  }
0x139: {  	v3 =	vsel vm5, v26, v3;
	vm9 =	vgt.f32 v34, v10;
	v42 =	vld [tilespmem:s1+$0xB0];
	v4 =	vnsel vm4, $0x0, v4  }
0x13a: {  	vm6 =	vgt.f32 v3, $5.000000000e-01;
	v3 =	vld [tilespmem:s0+$0x2C0];
	v10 =	vsel vm9, v34, v10;
	v4 =	vadd.s32 v4, v44  }
0x13b: {  	v39 =	vsel vm12, $0x5, v9;
	vm11 =	vgt.f32 v38, v10;
	v45 =	vld [tilespmem:s1+$0x130];
	v4 =	vadd.s32 v2, v4  }
0x13c: {  	v15 =	vshll.u32 v28, $0x3;
	v54 =	vld [tilespmem:s0+$0x340];
	v8 =	vsel vm15, $0x6, v39;
	v6 =	vsel vm11, v38, v10  }
0x13d: {  	v8 =	vsel vm5, $0x7, v8;
	v50 =	vsel vm7, $0x2, v1;
	vm13 =	vgt.f32 v43, v6;
	v46 =	vld [tilespmem:s1+$0x1B0]  }
0x13e: {  	v16 =	vshll.u32 v61, $0x3;
	v47 =	vld [tilespmem:s1+$0x230];
	v5 =	vsel vm13, v43, v6;
	vm8 =	vgt.f32 v42, v41  }
0x13f: {  	v8 =	vnsel vm6, $0x0, v8;
	v48 =	vld [tilespmem:s1+$0x2B0];
	vm15 =	vgt.f32 v3, v5;
	v7 =	vsel vm8, v42, v41  }
0x140: {  	v51 =	vsel vm9, $0x3, v50;
	v3 =	vsel vm15, v3, v5;
	vm10 =	vgt.f32 v45, v7;
	[tilespmem:v4+s21+$0x0] =	vst.idx.add.s32.msk $0xffff, v1  }
0x141: {  	v55 =	vsel vm8, $0x2, v1;
	v7 =	vsel vm10, v45, v7;
	v4 =	vsel vm11, $0x4, v51;
	v52 =	vld [tilespmem:s23+$0x30]  }
0x142: {  	v57 =	vsel vm10, $0x3, v55;
	vm11 =	vgt.f32 v54, v3;
	vm12 =	vgt.f32 v46, v7;
	v53 =	vld [tilespmem:s23+$0xB0]  }
0x143: {  	v49 =	vld [tilespmem:s1+$0x330];
	v4 =	vsel vm13, $0x5, v4;
	v3 =	vsel vm11, v54, v3;
	v7 =	vsel vm12, v46, v7  }
0x144: {  	v56 =	vld [tilespmem:s23+$0x130];
	v4 =	vsel vm15, $0x6, v4;
	v5 =	vsel vm12, $0x4, v57;
	vm14 =	vgt.f32 v47, v7  }
0x145: {  	v58 =	vld [tilespmem:s6+$0xE030];
	vm13 =	vgt.f32 v3, $5.000000000e-01;
	v4 =	vsel vm11, $0x7, v4;
	v7 =	vsel vm14, v47, v7  }
0x146: {  	v59 =	vld [tilespmem:s23+$0x1B0];
	v5 =	vsel vm14, $0x5, v5;
	v4 =	vnsel vm13, $0x0, v4;
	vm6 =	vgt.f32 v48, v7  }
0x147: {  	v4 =	vadd.s32 v4, v16;
	v7 =	vsel vm6, v48, v7;
	vm8 =	vgt.f32 v53, v52  }
0x148: {  	v60 =	vld [tilespmem:s23+$0x230];
	v5 =	vsel vm6, $0x6, v5;
	vm7 =	vgt.f32 v49, v7;
	v10 =	vsel vm8, v53, v52  }
0x149: {  	v20 =	vadd.s32 v2, v4;
	v7 =	vsel vm7, v49, v7;
	vm10 =	vgt.f32 v56, v10  }
0x14a: {  	v63 =	vld [tilespmem:s23+$0x2B0];
	v5 =	vsel vm7, $0x7, v5;
	vm9 =	vgt.f32 v7, $5.000000000e-01;
	v10 =	vsel vm10, v56, v10  }
0x14b: {  	v62 =	vshll.u32 v58, $0x3;
	v5 =	vnsel vm9, $0x0, v5;
	vm12 =	vgt.f32 v59, v10  }
0x14c: {  	v8 =	vadd.s32 v8, v15;
	v15 =	vld [tilespmem:s23+$0x330];
	v5 =	vadd.s32 v5, v62;
	v13 =	vsel vm12, v59, v10  }
0x14d: {  	v5 =	vadd.s32 v2, v5;
	vm14 =	vgt.f32 v60, v13  }
0x14e: {  	v18 =	vld [tilespmem:s7+$0xE030];
	v3 =	vsel vm8, $0x2, v1;
	v6 =	vsel vm14, v60, v13  }
0x14f: {  	v17 =	vsel vm10, $0x3, v3;
	[tilespmem:v20+s21+$0x0] =	vst.idx.add.s32.msk $0xffff, v1;
	vm15 =	vgt.f32 v63, v6  }
0x150: {  	v19 =	vsel vm12, $0x4, v17;
	v31 =	vld [tilespmem:s0+$0x50];
	v6 =	vsel vm15, v63, v6  }
0x151: {  	v36 =	vld [tilespmem:s0+$0xD0];
	v21 =	vsel vm14, $0x5, v19;
	vm4 =	vgt.f32 v15, v6  }
0x152: {  	v4 =	vsel vm15, $0x6, v21;
	[tilespmem:v5+s21+$0x0] =	vst.idx.add.s32.msk $0xffff, v1;
	v6 =	vsel vm4, v15, v6  }
0x153: {  	v23 =	vsel vm4, $0x7, v4;
	v5 =	vld [tilespmem:s1+$0x40];
	vm5 =	vgt.f32 v6, $5.000000000e-01  }
0x154: {  	v24 =	vshll.u32 v18, $0x3;
	v22 =	vld [tilespmem:s1+$0xC0];
	v6 =	vnsel vm5, $0x0, v23  }
0x155: {  	v25 =	vld [tilespmem:s1+$0x140];
	v6 =	vadd.s32 v6, v24  }
0x156: {  	v26 =	vld [tilespmem:s1+$0x1C0];
	v6 =	vadd.s32 v2, v6  }
0x157: {  	v27 =	vld [tilespmem:s1+$0x240]  }
0x158: {  	v28 =	vld [tilespmem:s1+$0x2C0]  }
0x159: {  	v29 =	vld [tilespmem:s1+$0x340];
	vm6 =	vgt.f32 v22, v5  }
0x15a: {  	v8 =	vadd.s32 v2, v8;
	v34 =	vld [tilespmem:s6+$0xE040];
	v5 =	vsel vm6, v22, v5  }
0x15b: {  	vm7 =	vgt.f32 v25, v5;
	[tilespmem:v6+s21+$0x0] =	vst.idx.add.s32.msk $0xffff, v1  }
0x15c: {  	v5 =	vsel vm7, v25, v5;
	v6 =	vld [tilespmem:s23+$0x40]  }
0x15d: {  	v32 =	vsel vm6, $0x2, v1;
	vm8 =	vgt.f32 v26, v5;
	v30 =	vld [tilespmem:s23+$0xC0]  }
0x15e: {  	v12 =	vsel vm7, $0x3, v32;
	v48 =	vld [tilespmem:s7+$0xE040];
	v5 =	vsel vm8, v26, v5  }
0x15f: {  	[tilespmem:v8+s21+$0x0] =	vst.idx.add.s32.msk $0xffff, v1;
	v12 =	vsel vm8, $0x4, v12;
	vm9 =	vgt.f32 v27, v5  }
0x160: {  	v33 =	vld [tilespmem:s23+$0x140];
	v5 =	vsel vm9, v27, v5;
	v12 =	vsel vm9, $0x5, v12;
	vm9 =	vgt.f32 v36, v31  }
0x161: {  	v38 =	vld [tilespmem:s0+$0x150];
	v39 =	vshll.u32 v34, $0x3;
	vm10 =	vgt.f32 v28, v5;
	v46 =	vsel vm9, v36, v31  }
0x162: {  	v35 =	vld [tilespmem:s23+$0x1C0];
	v56 =	vsel vm9, $0x2, v1;
	v5 =	vsel vm10, v28, v5;
	vm12 =	vgt.f32 v30, v6  }
0x163: {  	v41 =	vld [tilespmem:s0+$0x1D0];
	v12 =	vsel vm10, $0x6, v12;
	v55 =	vshll.u32 v48, $0x3;
	vm11 =	vgt.f32 v29, v5  }
0x164: {  	v37 =	vld [tilespmem:s23+$0x240];
	v6 =	vsel vm12, v30, v6;
	v45 =	vsel vm12, $0x2, v1;
	v5 =	vsel vm11, v29, v5  }
0x165: {  	v43 =	vld [tilespmem:s0+$0x250];
	v12 =	vsel vm11, $0x7, v12;
	vm14 =	vgt.f32 v33, v6;
	vm13 =	vgt.f32 v5, $5.000000000e-01  }
0x166: {  	v40 =	vld [tilespmem:s23+$0x2C0];
	vm11 =	vgt.f32 v38, v46;
	v6 =	vsel vm14, v33, v6;
	v5 =	vnsel vm13, $0x0, v12  }
0x167: {  	v44 =	vld [tilespmem:s0+$0x2D0];
	v47 =	vsel vm14, $0x3, v45;
	vm15 =	vgt.f32 v35, v6;
	v5 =	vadd.s32 v5, v39  }
0x168: {  	v42 =	vld [tilespmem:s23+$0x340];
	v8 =	vsel vm11, v38, v46;
	v6 =	vsel vm15, v35, v6;
	v5 =	vadd.s32 v2, v5  }
0x169: {  	v3 =	vld [tilespmem:s30+$0x70];
	v58 =	vsel vm11, $0x3, v56;
	vm13 =	vgt.f32 v41, v8;
	vm8 =	vgt.f32 v37, v6  }
0x16a: {  	v49 =	vld [tilespmem:s0+$0x350];
	v10 =	vsel vm15, $0x4, v47;
	v52 =	vsel vm13, v41, v8;
	v6 =	vsel vm8, v37, v6  }
0x16b: {  	v59 =	vld [tilespmem:s31+$0xE050];
	vm15 =	vgt.f32 v43, v52;
	v50 =	vsel vm8, $0x5, v10;
	vm10 =	vgt.f32 v40, v6  }
0x16c: {  	v4 =	vld [tilespmem:s30+$0xF0];
	v7 =	vsel vm15, v43, v52;
	v10 =	vsel vm13, $0x4, v58;
	v6 =	vsel vm10, v40, v6  }
0x16d: {  	vm4 =	vgt.f32 v44, v7;
	v10 =	vsel vm15, $0x5, v10;
	vm12 =	vgt.f32 v42, v6;
	[tilespmem:v5+s21+$0x0] =	vst.idx.add.s32.msk $0xffff, v1  }
0x16e: {  	v7 =	vsel vm4, v44, v7;
	v5 =	vsel vm10, $0x6, v50;
	v6 =	vsel vm12, v42, v6;
	v51 =	vld [tilespmem:s1+$0x50]  }
0x16f: {  	vm5 =	vgt.f32 v49, v7;
	v53 =	vld [tilespmem:s1+$0xD0];
	v54 =	vsel vm12, $0x7, v5;
	vm14 =	vgt.f32 v6, $5.000000000e-01  }
0x170: {  	v10 =	vsel vm4, $0x6, v10;
	v7 =	vsel vm5, v49, v7;
	v5 =	vld [tilespmem:s30+$0x170];
	v6 =	vnsel vm14, $0x0, v54  }
0x171: {  	v10 =	vsel vm5, $0x7, v10;
	v57 =	vld [tilespmem:s1+$0x150];
	vm7 =	vgt.f32 v7, $5.000000000e-01;
	v6 =	vadd.s32 v6, v55  }
0x172: {  	v11 =	vshll.u32 v59, $0x3;
	v60 =	vld [tilespmem:s1+$0x1D0];
	v10 =	vnsel vm7, $0x0, v10;
	v6 =	vadd.s32 v2, v6  }
0x173: {  	v61 =	vld [tilespmem:s1+$0x250];
	v18 =	vadd.s32 v10, v11  }
0x174: {  	v62 =	vld [tilespmem:s1+$0x2D0];
	v11 =	vadd.s32 v2, v18  }
0x175: {  	v63 =	vld [tilespmem:s1+$0x350]  }
0x176: {  	v23 =	vld [tilespmem:s6+$0xE050]  }
0x177: {  	vm6 =	vgt.f32 v53, v51;
	[tilespmem:v6+s21+$0x0] =	vst.idx.add.s32.msk $0xffff, v1  }
0x178: {  	v8 =	vsel vm6, v53, v51;
	v6 =	vld [tilespmem:s30+$0x1F0]  }
0x179: {  	vm8 =	vgt.f32 v57, v8;
	[tilespmem:v11+s21+$0x0] =	vst.idx.add.s32.msk $0xffff, v1  }
0x17a: {  	v8 =	vsel vm8, v57, v8;
	v19 =	vld [tilespmem:s23+$0x50]  }
0x17b: {  	vm9 =	vgt.f32 v60, v8;
	v20 =	vld [tilespmem:s23+$0xD0]  }
0x17c: {  	v22 =	vld [tilespmem:s23+$0x150];
	v8 =	vsel vm9, v60, v8  }
0x17d: {  	v24 =	vld [tilespmem:s23+$0x1D0];
	vm10 =	vgt.f32 v61, v8  }
0x17e: {  	v21 =	vsel vm6, $0x2, v1;
	v27 =	vld [tilespmem:s23+$0x250];
	v8 =	vsel vm10, v61, v8  }
0x17f: {  	v13 =	vsel vm8, $0x3, v21;
	v28 =	vld [tilespmem:s0+$0x60];
	vm11 =	vgt.f32 v62, v8  }
0x180: {  	v30 =	vld [tilespmem:s23+$0x2D0];
	v13 =	vsel vm9, $0x4, v13;
	v8 =	vsel vm11, v62, v8;
	vm13 =	vgt.f32 v20, v19  }
0x181: {  	v31 =	vld [tilespmem:s0+$0xE0];
	v25 =	vsel vm10, $0x5, v13;
	vm12 =	vgt.f32 v63, v8;
	v26 =	vsel vm13, v20, v19  }
0x182: {  	v32 =	vld [tilespmem:s23+$0x350];
	v11 =	vsel vm11, $0x6, v25;
	v7 =	vsel vm12, v63, v8;
	vm15 =	vgt.f32 v22, v26  }
0x183: {  	v33 =	vld [tilespmem:s0+$0x160];
	v11 =	vsel vm12, $0x7, v11;
	vm14 =	vgt.f32 v7, $5.000000000e-01;
	v8 =	vsel vm15, v22, v26  }
0x184: {  	v29 =	vshll.u32 v23, $0x3;
	v34 =	vld [tilespmem:s0+$0x1E0];
	v7 =	vnsel vm14, $0x0, v11;
	vm6 =	vgt.f32 v24, v8  }
0x185: {  	v37 =	vld [tilespmem:s7+$0xE050];
	v7 =	vadd.s32 v7, v29;
	v8 =	vsel vm6, v24, v8  }
0x186: {  	v38 =	vld [tilespmem:s0+$0x260];
	v7 =	vadd.s32 v2, v7;
	vm7 =	vgt.f32 v27, v8  }
0x187: {  	v43 =	vld [tilespmem:s0+$0x2E0];
	v35 =	vsel vm13, $0x2, v1;
	v8 =	vsel vm7, v27, v8  }
0x188: {  	v46 =	vld [tilespmem:s0+$0x360];
	v36 =	vsel vm15, $0x3, v35;
	vm8 =	vgt.f32 v30, v8  }
0x189: {  	v48 =	vld [tilespmem:s31+$0xE060];
	v10 =	vsel vm6, $0x4, v36;
	v8 =	vsel vm8, v30, v8  }
0x18a: {  	v61 =	vld [tilespmem:s30+$0x270];
	vm10 =	vgt.f32 v31, v28;
	v39 =	vsel vm7, $0x5, v10;
	vm9 =	vgt.f32 v32, v8  }
0x18b: {  	v41 =	vsel vm10, v31, v28;
	[tilespmem:v7+s21+$0x0] =	vst.idx.add.s32.msk $0xffff, v1;
	v7 =	vsel vm8, $0x6, v39;
	v8 =	vsel vm9, v32, v8  }
0x18c: {  	v20 =	vld [tilespmem:s30+$0x370];
	vm12 =	vgt.f32 v33, v41;
	v7 =	vsel vm9, $0x7, v7;
	vm11 =	vgt.f32 v8, $5.000000000e-01  }
0x18d: {  	v44 =	vshll.u32 v37, $0x3;
	v9 =	vsel vm12, v33, v41;
	v40 =	vld [tilespmem:s1+$0x60];
	v7 =	vnsel vm11, $0x0, v7  }
0x18e: {  	vm13 =	vgt.f32 v34, v9;
	v42 =	vld [tilespmem:s1+$0xE0];
	v7 =	vadd.s32 v7, v44  }
0x18f: {  	v9 =	vsel vm13, v34, v9;
	v45 =	vld [tilespmem:s1+$0x160];
	v7 =	vadd.s32 v2, v7  }
0x190: {  	vm14 =	vgt.f32 v38, v9;
	v47 =	vld [tilespmem:s1+$0x1E0]  }
0x191: {  	v9 =	vsel vm14, v38, v9;
	v58 =	vld [tilespmem:s6+$0xE060]  }
0x192: {  	v59 =	vshll.u32 v48, $0x3;
	v49 =	vsel vm10, $0x2, v1;
	vm7 =	vgt.f32 v43, v9;
	v50 =	vld [tilespmem:s1+$0x260]  }
0x193: {  	v16 =	vsel vm12, $0x3, v49;
	v51 =	vld [tilespmem:s1+$0x2E0];
	v8 =	vsel vm7, v43, v9;
	vm15 =	vgt.f32 v42, v40  }
0x194: {  	v52 =	vsel vm13, $0x4, v16;
	vm9 =	vgt.f32 v46, v8;
	v10 =	vsel vm15, v42, v40;
	[tilespmem:v7+s21+$0x0] =	vst.idx.add.s32.msk $0xffff, v1  }
0x195: {  	v53 =	vsel vm14, $0x5, v52;
	v8 =	vsel vm9, v46, v8;
	vm8 =	vgt.f32 v45, v10;
	v55 =	vld [tilespmem:s23+$0x60]  }
0x196: {  	vm11 =	vgt.f32 v8, $5.000000000e-01;
	v12 =	vshll.u32 v58, $0x3;
	v10 =	vsel vm8, v45, v10;
	v56 =	vld [tilespmem:s23+$0xE0]  }
0x197: {  	v54 =	vld [tilespmem:s1+$0x360];
	v57 =	vsel vm15, $0x2, v1;
	v7 =	vsel vm7, $0x6, v53;
	vm10 =	vgt.f32 v47, v10  }
0x198: {  	v13 =	vsel vm8, $0x3, v57;
	v7 =	vsel vm9, $0x7, v7;
	v60 =	vld [tilespmem:s23+$0x160];
	v10 =	vsel vm10, v47, v10  }
0x199: {  	v62 =	vld [tilespmem:s23+$0x1E0];
	v7 =	vnsel vm11, $0x0, v7;
	v13 =	vsel vm10, $0x4, v13;
	vm11 =	vgt.f32 v4, v3  }
0x19a: {  	v29 =	vld [tilespmem:s7+$0xE060];
	vm12 =	vgt.f32 v50, v10;
	v7 =	vadd.s32 v7, v59;
	v3 =	vsel vm11, v4, v3  }
0x19b: {  	v63 =	vld [tilespmem:s30+$0x2F0];
	v10 =	vsel vm12, v50, v10;
	v7 =	vadd.s32 v2, v7;
	vm15 =	vgt.f32 v56, v55  }
0x19c: {  	v19 =	vld [tilespmem:s23+$0x260];
	v24 =	vsel vm11, $0x2, v1;
	vm13 =	vgt.f32 v51, v10;
	v8 =	vsel vm15, v56, v55  }
0x19d: {  	v21 =	vld [tilespmem:s23+$0x2E0];
	v13 =	vsel vm12, $0x5, v13;
	v10 =	vsel vm13, v51, v10;
	vm9 =	vgt.f32 v60, v8  }
0x19e: {  	v23 =	vld [tilespmem:s23+$0x360];
	v13 =	vsel vm13, $0x6, v13;
	vm13 =	vgt.f32 v5, v3;
	v8 =	vsel vm9, v60, v8  }
0x19f: {  	v35 =	vshll.u32 v29, $0x3;
	v51 =	vld [tilespmem:s29+$0xE070];
	vm14 =	vgt.f32 v54, v10;
	vm10 =	vgt.f32 v62, v8  }
0x1a0: {  	v27 =	vsel vm15, $0x2, v1;
	v9 =	vsel vm14, v54, v10;
	[tilespmem:v7+s21+$0x0] =	vst.idx.add.s32.msk $0xffff, v1;
	v8 =	vsel vm10, v62, v8  }
0x1a1: {  	v13 =	vsel vm14, $0x7, v13;
	vm8 =	vgt.f32 v9, $5.000000000e-01;
	v25 =	vld [tilespmem:s0+$0x70];
	vm12 =	vgt.f32 v19, v8  }
0x1a2: {  	v3 =	vsel vm13, v5, v3;
	v13 =	vnsel vm8, $0x0, v13;
	v26 =	vld [tilespmem:s0+$0xF0];
	v8 =	vsel vm12, v19, v8  }
0x1a3: {  	v28 =	vsel vm9, $0x3, v27;
	v31 =	vld [tilespmem:s0+$0x170];
	v12 =	vadd.s32 v13, v12;
	vm14 =	vgt.f32 v21, v8  }
0x1a4: {  	v32 =	vld [tilespmem:s0+$0x1F0];
	v5 =	vsel vm10, $0x4, v28;
	v22 =	vadd.s32 v2, v12;
	v30 =	vsel vm14, v21, v8  }
0x1a5: {  	vm15 =	vgt.f32 v6, v3;
	v33 =	vld [tilespmem:s0+$0x270];
	v5 =	vsel vm12, $0x5, v5;
	vm7 =	vgt.f32 v23, v30  }
0x1a6: {  	v3 =	vsel vm15, v6, v3;
	v34 =	vld [tilespmem:s0+$0x2F0];
	v5 =	vsel vm14, $0x6, v5;
	v7 =	vsel vm7, v23, v30  }
0x1a7: {  	vm8 =	vgt.f32 v61, v3;
	v38 =	vld [tilespmem:s0+$0x370];
	v5 =	vsel vm7, $0x7, v5;
	vm9 =	vgt.f32 v7, $5.000000000e-01  }
0x1a8: {  	v4 =	vsel vm13, $0x3, v24;
	v55 =	vld [tilespmem:s31+$0xE070];
	v3 =	vsel vm8, v61, v3;
	v5 =	vnsel vm9, $0x0, v5  }
0x1a9: {  	v4 =	vsel vm15, $0x4, v4;
	vm10 =	vgt.f32 v26, v25;
	[tilespmem:v22+s21+$0x0] =	vst.idx.add.s32.msk $0xffff, v1;
	v5 =	vadd.s32 v5, v35  }
0x1aa: {  	vm11 =	vgt.f32 v63, v3;
	v9 =	vsel vm10, v26, v25;
	v36 =	vld [tilespmem:s1+$0x70];
	v5 =	vadd.s32 v2, v5  }
0x1ab: {  	v4 =	vsel vm8, $0x5, v4;
	v3 =	vsel vm11, v63, v3;
	vm12 =	vgt.f32 v31, v9;
	v37 =	vld [tilespmem:s1+$0xF0]  }
0x1ac: {  	v4 =	vsel vm11, $0x6, v4;
	vm13 =	vgt.f32 v20, v3;
	v8 =	vsel vm12, v31, v9;
	v57 =	vld [tilespmem:s6+$0xE070]  }
0x1ad: {  	v3 =	vsel vm13, v20, v3;
	v4 =	vsel vm13, $0x7, v4;
	v39 =	vld [tilespmem:s1+$0x170];
	vm14 =	vgt.f32 v32, v8  }
0x1ae: {  	v61 =	vshll.u32 v55, $0x3;
	vm15 =	vgt.f32 v3, $5.000000000e-01;
	v40 =	vld [tilespmem:s1+$0x1F0];
	v6 =	vsel vm14, v32, v8  }
0x1af: {  	v41 =	vsel vm10, $0x2, v1;
	v4 =	vnsel vm15, $0x0, v4;
	vm8 =	vgt.f32 v33, v6;
	[tilespmem:v5+s21+$0x0] =	vst.idx.add.s32.msk $0xffff, v1  }
0x1b0: {  	v42 =	vsel vm12, $0x3, v41;
	v6 =	vsel vm8, v33, v6;
	vm9 =	vgt.f32 v37, v36;
	v44 =	vld [tilespmem:s23+$0x70]  }
0x1b1: {  	vm10 =	vgt.f32 v34, v6;
	v62 =	vshll.u32 v57, $0x3;
	v43 =	vsel vm9, v37, v36;
	v45 =	vld [tilespmem:s23+$0xF0]  }
0x1b2: {  	v3 =	vld [tilespmem:s1+$0x270];
	v6 =	vsel vm10, v34, v6;
	v52 =	vsel vm9, $0x2, v1;
	vm11 =	vgt.f32 v39, v43  }
0x1b3: {  	vm12 =	vgt.f32 v38, v6;
	v5 =	vsel vm14, $0x4, v42;
	v9 =	vsel vm11, v39, v43;
	v47 =	vld [tilespmem:s23+$0x170]  }
0x1b4: {  	v46 =	vld [tilespmem:s1+$0x2F0];
	v6 =	vsel vm12, v38, v6;
	v53 =	vsel vm11, $0x3, v52;
	v5 =	vsel vm8, $0x5, v5  }
0x1b5: {  	vm13 =	vgt.f32 v40, v9;
	vm14 =	vgt.f32 v6, $5.000000000e-01;
	v50 =	vld [tilespmem:s23+$0x1F0];
	v5 =	vsel vm10, $0x6, v5  }
0x1b6: {  	v48 =	vld [tilespmem:s1+$0x370];
	v49 =	vsel vm13, v40, v9;
	v6 =	vsel vm13, $0x4, v53;
	vm6 =	vgt.f32 v45, v44  }
0x1b7: {  	v54 =	vld [tilespmem:s23+$0x270];
	v9 =	vshll.u32 v51, $0x3;
	v5 =	vsel vm12, $0x7, v5;
	v7 =	vsel vm6, v45, v44  }
0x1b8: {  	vm15 =	vgt.f32 v3, v49;
	v4 =	vadd.s32 v4, v9;
	vm8 =	vgt.f32 v47, v7  }
0x1b9: {  	v56 =	vld [tilespmem:s23+$0x2F0];
	v5 =	vnsel vm14, $0x0, v5;
	v3 =	vsel vm15, v3, v49;
	v7 =	vsel vm8, v47, v7  }
0x1ba: {  	v6 =	vsel vm15, $0x5, v6;
	vm7 =	vgt.f32 v46, v3;
	vm10 =	vgt.f32 v50, v7  }
0x1bb: {  	v59 =	vld [tilespmem:s23+$0x370];
	v4 =	vadd.s32 v2, v4;
	v3 =	vsel vm7, v46, v3;
	v7 =	vsel vm10, v50, v7  }
0x1bc: {  	v5 =	vadd.s32 v5, v61;
	vm9 =	vgt.f32 v48, v3;
	vm12 =	vgt.f32 v54, v7  }
0x1bd: {  	v58 =	vsel vm6, $0x2, v1;
	v3 =	vsel vm9, v48, v3;
	v7 =	vsel vm12, v54, v7  }
0x1be: {  	v60 =	vld [tilespmem:s7+$0xE070];
	vm11 =	vgt.f32 v3, $5.000000000e-01;
	v3 =	vsel vm8, $0x3, v58;
	vm13 =	vgt.f32 v56, v7  }
0x1bf: {  	v6 =	vsel vm7, $0x6, v6;
	v3 =	vsel vm10, $0x4, v3;
	v7 =	vsel vm13, v56, v7  }
0x1c0: {  	v5 =	vadd.s32 v2, v5;
	v3 =	vsel vm12, $0x5, v3;
	vm14 =	vgt.f32 v59, v7  }
0x1c1: {  	v6 =	vsel vm9, $0x7, v6;
	v3 =	vsel vm13, $0x6, v3;
	v7 =	vsel vm14, v59, v7  }
0x1c2: {  	v6 =	vnsel vm11, $0x0, v6;
	v3 =	vsel vm14, $0x7, v3;
	vm15 =	vgt.f32 v7, $5.000000000e-01  }
0x1c3: {  	v63 =	vshll.u32 v60, $0x3;
	v6 =	vadd.s32 v6, v62;
	v3 =	vnsel vm15, $0x0, v3  }
0x1c4: {  	v6 =	vadd.s32 v2, v6;
	v3 =	vadd.s32 v3, v63  }
0x1c5: {  	p0 =	slt.u32 s28, $0x1C;
	v3 =	vadd.s32 v2, v3  }
.Ltmp0:
0x1c6: {  	_ = 	snop;
	(pc) =	sbr.rel @p0 .LBB2_3-.Ltmp0, $4  }
0x1c7: {  	[tilespmem:v4+s21+$0x0] =	vst.idx.add.s32.msk $0xffff, v1  }
0x1c8: {  	[tilespmem:v5+s21+$0x0] =	vst.idx.add.s32.msk $0xffff, v1  }
0x1c9: {  	s31 =	sadd.s32 $0x4, s28;
	[tilespmem:v6+s21+$0x0] =	vst.idx.add.s32.msk $0xffff, v1  }
0x1ca: {  	s28 =	smov.u32 s31;
	[tilespmem:v3+s21+$0x0] =	vst.idx.add.s32.msk $0xffff, v1  }
0x1cb: {  	_ =	swait.ge [sflag:s22], $0x3800  }
0x1cc: {  	[sflag:s22] =	ssyncset.done $0x0  }
0x1cd: {  	[sflag:s22] =	ssyncadd.s32 $0xFFFFC800  }
0x1ce: {  	_ =	swait.ge [sflag:s22], $0x3800  }
0x1cf: {  	s0 =	sshll.u32 s26, $0x1;
	[sflag:s22] =	ssyncset.done $0x0  }
0x1d0: {  	s0 =	smin.u32 s0, $0x1D;
	[sflag:s22] =	ssyncadd.s32 $0xFFFFC800  }
0x1d1: {  	s0 =	sshll.u32 s0, $0xC;
	_ =	swait.ge [sflag:s22], $0x1000  }
0x1d2: {  	s0 =	sadd.s32 s0, s10;
	[sflag:s22] =	ssyncset.done $0x0  }
0x1d3: {  	s28 =	simm.s32 $0x0;
	s1 =	sadd.s32 s0, s4;
	[sflag:s22] =	ssyncadd.s32 $0xFFFFF000  }
0x1d4: {  	[tilespmem:s28], [sflag:$0x1] =	stream.strided.gather [hbm4b:s1+s13], $0x3800, s14, s13, $0x38;
	[tilespmem:$0x10440] =	vst v63  }
0x1d5: {  	s31 =	sadd.s32 s0, s5;
	s0 =	sshrl.u32 s0, $0x3  }
0x1d6: {  	[tilespmem:s15], [sflag:$0x1] =	stream.strided.gather [hbm4b:s31+s13], $0x3800, s14, s13, $0x38;
	[tilespmem:$0x10440] =	vst v63  }
0x1d7: {  	s0 =	sadd.s32 s2, s0  }
0x1d8: {  	[tilespmem:s16], [sflag:$0x1] =	stream.linear.gather [hbm4b:s0+s28], $0x1000, $0x38;
	[tilespmem:$0x10440] =	vst v63  }
.LBB2_5:
0x1d9: {  	s0 =	smul.u32 $0xE00, s28;
	_ =	sdelay $0x1  }
0x1da: {  	s30 =	sshra.s32 s0, $0x2  }
0x1db: {  	v3 =	vld [tilespmem:s30+$0x7000]  }
0x1dc: {  	v4 =	vld [tilespmem:s30+$0x7080];
	_ =	sdelay $0x1  }
0x1dd: {  	v5 =	vld [tilespmem:s30+$0x7100];
	_ =	sdelay $0x1  }
0x1de: {  	v6 =	vld [tilespmem:s30+$0x7180]  }
0x1df: {  	vm0 =	vgt.f32 v4, v3  }
0x1e0: {  	v17 =	vld [tilespmem:s30+$0x7200];
	v3 =	vsel vm0, v4, v3  }
0x1e1: {  	vm1 =	vgt.f32 v5, v3  }
0x1e2: {  	v18 =	vld [tilespmem:s30+$0x7280];
	v3 =	vsel vm1, v5, v3  }
0x1e3: {  	vm2 =	vgt.f32 v6, v3  }
0x1e4: {  	v19 =	vld [tilespmem:s30+$0x7300];
	v3 =	vsel vm2, v6, v3  }
0x1e5: {  	s6 =	sshll.u32 s28, $0x7;
	vm3 =	vgt.f32 v17, v3  }
0x1e6: {  	s29 =	sand.u32 $0x3FFFFF80, s6;
	v7 =	vsel vm0, $0x2, v1;
	v3 =	vsel vm3, v17, v3  }
0x1e7: {  	v21 =	vld [tilespmem:s29+$0xF000];
	v20 =	vsel vm1, $0x3, v7;
	vm12 =	vgt.f32 v18, v3  }
0x1e8: {  	v4 =	vsel vm2, $0x4, v20;
	v3 =	vsel vm12, v18, v3  }
0x1e9: {  	v4 =	vsel vm3, $0x5, v4;
	vm13 =	vgt.f32 v19, v3  }
0x1ea: {  	v4 =	vsel vm12, $0x6, v4;
	v3 =	vsel vm13, v19, v3  }
0x1eb: {  	v4 =	vsel vm13, $0x7, v4;
	vm14 =	vgt.f32 v3, $5.000000000e-01  }
0x1ec: {  	v22 =	vshll.u32 v21, $0x3;
	v3 =	vnsel vm14, $0x0, v4  }
0x1ed: {  	v3 =	vadd.s32 v3, v22  }
0x1ee: {  	v3 =	vadd.s32 v2, v3;
	_ =	sdelay $0x4  }
0x1ef: {  	[tilespmem:v3+s21+$0x0] =	vst.idx.add.s32.msk $0xffff, v1  }
0x1f0: {  	v3 =	vld [tilespmem:s30+$0x7010]  }
0x1f1: {  	v23 =	vld [tilespmem:s30+$0x7090];
	_ =	sdelay $0x1  }
0x1f2: {  	v24 =	vld [tilespmem:s30+$0x7110];
	_ =	sdelay $0x1  }
0x1f3: {  	v25 =	vld [tilespmem:s30+$0x7190]  }
0x1f4: {  	vm15 =	vgt.f32 v23, v3  }
0x1f5: {  	v26 =	vld [tilespmem:s30+$0x7210];
	v3 =	vsel vm15, v23, v3  }
0x1f6: {  	vm6 =	vgt.f32 v24, v3  }
0x1f7: {  	v27 =	vld [tilespmem:s30+$0x7290];
	v3 =	vsel vm6, v24, v3  }
0x1f8: {  	vm7 =	vgt.f32 v25, v3  }
0x1f9: {  	v28 =	vld [tilespmem:s30+$0x7310];
	v3 =	vsel vm7, v25, v3  }
0x1fa: {  	vm8 =	vgt.f32 v26, v3  }
0x1fb: {  	v29 =	vsel vm15, $0x2, v1;
	v3 =	vsel vm8, v26, v3  }
0x1fc: {  	v31 =	vld [tilespmem:s29+$0xF010];
	v30 =	vsel vm6, $0x3, v29;
	vm9 =	vgt.f32 v27, v3  }
0x1fd: {  	v4 =	vsel vm7, $0x4, v30;
	v3 =	vsel vm9, v27, v3  }
0x1fe: {  	v4 =	vsel vm8, $0x5, v4;
	vm10 =	vgt.f32 v28, v3  }
0x1ff: {  	v4 =	vsel vm9, $0x6, v4;
	v3 =	vsel vm10, v28, v3  }
0x200: {  	v4 =	vsel vm10, $0x7, v4;
	vm11 =	vgt.f32 v3, $5.000000000e-01  }
0x201: {  	v32 =	vshll.u32 v31, $0x3;
	v3 =	vnsel vm11, $0x0, v4  }
0x202: {  	v3 =	vadd.s32 v3, v32  }
0x203: {  	v3 =	vadd.s32 v2, v3;
	_ =	sdelay $0x4  }
0x204: {  	[tilespmem:v3+s21+$0x0] =	vst.idx.add.s32.msk $0xffff, v1  }
0x205: {  	v3 =	vld [tilespmem:s30+$0x7020]  }
0x206: {  	v33 =	vld [tilespmem:s30+$0x70A0];
	_ =	sdelay $0x1  }
0x207: {  	v34 =	vld [tilespmem:s30+$0x7120];
	_ =	sdelay $0x1  }
0x208: {  	v35 =	vld [tilespmem:s30+$0x71A0]  }
0x209: {  	vm12 =	vgt.f32 v33, v3  }
0x20a: {  	v36 =	vld [tilespmem:s30+$0x7220];
	v3 =	vsel vm12, v33, v3  }
0x20b: {  	vm13 =	vgt.f32 v34, v3  }
0x20c: {  	v37 =	vld [tilespmem:s30+$0x72A0];
	v3 =	vsel vm13, v34, v3  }
0x20d: {  	vm14 =	vgt.f32 v35, v3  }
0x20e: {  	v38 =	vld [tilespmem:s30+$0x7320];
	v3 =	vsel vm14, v35, v3  }
0x20f: {  	vm15 =	vgt.f32 v36, v3  }
0x210: {  	v39 =	vsel vm12, $0x2, v1;
	v3 =	vsel vm15, v36, v3  }
0x211: {  	v41 =	vld [tilespmem:s29+$0xF020];
	v40 =	vsel vm13, $0x3, v39;
	vm5 =	vgt.f32 v37, v3  }
0x212: {  	v4 =	vsel vm14, $0x4, v40;
	v3 =	vsel vm5, v37, v3  }
0x213: {  	v4 =	vsel vm15, $0x5, v4;
	vm6 =	vgt.f32 v38, v3  }
0x214: {  	v4 =	vsel vm5, $0x6, v4;
	v3 =	vsel vm6, v38, v3  }
0x215: {  	v4 =	vsel vm6, $0x7, v4;
	vm7 =	vgt.f32 v3, $5.000000000e-01  }
0x216: {  	v42 =	vshll.u32 v41, $0x3;
	v3 =	vnsel vm7, $0x0, v4  }
0x217: {  	v3 =	vadd.s32 v3, v42  }
0x218: {  	v3 =	vadd.s32 v2, v3;
	_ =	sdelay $0x4  }
0x219: {  	[tilespmem:v3+s21+$0x0] =	vst.idx.add.s32.msk $0xffff, v1  }
0x21a: {  	v3 =	vld [tilespmem:s30+$0x7030]  }
0x21b: {  	v43 =	vld [tilespmem:s30+$0x70B0];
	_ =	sdelay $0x1  }
0x21c: {  	v44 =	vld [tilespmem:s30+$0x7130]  }
0x21d: {  	s1 =	sor.u32 $0x1, s28  }
0x21e: {  	s7 =	smul.u32 $0xE00, s1;
	v45 =	vld [tilespmem:s30+$0x71B0]  }
0x21f: {  	vm8 =	vgt.f32 v43, v3  }
0x220: {  	s0 =	sshra.s32 s7, $0x2;
	v46 =	vld [tilespmem:s30+$0x7230];
	v3 =	vsel vm8, v43, v3  }
0x221: {  	v8 =	vld [tilespmem:s0+$0x7000];
	vm9 =	vgt.f32 v44, v3  }
0x222: {  	v47 =	vld [tilespmem:s30+$0x72B0];
	v3 =	vsel vm9, v44, v3  }
0x223: {  	v48 =	vld [tilespmem:s0+$0x7080];
	vm10 =	vgt.f32 v45, v3  }
0x224: {  	v9 =	vld [tilespmem:s30+$0x7330];
	v3 =	vsel vm10, v45, v3  }
0x225: {  	v49 =	vld [tilespmem:s0+$0x7100];
	vm11 =	vgt.f32 v46, v3  }
0x226: {  	v50 =	vld [tilespmem:s0+$0x7180];
	v10 =	vsel vm8, $0x2, v1;
	v3 =	vsel vm11, v46, v3  }
0x227: {  	v11 =	vld [tilespmem:s29+$0xF030];
	v10 =	vsel vm9, $0x3, v10;
	vm12 =	vgt.f32 v47, v3  }
0x228: {  	vm13 =	vgt.f32 v48, v8;
	v10 =	vsel vm10, $0x4, v10;
	v3 =	vsel vm12, v47, v3  }
0x229: {  	v52 =	vld [tilespmem:s0+$0x7200];
	v51 =	vsel vm13, v48, v8;
	v53 =	vsel vm11, $0x5, v10;
	vm14 =	vgt.f32 v9, v3  }
0x22a: {  	vm15 =	vgt.f32 v49, v51;
	v8 =	vsel vm12, $0x6, v53;
	v3 =	vsel vm14, v9, v3  }
0x22b: {  	v54 =	vld [tilespmem:s0+$0x7280];
	v4 =	vsel vm15, v49, v51;
	v8 =	vsel vm14, $0x7, v8;
	vm5 =	vgt.f32 v3, $5.000000000e-01  }
0x22c: {  	vm6 =	vgt.f32 v50, v4;
	v55 =	vshll.u32 v11, $0x3;
	v3 =	vnsel vm5, $0x0, v8  }
0x22d: {  	v56 =	vld [tilespmem:s0+$0x7300];
	v4 =	vsel vm6, v50, v4;
	v3 =	vadd.s32 v3, v55  }
0x22e: {  	s1 =	sshll.u32 s1, $0x7;
	vm7 =	vgt.f32 v52, v4;
	v3 =	vadd.s32 v2, v3  }
0x22f: {  	s31 =	sand.u32 $0x3FFFFF80, s1;
	v57 =	vsel vm13, $0x2, v1;
	v4 =	vsel vm7, v52, v4  }
0x230: {  	v59 =	vld [tilespmem:s31+$0xF000];
	v58 =	vsel vm15, $0x3, v57;
	vm8 =	vgt.f32 v54, v4  }
0x231: {  	v5 =	vsel vm6, $0x4, v58;
	v4 =	vsel vm8, v54, v4  }
0x232: {  	v5 =	vsel vm7, $0x5, v5;
	vm9 =	vgt.f32 v56, v4  }
0x233: {  	v5 =	vsel vm8, $0x6, v5;
	v4 =	vsel vm9, v56, v4;
	[tilespmem:v3+s21+$0x0] =	vst.idx.add.s32.msk $0xffff, v1  }
0x234: {  	vm10 =	vgt.f32 v4, $5.000000000e-01;
	v3 =	vsel vm9, $0x7, v5;
	v60 =	vld [tilespmem:s30+$0x7040]  }
0x235: {  	v61 =	vshll.u32 v59, $0x3;
	v3 =	vnsel vm10, $0x0, v3;
	v62 =	vld [tilespmem:s30+$0x70C0]  }
0x236: {  	v3 =	vadd.s32 v3, v61  }
0x237: {  	v63 =	vld [tilespmem:s30+$0x7140];
	v3 =	vadd.s32 v2, v3;
	_ =	sdelay $0x1  }
0x238: {  	v12 =	vld [tilespmem:s30+$0x71C0]  }
0x239: {  	v13 =	vld [tilespmem:s30+$0x7240];
	vm11 =	vgt.f32 v62, v60  }
0x23a: {  	v14 =	vld [tilespmem:s30+$0x72C0];
	v4 =	vsel vm11, v62, v60  }
0x23b: {  	[tilespmem:v3+s21+$0x0] =	vst.idx.add.s32.msk $0xffff, v1;
	vm12 =	vgt.f32 v63, v4  }
0x23c: {  	v3 =	vld [tilespmem:s0+$0x7010];
	v4 =	vsel vm12, v63, v4  }
0x23d: {  	v15 =	vld [tilespmem:s0+$0x7090];
	vm13 =	vgt.f32 v12, v4  }
0x23e: {  	v16 =	vld [tilespmem:s30+$0x7340];
	v4 =	vsel vm13, v12, v4  }
0x23f: {  	v17 =	vld [tilespmem:s0+$0x7110];
	vm14 =	vgt.f32 v13, v4  }
0x240: {  	v20 =	vld [tilespmem:s29+$0xF040];
	v18 =	vsel vm11, $0x2, v1;
	v4 =	vsel vm14, v13, v4  }
0x241: {  	v19 =	vld [tilespmem:s0+$0x7190];
	v10 =	vsel vm12, $0x3, v18;
	vm15 =	vgt.f32 v14, v4  }
0x242: {  	v10 =	vsel vm13, $0x4, v10;
	vm6 =	vgt.f32 v15, v3;
	v4 =	vsel vm15, v14, v4  }
0x243: {  	v21 =	vld [tilespmem:s0+$0x7210];
	v22 =	vsel vm14, $0x5, v10;
	v3 =	vsel vm6, v15, v3;
	vm7 =	vgt.f32 v16, v4  }
0x244: {  	s6 =	sor.u32 $0x2, s28;
	v9 =	vsel vm15, $0x6, v22;
	vm8 =	vgt.f32 v17, v3;
	v4 =	vsel vm7, v16, v4  }
0x245: {  	s23 =	smul.u32 $0xE00, s6;
	v23 =	vld [tilespmem:s0+$0x7290];
	v3 =	vsel vm8, v17, v3;
	v24 =	vsel vm7, $0x7, v9;
	vm9 =	vgt.f32 v4, $5.000000000e-01  }
0x246: {  	s7 =	sor.u32 $0x3, s28;
	v25 =	vshll.u32 v20, $0x3;
	vm10 =	vgt.f32 v19, v3;
	v4 =	vnsel vm9, $0x0, v24  }
0x247: {  	s1 =	sshra.s32 s23, $0x2;
	s23 =	smul.u32 $0xE00, s7;
	v26 =	vld [tilespmem:s0+$0x7310];
	v3 =	vsel vm10, v19, v3;
	v4 =	vadd.s32 v4, v25  }
0x248: {  	vm11 =	vgt.f32 v21, v3;
	v4 =	vadd.s32 v2, v4  }
0x249: {  	s23 =	sshra.s32 s23, $0x2;
	v3 =	vsel vm11, v21, v3  }
0x24a: {  	v57 =	vld [tilespmem:s23+$0x7080];
	vm12 =	vgt.f32 v23, v3  }
0x24b: {  	v43 =	vld [tilespmem:s1+$0x7000];
	v27 =	vsel vm6, $0x2, v1;
	v3 =	vsel vm12, v23, v3  }
0x24c: {  	v29 =	vld [tilespmem:s31+$0xF010];
	v28 =	vsel vm8, $0x3, v27;
	vm13 =	vgt.f32 v26, v3  }
0x24d: {  	v5 =	vsel vm10, $0x4, v28;
	v3 =	vsel vm13, v26, v3;
	[tilespmem:v4+s21+$0x0] =	vst.idx.add.s32.msk $0xffff, v1  }
0x24e: {  	v5 =	vsel vm11, $0x5, v5;
	vm14 =	vgt.f32 v3, $5.000000000e-01;
	v3 =	vld [tilespmem:s30+$0x7050]  }
0x24f: {  	v5 =	vsel vm12, $0x6, v5;
	v32 =	vld [tilespmem:s30+$0x70D0]  }
0x250: {  	s6 =	sshll.u32 s6, $0x7;
	v45 =	vld [tilespmem:s1+$0x7080];
	v30 =	vsel vm13, $0x7, v5  }
0x251: {  	s6 =	sand.u32 $0x3FFFFF80, s6;
	v31 =	vshll.u32 v29, $0x3;
	v4 =	vnsel vm14, $0x0, v30;
	v33 =	vld [tilespmem:s30+$0x7150]  }
0x252: {  	v63 =	vld [tilespmem:s6+$0xF000];
	v4 =	vadd.s32 v4, v31  }
0x253: {  	v34 =	vld [tilespmem:s30+$0x71D0];
	v4 =	vadd.s32 v2, v4  }
0x254: {  	v35 =	vld [tilespmem:s30+$0x7250];
	vm15 =	vgt.f32 v32, v3  }
0x255: {  	v36 =	vld [tilespmem:s30+$0x72D0];
	v3 =	vsel vm15, v32, v3  }
0x256: {  	v38 =	vld [tilespmem:s30+$0x7350];
	vm6 =	vgt.f32 v33, v3  }
0x257: {  	v40 =	vld [tilespmem:s29+$0xF050];
	v3 =	vsel vm6, v33, v3  }
0x258: {  	[tilespmem:v4+s21+$0x0] =	vst.idx.add.s32.msk $0xffff, v1;
	vm7 =	vgt.f32 v34, v3  }
0x259: {  	v4 =	vld [tilespmem:s0+$0x7020];
	v3 =	vsel vm7, v34, v3  }
0x25a: {  	v37 =	vld [tilespmem:s0+$0x70A0];
	vm8 =	vgt.f32 v35, v3  }
0x25b: {  	v39 =	vld [tilespmem:s0+$0x7120];
	v3 =	vsel vm8, v35, v3  }
0x25c: {  	v17 =	vshll.u32 v63, $0x3;
	v41 =	vsel vm15, $0x2, v1;
	v52 =	vld [tilespmem:s31+$0xF020];
	vm9 =	vgt.f32 v36, v3  }
0x25d: {  	v50 =	vld [tilespmem:s1+$0x7180];
	v11 =	vsel vm6, $0x3, v41;
	vm6 =	vgt.f32 v45, v43;
	v3 =	vsel vm9, v36, v3  }
0x25e: {  	v48 =	vshll.u32 v40, $0x3;
	v42 =	vld [tilespmem:s0+$0x71A0];
	v5 =	vsel vm6, v45, v43;
	vm11 =	vgt.f32 v38, v3  }
0x25f: {  	v12 =	vld [tilespmem:s0+$0x7220];
	v60 =	vsel vm6, $0x2, v1;
	vm10 =	vgt.f32 v37, v4;
	v3 =	vsel vm11, v38, v3  }
0x260: {  	v11 =	vsel vm7, $0x4, v11;
	v4 =	vsel vm10, v37, v4;
	vm13 =	vgt.f32 v3, $5.000000000e-01;
	v3 =	vld [tilespmem:s1+$0x7100]  }
0x261: {  	v56 =	vld [tilespmem:s23+$0x7000];
	v44 =	vsel vm8, $0x5, v11;
	v59 =	vshll.u32 v52, $0x3;
	vm12 =	vgt.f32 v39, v4  }
0x262: {  	v46 =	vld [tilespmem:s0+$0x72A0];
	v9 =	vsel vm9, $0x6, v44;
	v51 =	vsel vm10, $0x2, v1;
	v4 =	vsel vm12, v39, v4  }
0x263: {  	v53 =	vld [tilespmem:s1+$0x7200];
	v47 =	vsel vm11, $0x7, v9;
	v10 =	vsel vm12, $0x3, v51;
	vm14 =	vgt.f32 v42, v4  }
0x264: {  	v49 =	vld [tilespmem:s0+$0x7320];
	v7 =	vnsel vm13, $0x0, v47;
	v4 =	vsel vm14, v42, v4;
	v10 =	vsel vm14, $0x4, v10  }
0x265: {  	v7 =	vadd.s32 v7, v48;
	vm15 =	vgt.f32 v12, v4;
	vm8 =	vgt.f32 v3, v5  }
0x266: {  	v54 =	vld [tilespmem:s1+$0x7280];
	v4 =	vsel vm15, v12, v4;
	v10 =	vsel vm15, $0x5, v10;
	v3 =	vsel vm8, v3, v5  }
0x267: {  	v7 =	vadd.s32 v2, v7;
	vm7 =	vgt.f32 v46, v4;
	vm10 =	vgt.f32 v50, v3  }
0x268: {  	v55 =	vld [tilespmem:s1+$0x7300];
	vm15 =	vgt.f32 v57, v56;
	v4 =	vsel vm7, v46, v4;
	v3 =	vsel vm10, v50, v3  }
0x269: {  	v61 =	vld [tilespmem:s23+$0x7100];
	v10 =	vsel vm7, $0x6, v10;
	vm9 =	vgt.f32 v49, v4;
	vm12 =	vgt.f32 v53, v3  }
0x26a: {  	v62 =	vsel vm8, $0x3, v60;
	v4 =	vsel vm9, v49, v4;
	v3 =	vsel vm12, v53, v3  }
0x26b: {  	v14 =	vld [tilespmem:s23+$0x7180];
	v10 =	vsel vm9, $0x7, v10;
	vm11 =	vgt.f32 v4, $5.000000000e-01;
	vm13 =	vgt.f32 v54, v3  }
0x26c: {  	v18 =	vld [tilespmem:s23+$0x7280];
	v58 =	vnsel vm11, $0x0, v10;
	v10 =	vsel vm10, $0x4, v62;
	v3 =	vsel vm13, v54, v3  }
0x26d: {  	s7 =	sshll.u32 s7, $0x7;
	v15 =	vld [tilespmem:s23+$0x7200];
	v4 =	vsel vm15, v57, v56;
	v10 =	vsel vm12, $0x5, v10;
	vm14 =	vgt.f32 v55, v3  }
0x26e: {  	s7 =	sand.u32 $0x3FFFFF80, s7;
	v19 =	vld [tilespmem:s23+$0x7300];
	vm6 =	vgt.f32 v61, v4;
	v10 =	vsel vm13, $0x6, v10;
	v3 =	vsel vm14, v55, v3  }
0x26f: {  	v23 =	vld [tilespmem:s7+$0xF000];
	v4 =	vsel vm6, v61, v4;
	v16 =	vsel vm14, $0x7, v10;
	vm5 =	vgt.f32 v3, $5.000000000e-01  }
0x270: {  	[tilespmem:v7+s21+$0x0] =	vst.idx.add.s32.msk $0xffff, v1;
	v9 =	vadd.s32 v58, v59;
	vm7 =	vgt.f32 v14, v4;
	v7 =	vnsel vm5, $0x0, v16  }
0x271: {  	v20 =	vld [tilespmem:s30+$0x70E0];
	v9 =	vadd.s32 v2, v9;
	v6 =	vsel vm7, v14, v4;
	v7 =	vadd.s32 v7, v17  }
0x272: {  	v32 =	vld [tilespmem:s30+$0x7160];
	vm8 =	vgt.f32 v15, v6;
	v7 =	vadd.s32 v2, v7  }
0x273: {  	v21 =	vsel vm15, $0x2, v1;
	v40 =	vld [tilespmem:s30+$0x71E0];
	v5 =	vsel vm8, v15, v6  }
0x274: {  	v52 =	vld [tilespmem:s30+$0x7260];
	v22 =	vsel vm6, $0x3, v21;
	vm9 =	vgt.f32 v18, v5  }
0x275: {  	v6 =	vsel vm7, $0x4, v22;
	v55 =	vld [tilespmem:s30+$0x72E0];
	v5 =	vsel vm9, v18, v5  }
0x276: {  	v6 =	vsel vm8, $0x5, v6;
	[tilespmem:v9+s21+$0x0] =	vst.idx.add.s32.msk $0xffff, v1;
	vm10 =	vgt.f32 v19, v5  }
0x277: {  	v6 =	vsel vm9, $0x6, v6;
	v5 =	vsel vm10, v19, v5;
	[tilespmem:v7+s21+$0x0] =	vst.idx.add.s32.msk $0xffff, v1  }
0x278: {  	v6 =	vsel vm10, $0x7, v6;
	vm11 =	vgt.f32 v5, $5.000000000e-01;
	v7 =	vld [tilespmem:s1+$0x7010]  }
0x279: {  	v9 =	vshll.u32 v23, $0x3;
	v6 =	vnsel vm11, $0x0, v6;
	v25 =	vld [tilespmem:s1+$0x7090]  }
0x27a: {  	v24 =	vld [tilespmem:s0+$0x7030];
	v6 =	vadd.s32 v6, v9  }
0x27b: {  	v6 =	vadd.s32 v2, v6;
	v27 =	vld [tilespmem:s1+$0x7110]  }
0x27c: {  	v26 =	vld [tilespmem:s0+$0x70B0]  }
0x27d: {  	v29 =	vld [tilespmem:s1+$0x7190]  }
0x27e: {  	v13 =	vld [tilespmem:s1+$0x7210];
	vm12 =	vgt.f32 v25, v7  }
0x27f: {  	v30 =	vld [tilespmem:s1+$0x7290];
	v7 =	vsel vm12, v25, v7  }
0x280: {  	[tilespmem:v6+s21+$0x0] =	vst.idx.add.s32.msk $0xffff, v1;
	vm13 =	vgt.f32 v27, v7  }
0x281: {  	v6 =	vld [tilespmem:s23+$0x7010];
	v7 =	vsel vm13, v27, v7  }
0x282: {  	v31 =	vld [tilespmem:s23+$0x7090];
	vm14 =	vgt.f32 v29, v7  }
0x283: {  	v14 =	vld [tilespmem:s1+$0x7310];
	v7 =	vsel vm14, v29, v7  }
0x284: {  	v34 =	vld [tilespmem:s23+$0x7110];
	vm4 =	vgt.f32 v13, v7  }
0x285: {  	vm15 =	vgt.f32 v26, v24;
	v16 =	vld [tilespmem:s6+$0xF010];
	v33 =	vsel vm12, $0x2, v1;
	v7 =	vsel vm4, v13, v7  }
0x286: {  	v5 =	vsel vm15, v26, v24;
	v35 =	vld [tilespmem:s23+$0x7190];
	v11 =	vsel vm13, $0x3, v33;
	vm8 =	vgt.f32 v30, v7  }
0x287: {  	v28 =	vld [tilespmem:s0+$0x7130];
	vm11 =	vgt.f32 v31, v6;
	v11 =	vsel vm14, $0x4, v11;
	v7 =	vsel vm8, v30, v7  }
0x288: {  	v36 =	vld [tilespmem:s23+$0x7210];
	v6 =	vsel vm11, v31, v6;
	v11 =	vsel vm4, $0x5, v11;
	vm10 =	vgt.f32 v14, v7  }
0x289: {  	v3 =	vld [tilespmem:s30+$0x7060];
	vm13 =	vgt.f32 v34, v6;
	v11 =	vsel vm8, $0x6, v11;
	v7 =	vsel vm10, v14, v7  }
0x28a: {  	v39 =	vld [tilespmem:s23+$0x7290];
	v6 =	vsel vm13, v34, v6;
	v11 =	vsel vm10, $0x7, v11;
	vm12 =	vgt.f32 v7, $5.000000000e-01  }
0x28b: {  	v17 =	vld [tilespmem:s0+$0x71B0];
	v38 =	vshll.u32 v16, $0x3;
	vm14 =	vgt.f32 v35, v6;
	v7 =	vnsel vm12, $0x0, v11  }
0x28c: {  	v15 =	vsel vm15, $0x2, v1;
	v41 =	vld [tilespmem:s23+$0x7310];
	v6 =	vsel vm14, v35, v6;
	v7 =	vadd.s32 v7, v38  }
0x28d: {  	v37 =	vld [tilespmem:s0+$0x7230];
	vm9 =	vgt.f32 v28, v5;
	vm7 =	vgt.f32 v36, v6;
	v7 =	vadd.s32 v2, v7  }
0x28e: {  	v43 =	vld [tilespmem:s0+$0x72B0];
	v5 =	vsel vm9, v28, v5;
	v45 =	vsel vm11, $0x2, v1;
	v6 =	vsel vm7, v36, v6  }
0x28f: {  	v42 =	vsel vm9, $0x3, v15;
	v47 =	vld [tilespmem:s7+$0xF010];
	v46 =	vsel vm13, $0x3, v45;
	vm9 =	vgt.f32 v39, v6  }
0x290: {  	v44 =	vld [tilespmem:s0+$0x7330];
	vm15 =	vgt.f32 v17, v5;
	v10 =	vsel vm14, $0x4, v46;
	v6 =	vsel vm9, v39, v6  }
0x291: {  	v48 =	vld [tilespmem:s31+$0xF030];
	v5 =	vsel vm15, v17, v5;
	v49 =	vsel vm7, $0x5, v10;
	vm10 =	vgt.f32 v41, v6  }
0x292: {  	vm8 =	vgt.f32 v37, v5;
	v6 =	vsel vm10, v41, v6;
	[tilespmem:v7+s21+$0x0] =	vst.idx.add.s32.msk $0xffff, v1;
	v7 =	vsel vm9, $0x6, v49  }
0x293: {  	v5 =	vsel vm8, v37, v5;
	vm12 =	vgt.f32 v6, $5.000000000e-01;
	v50 =	vld [tilespmem:s1+$0x7020];
	v7 =	vsel vm10, $0x7, v7  }
0x294: {  	v53 =	vshll.u32 v47, $0x3;
	vm11 =	vgt.f32 v43, v5;
	v51 =	vld [tilespmem:s1+$0x70A0];
	v7 =	vnsel vm12, $0x0, v7  }
0x295: {  	v26 =	vld [tilespmem:s30+$0x7360];
	v9 =	vsel vm15, $0x4, v42;
	v5 =	vsel vm11, v43, v5;
	v7 =	vadd.s32 v7, v53  }
0x296: {  	v9 =	vsel vm8, $0x5, v9;
	vm13 =	vgt.f32 v44, v5;
	v54 =	vld [tilespmem:s1+$0x7120];
	v56 =	vadd.s32 v2, v7  }
0x297: {  	v9 =	vsel vm11, $0x6, v9;
	v5 =	vsel vm13, v44, v5;
	v59 =	vld [tilespmem:s1+$0x71A0]  }
0x298: {  	v9 =	vsel vm13, $0x7, v9;
	vm14 =	vgt.f32 v5, $5.000000000e-01;
	v60 =	vld [tilespmem:s1+$0x7220]  }
0x299: {  	v58 =	vshll.u32 v48, $0x3;
	v57 =	vnsel vm14, $0x0, v9;
	v61 =	vld [tilespmem:s1+$0x72A0];
	vm15 =	vgt.f32 v51, v50  }
0x29a: {  	vm10 =	vgt.f32 v20, v3;
	v24 =	vld [tilespmem:s6+$0xF020];
	v7 =	vadd.s32 v57, v58;
	v8 =	vsel vm15, v51, v50  }
0x29b: {  	v7 =	vadd.s32 v2, v7;
	vm8 =	vgt.f32 v54, v8;
	[tilespmem:v56+s21+$0x0] =	vst.idx.add.s32.msk $0xffff, v1  }
0x29c: {  	v3 =	vsel vm10, v20, v3;
	v8 =	vsel vm8, v54, v8;
	v5 =	vld [tilespmem:s23+$0x7020]  }
0x29d: {  	vm13 =	vgt.f32 v32, v3;
	vm9 =	vgt.f32 v59, v8;
	v63 =	vld [tilespmem:s23+$0x70A0]  }
0x29e: {  	v62 =	vld [tilespmem:s1+$0x7320];
	v23 =	vsel vm10, $0x2, v1;
	v3 =	vsel vm13, v32, v3;
	v8 =	vsel vm9, v59, v8  }
0x29f: {  	v9 =	vsel vm13, $0x3, v23;
	vm10 =	vgt.f32 v40, v3;
	v22 =	vld [tilespmem:s23+$0x7120];
	vm11 =	vgt.f32 v60, v8  }
0x2a0: {  	v29 =	vshll.u32 v24, $0x3;
	v20 =	vsel vm15, $0x2, v1;
	[tilespmem:v7+s21+$0x0] =	vst.idx.add.s32.msk $0xffff, v1;
	v21 =	vsel vm11, v60, v8  }
0x2a1: {  	v3 =	vsel vm10, v40, v3;
	v4 =	vsel vm8, $0x3, v20;
	v25 =	vld [tilespmem:s23+$0x71A0];
	vm12 =	vgt.f32 v61, v21  }
0x2a2: {  	v27 =	vld [tilespmem:s23+$0x7220];
	v4 =	vsel vm9, $0x4, v4;
	v7 =	vsel vm12, v61, v21;
	vm15 =	vgt.f32 v63, v5  }
0x2a3: {  	v37 =	vld [tilespmem:s7+$0xF020];
	v4 =	vsel vm11, $0x5, v4;
	vm14 =	vgt.f32 v62, v7;
	v5 =	vsel vm15, v63, v5  }
0x2a4: {  	v28 =	vld [tilespmem:s29+$0xF060];
	v4 =	vsel vm12, $0x6, v4;
	v7 =	vsel vm14, v62, v7;
	vm8 =	vgt.f32 v22, v5  }
0x2a5: {  	v30 =	vld [tilespmem:s23+$0x72A0];
	v4 =	vsel vm14, $0x7, v4;
	vm7 =	vgt.f32 v7, $5.000000000e-01;
	v5 =	vsel vm8, v22, v5  }
0x2a6: {  	v9 =	vsel vm10, $0x4, v9;
	v32 =	vld [tilespmem:s23+$0x7320];
	v4 =	vnsel vm7, $0x0, v4;
	vm9 =	vgt.f32 v25, v5  }
0x2a7: {  	v31 =	vld [tilespmem:s0+$0x7040];
	vm12 =	vgt.f32 v52, v3;
	v4 =	vadd.s32 v4, v29;
	v5 =	vsel vm9, v25, v5  }
0x2a8: {  	v33 =	vld [tilespmem:s0+$0x70C0];
	v44 =	vshll.u32 v37, $0x3;
	v4 =	vadd.s32 v2, v4;
	vm11 =	vgt.f32 v27, v5  }
0x2a9: {  	v34 =	vld [tilespmem:s0+$0x7140];
	v35 =	vsel vm15, $0x2, v1;
	v3 =	vsel vm12, v52, v3;
	v5 =	vsel vm11, v27, v5  }
0x2aa: {  	v38 =	vld [tilespmem:s0+$0x71C0];
	vm15 =	vgt.f32 v55, v3;
	v36 =	vsel vm8, $0x3, v35;
	vm13 =	vgt.f32 v30, v5  }
0x2ab: {  	v43 =	vld [tilespmem:s0+$0x7240];
	v3 =	vsel vm15, v55, v3;
	v13 =	vsel vm9, $0x4, v36;
	v5 =	vsel vm13, v30, v5  }
0x2ac: {  	v61 =	vld [tilespmem:s31+$0xF040];
	vm5 =	vgt.f32 v26, v3;
	v40 =	vsel vm11, $0x5, v13;
	vm14 =	vgt.f32 v32, v5  }
0x2ad: {  	vm7 =	vgt.f32 v33, v31;
	[tilespmem:v4+s21+$0x0] =	vst.idx.add.s32.msk $0xffff, v1;
	v4 =	vsel vm13, $0x6, v40;
	v5 =	vsel vm14, v32, v5  }
0x2ae: {  	v10 =	vsel vm7, v33, v31;
	v41 =	vld [tilespmem:s1+$0x7030];
	v4 =	vsel vm14, $0x7, v4;
	vm4 =	vgt.f32 v5, $5.000000000e-01  }
0x2af: {  	v3 =	vsel vm5, v26, v3;
	vm9 =	vgt.f32 v34, v10;
	v42 =	vld [tilespmem:s1+$0x70B0];
	v4 =	vnsel vm4, $0x0, v4  }
0x2b0: {  	vm6 =	vgt.f32 v3, $5.000000000e-01;
	v3 =	vld [tilespmem:s0+$0x72C0];
	v10 =	vsel vm9, v34, v10;
	v4 =	vadd.s32 v4, v44  }
0x2b1: {  	v39 =	vsel vm12, $0x5, v9;
	vm11 =	vgt.f32 v38, v10;
	v45 =	vld [tilespmem:s1+$0x7130];
	v4 =	vadd.s32 v2, v4  }
0x2b2: {  	v15 =	vshll.u32 v28, $0x3;
	v54 =	vld [tilespmem:s0+$0x7340];
	v8 =	vsel vm15, $0x6, v39;
	v6 =	vsel vm11, v38, v10  }
0x2b3: {  	v8 =	vsel vm5, $0x7, v8;
	v50 =	vsel vm7, $0x2, v1;
	vm13 =	vgt.f32 v43, v6;
	v46 =	vld [tilespmem:s1+$0x71B0]  }
0x2b4: {  	v16 =	vshll.u32 v61, $0x3;
	v47 =	vld [tilespmem:s1+$0x7230];
	v5 =	vsel vm13, v43, v6;
	vm8 =	vgt.f32 v42, v41  }
0x2b5: {  	v8 =	vnsel vm6, $0x0, v8;
	v48 =	vld [tilespmem:s1+$0x72B0];
	vm15 =	vgt.f32 v3, v5;
	v7 =	vsel vm8, v42, v41  }
0x2b6: {  	v51 =	vsel vm9, $0x3, v50;
	v3 =	vsel vm15, v3, v5;
	vm10 =	vgt.f32 v45, v7;
	[tilespmem:v4+s21+$0x0] =	vst.idx.add.s32.msk $0xffff, v1  }
0x2b7: {  	v55 =	vsel vm8, $0x2, v1;
	v7 =	vsel vm10, v45, v7;
	v4 =	vsel vm11, $0x4, v51;
	v52 =	vld [tilespmem:s23+$0x7030]  }
0x2b8: {  	v57 =	vsel vm10, $0x3, v55;
	vm11 =	vgt.f32 v54, v3;
	vm12 =	vgt.f32 v46, v7;
	v53 =	vld [tilespmem:s23+$0x70B0]  }
0x2b9: {  	v49 =	vld [tilespmem:s1+$0x7330];
	v4 =	vsel vm13, $0x5, v4;
	v3 =	vsel vm11, v54, v3;
	v7 =	vsel vm12, v46, v7  }
0x2ba: {  	v56 =	vld [tilespmem:s23+$0x7130];
	v4 =	vsel vm15, $0x6, v4;
	v5 =	vsel vm12, $0x4, v57;
	vm14 =	vgt.f32 v47, v7  }
0x2bb: {  	v58 =	vld [tilespmem:s6+$0xF030];
	vm13 =	vgt.f32 v3, $5.000000000e-01;
	v4 =	vsel vm11, $0x7, v4;
	v7 =	vsel vm14, v47, v7  }
0x2bc: {  	v59 =	vld [tilespmem:s23+$0x71B0];
	v5 =	vsel vm14, $0x5, v5;
	v4 =	vnsel vm13, $0x0, v4;
	vm6 =	vgt.f32 v48, v7  }
0x2bd: {  	v4 =	vadd.s32 v4, v16;
	v7 =	vsel vm6, v48, v7;
	vm8 =	vgt.f32 v53, v52  }
0x2be: {  	v60 =	vld [tilespmem:s23+$0x7230];
	v5 =	vsel vm6, $0x6, v5;
	vm7 =	vgt.f32 v49, v7;
	v10 =	vsel vm8, v53, v52  }
0x2bf: {  	v20 =	vadd.s32 v2, v4;
	v7 =	vsel vm7, v49, v7;
	vm10 =	vgt.f32 v56, v10  }
0x2c0: {  	v63 =	vld [tilespmem:s23+$0x72B0];
	v5 =	vsel vm7, $0x7, v5;
	vm9 =	vgt.f32 v7, $5.000000000e-01;
	v10 =	vsel vm10, v56, v10  }
0x2c1: {  	v62 =	vshll.u32 v58, $0x3;
	v5 =	vnsel vm9, $0x0, v5;
	vm12 =	vgt.f32 v59, v10  }
0x2c2: {  	v8 =	vadd.s32 v8, v15;
	v15 =	vld [tilespmem:s23+$0x7330];
	v5 =	vadd.s32 v5, v62;
	v13 =	vsel vm12, v59, v10  }
0x2c3: {  	v5 =	vadd.s32 v2, v5;
	vm14 =	vgt.f32 v60, v13  }
0x2c4: {  	v18 =	vld [tilespmem:s7+$0xF030];
	v3 =	vsel vm8, $0x2, v1;
	v6 =	vsel vm14, v60, v13  }
0x2c5: {  	v17 =	vsel vm10, $0x3, v3;
	[tilespmem:v20+s21+$0x0] =	vst.idx.add.s32.msk $0xffff, v1;
	vm15 =	vgt.f32 v63, v6  }
0x2c6: {  	v19 =	vsel vm12, $0x4, v17;
	v31 =	vld [tilespmem:s0+$0x7050];
	v6 =	vsel vm15, v63, v6  }
0x2c7: {  	v36 =	vld [tilespmem:s0+$0x70D0];
	v21 =	vsel vm14, $0x5, v19;
	vm4 =	vgt.f32 v15, v6  }
0x2c8: {  	v4 =	vsel vm15, $0x6, v21;
	[tilespmem:v5+s21+$0x0] =	vst.idx.add.s32.msk $0xffff, v1;
	v6 =	vsel vm4, v15, v6  }
0x2c9: {  	v23 =	vsel vm4, $0x7, v4;
	v5 =	vld [tilespmem:s1+$0x7040];
	vm5 =	vgt.f32 v6, $5.000000000e-01  }
0x2ca: {  	v24 =	vshll.u32 v18, $0x3;
	v22 =	vld [tilespmem:s1+$0x70C0];
	v6 =	vnsel vm5, $0x0, v23  }
0x2cb: {  	v25 =	vld [tilespmem:s1+$0x7140];
	v6 =	vadd.s32 v6, v24  }
0x2cc: {  	v26 =	vld [tilespmem:s1+$0x71C0];
	v6 =	vadd.s32 v2, v6  }
0x2cd: {  	v27 =	vld [tilespmem:s1+$0x7240]  }
0x2ce: {  	v28 =	vld [tilespmem:s1+$0x72C0]  }
0x2cf: {  	v29 =	vld [tilespmem:s1+$0x7340];
	vm6 =	vgt.f32 v22, v5  }
0x2d0: {  	v8 =	vadd.s32 v2, v8;
	v34 =	vld [tilespmem:s6+$0xF040];
	v5 =	vsel vm6, v22, v5  }
0x2d1: {  	vm7 =	vgt.f32 v25, v5;
	[tilespmem:v6+s21+$0x0] =	vst.idx.add.s32.msk $0xffff, v1  }
0x2d2: {  	v5 =	vsel vm7, v25, v5;
	v6 =	vld [tilespmem:s23+$0x7040]  }
0x2d3: {  	v32 =	vsel vm6, $0x2, v1;
	vm8 =	vgt.f32 v26, v5;
	v30 =	vld [tilespmem:s23+$0x70C0]  }
0x2d4: {  	v12 =	vsel vm7, $0x3, v32;
	v48 =	vld [tilespmem:s7+$0xF040];
	v5 =	vsel vm8, v26, v5  }
0x2d5: {  	[tilespmem:v8+s21+$0x0] =	vst.idx.add.s32.msk $0xffff, v1;
	v12 =	vsel vm8, $0x4, v12;
	vm9 =	vgt.f32 v27, v5  }
0x2d6: {  	v33 =	vld [tilespmem:s23+$0x7140];
	v5 =	vsel vm9, v27, v5;
	v12 =	vsel vm9, $0x5, v12;
	vm9 =	vgt.f32 v36, v31  }
0x2d7: {  	v38 =	vld [tilespmem:s0+$0x7150];
	v39 =	vshll.u32 v34, $0x3;
	vm10 =	vgt.f32 v28, v5;
	v46 =	vsel vm9, v36, v31  }
0x2d8: {  	v35 =	vld [tilespmem:s23+$0x71C0];
	v56 =	vsel vm9, $0x2, v1;
	v5 =	vsel vm10, v28, v5;
	vm12 =	vgt.f32 v30, v6  }
0x2d9: {  	v41 =	vld [tilespmem:s0+$0x71D0];
	v12 =	vsel vm10, $0x6, v12;
	v55 =	vshll.u32 v48, $0x3;
	vm11 =	vgt.f32 v29, v5  }
0x2da: {  	v37 =	vld [tilespmem:s23+$0x7240];
	v6 =	vsel vm12, v30, v6;
	v45 =	vsel vm12, $0x2, v1;
	v5 =	vsel vm11, v29, v5  }
0x2db: {  	v43 =	vld [tilespmem:s0+$0x7250];
	v12 =	vsel vm11, $0x7, v12;
	vm14 =	vgt.f32 v33, v6;
	vm13 =	vgt.f32 v5, $5.000000000e-01  }
0x2dc: {  	v40 =	vld [tilespmem:s23+$0x72C0];
	vm11 =	vgt.f32 v38, v46;
	v6 =	vsel vm14, v33, v6;
	v5 =	vnsel vm13, $0x0, v12  }
0x2dd: {  	v44 =	vld [tilespmem:s0+$0x72D0];
	v47 =	vsel vm14, $0x3, v45;
	vm15 =	vgt.f32 v35, v6;
	v5 =	vadd.s32 v5, v39  }
0x2de: {  	v42 =	vld [tilespmem:s23+$0x7340];
	v8 =	vsel vm11, v38, v46;
	v6 =	vsel vm15, v35, v6;
	v5 =	vadd.s32 v2, v5  }
0x2df: {  	v3 =	vld [tilespmem:s30+$0x7070];
	v58 =	vsel vm11, $0x3, v56;
	vm13 =	vgt.f32 v41, v8;
	vm8 =	vgt.f32 v37, v6  }
0x2e0: {  	v49 =	vld [tilespmem:s0+$0x7350];
	v10 =	vsel vm15, $0x4, v47;
	v52 =	vsel vm13, v41, v8;
	v6 =	vsel vm8, v37, v6  }
0x2e1: {  	v59 =	vld [tilespmem:s31+$0xF050];
	vm15 =	vgt.f32 v43, v52;
	v50 =	vsel vm8, $0x5, v10;
	vm10 =	vgt.f32 v40, v6  }
0x2e2: {  	v4 =	vld [tilespmem:s30+$0x70F0];
	v7 =	vsel vm15, v43, v52;
	v10 =	vsel vm13, $0x4, v58;
	v6 =	vsel vm10, v40, v6  }
0x2e3: {  	vm4 =	vgt.f32 v44, v7;
	v10 =	vsel vm15, $0x5, v10;
	vm12 =	vgt.f32 v42, v6;
	[tilespmem:v5+s21+$0x0] =	vst.idx.add.s32.msk $0xffff, v1  }
0x2e4: {  	v7 =	vsel vm4, v44, v7;
	v5 =	vsel vm10, $0x6, v50;
	v6 =	vsel vm12, v42, v6;
	v51 =	vld [tilespmem:s1+$0x7050]  }
0x2e5: {  	vm5 =	vgt.f32 v49, v7;
	v53 =	vld [tilespmem:s1+$0x70D0];
	v54 =	vsel vm12, $0x7, v5;
	vm14 =	vgt.f32 v6, $5.000000000e-01  }
0x2e6: {  	v10 =	vsel vm4, $0x6, v10;
	v7 =	vsel vm5, v49, v7;
	v5 =	vld [tilespmem:s30+$0x7170];
	v6 =	vnsel vm14, $0x0, v54  }
0x2e7: {  	v10 =	vsel vm5, $0x7, v10;
	v57 =	vld [tilespmem:s1+$0x7150];
	vm7 =	vgt.f32 v7, $5.000000000e-01;
	v6 =	vadd.s32 v6, v55  }
0x2e8: {  	v11 =	vshll.u32 v59, $0x3;
	v60 =	vld [tilespmem:s1+$0x71D0];
	v10 =	vnsel vm7, $0x0, v10;
	v6 =	vadd.s32 v2, v6  }
0x2e9: {  	v61 =	vld [tilespmem:s1+$0x7250];
	v18 =	vadd.s32 v10, v11  }
0x2ea: {  	v62 =	vld [tilespmem:s1+$0x72D0];
	v11 =	vadd.s32 v2, v18  }
0x2eb: {  	v63 =	vld [tilespmem:s1+$0x7350]  }
0x2ec: {  	v23 =	vld [tilespmem:s6+$0xF050]  }
0x2ed: {  	vm6 =	vgt.f32 v53, v51;
	[tilespmem:v6+s21+$0x0] =	vst.idx.add.s32.msk $0xffff, v1  }
0x2ee: {  	v8 =	vsel vm6, v53, v51;
	v6 =	vld [tilespmem:s30+$0x71F0]  }
0x2ef: {  	vm8 =	vgt.f32 v57, v8;
	[tilespmem:v11+s21+$0x0] =	vst.idx.add.s32.msk $0xffff, v1  }
0x2f0: {  	v8 =	vsel vm8, v57, v8;
	v19 =	vld [tilespmem:s23+$0x7050]  }
0x2f1: {  	vm9 =	vgt.f32 v60, v8;
	v20 =	vld [tilespmem:s23+$0x70D0]  }
0x2f2: {  	v22 =	vld [tilespmem:s23+$0x7150];
	v8 =	vsel vm9, v60, v8  }
0x2f3: {  	v24 =	vld [tilespmem:s23+$0x71D0];
	vm10 =	vgt.f32 v61, v8  }
0x2f4: {  	v21 =	vsel vm6, $0x2, v1;
	v27 =	vld [tilespmem:s23+$0x7250];
	v8 =	vsel vm10, v61, v8  }
0x2f5: {  	v13 =	vsel vm8, $0x3, v21;
	v28 =	vld [tilespmem:s0+$0x7060];
	vm11 =	vgt.f32 v62, v8  }
0x2f6: {  	v30 =	vld [tilespmem:s23+$0x72D0];
	v13 =	vsel vm9, $0x4, v13;
	v8 =	vsel vm11, v62, v8;
	vm13 =	vgt.f32 v20, v19  }
0x2f7: {  	v31 =	vld [tilespmem:s0+$0x70E0];
	v25 =	vsel vm10, $0x5, v13;
	vm12 =	vgt.f32 v63, v8;
	v26 =	vsel vm13, v20, v19  }
0x2f8: {  	v32 =	vld [tilespmem:s23+$0x7350];
	v11 =	vsel vm11, $0x6, v25;
	v7 =	vsel vm12, v63, v8;
	vm15 =	vgt.f32 v22, v26  }
0x2f9: {  	v33 =	vld [tilespmem:s0+$0x7160];
	v11 =	vsel vm12, $0x7, v11;
	vm14 =	vgt.f32 v7, $5.000000000e-01;
	v8 =	vsel vm15, v22, v26  }
0x2fa: {  	v29 =	vshll.u32 v23, $0x3;
	v34 =	vld [tilespmem:s0+$0x71E0];
	v7 =	vnsel vm14, $0x0, v11;
	vm6 =	vgt.f32 v24, v8  }
0x2fb: {  	v37 =	vld [tilespmem:s7+$0xF050];
	v7 =	vadd.s32 v7, v29;
	v8 =	vsel vm6, v24, v8  }
0x2fc: {  	v38 =	vld [tilespmem:s0+$0x7260];
	v7 =	vadd.s32 v2, v7;
	vm7 =	vgt.f32 v27, v8  }
0x2fd: {  	v43 =	vld [tilespmem:s0+$0x72E0];
	v35 =	vsel vm13, $0x2, v1;
	v8 =	vsel vm7, v27, v8  }
0x2fe: {  	v46 =	vld [tilespmem:s0+$0x7360];
	v36 =	vsel vm15, $0x3, v35;
	vm8 =	vgt.f32 v30, v8  }
0x2ff: {  	v48 =	vld [tilespmem:s31+$0xF060];
	v10 =	vsel vm6, $0x4, v36;
	v8 =	vsel vm8, v30, v8  }
0x300: {  	v61 =	vld [tilespmem:s30+$0x7270];
	vm10 =	vgt.f32 v31, v28;
	v39 =	vsel vm7, $0x5, v10;
	vm9 =	vgt.f32 v32, v8  }
0x301: {  	v41 =	vsel vm10, v31, v28;
	[tilespmem:v7+s21+$0x0] =	vst.idx.add.s32.msk $0xffff, v1;
	v7 =	vsel vm8, $0x6, v39;
	v8 =	vsel vm9, v32, v8  }
0x302: {  	v20 =	vld [tilespmem:s30+$0x7370];
	vm12 =	vgt.f32 v33, v41;
	v7 =	vsel vm9, $0x7, v7;
	vm11 =	vgt.f32 v8, $5.000000000e-01  }
0x303: {  	v44 =	vshll.u32 v37, $0x3;
	v9 =	vsel vm12, v33, v41;
	v40 =	vld [tilespmem:s1+$0x7060];
	v7 =	vnsel vm11, $0x0, v7  }
0x304: {  	vm13 =	vgt.f32 v34, v9;
	v42 =	vld [tilespmem:s1+$0x70E0];
	v7 =	vadd.s32 v7, v44  }
0x305: {  	v9 =	vsel vm13, v34, v9;
	v45 =	vld [tilespmem:s1+$0x7160];
	v7 =	vadd.s32 v2, v7  }
0x306: {  	vm14 =	vgt.f32 v38, v9;
	v47 =	vld [tilespmem:s1+$0x71E0]  }
0x307: {  	v9 =	vsel vm14, v38, v9;
	v58 =	vld [tilespmem:s6+$0xF060]  }
0x308: {  	v59 =	vshll.u32 v48, $0x3;
	v49 =	vsel vm10, $0x2, v1;
	vm7 =	vgt.f32 v43, v9;
	v50 =	vld [tilespmem:s1+$0x7260]  }
0x309: {  	v16 =	vsel vm12, $0x3, v49;
	v51 =	vld [tilespmem:s1+$0x72E0];
	v8 =	vsel vm7, v43, v9;
	vm15 =	vgt.f32 v42, v40  }
0x30a: {  	v52 =	vsel vm13, $0x4, v16;
	vm9 =	vgt.f32 v46, v8;
	v10 =	vsel vm15, v42, v40;
	[tilespmem:v7+s21+$0x0] =	vst.idx.add.s32.msk $0xffff, v1  }
0x30b: {  	v53 =	vsel vm14, $0x5, v52;
	v8 =	vsel vm9, v46, v8;
	vm8 =	vgt.f32 v45, v10;
	v55 =	vld [tilespmem:s23+$0x7060]  }
0x30c: {  	vm11 =	vgt.f32 v8, $5.000000000e-01;
	v12 =	vshll.u32 v58, $0x3;
	v10 =	vsel vm8, v45, v10;
	v56 =	vld [tilespmem:s23+$0x70E0]  }
0x30d: {  	v54 =	vld [tilespmem:s1+$0x7360];
	v57 =	vsel vm15, $0x2, v1;
	v7 =	vsel vm7, $0x6, v53;
	vm10 =	vgt.f32 v47, v10  }
0x30e: {  	v13 =	vsel vm8, $0x3, v57;
	v7 =	vsel vm9, $0x7, v7;
	v60 =	vld [tilespmem:s23+$0x7160];
	v10 =	vsel vm10, v47, v10  }
0x30f: {  	v62 =	vld [tilespmem:s23+$0x71E0];
	v7 =	vnsel vm11, $0x0, v7;
	v13 =	vsel vm10, $0x4, v13;
	vm11 =	vgt.f32 v4, v3  }
0x310: {  	v29 =	vld [tilespmem:s7+$0xF060];
	vm12 =	vgt.f32 v50, v10;
	v7 =	vadd.s32 v7, v59;
	v3 =	vsel vm11, v4, v3  }
0x311: {  	v63 =	vld [tilespmem:s30+$0x72F0];
	v10 =	vsel vm12, v50, v10;
	v7 =	vadd.s32 v2, v7;
	vm15 =	vgt.f32 v56, v55  }
0x312: {  	v19 =	vld [tilespmem:s23+$0x7260];
	v24 =	vsel vm11, $0x2, v1;
	vm13 =	vgt.f32 v51, v10;
	v8 =	vsel vm15, v56, v55  }
0x313: {  	v21 =	vld [tilespmem:s23+$0x72E0];
	v13 =	vsel vm12, $0x5, v13;
	v10 =	vsel vm13, v51, v10;
	vm9 =	vgt.f32 v60, v8  }
0x314: {  	v23 =	vld [tilespmem:s23+$0x7360];
	v13 =	vsel vm13, $0x6, v13;
	vm13 =	vgt.f32 v5, v3;
	v8 =	vsel vm9, v60, v8  }
0x315: {  	v35 =	vshll.u32 v29, $0x3;
	v51 =	vld [tilespmem:s29+$0xF070];
	vm14 =	vgt.f32 v54, v10;
	vm10 =	vgt.f32 v62, v8  }
0x316: {  	v27 =	vsel vm15, $0x2, v1;
	v9 =	vsel vm14, v54, v10;
	[tilespmem:v7+s21+$0x0] =	vst.idx.add.s32.msk $0xffff, v1;
	v8 =	vsel vm10, v62, v8  }
0x317: {  	v13 =	vsel vm14, $0x7, v13;
	vm8 =	vgt.f32 v9, $5.000000000e-01;
	v25 =	vld [tilespmem:s0+$0x7070];
	vm12 =	vgt.f32 v19, v8  }
0x318: {  	v3 =	vsel vm13, v5, v3;
	v13 =	vnsel vm8, $0x0, v13;
	v26 =	vld [tilespmem:s0+$0x70F0];
	v8 =	vsel vm12, v19, v8  }
0x319: {  	v28 =	vsel vm9, $0x3, v27;
	v31 =	vld [tilespmem:s0+$0x7170];
	v12 =	vadd.s32 v13, v12;
	vm14 =	vgt.f32 v21, v8  }
0x31a: {  	v32 =	vld [tilespmem:s0+$0x71F0];
	v5 =	vsel vm10, $0x4, v28;
	v22 =	vadd.s32 v2, v12;
	v30 =	vsel vm14, v21, v8  }
0x31b: {  	vm15 =	vgt.f32 v6, v3;
	v33 =	vld [tilespmem:s0+$0x7270];
	v5 =	vsel vm12, $0x5, v5;
	vm7 =	vgt.f32 v23, v30  }
0x31c: {  	v3 =	vsel vm15, v6, v3;
	v34 =	vld [tilespmem:s0+$0x72F0];
	v5 =	vsel vm14, $0x6, v5;
	v7 =	vsel vm7, v23, v30  }
0x31d: {  	vm8 =	vgt.f32 v61, v3;
	v38 =	vld [tilespmem:s0+$0x7370];
	v5 =	vsel vm7, $0x7, v5;
	vm9 =	vgt.f32 v7, $5.000000000e-01  }
0x31e: {  	v4 =	vsel vm13, $0x3, v24;
	v55 =	vld [tilespmem:s31+$0xF070];
	v3 =	vsel vm8, v61, v3;
	v5 =	vnsel vm9, $0x0, v5  }
0x31f: {  	v4 =	vsel vm15, $0x4, v4;
	vm10 =	vgt.f32 v26, v25;
	[tilespmem:v22+s21+$0x0] =	vst.idx.add.s32.msk $0xffff, v1;
	v5 =	vadd.s32 v5, v35  }
0x320: {  	vm11 =	vgt.f32 v63, v3;
	v9 =	vsel vm10, v26, v25;
	v36 =	vld [tilespmem:s1+$0x7070];
	v5 =	vadd.s32 v2, v5  }
0x321: {  	v4 =	vsel vm8, $0x5, v4;
	v3 =	vsel vm11, v63, v3;
	vm12 =	vgt.f32 v31, v9;
	v37 =	vld [tilespmem:s1+$0x70F0]  }
0x322: {  	v4 =	vsel vm11, $0x6, v4;
	vm13 =	vgt.f32 v20, v3;
	v8 =	vsel vm12, v31, v9;
	v57 =	vld [tilespmem:s6+$0xF070]  }
0x323: {  	v3 =	vsel vm13, v20, v3;
	v4 =	vsel vm13, $0x7, v4;
	v39 =	vld [tilespmem:s1+$0x7170];
	vm14 =	vgt.f32 v32, v8  }
0x324: {  	v61 =	vshll.u32 v55, $0x3;
	vm15 =	vgt.f32 v3, $5.000000000e-01;
	v40 =	vld [tilespmem:s1+$0x71F0];
	v6 =	vsel vm14, v32, v8  }
0x325: {  	v41 =	vsel vm10, $0x2, v1;
	v4 =	vnsel vm15, $0x0, v4;
	vm8 =	vgt.f32 v33, v6;
	[tilespmem:v5+s21+$0x0] =	vst.idx.add.s32.msk $0xffff, v1  }
0x326: {  	v42 =	vsel vm12, $0x3, v41;
	v6 =	vsel vm8, v33, v6;
	vm9 =	vgt.f32 v37, v36;
	v44 =	vld [tilespmem:s23+$0x7070]  }
0x327: {  	vm10 =	vgt.f32 v34, v6;
	v62 =	vshll.u32 v57, $0x3;
	v43 =	vsel vm9, v37, v36;
	v45 =	vld [tilespmem:s23+$0x70F0]  }
0x328: {  	v3 =	vld [tilespmem:s1+$0x7270];
	v6 =	vsel vm10, v34, v6;
	v52 =	vsel vm9, $0x2, v1;
	vm11 =	vgt.f32 v39, v43  }
0x329: {  	vm12 =	vgt.f32 v38, v6;
	v5 =	vsel vm14, $0x4, v42;
	v9 =	vsel vm11, v39, v43;
	v47 =	vld [tilespmem:s23+$0x7170]  }
0x32a: {  	v46 =	vld [tilespmem:s1+$0x72F0];
	v6 =	vsel vm12, v38, v6;
	v53 =	vsel vm11, $0x3, v52;
	v5 =	vsel vm8, $0x5, v5  }
0x32b: {  	vm13 =	vgt.f32 v40, v9;
	vm14 =	vgt.f32 v6, $5.000000000e-01;
	v50 =	vld [tilespmem:s23+$0x71F0];
	v5 =	vsel vm10, $0x6, v5  }
0x32c: {  	v48 =	vld [tilespmem:s1+$0x7370];
	v49 =	vsel vm13, v40, v9;
	v6 =	vsel vm13, $0x4, v53;
	vm6 =	vgt.f32 v45, v44  }
0x32d: {  	v54 =	vld [tilespmem:s23+$0x7270];
	v9 =	vshll.u32 v51, $0x3;
	v5 =	vsel vm12, $0x7, v5;
	v7 =	vsel vm6, v45, v44  }
0x32e: {  	vm15 =	vgt.f32 v3, v49;
	v4 =	vadd.s32 v4, v9;
	vm8 =	vgt.f32 v47, v7  }
0x32f: {  	v56 =	vld [tilespmem:s23+$0x72F0];
	v5 =	vnsel vm14, $0x0, v5;
	v3 =	vsel vm15, v3, v49;
	v7 =	vsel vm8, v47, v7  }
0x330: {  	v6 =	vsel vm15, $0x5, v6;
	vm7 =	vgt.f32 v46, v3;
	vm10 =	vgt.f32 v50, v7  }
0x331: {  	v59 =	vld [tilespmem:s23+$0x7370];
	v4 =	vadd.s32 v2, v4;
	v3 =	vsel vm7, v46, v3;
	v7 =	vsel vm10, v50, v7  }
0x332: {  	v5 =	vadd.s32 v5, v61;
	vm9 =	vgt.f32 v48, v3;
	vm12 =	vgt.f32 v54, v7  }
0x333: {  	v58 =	vsel vm6, $0x2, v1;
	v3 =	vsel vm9, v48, v3;
	v7 =	vsel vm12, v54, v7  }
0x334: {  	v60 =	vld [tilespmem:s7+$0xF070];
	vm11 =	vgt.f32 v3, $5.000000000e-01;
	v3 =	vsel vm8, $0x3, v58;
	vm13 =	vgt.f32 v56, v7  }
0x335: {  	v6 =	vsel vm7, $0x6, v6;
	v3 =	vsel vm10, $0x4, v3;
	v7 =	vsel vm13, v56, v7  }
0x336: {  	v5 =	vadd.s32 v2, v5;
	v3 =	vsel vm12, $0x5, v3;
	vm14 =	vgt.f32 v59, v7  }
0x337: {  	v6 =	vsel vm9, $0x7, v6;
	v3 =	vsel vm13, $0x6, v3;
	v7 =	vsel vm14, v59, v7  }
0x338: {  	v6 =	vnsel vm11, $0x0, v6;
	v3 =	vsel vm14, $0x7, v3;
	vm15 =	vgt.f32 v7, $5.000000000e-01  }
0x339: {  	v63 =	vshll.u32 v60, $0x3;
	v6 =	vadd.s32 v6, v62;
	v3 =	vnsel vm15, $0x0, v3  }
0x33a: {  	v6 =	vadd.s32 v2, v6;
	v3 =	vadd.s32 v3, v63  }
0x33b: {  	p0 =	slt.u32 s28, $0x1C;
	v3 =	vadd.s32 v2, v3  }
.Ltmp1:
0x33c: {  	_ = 	snop;
	(pc) =	sbr.rel @p0 .LBB2_5-.Ltmp1, $4  }
0x33d: {  	[tilespmem:v4+s21+$0x0] =	vst.idx.add.s32.msk $0xffff, v1  }
0x33e: {  	[tilespmem:v5+s21+$0x0] =	vst.idx.add.s32.msk $0xffff, v1  }
0x33f: {  	s31 =	sadd.s32 $0x4, s28;
	[tilespmem:v6+s21+$0x0] =	vst.idx.add.s32.msk $0xffff, v1  }
0x340: {  	s28 =	smov.u32 s31;
	[tilespmem:v3+s21+$0x0] =	vst.idx.add.s32.msk $0xffff, v1  }
0x341: {  	s26 =	sadd.s32 $0x1, s26  }
0x342: {  	p0 =	sne.s32 s26, $0x10  }
.Ltmp2:
0x343: {  	_ = 	snop;
	(pc) =	sbr.rel @p0 .LBB2_2-.Ltmp2, $1  }
0x344: {  	_ =	sdelay $0x3  }
0x345: {  	_ =	swait.ge [sflag:s17], $0x3800  }
0x346: {  	[sflag:s17] =	ssyncset.done $0x0  }
0x347: {  	[sflag:s17] =	ssyncadd.s32 $0xFFFFC800  }
0x348: {  	_ =	swait.ge [sflag:s17], $0x3800  }
0x349: {  	[sflag:s17] =	ssyncset.done $0x0  }
0x34a: {  	[sflag:s17] =	ssyncadd.s32 $0xFFFFC800  }
0x34b: {  	_ =	swait.ge [sflag:s17], $0x1000  }
0x34c: {  	[sflag:s17] =	ssyncset.done $0x0  }
0x34d: {  	[sflag:s17] =	ssyncadd.s32 $0xFFFFF000  }
0x34e: {  	v3 =	vld [tilespmem:$0x10000]  }
0x34f: {  	v4 =	vld [tilespmem:$0x10040]  }
0x350: {  	v5 =	vld [tilespmem:$0x10080]  }
0x351: {  	v6 =	vld [tilespmem:$0x100C0]  }
0x352: {  	v7 =	vld [tilespmem:$0x10100]  }
0x353: {  	v8 =	vld [tilespmem:$0x10140]  }
0x354: {  	v9 =	vld [tilespmem:$0x10180]  }
0x355: {  	v10 =	vld [tilespmem:$0x101C0]  }
0x356: {  	v11 =	vld [tilespmem:$0x10200]  }
0x357: {  	v12 =	vld [tilespmem:$0x10240]  }
0x358: {  	v13 =	vld [tilespmem:$0x10280]  }
0x359: {  	v14 =	vld [tilespmem:$0x102C0]  }
0x35a: {  	v15 =	vld [tilespmem:$0x10300]  }
0x35b: {  	v16 =	vld [tilespmem:$0x10340]  }
0x35c: {  	v17 =	vld [tilespmem:$0x10380]  }
0x35d: {  	v18 =	vld [tilespmem:$0x103C0]  }
0x35e: {  	v19 =	vld [tilespmem:$0x10010]  }
0x35f: {  	v20 =	vld [tilespmem:$0x10050]  }
0x360: {  	v21 =	vld [tilespmem:$0x10090]  }
0x361: {  	v22 =	vld [tilespmem:$0x100D0]  }
0x362: {  	v23 =	vld [tilespmem:$0x10110]  }
0x363: {  	v24 =	vld [tilespmem:$0x10150]  }
0x364: {  	v25 =	vld [tilespmem:$0x10190]  }
0x365: {  	v26 =	vld [tilespmem:$0x101D0]  }
0x366: {  	v27 =	vld [tilespmem:$0x10210]  }
0x367: {  	v28 =	vld [tilespmem:$0x10250]  }
0x368: {  	v29 =	vld [tilespmem:$0x10290]  }
0x369: {  	v30 =	vld [tilespmem:$0x102D0]  }
0x36a: {  	v31 =	vld [tilespmem:$0x10310]  }
0x36b: {  	v32 =	vld [tilespmem:$0x10350]  }
0x36c: {  	v33 =	vld [tilespmem:$0x10390]  }
0x36d: {  	v34 =	vld [tilespmem:$0x103D0]  }
0x36e: {  	v35 =	vld [tilespmem:$0x10020]  }
0x36f: {  	v36 =	vld [tilespmem:$0x10060]  }
0x370: {  	v37 =	vld [tilespmem:$0x100A0]  }
0x371: {  	v38 =	vld [tilespmem:$0x100E0]  }
0x372: {  	v39 =	vld [tilespmem:$0x10120]  }
0x373: {  	v40 =	vld [tilespmem:$0x10160]  }
0x374: {  	v41 =	vld [tilespmem:$0x101A0]  }
0x375: {  	v57 =	vld [tilespmem:$0x101E0]  }
0x376: {  	v58 =	vld [tilespmem:$0x10220];
	v3 =	vadd.s32 v3, v4  }
0x377: {  	v59 =	vld [tilespmem:$0x10260];
	v3 =	vadd.s32 v5, v3  }
0x378: {  	v60 =	vld [tilespmem:$0x102A0];
	v3 =	vadd.s32 v6, v3  }
0x379: {  	v61 =	vld [tilespmem:$0x102E0];
	v3 =	vadd.s32 v7, v3  }
0x37a: {  	v62 =	vld [tilespmem:$0x10320];
	v3 =	vadd.s32 v8, v3  }
0x37b: {  	v63 =	vld [tilespmem:$0x103E0];
	v3 =	vadd.s32 v9, v3  }
0x37c: {  	v42 =	vld [tilespmem:$0x10030];
	v3 =	vadd.s32 v10, v3  }
0x37d: {  	v43 =	vld [tilespmem:$0x10070];
	v3 =	vadd.s32 v11, v3  }
0x37e: {  	v44 =	vld [tilespmem:$0x100B0];
	v3 =	vadd.s32 v12, v3  }
0x37f: {  	v45 =	vld [tilespmem:$0x100F0];
	v3 =	vadd.s32 v13, v3  }
0x380: {  	v47 =	vld [tilespmem:$0x10130];
	v3 =	vadd.s32 v14, v3  }
0x381: {  	v49 =	vld [tilespmem:$0x10170];
	v3 =	vadd.s32 v15, v3  }
0x382: {  	v50 =	vld [tilespmem:$0x101B0];
	v46 =	vadd.s32 v19, v20;
	v48 =	vadd.s32 v35, v36;
	v3 =	vadd.s32 v16, v3  }
0x383: {  	v51 =	vld [tilespmem:$0x101F0];
	v13 =	vadd.s32 v42, v43;
	v3 =	vadd.s32 v17, v3;
	v17 =	vadd.s32 v21, v46  }
0x384: {  	v52 =	vld [tilespmem:$0x10230];
	v3 =	vadd.s32 v18, v3;
	v17 =	vadd.s32 v22, v17;
	v18 =	vadd.s32 v37, v48  }
0x385: {  	v53 =	vld [tilespmem:$0x10270];
	v13 =	vadd.s32 v44, v13;
	v17 =	vadd.s32 v23, v17;
	v18 =	vadd.s32 v38, v18  }
0x386: {  	v54 =	vld [tilespmem:$0x102B0];
	v13 =	vadd.s32 v45, v13;
	v17 =	vadd.s32 v24, v17;
	v18 =	vadd.s32 v39, v18  }
0x387: {  	v55 =	vld [tilespmem:$0x102F0];
	v13 =	vadd.s32 v47, v13;
	v17 =	vadd.s32 v25, v17;
	v18 =	vadd.s32 v40, v18  }
0x388: {  	v10 =	vld [tilespmem:$0x10360];
	v13 =	vadd.s32 v49, v13;
	v17 =	vadd.s32 v26, v17;
	v18 =	vadd.s32 v41, v18  }
0x389: {  	v11 =	vld [tilespmem:$0x103A0];
	v13 =	vadd.s32 v50, v13;
	v17 =	vadd.s32 v27, v17;
	v4 =	vadd.s32 v57, v18  }
0x38a: {  	v56 =	vadd.s32 v51, v13;
	v57 =	vld [tilespmem:$0x10330];
	v17 =	vadd.s32 v28, v17;
	v4 =	vadd.s32 v58, v4  }
0x38b: {  	v5 =	vadd.s32 v52, v56;
	v58 =	vadd.s32 v29, v17;
	v4 =	vadd.s32 v59, v4;
	v59 =	vld [tilespmem:$0x10370]  }
0x38c: {  	v5 =	vadd.s32 v53, v5;
	v15 =	vadd.s32 v30, v58;
	v4 =	vadd.s32 v60, v4;
	v60 =	vld [tilespmem:$0x103B0]  }
0x38d: {  	v5 =	vadd.s32 v54, v5;
	v15 =	vadd.s32 v31, v15;
	v4 =	vadd.s32 v61, v4;
	v61 =	vld [tilespmem:$0x103F0]  }
0x38e: {  	v5 =	vadd.s32 v55, v5;
	v15 =	vadd.s32 v32, v15;
	v4 =	vadd.s32 v62, v4  }
0x38f: {  	v5 =	vadd.s32 v57, v5;
	v62 =	vadd.s32 v33, v15;
	v4 =	vadd.s32 v10, v4  }
0x390: {  	[tilespmem:$0x10400] =	vst v3;
	v3 =	vadd.s32 v34, v62;
	v4 =	vadd.s32 v11, v4;
	v5 =	vadd.s32 v59, v5  }
0x391: {  	s25 =	sadd.s32 $0x1, s25;
	[tilespmem:$0x10410] =	vst v3;
	v3 =	vadd.s32 v63, v4;
	v63 =	vadd.s32 v60, v5  }
0x392: {  	p0 =	sne.s32 s25, s12;
	[tilespmem:$0x10420] =	vst v3;
	v3 =	vadd.s32 v61, v63  }
.Ltmp3:
0x393: {  	s0 =	simm.s32 $0x10400;
	[tilespmem:$0x10430] =	vst v3;
	(pc) =	sbr.rel @p0 .LBB2_1-.Ltmp3, $4  }
0x394: {  	[hbm4b:s11+s3] =	stream.linear.scatter [tilespmem:s0], [sflag:$0x3], $0x40, $0x38;
	[tilespmem:$0x10440] =	vst v63  }
0x395: {  	_ =	swait.ge [sflag:s24], $0x40  }
0x396: {  	[sflag:s24] =	ssyncset.done $0x0  }
0x397: {  	[sflag:s24] =	ssyncadd.s32 $0xFFFFFFC0  }
0x398: {  	_ =	sfence.sel $0x180000  }
0x399: {  	[bflag:$0x0] =	sbarrier.arrive $0xFFFF  }
0x39a: {  	_ =	strace $0x90000047  }
0x39b: {  	s0 =	stileid.u32;
	[bflag:$0x2] =	sbarrier.arrive $0xFFFF  }
0x39c: {  	p0 =	sne.s32 s0, $0x0;
	s0 =	rddreg [dreg:$0x3]  }
0x39d: {  	s0 =	sadd.s32 @!p0 $0x100000, s0  }
0x39e: {  	[sflag:s0] =	ssyncadd.tile.s32 @!p0 $0x1;
	_ =	shalt  }
.Lfunc_end2:
_tile_overlayer_lowered:
.L_overlay_start_2:
0x39f: {  	(tag) =	ssettag $0x2  }
0x3a0: {  	s0 =	rddreg [dreg:$0x0];
	s2 =	stileid.u32  }
0x3a1: {  	s1 =	rddreg [dreg:$0x1];
	p0 =	sne.s32 s2, $0x0  }
0x3a2: {  	s3 =	rddreg [dreg:$0x2];
	[bflag:$0x3] =	sbarrier.arrive $0xFFFF;
	s2 =	simm.s32 @!p0 $0x1C03  }
0x3a3: {  	[timem:s3], [sflag:s2] =	dma.local @!p0 [hbm:s0], s1  }
0x3a4: {  	s0 =	simm.s32 @!p0 $0x3  }
0x3a5: {  	_ =	swait.ge @!p0 [sflag:s0], s1  }
0x3a6: {  	s1 =	ssub.s32 @!p0 $0x0, s1;
	[sflag:s0] =	ssyncset.done @!p0 $0x0  }
0x3a7: {  	[sflag:s0] =	ssyncadd.s32 @!p0 s1  }
0x3a8: {  	[bflag:$0x3] =	sbarrier.arrive $0xFFFF  }
0x3a9: {  	_ =	shalt  }

</sc_bundles>
